<compile_context>
chip_gen: v7x
topology: tpu7x:2x2x1
jax: 0.10.2.dev20260603
libtpu: 0.0.44.dev20260713+nightly
codegen_flags: <defaults>
</compile_context>

<pallas_src>
import functools

import jax
import jax.numpy as jnp
from jax import lax
from jax.experimental import pallas as pl
from jax.experimental.pallas import tpu as pltpu
from jax.experimental.pallas import tpu_sc as plsc

N, E, D, DE, H = 10000, 320000, 128, 16, 128

_NT = 16
_B = 80
_EPT = E // _NT
_NBLK = _EPT // _B
_ACC_ROWS = 10240
_TRASH = N

_NB_N = 10
_BN = N // _NB_N
_NB_E = 40
_BE = E // _NB_E


def _proj_nodes_body(x_ref, w_ref, o_ref):
    o_ref[0] = jnp.dot(x_ref[...], w_ref[0], preferred_element_type=jnp.float32)


def _proj_nodes(x, wx):
    return pl.pallas_call(
        _proj_nodes_body,
        grid=(2, _NB_N),
        in_specs=[
            pl.BlockSpec((_BN, D), lambda c, n: (n, 0)),
            pl.BlockSpec((1, D, H), lambda c, n: (c, 0, 0)),
        ],
        out_specs=pl.BlockSpec((1, _BN, H), lambda c, n: (c, n, 0)),
        out_shape=jax.ShapeDtypeStruct((2, N, H), jnp.float32),
    )(x, wx)


def _proj_edges_body(ea_ref, w_ref, b_ref, o_ref):
    y = (jnp.dot(ea_ref[...], w_ref[0], preferred_element_type=jnp.float32)
         + b_ref[0])
    yi = lax.bitcast_convert_type(y, jnp.int32)
    rb = (yi + 0x7FFF + ((yi >> 16) & 1)) >> 16
    o_ref[0] = (rb[: _BE // 2] & 0xFFFF) | (rb[_BE // 2:] << 16)


def _proj_edges(ea, we, bcat):
    return pl.pallas_call(
        _proj_edges_body,
        grid=(2, _NB_E),
        in_specs=[
            pl.BlockSpec((_BE, DE), lambda c, e: (e, 0)),
            pl.BlockSpec((1, DE, H), lambda c, e: (c, 0, 0)),
            pl.BlockSpec((1, 1, H), lambda c, e: (c, 0, 0)),
        ],
        out_specs=pl.BlockSpec((1, _BE // 2, H), lambda c, e: (c, e, 0)),
        out_shape=jax.ShapeDtypeStruct((2, E // 2, H), jnp.int32),
    )(ea, we, bcat)


def _sc_flow_body(row_hbm, col_hbm, p_hbm, q_hbm, out_hbm,
                  row_v0, col_v0, idx_v0, dst_v0, row_v1, col_v1,
                  idx_v1, dst_v1, sdst_v, pbuf0, qbuf0, pbuf1, qbuf1,
                  zbuf, acc,
                  rcsem0, rcsem1, gqsem0, gqsem1, ssem):
    c = lax.axis_index("c")
    t = lax.axis_index("s")
    row_v = (row_v0, row_v1)
    col_v = (col_v0, col_v1)
    idx_v = (idx_v0, idx_v1)
    dst_v = (dst_v0, dst_v1)
    pbuf = (pbuf0, pbuf1)
    qbuf = (qbuf0, qbuf1)
    rcsem = (rcsem0, rcsem1)
    gqsem = (gqsem0, gqsem1)

    zero = jnp.zeros((16,), jnp.float32)
    for i in range(8):
        for j in range(H // 16):
            zbuf[i, pl.ds(j * 16, 16)] = zero

    def _zero_acc(i, carry):
        pltpu.sync_copy(zbuf, acc.at[pl.ds(t * (_ACC_ROWS // _NT) + i * 8, 8)])
        return carry

    lax.fori_loop(0, _ACC_ROWS // _NT // 8, _zero_acc, 0)
    plsc.subcore_barrier()

    sign = 1 - 2 * c
    base0 = t * _EPT
    qoff = c * E
    trash = _TRASH + t

    def rc_issue(b, s):
        pltpu.async_copy(row_hbm.at[pl.ds(base0 + b * _B, _B)], row_v[s], rcsem[s])
        pltpu.async_copy(col_hbm.at[pl.ds(base0 + b * _B, _B)], col_v[s], rcsem[s])

    def rc_wait(s):
        pltpu.make_async_copy(row_hbm.at[pl.ds(0, _B)], row_v[s], rcsem[s]).wait()
        pltpu.make_async_copy(col_hbm.at[pl.ds(0, _B)], col_v[s], rcsem[s]).wait()

    def idx_compute(s):
        for i in range(_B // 16):
            sl = pl.ds(i * 16, 16)
            r = row_v[s][sl]
            cl = col_v[s][sl]
            keep = ((cl - r) * sign) > 0
            dst_v[s][sl] = jnp.where(keep, r, trash)
            idx_v[s][sl] = cl + c * N

    def _qrow(b):
        e = base0 + b * _B
        blk = e // _BE
        r = e - blk * _BE
        half = r // (_BE // 2)
        pr = r - half * (_BE // 2)
        prow = pl.multiple_of(qoff // 2 + blk * (_BE // 2) + pr, _B)
        return prow, half

    def gq_issue(b, s):
        pltpu.async_copy(p_hbm.at[idx_v[s]], pbuf[s], gqsem[s])
        prow, _ = _qrow(b)
        pltpu.async_copy(q_hbm.at[pl.ds(prow, _B)], qbuf[s], gqsem[s])

    def gq_wait(s):
        pltpu.make_async_copy(p_hbm.at[idx_v[s]], pbuf[s], gqsem[s]).wait()
        pltpu.make_async_copy(q_hbm.at[pl.ds(0, _B)], qbuf[s],
                              gqsem[s]).wait()

    zero_f = jnp.zeros((16,), jnp.float32)
    himask = jnp.full((16,), -65536, jnp.int32)

    def relu(s, b):
        _, half = _qrow(b)
        sh = 16 * half

        def _relu_row(i4, carry2):
            for u in range(4):
                i = i4 * 4 + u
                for j in range(H // 16):
                    sj = pl.ds(j * 16, 16)
                    qi = lax.shift_right_logical(qbuf[s][i, sj], sh)
                    qv = lax.bitcast_convert_type(qi << 16, jnp.float32)
                    pbuf[s][i, sj] = jnp.maximum(pbuf[s][i, sj] + qv, zero_f)
            return carry2

        lax.fori_loop(0, _B // 4, _relu_row, 0)

    def scat_issue(s):
        for i in range(_B // 16):
            sl = pl.ds(i * 16, 16)
            sdst_v[sl] = dst_v[s][sl]
        pltpu.async_copy(pbuf[s], acc.at[sdst_v], ssem, add=True)

    def scat_wait():
        pltpu.make_async_copy(pbuf[0], acc.at[sdst_v], ssem).wait()

    rc_issue(0, 0)
    rc_wait(0)
    idx_compute(0)
    gq_issue(0, 0)
    rc_issue(1, 1)

    def _iter(g, carry):
        b = 2 * g
        rc_wait(1)

        @pl.when(g >= 1)
        def _():
            scat_wait()

        idx_compute(1)
        gq_issue(b + 1, 1)

        @pl.when(g < _NBLK // 2 - 1)
        def _():
            rc_issue(b + 2, 0)

        gq_wait(0)
        relu(0, b)
        scat_issue(0)

        scat_wait()

        @pl.when(g < _NBLK // 2 - 1)
        def _():
            rc_wait(0)
            idx_compute(0)
            gq_issue(b + 2, 0)
            rc_issue(b + 3, 1)

        gq_wait(1)
        relu(1, b + 1)
        scat_issue(1)
        return carry

    lax.fori_loop(0, _NBLK // 2, _iter, 0)
    scat_wait()
    plsc.subcore_barrier()

    @pl.when(t < _NT - 1)
    def _():
        pltpu.sync_copy(acc.at[pl.ds(t * 640, 640)],
                        out_hbm.at[c, pl.ds(t * 640, 640)])

    @pl.when(t == _NT - 1)
    def _():
        pltpu.sync_copy(acc.at[pl.ds(9600, 400)],
                        out_hbm.at[c, pl.ds(9600, 400)])


def _sc_flow(row, col, p2, q2):
    mesh = plsc.VectorSubcoreMesh(core_axis_name="c", subcore_axis_name="s")
    f = functools.partial(
        pl.kernel,
        mesh=mesh,
        out_type=jax.ShapeDtypeStruct((2, N, H), jnp.float32),
        scratch_types=(
            [pltpu.VMEM((_B,), jnp.int32)] * 9
            + [pltpu.VMEM((_B, H), jnp.float32),
               pltpu.VMEM((_B, H), jnp.int32)] * 2
            + [pltpu.VMEM((8, H), jnp.float32),
               pltpu.VMEM_SHARED((_ACC_ROWS, H), jnp.float32)]
            + [pltpu.SemaphoreType.DMA] * 5
        ),
    )(_sc_flow_body)
    return f(row, col, p2, q2)


def _node_mlp_body(fi_ref, fo_ref, wi_ref, wo_ref, b_ref, o_ref):
    acc = jnp.dot(fi_ref[...], wi_ref[...], preferred_element_type=jnp.float32)
    acc += jnp.dot(fo_ref[...], wo_ref[...], preferred_element_type=jnp.float32)
    o_ref[...] = jnp.maximum(acc + b_ref[...], 0.0)


def _node_mlp(fi, fo, wi, wo, bn):
    return pl.pallas_call(
        _node_mlp_body,
        grid=(_NB_N,),
        in_specs=[
            pl.BlockSpec((_BN, H), lambda n: (n, 0)),
            pl.BlockSpec((_BN, H), lambda n: (n, 0)),
            pl.BlockSpec((H, H), lambda n: (0, 0)),
            pl.BlockSpec((H, H), lambda n: (0, 0)),
            pl.BlockSpec((1, H), lambda n: (0, 0)),
        ],
        out_specs=pl.BlockSpec((_BN, H), lambda n: (n, 0)),
        out_shape=jax.ShapeDtypeStruct((N, H), jnp.float32),
    )(fi, fo, wi, wo, bn)


def kernel(x, edge_attr, W_in, b_in, W_out, b_out, W_node, b_node, edge_index):
    row = edge_index[0]
    col = edge_index[1]
    wx = jnp.stack([W_out[:D], W_in[:D]])
    we = jnp.stack([W_out[D:], W_in[D:]])
    bcat = jnp.stack([b_out, b_in])[:, None, :]

    p = _proj_nodes(x, wx)
    q = _proj_edges(edge_attr, we, bcat)
    flow = _sc_flow(row, col, p.reshape(2 * N, H), q.reshape(E, H))
    f_o, f_i = flow[0], flow[1]
    return _node_mlp(f_i, f_o, W_node[:H], W_node[H:], b_node[None, :])

# --- scband reference (transcript-rebuilt; emitter-appended) ---
"""Pipeline reference for scband-time-aware-node-model-2199023255662 (READ-ONLY COPY).

The authoritative reference and input builder live on the scoring server;
editing this copy changes nothing except your own understanding.
"""

import jax, jax.numpy as jnp
import numpy as np

N, E, D, DE, H = 10000, 320000, 128, 16, 128

def setup_inputs(seed: int = 0):
    key = jax.random.key(seed)
    ks = jax.random.split(key, 10)
    x = jax.random.normal(ks[0], (N, D), dtype=jnp.float32)
    edge_index = jax.random.randint(ks[1], (2, E), 0, N, dtype=jnp.int32)
    edge_attr = jax.random.normal(ks[2], (E, DE), dtype=jnp.float32)
    s = 0.05
    W_in = jax.random.normal(ks[3], (D + DE, H), dtype=jnp.float32) * s
    b_in = jnp.zeros((H,), dtype=jnp.float32)
    W_out = jax.random.normal(ks[4], (D + DE, H), dtype=jnp.float32) * s
    b_out = jnp.zeros((H,), dtype=jnp.float32)
    W_node = jax.random.normal(ks[5], (2 * H, H), dtype=jnp.float32) * s
    b_node = jnp.zeros((H,), dtype=jnp.float32)
    return {"x": x, "edge_attr": edge_attr, "W_in": W_in, "b_in": b_in,
            "W_out": W_out, "b_out": b_out, "W_node": W_node, "b_node": b_node,
            "edge_index": edge_index}

def reference(x, edge_attr, W_in, b_in, W_out, b_out, W_node, b_node, edge_index):
    row, col = edge_index[0], edge_index[1]
    # flow out: edges where row < col
    m_out = row < col
    inp_o = jnp.concatenate([x[col], edge_attr], axis=1)
    f_o = jax.nn.relu(inp_o @ W_out + b_out)
    f_o = f_o * m_out.astype(f_o.dtype)[:, None]
    f_o = jax.ops.segment_sum(f_o, row, num_segments=x.shape[0])
    # flow in: edges where row > col
    m_in = row > col
    inp_i = jnp.concatenate([x[col], edge_attr], axis=1)
    f_i = jax.nn.relu(inp_i @ W_in + b_in)
    f_i = f_i * m_in.astype(f_i.dtype)[:, None]
    f_i = jax.ops.segment_sum(f_i, row, num_segments=x.shape[0])
    flow = jnp.concatenate([f_i, f_o], axis=1)
    return jax.nn.relu(flow @ W_node + b_node)

if __name__ == "__main__":
    import jax
    _d = setup_inputs()
    print(jax.jit(kernel)(*tuple(_d.values())))

</pallas_src>

<mosaic_0001>
#map = affine_map<(d0, d1) -> (0)>
#map1 = affine_map<(d0, d1) -> (0, 0)>
#map2 = affine_map<(d0, d1) -> (0, 0, 0)>
module attributes {stable_mosaic.version = 14 : i64} {
  func.func @_sc_flow_body(%arg0: i32, %arg1: i32, %arg2: memref<320000xi32, #tpu.memory_space<hbm>>, %arg3: memref<320000xi32, #tpu.memory_space<hbm>>, %arg4: memref<20000x128xf32, #tpu.memory_space<hbm>>, %arg5: memref<320000x128xi32, #tpu.memory_space<hbm>>, %arg6: memref<2x10000x128xf32, #tpu.memory_space<hbm>>, %arg7: memref<80xi32, #tpu.memory_space<vmem>>, %arg8: memref<80xi32, #tpu.memory_space<vmem>>, %arg9: memref<80xi32, #tpu.memory_space<vmem>>, %arg10: memref<80xi32, #tpu.memory_space<vmem>>, %arg11: memref<80xi32, #tpu.memory_space<vmem>>, %arg12: memref<80xi32, #tpu.memory_space<vmem>>, %arg13: memref<80xi32, #tpu.memory_space<vmem>>, %arg14: memref<80xi32, #tpu.memory_space<vmem>>, %arg15: memref<80xi32, #tpu.memory_space<vmem>>, %arg16: memref<80x128xf32, #tpu.memory_space<vmem>>, %arg17: memref<80x128xi32, #tpu.memory_space<vmem>>, %arg18: memref<80x128xf32, #tpu.memory_space<vmem>>, %arg19: memref<80x128xi32, #tpu.memory_space<vmem>>, %arg20: memref<8x128xf32, #tpu.memory_space<vmem>>, %arg21: memref<10240x128xf32, #tpu.memory_space<vmem_shared>>, %arg22: memref<!tpu.dma_semaphore, #tpu.memory_space<semaphore_mem>>, %arg23: memref<!tpu.dma_semaphore, #tpu.memory_space<semaphore_mem>>, %arg24: memref<!tpu.dma_semaphore, #tpu.memory_space<semaphore_mem>>, %arg25: memref<!tpu.dma_semaphore, #tpu.memory_space<semaphore_mem>>, %arg26: memref<!tpu.dma_semaphore, #tpu.memory_space<semaphore_mem>>) attributes {dimension_semantics = [#tpu.dimension_semantics<core_parallel>, #tpu.dimension_semantics<subcore_parallel>], iteration_bounds = array<i64: 2, 16>, scalar_prefetch = 0 : i64, scratch_operands = 20 : i64, tpu.core_type = #tpu.core_type<sc_vector_subcore>, window_params = [{transform_indices = #map}, {transform_indices = #map}, {transform_indices = #map1}, {transform_indices = #map1}, {transform_indices = #map2}]} {
    %broadcast_in_dim3A = arith.constant 0.000000e+00 : f32
    %broadcast_in_dim3A_0 = vector.broadcast %broadcast_in_dim3A : f32 to vector<16xf32>
    %swap3A = arith.constant 0 : i32
    %swap3A_1 = arith.index_cast %swap3A : i32 to index
    %swap3A_2 = arith.constant 0 : index
    %swap3A_3 = tpu.vector_load %arg20[%swap3A_1, %swap3A_2] {strides = array<i32>} : memref<8x128xf32, #tpu.memory_space<vmem>>, vector<1x16xf32>,
    %swap3A_4 = vector.shape_cast %swap3A_3 : vector<1x16xf32> to vector<16xf32>
    %swap3A_5 = vector.shape_cast %broadcast_in_dim3A_0 : vector<16xf32> to vector<1x16xf32>
    tpu.vector_store %arg20[%swap3A_1, %swap3A_2], %swap3A_5 {strides = array<i32>} : memref<8x128xf32, #tpu.memory_space<vmem>>, vector<1x16xf32>,
    %swap3A_6 = arith.constant 0 : i32
    %swap3A_7 = arith.index_cast %swap3A_6 : i32 to index
    %swap3A_8 = arith.constant 16 : index
    %swap3A_9 = tpu.vector_load %arg20[%swap3A_7, %swap3A_8] {strides = array<i32>} : memref<8x128xf32, #tpu.memory_space<vmem>>, vector<1x16xf32>,
    %swap3A_10 = vector.shape_cast %swap3A_9 : vector<1x16xf32> to vector<16xf32>
    %swap3A_11 = vector.shape_cast %broadcast_in_dim3A_0 : vector<16xf32> to vector<1x16xf32>
    tpu.vector_store %arg20[%swap3A_7, %swap3A_8], %swap3A_11 {strides = array<i32>} : memref<8x128xf32, #tpu.memory_space<vmem>>, vector<1x16xf32>,
    %swap3A_12 = arith.constant 0 : i32
    %swap3A_13 = arith.index_cast %swap3A_12 : i32 to index
    %swap3A_14 = arith.constant 32 : index
    %swap3A_15 = tpu.vector_load %arg20[%swap3A_13, %swap3A_14] {strides = array<i32>} : memref<8x128xf32, #tpu.memory_space<vmem>>, vector<1x16xf32>,
    %swap3A_16 = vector.shape_cast %swap3A_15 : vector<1x16xf32> to vector<16xf32>
    %swap3A_17 = vector.shape_cast %broadcast_in_dim3A_0 : vector<16xf32> to vector<1x16xf32>
    tpu.vector_store %arg20[%swap3A_13, %swap3A_14], %swap3A_17 {strides = array<i32>} : memref<8x128xf32, #tpu.memory_space<vmem>>, vector<1x16xf32>,
    %swap3A_18 = arith.constant 0 : i32
    %swap3A_19 = arith.index_cast %swap3A_18 : i32 to index
    %swap3A_20 = arith.constant 48 : index
    %swap3A_21 = tpu.vector_load %arg20[%swap3A_19, %swap3A_20] {strides = array<i32>} : memref<8x128xf32, #tpu.memory_space<vmem>>, vector<1x16xf32>,
    %swap3A_22 = vector.shape_cast %swap3A_21 : vector<1x16xf32> to vector<16xf32>
    %swap3A_23 = vector.shape_cast %broadcast_in_dim3A_0 : vector<16xf32> to vector<1x16xf32>
    tpu.vector_store %arg20[%swap3A_19, %swap3A_20], %swap3A_23 {strides = array<i32>} : memref<8x128xf32, #tpu.memory_space<vmem>>, vector<1x16xf32>,
    %swap3A_24 = arith.constant 0 : i32
    %swap3A_25 = arith.index_cast %swap3A_24 : i32 to index
    %swap3A_26 = arith.constant 64 : index
    %swap3A_27 = tpu.vector_load %arg20[%swap3A_25, %swap3A_26] {strides = array<i32>} : memref<8x128xf32, #tpu.memory_space<vmem>>, vector<1x16xf32>,
    %swap3A_28 = vector.shape_cast %swap3A_27 : vector<1x16xf32> to vector<16xf32>
    %swap3A_29 = vector.shape_cast %broadcast_in_dim3A_0 : vector<16xf32> to vector<1x16xf32>
    tpu.vector_store %arg20[%swap3A_25, %swap3A_26], %swap3A_29 {strides = array<i32>} : memref<8x128xf32, #tpu.memory_space<vmem>>, vector<1x16xf32>,
    %swap3A_30 = arith.constant 0 : i32
    %swap3A_31 = arith.index_cast %swap3A_30 : i32 to index
    %swap3A_32 = arith.constant 80 : index
    %swap3A_33 = tpu.vector_load %arg20[%swap3A_31, %swap3A_32] {strides = array<i32>} : memref<8x128xf32, #tpu.memory_space<vmem>>, vector<1x16xf32>,
    %swap3A_34 = vector.shape_cast %swap3A_33 : vector<1x16xf32> to vector<16xf32>
    %swap3A_35 = vector.shape_cast %broadcast_in_dim3A_0 : vector<16xf32> to vector<1x16xf32>
    tpu.vector_store %arg20[%swap3A_31, %swap3A_32], %swap3A_35 {strides = array<i32>} : memref<8x128xf32, #tpu.memory_space<vmem>>, vector<1x16xf32>,
    %swap3A_36 = arith.constant 0 : i32
    %swap3A_37 = arith.index_cast %swap3A_36 : i32 to index
    %swap3A_38 = arith.constant 96 : index
    %swap3A_39 = tpu.vector_load %arg20[%swap3A_37, %swap3A_38] {strides = array<i32>} : memref<8x128xf32, #tpu.memory_space<vmem>>, vector<1x16xf32>,
    %swap3A_40 = vector.shape_cast %swap3A_39 : vector<1x16xf32> to vector<16xf32>
    %swap3A_41 = vector.shape_cast %broadcast_in_dim3A_0 : vector<16xf32> to vector<1x16xf32>
    tpu.vector_store %arg20[%swap3A_37, %swap3A_38], %swap3A_41 {strides = array<i32>} : memref<8x128xf32, #tpu.memory_space<vmem>>, vector<1x16xf32>,
    %swap3A_42 = arith.constant 0 : i32
    %swap3A_43 = arith.index_cast %swap3A_42 : i32 to index
    %swap3A_44 = arith.constant 112 : index
    %swap3A_45 = tpu.vector_load %arg20[%swap3A_43, %swap3A_44] {strides = array<i32>} : memref<8x128xf32, #tpu.memory_space<vmem>>, vector<1x16xf32>,
    %swap3A_46 = vector.shape_cast %swap3A_45 : vector<1x16xf32> to vector<16xf32>
    %swap3A_47 = vector.shape_cast %broadcast_in_dim3A_0 : vector<16xf32> to vector<1x16xf32>
    tpu.vector_store %arg20[%swap3A_43, %swap3A_44], %swap3A_47 {strides = array<i32>} : memref<8x128xf32, #tpu.memory_space<vmem>>, vector<1x16xf32>,
    %swap3A_48 = arith.constant 1 : i32
    %swap3A_49 = arith.index_cast %swap3A_48 : i32 to index
    %swap3A_50 = arith.constant 0 : index
    %swap3A_51 = tpu.vector_load %arg20[%swap3A_49, %swap3A_50] {strides = array<i32>} : memref<8x128xf32, #tpu.memory_space<vmem>>, vector<1x16xf32>,
    %swap3A_52 = vector.shape_cast %swap3A_51 : vector<1x16xf32> to vector<16xf32>
    %swap3A_53 = vector.shape_cast %broadcast_in_dim3A_0 : vector<16xf32> to vector<1x16xf32>
    tpu.vector_store %arg20[%swap3A_49, %swap3A_50], %swap3A_53 {strides = array<i32>} : memref<8x128xf32, #tpu.memory_space<vmem>>, vector<1x16xf32>,
    %swap3A_54 = arith.constant 1 : i32
    %swap3A_55 = arith.index_cast %swap3A_54 : i32 to index
    %swap3A_56 = arith.constant 16 : index
    %swap3A_57 = tpu.vector_load %arg20[%swap3A_55, %swap3A_56] {strides = array<i32>} : memref<8x128xf32, #tpu.memory_space<vmem>>, vector<1x16xf32>,
    %swap3A_58 = vector.shape_cast %swap3A_57 : vector<1x16xf32> to vector<16xf32>
    %swap3A_59 = vector.shape_cast %broadcast_in_dim3A_0 : vector<16xf32> to vector<1x16xf32>
    tpu.vector_store %arg20[%swap3A_55, %swap3A_56], %swap3A_59 {strides = array<i32>} : memref<8x128xf32, #tpu.memory_space<vmem>>, vector<1x16xf32>,
    %swap3A_60 = arith.constant 1 : i32
    %swap3A_61 = arith.index_cast %swap3A_60 : i32 to index
    %swap3A_62 = arith.constant 32 : index
    %swap3A_63 = tpu.vector_load %arg20[%swap3A_61, %swap3A_62] {strides = array<i32>} : memref<8x128xf32, #tpu.memory_space<vmem>>, vector<1x16xf32>,
    %swap3A_64 = vector.shape_cast %swap3A_63 : vector<1x16xf32> to vector<16xf32>
    %swap3A_65 = vector.shape_cast %broadcast_in_dim3A_0 : vector<16xf32> to vector<1x16xf32>
    tpu.vector_store %arg20[%swap3A_61, %swap3A_62], %swap3A_65 {strides = array<i32>} : memref<8x128xf32, #tpu.memory_space<vmem>>, vector<1x16xf32>,
    %swap3A_66 = arith.constant 1 : i32
    %swap3A_67 = arith.index_cast %swap3A_66 : i32 to index
    %swap3A_68 = arith.constant 48 : index
    %swap3A_69 = tpu.vector_load %arg20[%swap3A_67, %swap3A_68] {strides = array<i32>} : memref<8x128xf32, #tpu.memory_space<vmem>>, vector<1x16xf32>,
    %swap3A_70 = vector.shape_cast %swap3A_69 : vector<1x16xf32> to vector<16xf32>
    %swap3A_71 = vector.shape_cast %broadcast_in_dim3A_0 : vector<16xf32> to vector<1x16xf32>
    tpu.vector_store %arg20[%swap3A_67, %swap3A_68], %swap3A_71 {strides = array<i32>} : memref<8x128xf32, #tpu.memory_space<vmem>>, vector<1x16xf32>,
    %swap3A_72 = arith.constant 1 : i32
    %swap3A_73 = arith.index_cast %swap3A_72 : i32 to index
    %swap3A_74 = arith.constant 64 : index
    %swap3A_75 = tpu.vector_load %arg20[%swap3A_73, %swap3A_74] {strides = array<i32>} : memref<8x128xf32, #tpu.memory_space<vmem>>, vector<1x16xf32>,
    %swap3A_76 = vector.shape_cast %swap3A_75 : vector<1x16xf32> to vector<16xf32>
    %swap3A_77 = vector.shape_cast %broadcast_in_dim3A_0 : vector<16xf32> to vector<1x16xf32>
    tpu.vector_store %arg20[%swap3A_73, %swap3A_74], %swap3A_77 {strides = array<i32>} : memref<8x128xf32, #tpu.memory_space<vmem>>, vector<1x16xf32>,
    %swap3A_78 = arith.constant 1 : i32
    %swap3A_79 = arith.index_cast %swap3A_78 : i32 to index
    %swap3A_80 = arith.constant 80 : index
    %swap3A_81 = tpu.vector_load %arg20[%swap3A_79, %swap3A_80] {strides = array<i32>} : memref<8x128xf32, #tpu.memory_space<vmem>>, vector<1x16xf32>,
    %swap3A_82 = vector.shape_cast %swap3A_81 : vector<1x16xf32> to vector<16xf32>
    %swap3A_83 = vector.shape_cast %broadcast_in_dim3A_0 : vector<16xf32> to vector<1x16xf32>
    tpu.vector_store %arg20[%swap3A_79, %swap3A_80], %swap3A_83 {strides = array<i32>} : memref<8x128xf32, #tpu.memory_space<vmem>>, vector<1x16xf32>,
    %swap3A_84 = arith.constant 1 : i32
    %swap3A_85 = arith.index_cast %swap3A_84 : i32 to index
    %swap3A_86 = arith.constant 96 : index
    %swap3A_87 = tpu.vector_load %arg20[%swap3A_85, %swap3A_86] {strides = array<i32>} : memref<8x128xf32, #tpu.memory_space<vmem>>, vector<1x16xf32>,
    %swap3A_88 = vector.shape_cast %swap3A_87 : vector<1x16xf32> to vector<16xf32>
    %swap3A_89 = vector.shape_cast %broadcast_in_dim3A_0 : vector<16xf32> to vector<1x16xf32>
    tpu.vector_store %arg20[%swap3A_85, %swap3A_86], %swap3A_89 {strides = array<i32>} : memref<8x128xf32, #tpu.memory_space<vmem>>, vector<1x16xf32>,
    %swap3A_90 = arith.constant 1 : i32
    %swap3A_91 = arith.index_cast %swap3A_90 : i32 to index
    %swap3A_92 = arith.constant 112 : index
    %swap3A_93 = tpu.vector_load %arg20[%swap3A_91, %swap3A_92] {strides = array<i32>} : memref<8x128xf32, #tpu.memory_space<vmem>>, vector<1x16xf32>,
    %swap3A_94 = vector.shape_cast %swap3A_93 : vector<1x16xf32> to vector<16xf32>
    %swap3A_95 = vector.shape_cast %broadcast_in_dim3A_0 : vector<16xf32> to vector<1x16xf32>
    tpu.vector_store %arg20[%swap3A_91, %swap3A_92], %swap3A_95 {strides = array<i32>} : memref<8x128xf32, #tpu.memory_space<vmem>>, vector<1x16xf32>,
    %swap3A_96 = arith.constant 2 : i32
    %swap3A_97 = arith.index_cast %swap3A_96 : i32 to index
    %swap3A_98 = arith.constant 0 : index
    %swap3A_99 = tpu.vector_load %arg20[%swap3A_97, %swap3A_98] {strides = array<i32>} : memref<8x128xf32, #tpu.memory_space<vmem>>, vector<1x16xf32>,
    %swap3A_100 = vector.shape_cast %swap3A_99 : vector<1x16xf32> to vector<16xf32>
    %swap3A_101 = vector.shape_cast %broadcast_in_dim3A_0 : vector<16xf32> to vector<1x16xf32>
    tpu.vector_store %arg20[%swap3A_97, %swap3A_98], %swap3A_101 {strides = array<i32>} : memref<8x128xf32, #tpu.memory_space<vmem>>, vector<1x16xf32>,
    %swap3A_102 = arith.constant 2 : i32
    %swap3A_103 = arith.index_cast %swap3A_102 : i32 to index
    %swap3A_104 = arith.constant 16 : index
    %swap3A_105 = tpu.vector_load %arg20[%swap3A_103, %swap3A_104] {strides = array<i32>} : memref<8x128xf32, #tpu.memory_space<vmem>>, vector<1x16xf32>,
    %swap3A_106 = vector.shape_cast %swap3A_105 : vector<1x16xf32> to vector<16xf32>
    %swap3A_107 = vector.shape_cast %broadcast_in_dim3A_0 : vector<16xf32> to vector<1x16xf32>
    tpu.vector_store %arg20[%swap3A_103, %swap3A_104], %swap3A_107 {strides = array<i32>} : memref<8x128xf32, #tpu.memory_space<vmem>>, vector<1x16xf32>,
    %swap3A_108 = arith.constant 2 : i32
    %swap3A_109 = arith.index_cast %swap3A_108 : i32 to index
    %swap3A_110 = arith.constant 32 : index
    %swap3A_111 = tpu.vector_load %arg20[%swap3A_109, %swap3A_110] {strides = array<i32>} : memref<8x128xf32, #tpu.memory_space<vmem>>, vector<1x16xf32>,
    %swap3A_112 = vector.shape_cast %swap3A_111 : vector<1x16xf32> to vector<16xf32>
    %swap3A_113 = vector.shape_cast %broadcast_in_dim3A_0 : vector<16xf32> to vector<1x16xf32>
    tpu.vector_store %arg20[%swap3A_109, %swap3A_110], %swap3A_113 {strides = array<i32>} : memref<8x128xf32, #tpu.memory_space<vmem>>, vector<1x16xf32>,
    %swap3A_114 = arith.constant 2 : i32
    %swap3A_115 = arith.index_cast %swap3A_114 : i32 to index
    %swap3A_116 = arith.constant 48 : index
    %swap3A_117 = tpu.vector_load %arg20[%swap3A_115, %swap3A_116] {strides = array<i32>} : memref<8x128xf32, #tpu.memory_space<vmem>>, vector<1x16xf32>,
    %swap3A_118 = vector.shape_cast %swap3A_117 : vector<1x16xf32> to vector<16xf32>
    %swap3A_119 = vector.shape_cast %broadcast_in_dim3A_0 : vector<16xf32> to vector<1x16xf32>
    tpu.vector_store %arg20[%swap3A_115, %swap3A_116], %swap3A_119 {strides = array<i32>} : memref<8x128xf32, #tpu.memory_space<vmem>>, vector<1x16xf32>,
    %swap3A_120 = arith.constant 2 : i32
    %swap3A_121 = arith.index_cast %swap3A_120 : i32 to index
    %swap3A_122 = arith.constant 64 : index
    %swap3A_123 = tpu.vector_load %arg20[%swap3A_121, %swap3A_122] {strides = array<i32>} : memref<8x128xf32, #tpu.memory_space<vmem>>, vector<1x16xf32>,
    %swap3A_124 = vector.shape_cast %swap3A_123 : vector<1x16xf32> to vector<16xf32>
    %swap3A_125 = vector.shape_cast %broadcast_in_dim3A_0 : vector<16xf32> to vector<1x16xf32>
    tpu.vector_store %arg20[%swap3A_121, %swap3A_122], %swap3A_125 {strides = array<i32>} : memref<8x128xf32, #tpu.memory_space<vmem>>, vector<1x16xf32>,
    %swap3A_126 = arith.constant 2 : i32
    %swap3A_127 = arith.index_cast %swap3A_126 : i32 to index
    %swap3A_128 = arith.constant 80 : index
    %swap3A_129 = tpu.vector_load %arg20[%swap3A_127, %swap3A_128] {strides = array<i32>} : memref<8x128xf32, #tpu.memory_space<vmem>>, vector<1x16xf32>,
    %swap3A_130 = vector.shape_cast %swap3A_129 : vector<1x16xf32> to vector<16xf32>
    %swap3A_131 = vector.shape_cast %broadcast_in_dim3A_0 : vector<16xf32> to vector<1x16xf32>
    tpu.vector_store %arg20[%swap3A_127, %swap3A_128], %swap3A_131 {strides = array<i32>} : memref<8x128xf32, #tpu.memory_space<vmem>>, vector<1x16xf32>,
    %swap3A_132 = arith.constant 2 : i32
    %swap3A_133 = arith.index_cast %swap3A_132 : i32 to index
    %swap3A_134 = arith.constant 96 : index
    %swap3A_135 = tpu.vector_load %arg20[%swap3A_133, %swap3A_134] {strides = array<i32>} : memref<8x128xf32, #tpu.memory_space<vmem>>, vector<1x16xf32>,
    %swap3A_136 = vector.shape_cast %swap3A_135 : vector<1x16xf32> to vector<16xf32>
    %swap3A_137 = vector.shape_cast %broadcast_in_dim3A_0 : vector<16xf32> to vector<1x16xf32>
    tpu.vector_store %arg20[%swap3A_133, %swap3A_134], %swap3A_137 {strides = array<i32>} : memref<8x128xf32, #tpu.memory_space<vmem>>, vector<1x16xf32>,
    %swap3A_138 = arith.constant 2 : i32
    %swap3A_139 = arith.index_cast %swap3A_138 : i32 to index
    %swap3A_140 = arith.constant 112 : index
    %swap3A_141 = tpu.vector_load %arg20[%swap3A_139, %swap3A_140] {strides = array<i32>} : memref<8x128xf32, #tpu.memory_space<vmem>>, vector<1x16xf32>,
    %swap3A_142 = vector.shape_cast %swap3A_141 : vector<1x16xf32> to vector<16xf32>
    %swap3A_143 = vector.shape_cast %broadcast_in_dim3A_0 : vector<16xf32> to vector<1x16xf32>
    tpu.vector_store %arg20[%swap3A_139, %swap3A_140], %swap3A_143 {strides = array<i32>} : memref<8x128xf32, #tpu.memory_space<vmem>>, vector<1x16xf32>,
    %swap3A_144 = arith.constant 3 : i32
    %swap3A_145 = arith.index_cast %swap3A_144 : i32 to index
    %swap3A_146 = arith.constant 0 : index
    %swap3A_147 = tpu.vector_load %arg20[%swap3A_145, %swap3A_146] {strides = array<i32>} : memref<8x128xf32, #tpu.memory_space<vmem>>, vector<1x16xf32>,
    %swap3A_148 = vector.shape_cast %swap3A_147 : vector<1x16xf32> to vector<16xf32>
    %swap3A_149 = vector.shape_cast %broadcast_in_dim3A_0 : vector<16xf32> to vector<1x16xf32>
    tpu.vector_store %arg20[%swap3A_145, %swap3A_146], %swap3A_149 {strides = array<i32>} : memref<8x128xf32, #tpu.memory_space<vmem>>, vector<1x16xf32>,
    %swap3A_150 = arith.constant 3 : i32
    %swap3A_151 = arith.index_cast %swap3A_150 : i32 to index
    %swap3A_152 = arith.constant 16 : index
    %swap3A_153 = tpu.vector_load %arg20[%swap3A_151, %swap3A_152] {strides = array<i32>} : memref<8x128xf32, #tpu.memory_space<vmem>>, vector<1x16xf32>,
    %swap3A_154 = vector.shape_cast %swap3A_153 : vector<1x16xf32> to vector<16xf32>
    %swap3A_155 = vector.shape_cast %broadcast_in_dim3A_0 : vector<16xf32> to vector<1x16xf32>
    tpu.vector_store %arg20[%swap3A_151, %swap3A_152], %swap3A_155 {strides = array<i32>} : memref<8x128xf32, #tpu.memory_space<vmem>>, vector<1x16xf32>,
    %swap3A_156 = arith.constant 3 : i32
    %swap3A_157 = arith.index_cast %swap3A_156 : i32 to index
    %swap3A_158 = arith.constant 32 : index
    %swap3A_159 = tpu.vector_load %arg20[%swap3A_157, %swap3A_158] {strides = array<i32>} : memref<8x128xf32, #tpu.memory_space<vmem>>, vector<1x16xf32>,
    %swap3A_160 = vector.shape_cast %swap3A_159 : vector<1x16xf32> to vector<16xf32>
    %swap3A_161 = vector.shape_cast %broadcast_in_dim3A_0 : vector<16xf32> to vector<1x16xf32>
    tpu.vector_store %arg20[%swap3A_157, %swap3A_158], %swap3A_161 {strides = array<i32>} : memref<8x128xf32, #tpu.memory_space<vmem>>, vector<1x16xf32>,
    %swap3A_162 = arith.constant 3 : i32
    %swap3A_163 = arith.index_cast %swap3A_162 : i32 to index
    %swap3A_164 = arith.constant 48 : index
    %swap3A_165 = tpu.vector_load %arg20[%swap3A_163, %swap3A_164] {strides = array<i32>} : memref<8x128xf32, #tpu.memory_space<vmem>>, vector<1x16xf32>,
    %swap3A_166 = vector.shape_cast %swap3A_165 : vector<1x16xf32> to vector<16xf32>
    %swap3A_167 = vector.shape_cast %broadcast_in_dim3A_0 : vector<16xf32> to vector<1x16xf32>
    tpu.vector_store %arg20[%swap3A_163, %swap3A_164], %swap3A_167 {strides = array<i32>} : memref<8x128xf32, #tpu.memory_space<vmem>>, vector<1x16xf32>,
    %swap3A_168 = arith.constant 3 : i32
    %swap3A_169 = arith.index_cast %swap3A_168 : i32 to index
    %swap3A_170 = arith.constant 64 : index
    %swap3A_171 = tpu.vector_load %arg20[%swap3A_169, %swap3A_170] {strides = array<i32>} : memref<8x128xf32, #tpu.memory_space<vmem>>, vector<1x16xf32>,
    %swap3A_172 = vector.shape_cast %swap3A_171 : vector<1x16xf32> to vector<16xf32>
    %swap3A_173 = vector.shape_cast %broadcast_in_dim3A_0 : vector<16xf32> to vector<1x16xf32>
    tpu.vector_store %arg20[%swap3A_169, %swap3A_170], %swap3A_173 {strides = array<i32>} : memref<8x128xf32, #tpu.memory_space<vmem>>, vector<1x16xf32>,
    %swap3A_174 = arith.constant 3 : i32
    %swap3A_175 = arith.index_cast %swap3A_174 : i32 to index
    %swap3A_176 = arith.constant 80 : index
    %swap3A_177 = tpu.vector_load %arg20[%swap3A_175, %swap3A_176] {strides = array<i32>} : memref<8x128xf32, #tpu.memory_space<vmem>>, vector<1x16xf32>,
    %swap3A_178 = vector.shape_cast %swap3A_177 : vector<1x16xf32> to vector<16xf32>
    %swap3A_179 = vector.shape_cast %broadcast_in_dim3A_0 : vector<16xf32> to vector<1x16xf32>
    tpu.vector_store %arg20[%swap3A_175, %swap3A_176], %swap3A_179 {strides = array<i32>} : memref<8x128xf32, #tpu.memory_space<vmem>>, vector<1x16xf32>,
    %swap3A_180 = arith.constant 3 : i32
    %swap3A_181 = arith.index_cast %swap3A_180 : i32 to index
    %swap3A_182 = arith.constant 96 : index
    %swap3A_183 = tpu.vector_load %arg20[%swap3A_181, %swap3A_182] {strides = array<i32>} : memref<8x128xf32, #tpu.memory_space<vmem>>, vector<1x16xf32>,
    %swap3A_184 = vector.shape_cast %swap3A_183 : vector<1x16xf32> to vector<16xf32>
    %swap3A_185 = vector.shape_cast %broadcast_in_dim3A_0 : vector<16xf32> to vector<1x16xf32>
    tpu.vector_store %arg20[%swap3A_181, %swap3A_182], %swap3A_185 {strides = array<i32>} : memref<8x128xf32, #tpu.memory_space<vmem>>, vector<1x16xf32>,
    %swap3A_186 = arith.constant 3 : i32
    %swap3A_187 = arith.index_cast %swap3A_186 : i32 to index
    %swap3A_188 = arith.constant 112 : index
    %swap3A_189 = tpu.vector_load %arg20[%swap3A_187, %swap3A_188] {strides = array<i32>} : memref<8x128xf32, #tpu.memory_space<vmem>>, vector<1x16xf32>,
    %swap3A_190 = vector.shape_cast %swap3A_189 : vector<1x16xf32> to vector<16xf32>
    %swap3A_191 = vector.shape_cast %broadcast_in_dim3A_0 : vector<16xf32> to vector<1x16xf32>
    tpu.vector_store %arg20[%swap3A_187, %swap3A_188], %swap3A_191 {strides = array<i32>} : memref<8x128xf32, #tpu.memory_space<vmem>>, vector<1x16xf32>,
    %swap3A_192 = arith.constant 4 : i32
    %swap3A_193 = arith.index_cast %swap3A_192 : i32 to index
    %swap3A_194 = arith.constant 0 : index
    %swap3A_195 = tpu.vector_load %arg20[%swap3A_193, %swap3A_194] {strides = array<i32>} : memref<8x128xf32, #tpu.memory_space<vmem>>, vector<1x16xf32>,
    %swap3A_196 = vector.shape_cast %swap3A_195 : vector<1x16xf32> to vector<16xf32>
    %swap3A_197 = vector.shape_cast %broadcast_in_dim3A_0 : vector<16xf32> to vector<1x16xf32>
    tpu.vector_store %arg20[%swap3A_193, %swap3A_194], %swap3A_197 {strides = array<i32>} : memref<8x128xf32, #tpu.memory_space<vmem>>, vector<1x16xf32>,
    %swap3A_198 = arith.constant 4 : i32
    %swap3A_199 = arith.index_cast %swap3A_198 : i32 to index
    %swap3A_200 = arith.constant 16 : index
    %swap3A_201 = tpu.vector_load %arg20[%swap3A_199, %swap3A_200] {strides = array<i32>} : memref<8x128xf32, #tpu.memory_space<vmem>>, vector<1x16xf32>,
    %swap3A_202 = vector.shape_cast %swap3A_201 : vector<1x16xf32> to vector<16xf32>
    %swap3A_203 = vector.shape_cast %broadcast_in_dim3A_0 : vector<16xf32> to vector<1x16xf32>
    tpu.vector_store %arg20[%swap3A_199, %swap3A_200], %swap3A_203 {strides = array<i32>} : memref<8x128xf32, #tpu.memory_space<vmem>>, vector<1x16xf32>,
    %swap3A_204 = arith.constant 4 : i32
    %swap3A_205 = arith.index_cast %swap3A_204 : i32 to index
    %swap3A_206 = arith.constant 32 : index
    %swap3A_207 = tpu.vector_load %arg20[%swap3A_205, %swap3A_206] {strides = array<i32>} : memref<8x128xf32, #tpu.memory_space<vmem>>, vector<1x16xf32>,
    %swap3A_208 = vector.shape_cast %swap3A_207 : vector<1x16xf32> to vector<16xf32>
    %swap3A_209 = vector.shape_cast %broadcast_in_dim3A_0 : vector<16xf32> to vector<1x16xf32>
    tpu.vector_store %arg20[%swap3A_205, %swap3A_206], %swap3A_209 {strides = array<i32>} : memref<8x128xf32, #tpu.memory_space<vmem>>, vector<1x16xf32>,
    %swap3A_210 = arith.constant 4 : i32
    %swap3A_211 = arith.index_cast %swap3A_210 : i32 to index
    %swap3A_212 = arith.constant 48 : index
    %swap3A_213 = tpu.vector_load %arg20[%swap3A_211, %swap3A_212] {strides = array<i32>} : memref<8x128xf32, #tpu.memory_space<vmem>>, vector<1x16xf32>,
    %swap3A_214 = vector.shape_cast %swap3A_213 : vector<1x16xf32> to vector<16xf32>
    %swap3A_215 = vector.shape_cast %broadcast_in_dim3A_0 : vector<16xf32> to vector<1x16xf32>
    tpu.vector_store %arg20[%swap3A_211, %swap3A_212], %swap3A_215 {strides = array<i32>} : memref<8x128xf32, #tpu.memory_space<vmem>>, vector<1x16xf32>,
    %swap3A_216 = arith.constant 4 : i32
    %swap3A_217 = arith.index_cast %swap3A_216 : i32 to index
    %swap3A_218 = arith.constant 64 : index
    %swap3A_219 = tpu.vector_load %arg20[%swap3A_217, %swap3A_218] {strides = array<i32>} : memref<8x128xf32, #tpu.memory_space<vmem>>, vector<1x16xf32>,
    %swap3A_220 = vector.shape_cast %swap3A_219 : vector<1x16xf32> to vector<16xf32>
    %swap3A_221 = vector.shape_cast %broadcast_in_dim3A_0 : vector<16xf32> to vector<1x16xf32>
    tpu.vector_store %arg20[%swap3A_217, %swap3A_218], %swap3A_221 {strides = array<i32>} : memref<8x128xf32, #tpu.memory_space<vmem>>, vector<1x16xf32>,
    %swap3A_222 = arith.constant 4 : i32
    %swap3A_223 = arith.index_cast %swap3A_222 : i32 to index
    %swap3A_224 = arith.constant 80 : index
    %swap3A_225 = tpu.vector_load %arg20[%swap3A_223, %swap3A_224] {strides = array<i32>} : memref<8x128xf32, #tpu.memory_space<vmem>>, vector<1x16xf32>,
    %swap3A_226 = vector.shape_cast %swap3A_225 : vector<1x16xf32> to vector<16xf32>
    %swap3A_227 = vector.shape_cast %broadcast_in_dim3A_0 : vector<16xf32> to vector<1x16xf32>
    tpu.vector_store %arg20[%swap3A_223, %swap3A_224], %swap3A_227 {strides = array<i32>} : memref<8x128xf32, #tpu.memory_space<vmem>>, vector<1x16xf32>,
    %swap3A_228 = arith.constant 4 : i32
    %swap3A_229 = arith.index_cast %swap3A_228 : i32 to index
    %swap3A_230 = arith.constant 96 : index
    %swap3A_231 = tpu.vector_load %arg20[%swap3A_229, %swap3A_230] {strides = array<i32>} : memref<8x128xf32, #tpu.memory_space<vmem>>, vector<1x16xf32>,
    %swap3A_232 = vector.shape_cast %swap3A_231 : vector<1x16xf32> to vector<16xf32>
    %swap3A_233 = vector.shape_cast %broadcast_in_dim3A_0 : vector<16xf32> to vector<1x16xf32>
    tpu.vector_store %arg20[%swap3A_229, %swap3A_230], %swap3A_233 {strides = array<i32>} : memref<8x128xf32, #tpu.memory_space<vmem>>, vector<1x16xf32>,
    %swap3A_234 = arith.constant 4 : i32
    %swap3A_235 = arith.index_cast %swap3A_234 : i32 to index
    %swap3A_236 = arith.constant 112 : index
    %swap3A_237 = tpu.vector_load %arg20[%swap3A_235, %swap3A_236] {strides = array<i32>} : memref<8x128xf32, #tpu.memory_space<vmem>>, vector<1x16xf32>,
    %swap3A_238 = vector.shape_cast %swap3A_237 : vector<1x16xf32> to vector<16xf32>
    %swap3A_239 = vector.shape_cast %broadcast_in_dim3A_0 : vector<16xf32> to vector<1x16xf32>
    tpu.vector_store %arg20[%swap3A_235, %swap3A_236], %swap3A_239 {strides = array<i32>} : memref<8x128xf32, #tpu.memory_space<vmem>>, vector<1x16xf32>,
    %swap3A_240 = arith.constant 5 : i32
    %swap3A_241 = arith.index_cast %swap3A_240 : i32 to index
    %swap3A_242 = arith.constant 0 : index
    %swap3A_243 = tpu.vector_load %arg20[%swap3A_241, %swap3A_242] {strides = array<i32>} : memref<8x128xf32, #tpu.memory_space<vmem>>, vector<1x16xf32>,
    %swap3A_244 = vector.shape_cast %swap3A_243 : vector<1x16xf32> to vector<16xf32>
    %swap3A_245 = vector.shape_cast %broadcast_in_dim3A_0 : vector<16xf32> to vector<1x16xf32>
    tpu.vector_store %arg20[%swap3A_241, %swap3A_242], %swap3A_245 {strides = array<i32>} : memref<8x128xf32, #tpu.memory_space<vmem>>, vector<1x16xf32>,
    %swap3A_246 = arith.constant 5 : i32
    %swap3A_247 = arith.index_cast %swap3A_246 : i32 to index
    %swap3A_248 = arith.constant 16 : index
    %swap3A_249 = tpu.vector_load %arg20[%swap3A_247, %swap3A_248] {strides = array<i32>} : memref<8x128xf32, #tpu.memory_space<vmem>>, vector<1x16xf32>,
    %swap3A_250 = vector.shape_cast %swap3A_249 : vector<1x16xf32> to vector<16xf32>
    %swap3A_251 = vector.shape_cast %broadcast_in_dim3A_0 : vector<16xf32> to vector<1x16xf32>
    tpu.vector_store %arg20[%swap3A_247, %swap3A_248], %swap3A_251 {strides = array<i32>} : memref<8x128xf32, #tpu.memory_space<vmem>>, vector<1x16xf32>,
    %swap3A_252 = arith.constant 5 : i32
    %swap3A_253 = arith.index_cast %swap3A_252 : i32 to index
    %swap3A_254 = arith.constant 32 : index
    %swap3A_255 = tpu.vector_load %arg20[%swap3A_253, %swap3A_254] {strides = array<i32>} : memref<8x128xf32, #tpu.memory_space<vmem>>, vector<1x16xf32>,
    %swap3A_256 = vector.shape_cast %swap3A_255 : vector<1x16xf32> to vector<16xf32>
    %swap3A_257 = vector.shape_cast %broadcast_in_dim3A_0 : vector<16xf32> to vector<1x16xf32>
    tpu.vector_store %arg20[%swap3A_253, %swap3A_254], %swap3A_257 {strides = array<i32>} : memref<8x128xf32, #tpu.memory_space<vmem>>, vector<1x16xf32>,
    %swap3A_258 = arith.constant 5 : i32
    %swap3A_259 = arith.index_cast %swap3A_258 : i32 to index
    %swap3A_260 = arith.constant 48 : index
    %swap3A_261 = tpu.vector_load %arg20[%swap3A_259, %swap3A_260] {strides = array<i32>} : memref<8x128xf32, #tpu.memory_space<vmem>>, vector<1x16xf32>,
    %swap3A_262 = vector.shape_cast %swap3A_261 : vector<1x16xf32> to vector<16xf32>
    %swap3A_263 = vector.shape_cast %broadcast_in_dim3A_0 : vector<16xf32> to vector<1x16xf32>
    tpu.vector_store %arg20[%swap3A_259, %swap3A_260], %swap3A_263 {strides = array<i32>} : memref<8x128xf32, #tpu.memory_space<vmem>>, vector<1x16xf32>,
    %swap3A_264 = arith.constant 5 : i32
    %swap3A_265 = arith.index_cast %swap3A_264 : i32 to index
    %swap3A_266 = arith.constant 64 : index
    %swap3A_267 = tpu.vector_load %arg20[%swap3A_265, %swap3A_266] {strides = array<i32>} : memref<8x128xf32, #tpu.memory_space<vmem>>, vector<1x16xf32>,
    %swap3A_268 = vector.shape_cast %swap3A_267 : vector<1x16xf32> to vector<16xf32>
    %swap3A_269 = vector.shape_cast %broadcast_in_dim3A_0 : vector<16xf32> to vector<1x16xf32>
    tpu.vector_store %arg20[%swap3A_265, %swap3A_266], %swap3A_269 {strides = array<i32>} : memref<8x128xf32, #tpu.memory_space<vmem>>, vector<1x16xf32>,
    %swap3A_270 = arith.constant 5 : i32
    %swap3A_271 = arith.index_cast %swap3A_270 : i32 to index
    %swap3A_272 = arith.constant 80 : index
    %swap3A_273 = tpu.vector_load %arg20[%swap3A_271, %swap3A_272] {strides = array<i32>} : memref<8x128xf32, #tpu.memory_space<vmem>>, vector<1x16xf32>,
    %swap3A_274 = vector.shape_cast %swap3A_273 : vector<1x16xf32> to vector<16xf32>
    %swap3A_275 = vector.shape_cast %broadcast_in_dim3A_0 : vector<16xf32> to vector<1x16xf32>
    tpu.vector_store %arg20[%swap3A_271, %swap3A_272], %swap3A_275 {strides = array<i32>} : memref<8x128xf32, #tpu.memory_space<vmem>>, vector<1x16xf32>,
    %swap3A_276 = arith.constant 5 : i32
    %swap3A_277 = arith.index_cast %swap3A_276 : i32 to index
    %swap3A_278 = arith.constant 96 : index
    %swap3A_279 = tpu.vector_load %arg20[%swap3A_277, %swap3A_278] {strides = array<i32>} : memref<8x128xf32, #tpu.memory_space<vmem>>, vector<1x16xf32>,
    %swap3A_280 = vector.shape_cast %swap3A_279 : vector<1x16xf32> to vector<16xf32>
    %swap3A_281 = vector.shape_cast %broadcast_in_dim3A_0 : vector<16xf32> to vector<1x16xf32>
    tpu.vector_store %arg20[%swap3A_277, %swap3A_278], %swap3A_281 {strides = array<i32>} : memref<8x128xf32, #tpu.memory_space<vmem>>, vector<1x16xf32>,
    %swap3A_282 = arith.constant 5 : i32
    %swap3A_283 = arith.index_cast %swap3A_282 : i32 to index
    %swap3A_284 = arith.constant 112 : index
    %swap3A_285 = tpu.vector_load %arg20[%swap3A_283, %swap3A_284] {strides = array<i32>} : memref<8x128xf32, #tpu.memory_space<vmem>>, vector<1x16xf32>,
    %swap3A_286 = vector.shape_cast %swap3A_285 : vector<1x16xf32> to vector<16xf32>
    %swap3A_287 = vector.shape_cast %broadcast_in_dim3A_0 : vector<16xf32> to vector<1x16xf32>
    tpu.vector_store %arg20[%swap3A_283, %swap3A_284], %swap3A_287 {strides = array<i32>} : memref<8x128xf32, #tpu.memory_space<vmem>>, vector<1x16xf32>,
    %swap3A_288 = arith.constant 6 : i32
    %swap3A_289 = arith.index_cast %swap3A_288 : i32 to index
    %swap3A_290 = arith.constant 0 : index
    %swap3A_291 = tpu.vector_load %arg20[%swap3A_289, %swap3A_290] {strides = array<i32>} : memref<8x128xf32, #tpu.memory_space<vmem>>, vector<1x16xf32>,
    %swap3A_292 = vector.shape_cast %swap3A_291 : vector<1x16xf32> to vector<16xf32>
    %swap3A_293 = vector.shape_cast %broadcast_in_dim3A_0 : vector<16xf32> to vector<1x16xf32>
    tpu.vector_store %arg20[%swap3A_289, %swap3A_290], %swap3A_293 {strides = array<i32>} : memref<8x128xf32, #tpu.memory_space<vmem>>, vector<1x16xf32>,
    %swap3A_294 = arith.constant 6 : i32
    %swap3A_295 = arith.index_cast %swap3A_294 : i32 to index
    %swap3A_296 = arith.constant 16 : index
    %swap3A_297 = tpu.vector_load %arg20[%swap3A_295, %swap3A_296] {strides = array<i32>} : memref<8x128xf32, #tpu.memory_space<vmem>>, vector<1x16xf32>,
    %swap3A_298 = vector.shape_cast %swap3A_297 : vector<1x16xf32> to vector<16xf32>
    %swap3A_299 = vector.shape_cast %broadcast_in_dim3A_0 : vector<16xf32> to vector<1x16xf32>
    tpu.vector_store %arg20[%swap3A_295, %swap3A_296], %swap3A_299 {strides = array<i32>} : memref<8x128xf32, #tpu.memory_space<vmem>>, vector<1x16xf32>,
    %swap3A_300 = arith.constant 6 : i32
    %swap3A_301 = arith.index_cast %swap3A_300 : i32 to index
    %swap3A_302 = arith.constant 32 : index
    %swap3A_303 = tpu.vector_load %arg20[%swap3A_301, %swap3A_302] {strides = array<i32>} : memref<8x128xf32, #tpu.memory_space<vmem>>, vector<1x16xf32>,
    %swap3A_304 = vector.shape_cast %swap3A_303 : vector<1x16xf32> to vector<16xf32>
    %swap3A_305 = vector.shape_cast %broadcast_in_dim3A_0 : vector<16xf32> to vector<1x16xf32>
    tpu.vector_store %arg20[%swap3A_301, %swap3A_302], %swap3A_305 {strides = array<i32>} : memref<8x128xf32, #tpu.memory_space<vmem>>, vector<1x16xf32>,
    %swap3A_306 = arith.constant 6 : i32
    %swap3A_307 = arith.index_cast %swap3A_306 : i32 to index
    %swap3A_308 = arith.constant 48 : index
    %swap3A_309 = tpu.vector_load %arg20[%swap3A_307, %swap3A_308] {strides = array<i32>} : memref<8x128xf32, #tpu.memory_space<vmem>>, vector<1x16xf32>,
    %swap3A_310 = vector.shape_cast %swap3A_309 : vector<1x16xf32> to vector<16xf32>
    %swap3A_311 = vector.shape_cast %broadcast_in_dim3A_0 : vector<16xf32> to vector<1x16xf32>
    tpu.vector_store %arg20[%swap3A_307, %swap3A_308], %swap3A_311 {strides = array<i32>} : memref<8x128xf32, #tpu.memory_space<vmem>>, vector<1x16xf32>,
    %swap3A_312 = arith.constant 6 : i32
    %swap3A_313 = arith.index_cast %swap3A_312 : i32 to index
    %swap3A_314 = arith.constant 64 : index
    %swap3A_315 = tpu.vector_load %arg20[%swap3A_313, %swap3A_314] {strides = array<i32>} : memref<8x128xf32, #tpu.memory_space<vmem>>, vector<1x16xf32>,
    %swap3A_316 = vector.shape_cast %swap3A_315 : vector<1x16xf32> to vector<16xf32>
    %swap3A_317 = vector.shape_cast %broadcast_in_dim3A_0 : vector<16xf32> to vector<1x16xf32>
    tpu.vector_store %arg20[%swap3A_313, %swap3A_314], %swap3A_317 {strides = array<i32>} : memref<8x128xf32, #tpu.memory_space<vmem>>, vector<1x16xf32>,
    %swap3A_318 = arith.constant 6 : i32
    %swap3A_319 = arith.index_cast %swap3A_318 : i32 to index
    %swap3A_320 = arith.constant 80 : index
    %swap3A_321 = tpu.vector_load %arg20[%swap3A_319, %swap3A_320] {strides = array<i32>} : memref<8x128xf32, #tpu.memory_space<vmem>>, vector<1x16xf32>,
    %swap3A_322 = vector.shape_cast %swap3A_321 : vector<1x16xf32> to vector<16xf32>
    %swap3A_323 = vector.shape_cast %broadcast_in_dim3A_0 : vector<16xf32> to vector<1x16xf32>
    tpu.vector_store %arg20[%swap3A_319, %swap3A_320], %swap3A_323 {strides = array<i32>} : memref<8x128xf32, #tpu.memory_space<vmem>>, vector<1x16xf32>,
    %swap3A_324 = arith.constant 6 : i32
    %swap3A_325 = arith.index_cast %swap3A_324 : i32 to index
    %swap3A_326 = arith.constant 96 : index
    %swap3A_327 = tpu.vector_load %arg20[%swap3A_325, %swap3A_326] {strides = array<i32>} : memref<8x128xf32, #tpu.memory_space<vmem>>, vector<1x16xf32>,
    %swap3A_328 = vector.shape_cast %swap3A_327 : vector<1x16xf32> to vector<16xf32>
    %swap3A_329 = vector.shape_cast %broadcast_in_dim3A_0 : vector<16xf32> to vector<1x16xf32>
    tpu.vector_store %arg20[%swap3A_325, %swap3A_326], %swap3A_329 {strides = array<i32>} : memref<8x128xf32, #tpu.memory_space<vmem>>, vector<1x16xf32>,
    %swap3A_330 = arith.constant 6 : i32
    %swap3A_331 = arith.index_cast %swap3A_330 : i32 to index
    %swap3A_332 = arith.constant 112 : index
    %swap3A_333 = tpu.vector_load %arg20[%swap3A_331, %swap3A_332] {strides = array<i32>} : memref<8x128xf32, #tpu.memory_space<vmem>>, vector<1x16xf32>,
    %swap3A_334 = vector.shape_cast %swap3A_333 : vector<1x16xf32> to vector<16xf32>
    %swap3A_335 = vector.shape_cast %broadcast_in_dim3A_0 : vector<16xf32> to vector<1x16xf32>
    tpu.vector_store %arg20[%swap3A_331, %swap3A_332], %swap3A_335 {strides = array<i32>} : memref<8x128xf32, #tpu.memory_space<vmem>>, vector<1x16xf32>,
    %swap3A_336 = arith.constant 7 : i32
    %swap3A_337 = arith.index_cast %swap3A_336 : i32 to index
    %swap3A_338 = arith.constant 0 : index
    %swap3A_339 = tpu.vector_load %arg20[%swap3A_337, %swap3A_338] {strides = array<i32>} : memref<8x128xf32, #tpu.memory_space<vmem>>, vector<1x16xf32>,
    %swap3A_340 = vector.shape_cast %swap3A_339 : vector<1x16xf32> to vector<16xf32>
    %swap3A_341 = vector.shape_cast %broadcast_in_dim3A_0 : vector<16xf32> to vector<1x16xf32>
    tpu.vector_store %arg20[%swap3A_337, %swap3A_338], %swap3A_341 {strides = array<i32>} : memref<8x128xf32, #tpu.memory_space<vmem>>, vector<1x16xf32>,
    %swap3A_342 = arith.constant 7 : i32
    %swap3A_343 = arith.index_cast %swap3A_342 : i32 to index
    %swap3A_344 = arith.constant 16 : index
    %swap3A_345 = tpu.vector_load %arg20[%swap3A_343, %swap3A_344] {strides = array<i32>} : memref<8x128xf32, #tpu.memory_space<vmem>>, vector<1x16xf32>,
    %swap3A_346 = vector.shape_cast %swap3A_345 : vector<1x16xf32> to vector<16xf32>
    %swap3A_347 = vector.shape_cast %broadcast_in_dim3A_0 : vector<16xf32> to vector<1x16xf32>
    tpu.vector_store %arg20[%swap3A_343, %swap3A_344], %swap3A_347 {strides = array<i32>} : memref<8x128xf32, #tpu.memory_space<vmem>>, vector<1x16xf32>,
    %swap3A_348 = arith.constant 7 : i32
    %swap3A_349 = arith.index_cast %swap3A_348 : i32 to index
    %swap3A_350 = arith.constant 32 : index
    %swap3A_351 = tpu.vector_load %arg20[%swap3A_349, %swap3A_350] {strides = array<i32>} : memref<8x128xf32, #tpu.memory_space<vmem>>, vector<1x16xf32>,
    %swap3A_352 = vector.shape_cast %swap3A_351 : vector<1x16xf32> to vector<16xf32>
    %swap3A_353 = vector.shape_cast %broadcast_in_dim3A_0 : vector<16xf32> to vector<1x16xf32>
    tpu.vector_store %arg20[%swap3A_349, %swap3A_350], %swap3A_353 {strides = array<i32>} : memref<8x128xf32, #tpu.memory_space<vmem>>, vector<1x16xf32>,
    %swap3A_354 = arith.constant 7 : i32
    %swap3A_355 = arith.index_cast %swap3A_354 : i32 to index
    %swap3A_356 = arith.constant 48 : index
    %swap3A_357 = tpu.vector_load %arg20[%swap3A_355, %swap3A_356] {strides = array<i32>} : memref<8x128xf32, #tpu.memory_space<vmem>>, vector<1x16xf32>,
    %swap3A_358 = vector.shape_cast %swap3A_357 : vector<1x16xf32> to vector<16xf32>
    %swap3A_359 = vector.shape_cast %broadcast_in_dim3A_0 : vector<16xf32> to vector<1x16xf32>
    tpu.vector_store %arg20[%swap3A_355, %swap3A_356], %swap3A_359 {strides = array<i32>} : memref<8x128xf32, #tpu.memory_space<vmem>>, vector<1x16xf32>,
    %swap3A_360 = arith.constant 7 : i32
    %swap3A_361 = arith.index_cast %swap3A_360 : i32 to index
    %swap3A_362 = arith.constant 64 : index
    %swap3A_363 = tpu.vector_load %arg20[%swap3A_361, %swap3A_362] {strides = array<i32>} : memref<8x128xf32, #tpu.memory_space<vmem>>, vector<1x16xf32>,
    %swap3A_364 = vector.shape_cast %swap3A_363 : vector<1x16xf32> to vector<16xf32>
    %swap3A_365 = vector.shape_cast %broadcast_in_dim3A_0 : vector<16xf32> to vector<1x16xf32>
    tpu.vector_store %arg20[%swap3A_361, %swap3A_362], %swap3A_365 {strides = array<i32>} : memref<8x128xf32, #tpu.memory_space<vmem>>, vector<1x16xf32>,
    %swap3A_366 = arith.constant 7 : i32
    %swap3A_367 = arith.index_cast %swap3A_366 : i32 to index
    %swap3A_368 = arith.constant 80 : index
    %swap3A_369 = tpu.vector_load %arg20[%swap3A_367, %swap3A_368] {strides = array<i32>} : memref<8x128xf32, #tpu.memory_space<vmem>>, vector<1x16xf32>,
    %swap3A_370 = vector.shape_cast %swap3A_369 : vector<1x16xf32> to vector<16xf32>
    %swap3A_371 = vector.shape_cast %broadcast_in_dim3A_0 : vector<16xf32> to vector<1x16xf32>
    tpu.vector_store %arg20[%swap3A_367, %swap3A_368], %swap3A_371 {strides = array<i32>} : memref<8x128xf32, #tpu.memory_space<vmem>>, vector<1x16xf32>,
    %swap3A_372 = arith.constant 7 : i32
    %swap3A_373 = arith.index_cast %swap3A_372 : i32 to index
    %swap3A_374 = arith.constant 96 : index
    %swap3A_375 = tpu.vector_load %arg20[%swap3A_373, %swap3A_374] {strides = array<i32>} : memref<8x128xf32, #tpu.memory_space<vmem>>, vector<1x16xf32>,
    %swap3A_376 = vector.shape_cast %swap3A_375 : vector<1x16xf32> to vector<16xf32>
    %swap3A_377 = vector.shape_cast %broadcast_in_dim3A_0 : vector<16xf32> to vector<1x16xf32>
    tpu.vector_store %arg20[%swap3A_373, %swap3A_374], %swap3A_377 {strides = array<i32>} : memref<8x128xf32, #tpu.memory_space<vmem>>, vector<1x16xf32>,
    %swap3A_378 = arith.constant 7 : i32
    %swap3A_379 = arith.index_cast %swap3A_378 : i32 to index
    %swap3A_380 = arith.constant 112 : index
    %swap3A_381 = tpu.vector_load %arg20[%swap3A_379, %swap3A_380] {strides = array<i32>} : memref<8x128xf32, #tpu.memory_space<vmem>>, vector<1x16xf32>,
    %swap3A_382 = vector.shape_cast %swap3A_381 : vector<1x16xf32> to vector<16xf32>
    %swap3A_383 = vector.shape_cast %broadcast_in_dim3A_0 : vector<16xf32> to vector<1x16xf32>
    tpu.vector_store %arg20[%swap3A_379, %swap3A_380], %swap3A_383 {strides = array<i32>} : memref<8x128xf32, #tpu.memory_space<vmem>>, vector<1x16xf32>,
    %scan3A = arith.constant 0 : i32
    %scan3A_384 = arith.constant 0 : i32
    %scan3A_385 = arith.constant 80 : i32
    %scan3A_386 = arith.addi %scan3A_384, %scan3A_385 : i32
    %scan3A_387 = arith.constant 1 : i32
    scf.for %scan3A_650 = %scan3A_384 to %scan3A_386 step %scan3A_387  : i32 {
      %mul3A_651 = arith.constant 640 : i32
      %mul3A_652 = arith.muli %arg1, %mul3A_651 : i32
      %mul3A_653 = arith.constant 8 : i32
      %mul3A_654 = arith.muli %scan3A_650, %mul3A_653 : i32
      %add3A_655 = arith.addi %mul3A_652, %mul3A_654 : i32
      "tpu.region"() ({
        %run_scoped3A = tpu.sem_alloc : memref<!tpu.dma_semaphore, #tpu.memory_space<semaphore_mem>>
        %dma_start3A_656 = arith.constant 0 : i32
        %dma_start3A_657 = tpu.memref_slice %arg21[%add3A_655, %dma_start3A_656] : memref<10240x128xf32, #tpu.memory_space<vmem_shared>> -> memref<8x128xf32, #tpu.memory_space<vmem_shared>>
        %dma_start3A_658 = arith.constant 0 : i32
        %dma_start3A_659 = tpu.memref_slice %arg21[%add3A_655, %dma_start3A_658] : memref<10240x128xf32, #tpu.memory_space<vmem_shared>> -> memref<8x128xf32, #tpu.memory_space<vmem_shared>>
        tpu.enqueue_dma source(%arg20 : memref<8x128xf32, #tpu.memory_space<vmem>>) target(%dma_start3A_659 : memref<8x128xf32, #tpu.memory_space<vmem_shared>>) target_semaphore(%run_scoped3A : memref<!tpu.dma_semaphore, #tpu.memory_space<semaphore_mem>>)
        %dma_wait3A_660 = arith.constant 0 : i32
        %dma_wait3A_661 = tpu.memref_slice %arg21[%add3A_655, %dma_wait3A_660] : memref<10240x128xf32, #tpu.memory_space<vmem_shared>> -> memref<8x128xf32, #tpu.memory_space<vmem_shared>>
        %dma_wait3A_662 = arith.constant 0 : i32
        %dma_wait3A_663 = tpu.memref_slice %arg21[%add3A_655, %dma_wait3A_662] : memref<10240x128xf32, #tpu.memory_space<vmem_shared>> -> memref<8x128xf32, #tpu.memory_space<vmem_shared>>
        tpu.wait_dma2 semaphore(%run_scoped3A : memref<!tpu.dma_semaphore, #tpu.memory_space<semaphore_mem>>) src(%arg20 : memref<8x128xf32, #tpu.memory_space<vmem>>) dst(%dma_wait3A_663 : memref<8x128xf32, #tpu.memory_space<vmem_shared>>)
        tpu.yield
      }) : () -> ()
    }
    %scan3A_388 = arith.constant 80 : i32
    %barrier3A = arith.constant 0 : index
    tpu.barrier barrier_id(%barrier3A)
    %mul3A = arith.constant 2 : i32
    %mul3A_389 = arith.muli %mul3A, %arg0 : i32
    %sub3A = arith.constant 1 : i32
    %sub3A_390 = arith.subi %sub3A, %mul3A_389 : i32
    %mul3A_391 = arith.constant 20000 : i32
    %mul3A_392 = arith.muli %arg1, %mul3A_391 : i32
    %mul3A_393 = arith.constant 320000 : i32
    %mul3A_394 = arith.muli %arg0, %mul3A_393 : i32
    %add3A = arith.constant 10000 : i32
    %add3A_395 = arith.addi %add3A, %arg1 : i32
    %broadcast_in_dim3A_396 = arith.constant 0.000000e+00 : f32
    %broadcast_in_dim3A_397 = vector.broadcast %broadcast_in_dim3A_396 : f32 to vector<16xf32>
    %broadcast_in_dim3A_398 = arith.constant -65536 : i32
    %broadcast_in_dim3A_399 = vector.broadcast %broadcast_in_dim3A_398 : i32 to vector<16xi32>
    %add3A_400 = arith.constant 0 : i32
    %add3A_401 = arith.addi %mul3A_392, %add3A_400 : i32
    %dma_start3A = tpu.memref_slice %arg2[%add3A_401] : memref<320000xi32, #tpu.memory_space<hbm>> -> memref<80xi32, #tpu.memory_space<hbm>>
    %dma_start3A_402 = tpu.memref_slice %arg2[%add3A_401] : memref<320000xi32, #tpu.memory_space<hbm>> -> memref<80xi32, #tpu.memory_space<hbm>>
    tpu.enqueue_dma source(%dma_start3A_402 : memref<80xi32, #tpu.memory_space<hbm>>) target(%arg7 : memref<80xi32, #tpu.memory_space<vmem>>) target_semaphore(%arg22 : memref<!tpu.dma_semaphore, #tpu.memory_space<semaphore_mem>>)
    %add3A_403 = arith.constant 0 : i32
    %add3A_404 = arith.addi %mul3A_392, %add3A_403 : i32
    %dma_start3A_405 = tpu.memref_slice %arg3[%add3A_404] : memref<320000xi32, #tpu.memory_space<hbm>> -> memref<80xi32, #tpu.memory_space<hbm>>
    %dma_start3A_406 = tpu.memref_slice %arg3[%add3A_404] : memref<320000xi32, #tpu.memory_space<hbm>> -> memref<80xi32, #tpu.memory_space<hbm>>
    tpu.enqueue_dma source(%dma_start3A_406 : memref<80xi32, #tpu.memory_space<hbm>>) target(%arg8 : memref<80xi32, #tpu.memory_space<vmem>>) target_semaphore(%arg22 : memref<!tpu.dma_semaphore, #tpu.memory_space<semaphore_mem>>)
    %dma_wait3A = arith.constant 0 : i32
    %dma_wait3A_407 = tpu.memref_slice %arg2[%dma_wait3A] : memref<320000xi32, #tpu.memory_space<hbm>> -> memref<80xi32, #tpu.memory_space<hbm>>
    %dma_wait3A_408 = arith.constant 0 : i32
    %dma_wait3A_409 = tpu.memref_slice %arg2[%dma_wait3A_408] : memref<320000xi32, #tpu.memory_space<hbm>> -> memref<80xi32, #tpu.memory_space<hbm>>
    tpu.wait_dma2 semaphore(%arg22 : memref<!tpu.dma_semaphore, #tpu.memory_space<semaphore_mem>>) src(%dma_wait3A_409 : memref<80xi32, #tpu.memory_space<hbm>>) dst(%arg7 : memref<80xi32, #tpu.memory_space<vmem>>)
    %dma_wait3A_410 = arith.constant 0 : i32
    %dma_wait3A_411 = tpu.memref_slice %arg3[%dma_wait3A_410] : memref<320000xi32, #tpu.memory_space<hbm>> -> memref<80xi32, #tpu.memory_space<hbm>>
    %dma_wait3A_412 = arith.constant 0 : i32
    %dma_wait3A_413 = tpu.memref_slice %arg3[%dma_wait3A_412] : memref<320000xi32, #tpu.memory_space<hbm>> -> memref<80xi32, #tpu.memory_space<hbm>>
    tpu.wait_dma2 semaphore(%arg22 : memref<!tpu.dma_semaphore, #tpu.memory_space<semaphore_mem>>) src(%dma_wait3A_413 : memref<80xi32, #tpu.memory_space<hbm>>) dst(%arg8 : memref<80xi32, #tpu.memory_space<vmem>>)
    %get3A = arith.constant 0 : index
    %get3A_414 = tpu.vector_load %arg7[%get3A] {strides = array<i32>} : memref<80xi32, #tpu.memory_space<vmem>>, vector<16xi32>,
    %get3A_415 = vector.shape_cast %get3A_414 : vector<16xi32> to vector<16xi32>
    %get3A_416 = arith.constant 0 : index
    %get3A_417 = tpu.vector_load %arg8[%get3A_416] {strides = array<i32>} : memref<80xi32, #tpu.memory_space<vmem>>, vector<16xi32>,
    %get3A_418 = vector.shape_cast %get3A_417 : vector<16xi32> to vector<16xi32>
    %sub3A_419 = arith.subi %get3A_418, %get3A_415 : vector<16xi32>
    %mul3A_420 = vector.broadcast %sub3A_390 : i32 to vector<16xi32>
    %mul3A_421 = arith.muli %sub3A_419, %mul3A_420 : vector<16xi32>
    %gt3A = arith.constant 0 : i32
    %gt3A_422 = vector.broadcast %gt3A : i32 to vector<16xi32>
    %gt3A_423 = arith.cmpi sgt, %mul3A_421, %gt3A_422 : vector<16xi32>
    %broadcast_in_dim3A_424 = vector.broadcast %add3A_395 : i32 to vector<16xi32>
    %select_n3A = arith.select %gt3A_423, %get3A_415, %broadcast_in_dim3A_424 : vector<16xi1>, vector<16xi32>
    %swap3A_425 = arith.constant 0 : index
    %swap3A_426 = tpu.vector_load %arg10[%swap3A_425] {strides = array<i32>} : memref<80xi32, #tpu.memory_space<vmem>>, vector<16xi32>,
    %swap3A_427 = vector.shape_cast %swap3A_426 : vector<16xi32> to vector<16xi32>
    %swap3A_428 = vector.shape_cast %select_n3A : vector<16xi32> to vector<16xi32>
    tpu.vector_store %arg10[%swap3A_425], %swap3A_428 {strides = array<i32>} : memref<80xi32, #tpu.memory_space<vmem>>, vector<16xi32>,
    %mul3A_429 = arith.constant 10000 : i32
    %mul3A_430 = arith.muli %arg0, %mul3A_429 : i32
    %add3A_431 = vector.broadcast %mul3A_430 : i32 to vector<16xi32>
    %add3A_432 = arith.addi %get3A_418, %add3A_431 : vector<16xi32>
    %swap3A_433 = arith.constant 0 : index
    %swap3A_434 = tpu.vector_load %arg9[%swap3A_433] {strides = array<i32>} : memref<80xi32, #tpu.memory_space<vmem>>, vector<16xi32>,
    %swap3A_435 = vector.shape_cast %swap3A_434 : vector<16xi32> to vector<16xi32>
    %swap3A_436 = vector.shape_cast %add3A_432 : vector<16xi32> to vector<16xi32>
    tpu.vector_store %arg9[%swap3A_433], %swap3A_436 {strides = array<i32>} : memref<80xi32, #tpu.memory_space<vmem>>, vector<16xi32>,
    %get3A_437 = arith.constant 16 : index
    %get3A_438 = tpu.vector_load %arg7[%get3A_437] {strides = array<i32>} : memref<80xi32, #tpu.memory_space<vmem>>, vector<16xi32>,
    %get3A_439 = vector.shape_cast %get3A_438 : vector<16xi32> to vector<16xi32>
    %get3A_440 = arith.constant 16 : index
    %get3A_441 = tpu.vector_load %arg8[%get3A_440] {strides = array<i32>} : memref<80xi32, #tpu.memory_space<vmem>>, vector<16xi32>,
    %get3A_442 = vector.shape_cast %get3A_441 : vector<16xi32> to vector<16xi32>
    %sub3A_443 = arith.subi %get3A_442, %get3A_439 : vector<16xi32>
    %mul3A_444 = vector.broadcast %sub3A_390 : i32 to vector<16xi32>
    %mul3A_445 = arith.muli %sub3A_443, %mul3A_444 : vector<16xi32>
    %gt3A_446 = arith.constant 0 : i32
    %gt3A_447 = vector.broadcast %gt3A_446 : i32 to vector<16xi32>
    %gt3A_448 = arith.cmpi sgt, %mul3A_445, %gt3A_447 : vector<16xi32>
    %broadcast_in_dim3A_449 = vector.broadcast %add3A_395 : i32 to vector<16xi32>
    %select_n3A_450 = arith.select %gt3A_448, %get3A_439, %broadcast_in_dim3A_449 : vector<16xi1>, vector<16xi32>
    %swap3A_451 = arith.constant 16 : index
    %swap3A_452 = tpu.vector_load %arg10[%swap3A_451] {strides = array<i32>} : memref<80xi32, #tpu.memory_space<vmem>>, vector<16xi32>,
    %swap3A_453 = vector.shape_cast %swap3A_452 : vector<16xi32> to vector<16xi32>
    %swap3A_454 = vector.shape_cast %select_n3A_450 : vector<16xi32> to vector<16xi32>
    tpu.vector_store %arg10[%swap3A_451], %swap3A_454 {strides = array<i32>} : memref<80xi32, #tpu.memory_space<vmem>>, vector<16xi32>,
    %mul3A_455 = arith.constant 10000 : i32
    %mul3A_456 = arith.muli %arg0, %mul3A_455 : i32
    %add3A_457 = vector.broadcast %mul3A_456 : i32 to vector<16xi32>
    %add3A_458 = arith.addi %get3A_442, %add3A_457 : vector<16xi32>
    %swap3A_459 = arith.constant 16 : index
    %swap3A_460 = tpu.vector_load %arg9[%swap3A_459] {strides = array<i32>} : memref<80xi32, #tpu.memory_space<vmem>>, vector<16xi32>,
    %swap3A_461 = vector.shape_cast %swap3A_460 : vector<16xi32> to vector<16xi32>
    %swap3A_462 = vector.shape_cast %add3A_458 : vector<16xi32> to vector<16xi32>
    tpu.vector_store %arg9[%swap3A_459], %swap3A_462 {strides = array<i32>} : memref<80xi32, #tpu.memory_space<vmem>>, vector<16xi32>,
    %get3A_463 = arith.constant 32 : index
    %get3A_464 = tpu.vector_load %arg7[%get3A_463] {strides = array<i32>} : memref<80xi32, #tpu.memory_space<vmem>>, vector<16xi32>,
    %get3A_465 = vector.shape_cast %get3A_464 : vector<16xi32> to vector<16xi32>
    %get3A_466 = arith.constant 32 : index
    %get3A_467 = tpu.vector_load %arg8[%get3A_466] {strides = array<i32>} : memref<80xi32, #tpu.memory_space<vmem>>, vector<16xi32>,
    %get3A_468 = vector.shape_cast %get3A_467 : vector<16xi32> to vector<16xi32>
    %sub3A_469 = arith.subi %get3A_468, %get3A_465 : vector<16xi32>
    %mul3A_470 = vector.broadcast %sub3A_390 : i32 to vector<16xi32>
    %mul3A_471 = arith.muli %sub3A_469, %mul3A_470 : vector<16xi32>
    %gt3A_472 = arith.constant 0 : i32
    %gt3A_473 = vector.broadcast %gt3A_472 : i32 to vector<16xi32>
    %gt3A_474 = arith.cmpi sgt, %mul3A_471, %gt3A_473 : vector<16xi32>
    %broadcast_in_dim3A_475 = vector.broadcast %add3A_395 : i32 to vector<16xi32>
    %select_n3A_476 = arith.select %gt3A_474, %get3A_465, %broadcast_in_dim3A_475 : vector<16xi1>, vector<16xi32>
    %swap3A_477 = arith.constant 32 : index
    %swap3A_478 = tpu.vector_load %arg10[%swap3A_477] {strides = array<i32>} : memref<80xi32, #tpu.memory_space<vmem>>, vector<16xi32>,
    %swap3A_479 = vector.shape_cast %swap3A_478 : vector<16xi32> to vector<16xi32>
    %swap3A_480 = vector.shape_cast %select_n3A_476 : vector<16xi32> to vector<16xi32>
    tpu.vector_store %arg10[%swap3A_477], %swap3A_480 {strides = array<i32>} : memref<80xi32, #tpu.memory_space<vmem>>, vector<16xi32>,
    %mul3A_481 = arith.constant 10000 : i32
    %mul3A_482 = arith.muli %arg0, %mul3A_481 : i32
    %add3A_483 = vector.broadcast %mul3A_482 : i32 to vector<16xi32>
    %add3A_484 = arith.addi %get3A_468, %add3A_483 : vector<16xi32>
    %swap3A_485 = arith.constant 32 : index
    %swap3A_486 = tpu.vector_load %arg9[%swap3A_485] {strides = array<i32>} : memref<80xi32, #tpu.memory_space<vmem>>, vector<16xi32>,
    %swap3A_487 = vector.shape_cast %swap3A_486 : vector<16xi32> to vector<16xi32>
    %swap3A_488 = vector.shape_cast %add3A_484 : vector<16xi32> to vector<16xi32>
    tpu.vector_store %arg9[%swap3A_485], %swap3A_488 {strides = array<i32>} : memref<80xi32, #tpu.memory_space<vmem>>, vector<16xi32>,
    %get3A_489 = arith.constant 48 : index
    %get3A_490 = tpu.vector_load %arg7[%get3A_489] {strides = array<i32>} : memref<80xi32, #tpu.memory_space<vmem>>, vector<16xi32>,
    %get3A_491 = vector.shape_cast %get3A_490 : vector<16xi32> to vector<16xi32>
    %get3A_492 = arith.constant 48 : index
    %get3A_493 = tpu.vector_load %arg8[%get3A_492] {strides = array<i32>} : memref<80xi32, #tpu.memory_space<vmem>>, vector<16xi32>,
    %get3A_494 = vector.shape_cast %get3A_493 : vector<16xi32> to vector<16xi32>
    %sub3A_495 = arith.subi %get3A_494, %get3A_491 : vector<16xi32>
    %mul3A_496 = vector.broadcast %sub3A_390 : i32 to vector<16xi32>
    %mul3A_497 = arith.muli %sub3A_495, %mul3A_496 : vector<16xi32>
    %gt3A_498 = arith.constant 0 : i32
    %gt3A_499 = vector.broadcast %gt3A_498 : i32 to vector<16xi32>
    %gt3A_500 = arith.cmpi sgt, %mul3A_497, %gt3A_499 : vector<16xi32>
    %broadcast_in_dim3A_501 = vector.broadcast %add3A_395 : i32 to vector<16xi32>
    %select_n3A_502 = arith.select %gt3A_500, %get3A_491, %broadcast_in_dim3A_501 : vector<16xi1>, vector<16xi32>
    %swap3A_503 = arith.constant 48 : index
    %swap3A_504 = tpu.vector_load %arg10[%swap3A_503] {strides = array<i32>} : memref<80xi32, #tpu.memory_space<vmem>>, vector<16xi32>,
    %swap3A_505 = vector.shape_cast %swap3A_504 : vector<16xi32> to vector<16xi32>
    %swap3A_506 = vector.shape_cast %select_n3A_502 : vector<16xi32> to vector<16xi32>
    tpu.vector_store %arg10[%swap3A_503], %swap3A_506 {strides = array<i32>} : memref<80xi32, #tpu.memory_space<vmem>>, vector<16xi32>,
    %mul3A_507 = arith.constant 10000 : i32
    %mul3A_508 = arith.muli %arg0, %mul3A_507 : i32
    %add3A_509 = vector.broadcast %mul3A_508 : i32 to vector<16xi32>
    %add3A_510 = arith.addi %get3A_494, %add3A_509 : vector<16xi32>
    %swap3A_511 = arith.constant 48 : index
    %swap3A_512 = tpu.vector_load %arg9[%swap3A_511] {strides = array<i32>} : memref<80xi32, #tpu.memory_space<vmem>>, vector<16xi32>,
    %swap3A_513 = vector.shape_cast %swap3A_512 : vector<16xi32> to vector<16xi32>
    %swap3A_514 = vector.shape_cast %add3A_510 : vector<16xi32> to vector<16xi32>
    tpu.vector_store %arg9[%swap3A_511], %swap3A_514 {strides = array<i32>} : memref<80xi32, #tpu.memory_space<vmem>>, vector<16xi32>,
    %get3A_515 = arith.constant 64 : index
    %get3A_516 = tpu.vector_load %arg7[%get3A_515] {strides = array<i32>} : memref<80xi32, #tpu.memory_space<vmem>>, vector<16xi32>,
    %get3A_517 = vector.shape_cast %get3A_516 : vector<16xi32> to vector<16xi32>
    %get3A_518 = arith.constant 64 : index
    %get3A_519 = tpu.vector_load %arg8[%get3A_518] {strides = array<i32>} : memref<80xi32, #tpu.memory_space<vmem>>, vector<16xi32>,
    %get3A_520 = vector.shape_cast %get3A_519 : vector<16xi32> to vector<16xi32>
    %sub3A_521 = arith.subi %get3A_520, %get3A_517 : vector<16xi32>
    %mul3A_522 = vector.broadcast %sub3A_390 : i32 to vector<16xi32>
    %mul3A_523 = arith.muli %sub3A_521, %mul3A_522 : vector<16xi32>
    %gt3A_524 = arith.constant 0 : i32
    %gt3A_525 = vector.broadcast %gt3A_524 : i32 to vector<16xi32>
    %gt3A_526 = arith.cmpi sgt, %mul3A_523, %gt3A_525 : vector<16xi32>
    %broadcast_in_dim3A_527 = vector.broadcast %add3A_395 : i32 to vector<16xi32>
    %select_n3A_528 = arith.select %gt3A_526, %get3A_517, %broadcast_in_dim3A_527 : vector<16xi1>, vector<16xi32>
    %swap3A_529 = arith.constant 64 : index
    %swap3A_530 = tpu.vector_load %arg10[%swap3A_529] {strides = array<i32>} : memref<80xi32, #tpu.memory_space<vmem>>, vector<16xi32>,
    %swap3A_531 = vector.shape_cast %swap3A_530 : vector<16xi32> to vector<16xi32>
    %swap3A_532 = vector.shape_cast %select_n3A_528 : vector<16xi32> to vector<16xi32>
    tpu.vector_store %arg10[%swap3A_529], %swap3A_532 {strides = array<i32>} : memref<80xi32, #tpu.memory_space<vmem>>, vector<16xi32>,
    %mul3A_533 = arith.constant 10000 : i32
    %mul3A_534 = arith.muli %arg0, %mul3A_533 : i32
    %add3A_535 = vector.broadcast %mul3A_534 : i32 to vector<16xi32>
    %add3A_536 = arith.addi %get3A_520, %add3A_535 : vector<16xi32>
    %swap3A_537 = arith.constant 64 : index
    %swap3A_538 = tpu.vector_load %arg9[%swap3A_537] {strides = array<i32>} : memref<80xi32, #tpu.memory_space<vmem>>, vector<16xi32>,
    %swap3A_539 = vector.shape_cast %swap3A_538 : vector<16xi32> to vector<16xi32>
    %swap3A_540 = vector.shape_cast %add3A_536 : vector<16xi32> to vector<16xi32>
    tpu.vector_store %arg9[%swap3A_537], %swap3A_540 {strides = array<i32>} : memref<80xi32, #tpu.memory_space<vmem>>, vector<16xi32>,
    %dma_start3A_541 = arith.constant 0 : i32
    %dma_start3A_542 = arith.constant 0 : i32
    %dma_start3A_543 = tpu.memref_slice %arg4[%dma_start3A_541, %dma_start3A_542] : memref<20000x128xf32, #tpu.memory_space<hbm>> -> memref<20000x128xf32, #tpu.memory_space<hbm>>
    tpu.enqueue_indirect_dma source(%dma_start3A_543 : memref<20000x128xf32, #tpu.memory_space<hbm>>) target(%arg16 : memref<80x128xf32, #tpu.memory_space<vmem>>) offsets(%arg9 : memref<80xi32, #tpu.memory_space<vmem>>) semaphore(%arg24 : memref<!tpu.dma_semaphore, #tpu.memory_space<semaphore_mem>>)
    %add3A_544 = arith.constant 0 : i32
    %add3A_545 = arith.addi %mul3A_392, %add3A_544 : i32
    %jit3A = arith.constant 8000 : i32
    %div3A = arith.divsi %add3A_545, %jit3A : i32
    %sign3A = arith.constant 0 : i32
    %sign3A_546 = arith.cmpi sgt, %add3A_545, %sign3A : i32
    %sign3A_547 = arith.extui %sign3A_546 : i1 to i32
    %sign3A_548 = arith.constant 0 : i32
    %sign3A_549 = arith.cmpi slt, %add3A_545, %sign3A_548 : i32
    %sign3A_550 = arith.extui %sign3A_549 : i1 to i32
    %sign3A_551 = arith.subi %sign3A_547, %sign3A_550 : i32
    %sign3A_552 = arith.constant 0 : i32
    %sign3A_553 = arith.cmpi sgt, %jit3A, %sign3A_552 : i32
    %sign3A_554 = arith.extui %sign3A_553 : i1 to i32
    %sign3A_555 = arith.constant 0 : i32
    %sign3A_556 = arith.cmpi slt, %jit3A, %sign3A_555 : i32
    %sign3A_557 = arith.extui %sign3A_556 : i1 to i32
    %sign3A_558 = arith.subi %sign3A_554, %sign3A_557 : i32
    %ne3A = arith.cmpi ne, %sign3A_551, %sign3A_558 : i32
    %rem3A = arith.remsi %add3A_545, %jit3A : i32
    %ne3A_559 = arith.constant 0 : i32
    %ne3A_560 = arith.cmpi ne, %rem3A, %ne3A_559 : i32
    %and3A = arith.andi %ne3A, %ne3A_560 : i1
    %sub3A_561 = arith.constant 1 : i32
    %sub3A_562 = arith.subi %div3A, %sub3A_561 : i32
    %select_n3A_563 = arith.select %and3A, %sub3A_562, %div3A : i32
    %mul3A_564 = arith.constant 8000 : i32
    %mul3A_565 = arith.muli %select_n3A_563, %mul3A_564 : i32
    %sub3A_566 = arith.subi %add3A_545, %mul3A_565 : i32
    %jit3A_567 = arith.constant 4000 : i32
    %div3A_568 = arith.divsi %sub3A_566, %jit3A_567 : i32
    %sign3A_569 = arith.constant 0 : i32
    %sign3A_570 = arith.cmpi sgt, %sub3A_566, %sign3A_569 : i32
    %sign3A_571 = arith.extui %sign3A_570 : i1 to i32
    %sign3A_572 = arith.constant 0 : i32
    %sign3A_573 = arith.cmpi slt, %sub3A_566, %sign3A_572 : i32
    %sign3A_574 = arith.extui %sign3A_573 : i1 to i32
    %sign3A_575 = arith.subi %sign3A_571, %sign3A_574 : i32
    %sign3A_576 = arith.constant 0 : i32
    %sign3A_577 = arith.cmpi sgt, %jit3A_567, %sign3A_576 : i32
    %sign3A_578 = arith.extui %sign3A_577 : i1 to i32
    %sign3A_579 = arith.constant 0 : i32
    %sign3A_580 = arith.cmpi slt, %jit3A_567, %sign3A_579 : i32
    %sign3A_581 = arith.extui %sign3A_580 : i1 to i32
    %sign3A_582 = arith.subi %sign3A_578, %sign3A_581 : i32
    %ne3A_583 = arith.cmpi ne, %sign3A_575, %sign3A_582 : i32
    %rem3A_584 = arith.remsi %sub3A_566, %jit3A_567 : i32
    %ne3A_585 = arith.constant 0 : i32
    %ne3A_586 = arith.cmpi ne, %rem3A_584, %ne3A_585 : i32
    %and3A_587 = arith.andi %ne3A_583, %ne3A_586 : i1
    %sub3A_588 = arith.constant 1 : i32
    %sub3A_589 = arith.subi %div3A_568, %sub3A_588 : i32
    %select_n3A_590 = arith.select %and3A_587, %sub3A_589, %div3A_568 : i32
    %mul3A_591 = arith.constant 4000 : i32
    %mul3A_592 = arith.muli %select_n3A_590, %mul3A_591 : i32
    %sub3A_593 = arith.subi %sub3A_566, %mul3A_592 : i32
    %jit3A_594 = arith.constant 2 : i32
    %div3A_595 = arith.divsi %mul3A_394, %jit3A_594 : i32
    %sign3A_596 = arith.constant 0 : i32
    %sign3A_597 = arith.cmpi sgt, %mul3A_394, %sign3A_596 : i32
    %sign3A_598 = arith.extui %sign3A_597 : i1 to i32
    %sign3A_599 = arith.constant 0 : i32
    %sign3A_600 = arith.cmpi slt, %mul3A_394, %sign3A_599 : i32
    %sign3A_601 = arith.extui %sign3A_600 : i1 to i32
    %sign3A_602 = arith.subi %sign3A_598, %sign3A_601 : i32
    %sign3A_603 = arith.constant 0 : i32
    %sign3A_604 = arith.cmpi sgt, %jit3A_594, %sign3A_603 : i32
    %sign3A_605 = arith.extui %sign3A_604 : i1 to i32
    %sign3A_606 = arith.constant 0 : i32
    %sign3A_607 = arith.cmpi slt, %jit3A_594, %sign3A_606 : i32
    %sign3A_608 = arith.extui %sign3A_607 : i1 to i32
    %sign3A_609 = arith.subi %sign3A_605, %sign3A_608 : i32
    %ne3A_610 = arith.cmpi ne, %sign3A_602, %sign3A_609 : i32
    %rem3A_611 = arith.remsi %mul3A_394, %jit3A_594 : i32
    %ne3A_612 = arith.constant 0 : i32
    %ne3A_613 = arith.cmpi ne, %rem3A_611, %ne3A_612 : i32
    %and3A_614 = arith.andi %ne3A_610, %ne3A_613 : i1
    %sub3A_615 = arith.constant 1 : i32
    %sub3A_616 = arith.subi %div3A_595, %sub3A_615 : i32
    %select_n3A_617 = arith.select %and3A_614, %sub3A_616, %div3A_595 : i32
    %mul3A_618 = arith.constant 4000 : i32
    %mul3A_619 = arith.muli %select_n3A_563, %mul3A_618 : i32
    %add3A_620 = arith.addi %select_n3A_617, %mul3A_619 : i32
    %add3A_621 = arith.addi %add3A_620, %sub3A_593 : i32
    %multiple_of3A = tpu.assume_multiple %add3A_621, 80 : i32
    %dma_start3A_622 = arith.constant 0 : i32
    %dma_start3A_623 = tpu.memref_slice %arg5[%multiple_of3A, %dma_start3A_622] : memref<320000x128xi32, #tpu.memory_space<hbm>> -> memref<80x128xi32, #tpu.memory_space<hbm>>
    %dma_start3A_624 = arith.constant 0 : i32
    %dma_start3A_625 = tpu.memref_slice %arg5[%multiple_of3A, %dma_start3A_624] : memref<320000x128xi32, #tpu.memory_space<hbm>> -> memref<80x128xi32, #tpu.memory_space<hbm>>
    tpu.enqueue_dma source(%dma_start3A_625 : memref<80x128xi32, #tpu.memory_space<hbm>>) target(%arg17 : memref<80x128xi32, #tpu.memory_space<vmem>>) target_semaphore(%arg24 : memref<!tpu.dma_semaphore, #tpu.memory_space<semaphore_mem>>)
    %add3A_626 = arith.constant 80 : i32
    %add3A_627 = arith.addi %mul3A_392, %add3A_626 : i32
    %dma_start3A_628 = tpu.memref_slice %arg2[%add3A_627] : memref<320000xi32, #tpu.memory_space<hbm>> -> memref<80xi32, #tpu.memory_space<hbm>>
    %dma_start3A_629 = tpu.memref_slice %arg2[%add3A_627] : memref<320000xi32, #tpu.memory_space<hbm>> -> memref<80xi32, #tpu.memory_space<hbm>>
    tpu.enqueue_dma source(%dma_start3A_629 : memref<80xi32, #tpu.memory_space<hbm>>) target(%arg11 : memref<80xi32, #tpu.memory_space<vmem>>) target_semaphore(%arg23 : memref<!tpu.dma_semaphore, #tpu.memory_space<semaphore_mem>>)
    %add3A_630 = arith.constant 80 : i32
    %add3A_631 = arith.addi %mul3A_392, %add3A_630 : i32
    %dma_start3A_632 = tpu.memref_slice %arg3[%add3A_631] : memref<320000xi32, #tpu.memory_space<hbm>> -> memref<80xi32, #tpu.memory_space<hbm>>
    %dma_start3A_633 = tpu.memref_slice %arg3[%add3A_631] : memref<320000xi32, #tpu.memory_space<hbm>> -> memref<80xi32, #tpu.memory_space<hbm>>
    tpu.enqueue_dma source(%dma_start3A_633 : memref<80xi32, #tpu.memory_space<hbm>>) target(%arg12 : memref<80xi32, #tpu.memory_space<vmem>>) target_semaphore(%arg23 : memref<!tpu.dma_semaphore, #tpu.memory_space<semaphore_mem>>)
    %scan3A_634 = arith.constant 0 : i32
    %scan3A_635 = arith.constant 0 : i32
    %scan3A_636 = arith.constant 125 : i32
    %scan3A_637 = arith.addi %scan3A_635, %scan3A_636 : i32
    %scan3A_638 = arith.constant 1 : i32
    scf.for %scan3A_650 = %scan3A_635 to %scan3A_637 step %scan3A_638  : i32 {
      %mul3A_651 = arith.constant 2 : i32
      %mul3A_652 = arith.muli %mul3A_651, %scan3A_650 : i32
      %dma_wait3A_653 = arith.constant 0 : i32
      %dma_wait3A_654 = tpu.memref_slice %arg2[%dma_wait3A_653] : memref<320000xi32, #tpu.memory_space<hbm>> -> memref<80xi32, #tpu.memory_space<hbm>>
      %dma_wait3A_655 = arith.constant 0 : i32
      %dma_wait3A_656 = tpu.memref_slice %arg2[%dma_wait3A_655] : memref<320000xi32, #tpu.memory_space<hbm>> -> memref<80xi32, #tpu.memory_space<hbm>>
      tpu.wait_dma2 semaphore(%arg23 : memref<!tpu.dma_semaphore, #tpu.memory_space<semaphore_mem>>) src(%dma_wait3A_656 : memref<80xi32, #tpu.memory_space<hbm>>) dst(%arg11 : memref<80xi32, #tpu.memory_space<vmem>>)
      %dma_wait3A_657 = arith.constant 0 : i32
      %dma_wait3A_658 = tpu.memref_slice %arg3[%dma_wait3A_657] : memref<320000xi32, #tpu.memory_space<hbm>> -> memref<80xi32, #tpu.memory_space<hbm>>
      %dma_wait3A_659 = arith.constant 0 : i32
      %dma_wait3A_660 = tpu.memref_slice %arg3[%dma_wait3A_659] : memref<320000xi32, #tpu.memory_space<hbm>> -> memref<80xi32, #tpu.memory_space<hbm>>
      tpu.wait_dma2 semaphore(%arg23 : memref<!tpu.dma_semaphore, #tpu.memory_space<semaphore_mem>>) src(%dma_wait3A_660 : memref<80xi32, #tpu.memory_space<hbm>>) dst(%arg12 : memref<80xi32, #tpu.memory_space<vmem>>)
      %ge3A = arith.constant 1 : i32
      %ge3A_661 = arith.cmpi sge, %scan3A_650, %ge3A : i32
      %convert_element_type3A_662 = arith.extui %ge3A_661 : i1 to i32
      %cond3A_663 = arith.constant 0 : i32
      %cond3A_664 = arith.cmpi ne, %convert_element_type3A_662, %cond3A_663 : i32
      scf.if %cond3A_664 {
        %dma_wait3A_1187 = arith.constant 0 : i32
        %dma_wait3A_1188 = arith.constant 0 : i32
        %dma_wait3A_1189 = tpu.memref_slice %arg21[%dma_wait3A_1187, %dma_wait3A_1188] : memref<10240x128xf32, #tpu.memory_space<vmem_shared>> -> memref<10240x128xf32, #tpu.memory_space<vmem_shared>>
        tpu.wait_indirect_dma semaphore(%arg26 : memref<!tpu.dma_semaphore, #tpu.memory_space<semaphore_mem>>) src(%arg16 : memref<80x128xf32, #tpu.memory_space<vmem>>) dst(%dma_wait3A_1189 : memref<10240x128xf32, #tpu.memory_space<vmem_shared>>)
      } else {
      }
      %get3A_665 = arith.constant 0 : index
      %get3A_666 = tpu.vector_load %arg11[%get3A_665] {strides = array<i32>} : memref<80xi32, #tpu.memory_space<vmem>>, vector<16xi32>,
      %get3A_667 = vector.shape_cast %get3A_666 : vector<16xi32> to vector<16xi32>
      %get3A_668 = arith.constant 0 : index
      %get3A_669 = tpu.vector_load %arg12[%get3A_668] {strides = array<i32>} : memref<80xi32, #tpu.memory_space<vmem>>, vector<16xi32>,
      %get3A_670 = vector.shape_cast %get3A_669 : vector<16xi32> to vector<16xi32>
      %sub3A_671 = arith.subi %get3A_670, %get3A_667 : vector<16xi32>
      %mul3A_672 = vector.broadcast %sub3A_390 : i32 to vector<16xi32>
      %mul3A_673 = arith.muli %sub3A_671, %mul3A_672 : vector<16xi32>
      %gt3A_674 = arith.constant 0 : i32
      %gt3A_675 = vector.broadcast %gt3A_674 : i32 to vector<16xi32>
      %gt3A_676 = arith.cmpi sgt, %mul3A_673, %gt3A_675 : vector<16xi32>
      %broadcast_in_dim3A_677 = vector.broadcast %add3A_395 : i32 to vector<16xi32>
      %select_n3A_678 = arith.select %gt3A_676, %get3A_667, %broadcast_in_dim3A_677 : vector<16xi1>, vector<16xi32>
      %swap3A_679 = arith.constant 0 : index
      %swap3A_680 = tpu.vector_load %arg14[%swap3A_679] {strides = array<i32>} : memref<80xi32, #tpu.memory_space<vmem>>, vector<16xi32>,
      %swap3A_681 = vector.shape_cast %swap3A_680 : vector<16xi32> to vector<16xi32>
      %swap3A_682 = vector.shape_cast %select_n3A_678 : vector<16xi32> to vector<16xi32>
      tpu.vector_store %arg14[%swap3A_679], %swap3A_682 {strides = array<i32>} : memref<80xi32, #tpu.memory_space<vmem>>, vector<16xi32>,
      %mul3A_683 = arith.constant 10000 : i32
      %mul3A_684 = arith.muli %arg0, %mul3A_683 : i32
      %add3A_685 = vector.broadcast %mul3A_684 : i32 to vector<16xi32>
      %add3A_686 = arith.addi %get3A_670, %add3A_685 : vector<16xi32>
      %swap3A_687 = arith.constant 0 : index
      %swap3A_688 = tpu.vector_load %arg13[%swap3A_687] {strides = array<i32>} : memref<80xi32, #tpu.memory_space<vmem>>, vector<16xi32>,
      %swap3A_689 = vector.shape_cast %swap3A_688 : vector<16xi32> to vector<16xi32>
      %swap3A_690 = vector.shape_cast %add3A_686 : vector<16xi32> to vector<16xi32>
      tpu.vector_store %arg13[%swap3A_687], %swap3A_690 {strides = array<i32>} : memref<80xi32, #tpu.memory_space<vmem>>, vector<16xi32>,
      %get3A_691 = arith.constant 16 : index
      %get3A_692 = tpu.vector_load %arg11[%get3A_691] {strides = array<i32>} : memref<80xi32, #tpu.memory_space<vmem>>, vector<16xi32>,
      %get3A_693 = vector.shape_cast %get3A_692 : vector<16xi32> to vector<16xi32>
      %get3A_694 = arith.constant 16 : index
      %get3A_695 = tpu.vector_load %arg12[%get3A_694] {strides = array<i32>} : memref<80xi32, #tpu.memory_space<vmem>>, vector<16xi32>,
      %get3A_696 = vector.shape_cast %get3A_695 : vector<16xi32> to vector<16xi32>
      %sub3A_697 = arith.subi %get3A_696, %get3A_693 : vector<16xi32>
      %mul3A_698 = vector.broadcast %sub3A_390 : i32 to vector<16xi32>
      %mul3A_699 = arith.muli %sub3A_697, %mul3A_698 : vector<16xi32>
      %gt3A_700 = arith.constant 0 : i32
      %gt3A_701 = vector.broadcast %gt3A_700 : i32 to vector<16xi32>
      %gt3A_702 = arith.cmpi sgt, %mul3A_699, %gt3A_701 : vector<16xi32>
      %broadcast_in_dim3A_703 = vector.broadcast %add3A_395 : i32 to vector<16xi32>
      %select_n3A_704 = arith.select %gt3A_702, %get3A_693, %broadcast_in_dim3A_703 : vector<16xi1>, vector<16xi32>
      %swap3A_705 = arith.constant 16 : index
      %swap3A_706 = tpu.vector_load %arg14[%swap3A_705] {strides = array<i32>} : memref<80xi32, #tpu.memory_space<vmem>>, vector<16xi32>,
      %swap3A_707 = vector.shape_cast %swap3A_706 : vector<16xi32> to vector<16xi32>
      %swap3A_708 = vector.shape_cast %select_n3A_704 : vector<16xi32> to vector<16xi32>
      tpu.vector_store %arg14[%swap3A_705], %swap3A_708 {strides = array<i32>} : memref<80xi32, #tpu.memory_space<vmem>>, vector<16xi32>,
      %mul3A_709 = arith.constant 10000 : i32
      %mul3A_710 = arith.muli %arg0, %mul3A_709 : i32
      %add3A_711 = vector.broadcast %mul3A_710 : i32 to vector<16xi32>
      %add3A_712 = arith.addi %get3A_696, %add3A_711 : vector<16xi32>
      %swap3A_713 = arith.constant 16 : index
      %swap3A_714 = tpu.vector_load %arg13[%swap3A_713] {strides = array<i32>} : memref<80xi32, #tpu.memory_space<vmem>>, vector<16xi32>,
      %swap3A_715 = vector.shape_cast %swap3A_714 : vector<16xi32> to vector<16xi32>
      %swap3A_716 = vector.shape_cast %add3A_712 : vector<16xi32> to vector<16xi32>
      tpu.vector_store %arg13[%swap3A_713], %swap3A_716 {strides = array<i32>} : memref<80xi32, #tpu.memory_space<vmem>>, vector<16xi32>,
      %get3A_717 = arith.constant 32 : index
      %get3A_718 = tpu.vector_load %arg11[%get3A_717] {strides = array<i32>} : memref<80xi32, #tpu.memory_space<vmem>>, vector<16xi32>,
      %get3A_719 = vector.shape_cast %get3A_718 : vector<16xi32> to vector<16xi32>
      %get3A_720 = arith.constant 32 : index
      %get3A_721 = tpu.vector_load %arg12[%get3A_720] {strides = array<i32>} : memref<80xi32, #tpu.memory_space<vmem>>, vector<16xi32>,
      %get3A_722 = vector.shape_cast %get3A_721 : vector<16xi32> to vector<16xi32>
      %sub3A_723 = arith.subi %get3A_722, %get3A_719 : vector<16xi32>
      %mul3A_724 = vector.broadcast %sub3A_390 : i32 to vector<16xi32>
      %mul3A_725 = arith.muli %sub3A_723, %mul3A_724 : vector<16xi32>
      %gt3A_726 = arith.constant 0 : i32
      %gt3A_727 = vector.broadcast %gt3A_726 : i32 to vector<16xi32>
      %gt3A_728 = arith.cmpi sgt, %mul3A_725, %gt3A_727 : vector<16xi32>
      %broadcast_in_dim3A_729 = vector.broadcast %add3A_395 : i32 to vector<16xi32>
      %select_n3A_730 = arith.select %gt3A_728, %get3A_719, %broadcast_in_dim3A_729 : vector<16xi1>, vector<16xi32>
      %swap3A_731 = arith.constant 32 : index
      %swap3A_732 = tpu.vector_load %arg14[%swap3A_731] {strides = array<i32>} : memref<80xi32, #tpu.memory_space<vmem>>, vector<16xi32>,
      %swap3A_733 = vector.shape_cast %swap3A_732 : vector<16xi32> to vector<16xi32>
      %swap3A_734 = vector.shape_cast %select_n3A_730 : vector<16xi32> to vector<16xi32>
      tpu.vector_store %arg14[%swap3A_731], %swap3A_734 {strides = array<i32>} : memref<80xi32, #tpu.memory_space<vmem>>, vector<16xi32>,
      %mul3A_735 = arith.constant 10000 : i32
      %mul3A_736 = arith.muli %arg0, %mul3A_735 : i32
      %add3A_737 = vector.broadcast %mul3A_736 : i32 to vector<16xi32>
      %add3A_738 = arith.addi %get3A_722, %add3A_737 : vector<16xi32>
      %swap3A_739 = arith.constant 32 : index
      %swap3A_740 = tpu.vector_load %arg13[%swap3A_739] {strides = array<i32>} : memref<80xi32, #tpu.memory_space<vmem>>, vector<16xi32>,
      %swap3A_741 = vector.shape_cast %swap3A_740 : vector<16xi32> to vector<16xi32>
      %swap3A_742 = vector.shape_cast %add3A_738 : vector<16xi32> to vector<16xi32>
      tpu.vector_store %arg13[%swap3A_739], %swap3A_742 {strides = array<i32>} : memref<80xi32, #tpu.memory_space<vmem>>, vector<16xi32>,
      %get3A_743 = arith.constant 48 : index
      %get3A_744 = tpu.vector_load %arg11[%get3A_743] {strides = array<i32>} : memref<80xi32, #tpu.memory_space<vmem>>, vector<16xi32>,
      %get3A_745 = vector.shape_cast %get3A_744 : vector<16xi32> to vector<16xi32>
      %get3A_746 = arith.constant 48 : index
      %get3A_747 = tpu.vector_load %arg12[%get3A_746] {strides = array<i32>} : memref<80xi32, #tpu.memory_space<vmem>>, vector<16xi32>,
      %get3A_748 = vector.shape_cast %get3A_747 : vector<16xi32> to vector<16xi32>
      %sub3A_749 = arith.subi %get3A_748, %get3A_745 : vector<16xi32>
      %mul3A_750 = vector.broadcast %sub3A_390 : i32 to vector<16xi32>
      %mul3A_751 = arith.muli %sub3A_749, %mul3A_750 : vector<16xi32>
      %gt3A_752 = arith.constant 0 : i32
      %gt3A_753 = vector.broadcast %gt3A_752 : i32 to vector<16xi32>
      %gt3A_754 = arith.cmpi sgt, %mul3A_751, %gt3A_753 : vector<16xi32>
      %broadcast_in_dim3A_755 = vector.broadcast %add3A_395 : i32 to vector<16xi32>
      %select_n3A_756 = arith.select %gt3A_754, %get3A_745, %broadcast_in_dim3A_755 : vector<16xi1>, vector<16xi32>
      %swap3A_757 = arith.constant 48 : index
      %swap3A_758 = tpu.vector_load %arg14[%swap3A_757] {strides = array<i32>} : memref<80xi32, #tpu.memory_space<vmem>>, vector<16xi32>,
      %swap3A_759 = vector.shape_cast %swap3A_758 : vector<16xi32> to vector<16xi32>
      %swap3A_760 = vector.shape_cast %select_n3A_756 : vector<16xi32> to vector<16xi32>
      tpu.vector_store %arg14[%swap3A_757], %swap3A_760 {strides = array<i32>} : memref<80xi32, #tpu.memory_space<vmem>>, vector<16xi32>,
      %mul3A_761 = arith.constant 10000 : i32
      %mul3A_762 = arith.muli %arg0, %mul3A_761 : i32
      %add3A_763 = vector.broadcast %mul3A_762 : i32 to vector<16xi32>
      %add3A_764 = arith.addi %get3A_748, %add3A_763 : vector<16xi32>
      %swap3A_765 = arith.constant 48 : index
      %swap3A_766 = tpu.vector_load %arg13[%swap3A_765] {strides = array<i32>} : memref<80xi32, #tpu.memory_space<vmem>>, vector<16xi32>,
      %swap3A_767 = vector.shape_cast %swap3A_766 : vector<16xi32> to vector<16xi32>
      %swap3A_768 = vector.shape_cast %add3A_764 : vector<16xi32> to vector<16xi32>
      tpu.vector_store %arg13[%swap3A_765], %swap3A_768 {strides = array<i32>} : memref<80xi32, #tpu.memory_space<vmem>>, vector<16xi32>,
      %get3A_769 = arith.constant 64 : index
      %get3A_770 = tpu.vector_load %arg11[%get3A_769] {strides = array<i32>} : memref<80xi32, #tpu.memory_space<vmem>>, vector<16xi32>,
      %get3A_771 = vector.shape_cast %get3A_770 : vector<16xi32> to vector<16xi32>
      %get3A_772 = arith.constant 64 : index
      %get3A_773 = tpu.vector_load %arg12[%get3A_772] {strides = array<i32>} : memref<80xi32, #tpu.memory_space<vmem>>, vector<16xi32>,
      %get3A_774 = vector.shape_cast %get3A_773 : vector<16xi32> to vector<16xi32>
      %sub3A_775 = arith.subi %get3A_774, %get3A_771 : vector<16xi32>
      %mul3A_776 = vector.broadcast %sub3A_390 : i32 to vector<16xi32>
      %mul3A_777 = arith.muli %sub3A_775, %mul3A_776 : vector<16xi32>
      %gt3A_778 = arith.constant 0 : i32
      %gt3A_779 = vector.broadcast %gt3A_778 : i32 to vector<16xi32>
      %gt3A_780 = arith.cmpi sgt, %mul3A_777, %gt3A_779 : vector<16xi32>
      %broadcast_in_dim3A_781 = vector.broadcast %add3A_395 : i32 to vector<16xi32>
      %select_n3A_782 = arith.select %gt3A_780, %get3A_771, %broadcast_in_dim3A_781 : vector<16xi1>, vector<16xi32>
      %swap3A_783 = arith.constant 64 : index
      %swap3A_784 = tpu.vector_load %arg14[%swap3A_783] {strides = array<i32>} : memref<80xi32, #tpu.memory_space<vmem>>, vector<16xi32>,
      %swap3A_785 = vector.shape_cast %swap3A_784 : vector<16xi32> to vector<16xi32>
      %swap3A_786 = vector.shape_cast %select_n3A_782 : vector<16xi32> to vector<16xi32>
      tpu.vector_store %arg14[%swap3A_783], %swap3A_786 {strides = array<i32>} : memref<80xi32, #tpu.memory_space<vmem>>, vector<16xi32>,
      %mul3A_787 = arith.constant 10000 : i32
      %mul3A_788 = arith.muli %arg0, %mul3A_787 : i32
      %add3A_789 = vector.broadcast %mul3A_788 : i32 to vector<16xi32>
      %add3A_790 = arith.addi %get3A_774, %add3A_789 : vector<16xi32>
      %swap3A_791 = arith.constant 64 : index
      %swap3A_792 = tpu.vector_load %arg13[%swap3A_791] {strides = array<i32>} : memref<80xi32, #tpu.memory_space<vmem>>, vector<16xi32>,
      %swap3A_793 = vector.shape_cast %swap3A_792 : vector<16xi32> to vector<16xi32>
      %swap3A_794 = vector.shape_cast %add3A_790 : vector<16xi32> to vector<16xi32>
      tpu.vector_store %arg13[%swap3A_791], %swap3A_794 {strides = array<i32>} : memref<80xi32, #tpu.memory_space<vmem>>, vector<16xi32>,
      %add3A_795 = arith.constant 1 : i32
      %add3A_796 = arith.addi %mul3A_652, %add3A_795 : i32
      %dma_start3A_797 = arith.constant 0 : i32
      %dma_start3A_798 = arith.constant 0 : i32
      %dma_start3A_799 = tpu.memref_slice %arg4[%dma_start3A_797, %dma_start3A_798] : memref<20000x128xf32, #tpu.memory_space<hbm>> -> memref<20000x128xf32, #tpu.memory_space<hbm>>
      tpu.enqueue_indirect_dma source(%dma_start3A_799 : memref<20000x128xf32, #tpu.memory_space<hbm>>) target(%arg18 : memref<80x128xf32, #tpu.memory_space<vmem>>) offsets(%arg13 : memref<80xi32, #tpu.memory_space<vmem>>) semaphore(%arg25 : memref<!tpu.dma_semaphore, #tpu.memory_space<semaphore_mem>>)
      %mul3A_800 = arith.constant 80 : i32
      %mul3A_801 = arith.muli %add3A_796, %mul3A_800 : i32
      %add3A_802 = arith.addi %mul3A_392, %mul3A_801 : i32
      %jit3A_803 = arith.constant 8000 : i32
      %div3A_804 = arith.divsi %add3A_802, %jit3A_803 : i32
      %sign3A_805 = arith.constant 0 : i32
      %sign3A_806 = arith.cmpi sgt, %add3A_802, %sign3A_805 : i32
      %sign3A_807 = arith.extui %sign3A_806 : i1 to i32
      %sign3A_808 = arith.constant 0 : i32
      %sign3A_809 = arith.cmpi slt, %add3A_802, %sign3A_808 : i32
      %sign3A_810 = arith.extui %sign3A_809 : i1 to i32
      %sign3A_811 = arith.subi %sign3A_807, %sign3A_810 : i32
      %sign3A_812 = arith.constant 0 : i32
      %sign3A_813 = arith.cmpi sgt, %jit3A_803, %sign3A_812 : i32
      %sign3A_814 = arith.extui %sign3A_813 : i1 to i32
      %sign3A_815 = arith.constant 0 : i32
      %sign3A_816 = arith.cmpi slt, %jit3A_803, %sign3A_815 : i32
      %sign3A_817 = arith.extui %sign3A_816 : i1 to i32
      %sign3A_818 = arith.subi %sign3A_814, %sign3A_817 : i32
      %ne3A_819 = arith.cmpi ne, %sign3A_811, %sign3A_818 : i32
      %rem3A_820 = arith.remsi %add3A_802, %jit3A_803 : i32
      %ne3A_821 = arith.constant 0 : i32
      %ne3A_822 = arith.cmpi ne, %rem3A_820, %ne3A_821 : i32
      %and3A_823 = arith.andi %ne3A_819, %ne3A_822 : i1
      %sub3A_824 = arith.constant 1 : i32
      %sub3A_825 = arith.subi %div3A_804, %sub3A_824 : i32
      %select_n3A_826 = arith.select %and3A_823, %sub3A_825, %div3A_804 : i32
      %mul3A_827 = arith.constant 8000 : i32
      %mul3A_828 = arith.muli %select_n3A_826, %mul3A_827 : i32
      %sub3A_829 = arith.subi %add3A_802, %mul3A_828 : i32
      %jit3A_830 = arith.constant 4000 : i32
      %div3A_831 = arith.divsi %sub3A_829, %jit3A_830 : i32
      %sign3A_832 = arith.constant 0 : i32
      %sign3A_833 = arith.cmpi sgt, %sub3A_829, %sign3A_832 : i32
      %sign3A_834 = arith.extui %sign3A_833 : i1 to i32
      %sign3A_835 = arith.constant 0 : i32
      %sign3A_836 = arith.cmpi slt, %sub3A_829, %sign3A_835 : i32
      %sign3A_837 = arith.extui %sign3A_836 : i1 to i32
      %sign3A_838 = arith.subi %sign3A_834, %sign3A_837 : i32
      %sign3A_839 = arith.constant 0 : i32
      %sign3A_840 = arith.cmpi sgt, %jit3A_830, %sign3A_839 : i32
      %sign3A_841 = arith.extui %sign3A_840 : i1 to i32
      %sign3A_842 = arith.constant 0 : i32
      %sign3A_843 = arith.cmpi slt, %jit3A_830, %sign3A_842 : i32
      %sign3A_844 = arith.extui %sign3A_843 : i1 to i32
      %sign3A_845 = arith.subi %sign3A_841, %sign3A_844 : i32
      %ne3A_846 = arith.cmpi ne, %sign3A_838, %sign3A_845 : i32
      %rem3A_847 = arith.remsi %sub3A_829, %jit3A_830 : i32
      %ne3A_848 = arith.constant 0 : i32
      %ne3A_849 = arith.cmpi ne, %rem3A_847, %ne3A_848 : i32
      %and3A_850 = arith.andi %ne3A_846, %ne3A_849 : i1
      %sub3A_851 = arith.constant 1 : i32
      %sub3A_852 = arith.subi %div3A_831, %sub3A_851 : i32
      %select_n3A_853 = arith.select %and3A_850, %sub3A_852, %div3A_831 : i32
      %mul3A_854 = arith.constant 4000 : i32
      %mul3A_855 = arith.muli %select_n3A_853, %mul3A_854 : i32
      %sub3A_856 = arith.subi %sub3A_829, %mul3A_855 : i32
      %jit3A_857 = arith.constant 2 : i32
      %div3A_858 = arith.divsi %mul3A_394, %jit3A_857 : i32
      %sign3A_859 = arith.constant 0 : i32
      %sign3A_860 = arith.cmpi sgt, %mul3A_394, %sign3A_859 : i32
      %sign3A_861 = arith.extui %sign3A_860 : i1 to i32
      %sign3A_862 = arith.constant 0 : i32
      %sign3A_863 = arith.cmpi slt, %mul3A_394, %sign3A_862 : i32
      %sign3A_864 = arith.extui %sign3A_863 : i1 to i32
      %sign3A_865 = arith.subi %sign3A_861, %sign3A_864 : i32
      %sign3A_866 = arith.constant 0 : i32
      %sign3A_867 = arith.cmpi sgt, %jit3A_857, %sign3A_866 : i32
      %sign3A_868 = arith.extui %sign3A_867 : i1 to i32
      %sign3A_869 = arith.constant 0 : i32
      %sign3A_870 = arith.cmpi slt, %jit3A_857, %sign3A_869 : i32
      %sign3A_871 = arith.extui %sign3A_870 : i1 to i32
      %sign3A_872 = arith.subi %sign3A_868, %sign3A_871 : i32
      %ne3A_873 = arith.cmpi ne, %sign3A_865, %sign3A_872 : i32
      %rem3A_874 = arith.remsi %mul3A_394, %jit3A_857 : i32
      %ne3A_875 = arith.constant 0 : i32
      %ne3A_876 = arith.cmpi ne, %rem3A_874, %ne3A_875 : i32
      %and3A_877 = arith.andi %ne3A_873, %ne3A_876 : i1
      %sub3A_878 = arith.constant 1 : i32
      %sub3A_879 = arith.subi %div3A_858, %sub3A_878 : i32
      %select_n3A_880 = arith.select %and3A_877, %sub3A_879, %div3A_858 : i32
      %mul3A_881 = arith.constant 4000 : i32
      %mul3A_882 = arith.muli %select_n3A_826, %mul3A_881 : i32
      %add3A_883 = arith.addi %select_n3A_880, %mul3A_882 : i32
      %add3A_884 = arith.addi %add3A_883, %sub3A_856 : i32
      %multiple_of3A_885 = tpu.assume_multiple %add3A_884, 80 : i32
      %dma_start3A_886 = arith.constant 0 : i32
      %dma_start3A_887 = tpu.memref_slice %arg5[%multiple_of3A_885, %dma_start3A_886] : memref<320000x128xi32, #tpu.memory_space<hbm>> -> memref<80x128xi32, #tpu.memory_space<hbm>>
      %dma_start3A_888 = arith.constant 0 : i32
      %dma_start3A_889 = tpu.memref_slice %arg5[%multiple_of3A_885, %dma_start3A_888] : memref<320000x128xi32, #tpu.memory_space<hbm>> -> memref<80x128xi32, #tpu.memory_space<hbm>>
      tpu.enqueue_dma source(%dma_start3A_889 : memref<80x128xi32, #tpu.memory_space<hbm>>) target(%arg19 : memref<80x128xi32, #tpu.memory_space<vmem>>) target_semaphore(%arg25 : memref<!tpu.dma_semaphore, #tpu.memory_space<semaphore_mem>>)
      %lt3A_890 = arith.constant 124 : i32
      %lt3A_891 = arith.cmpi slt, %scan3A_650, %lt3A_890 : i32
      %convert_element_type3A_892 = arith.extui %lt3A_891 : i1 to i32
      %cond3A_893 = arith.constant 0 : i32
      %cond3A_894 = arith.cmpi ne, %convert_element_type3A_892, %cond3A_893 : i32
      scf.if %cond3A_894 {
        %add3A_1187 = arith.constant 2 : i32
        %add3A_1188 = arith.addi %mul3A_652, %add3A_1187 : i32
        %mul3A_1189 = arith.constant 80 : i32
        %mul3A_1190 = arith.muli %add3A_1188, %mul3A_1189 : i32
        %add3A_1191 = arith.addi %mul3A_392, %mul3A_1190 : i32
        %dma_start3A_1192 = tpu.memref_slice %arg2[%add3A_1191] : memref<320000xi32, #tpu.memory_space<hbm>> -> memref<80xi32, #tpu.memory_space<hbm>>
        %dma_start3A_1193 = tpu.memref_slice %arg2[%add3A_1191] : memref<320000xi32, #tpu.memory_space<hbm>> -> memref<80xi32, #tpu.memory_space<hbm>>
        tpu.enqueue_dma source(%dma_start3A_1193 : memref<80xi32, #tpu.memory_space<hbm>>) target(%arg7 : memref<80xi32, #tpu.memory_space<vmem>>) target_semaphore(%arg22 : memref<!tpu.dma_semaphore, #tpu.memory_space<semaphore_mem>>)
        %mul3A_1194 = arith.constant 80 : i32
        %mul3A_1195 = arith.muli %add3A_1188, %mul3A_1194 : i32
        %add3A_1196 = arith.addi %mul3A_392, %mul3A_1195 : i32
        %dma_start3A_1197 = tpu.memref_slice %arg3[%add3A_1196] : memref<320000xi32, #tpu.memory_space<hbm>> -> memref<80xi32, #tpu.memory_space<hbm>>
        %dma_start3A_1198 = tpu.memref_slice %arg3[%add3A_1196] : memref<320000xi32, #tpu.memory_space<hbm>> -> memref<80xi32, #tpu.memory_space<hbm>>
        tpu.enqueue_dma source(%dma_start3A_1198 : memref<80xi32, #tpu.memory_space<hbm>>) target(%arg8 : memref<80xi32, #tpu.memory_space<vmem>>) target_semaphore(%arg22 : memref<!tpu.dma_semaphore, #tpu.memory_space<semaphore_mem>>)
      } else {
      }
      %dma_wait3A_895 = arith.constant 0 : i32
      %dma_wait3A_896 = arith.constant 0 : i32
      %dma_wait3A_897 = tpu.memref_slice %arg4[%dma_wait3A_895, %dma_wait3A_896] : memref<20000x128xf32, #tpu.memory_space<hbm>> -> memref<20000x128xf32, #tpu.memory_space<hbm>>
      tpu.wait_indirect_dma semaphore(%arg24 : memref<!tpu.dma_semaphore, #tpu.memory_space<semaphore_mem>>) src(%dma_wait3A_897 : memref<20000x128xf32, #tpu.memory_space<hbm>>) dst(%arg16 : memref<80x128xf32, #tpu.memory_space<vmem>>)
      %dma_wait3A_898 = arith.constant 0 : i32
      %dma_wait3A_899 = arith.constant 0 : i32
      %dma_wait3A_900 = tpu.memref_slice %arg5[%dma_wait3A_898, %dma_wait3A_899] : memref<320000x128xi32, #tpu.memory_space<hbm>> -> memref<80x128xi32, #tpu.memory_space<hbm>>
      %dma_wait3A_901 = arith.constant 0 : i32
      %dma_wait3A_902 = arith.constant 0 : i32
      %dma_wait3A_903 = tpu.memref_slice %arg5[%dma_wait3A_901, %dma_wait3A_902] : memref<320000x128xi32, #tpu.memory_space<hbm>> -> memref<80x128xi32, #tpu.memory_space<hbm>>
      tpu.wait_dma2 semaphore(%arg24 : memref<!tpu.dma_semaphore, #tpu.memory_space<semaphore_mem>>) src(%dma_wait3A_903 : memref<80x128xi32, #tpu.memory_space<hbm>>) dst(%arg17 : memref<80x128xi32, #tpu.memory_space<vmem>>)
      %mul3A_904 = arith.constant 80 : i32
      %mul3A_905 = arith.muli %mul3A_652, %mul3A_904 : i32
      %add3A_906 = arith.addi %mul3A_392, %mul3A_905 : i32
      %jit3A_907 = arith.constant 8000 : i32
      %div3A_908 = arith.divsi %add3A_906, %jit3A_907 : i32
      %sign3A_909 = arith.constant 0 : i32
      %sign3A_910 = arith.cmpi sgt, %add3A_906, %sign3A_909 : i32
      %sign3A_911 = arith.extui %sign3A_910 : i1 to i32
      %sign3A_912 = arith.constant 0 : i32
      %sign3A_913 = arith.cmpi slt, %add3A_906, %sign3A_912 : i32
      %sign3A_914 = arith.extui %sign3A_913 : i1 to i32
      %sign3A_915 = arith.subi %sign3A_911, %sign3A_914 : i32
      %sign3A_916 = arith.constant 0 : i32
      %sign3A_917 = arith.cmpi sgt, %jit3A_907, %sign3A_916 : i32
      %sign3A_918 = arith.extui %sign3A_917 : i1 to i32
      %sign3A_919 = arith.constant 0 : i32
      %sign3A_920 = arith.cmpi slt, %jit3A_907, %sign3A_919 : i32
      %sign3A_921 = arith.extui %sign3A_920 : i1 to i32
      %sign3A_922 = arith.subi %sign3A_918, %sign3A_921 : i32
      %ne3A_923 = arith.cmpi ne, %sign3A_915, %sign3A_922 : i32
      %rem3A_924 = arith.remsi %add3A_906, %jit3A_907 : i32
      %ne3A_925 = arith.constant 0 : i32
      %ne3A_926 = arith.cmpi ne, %rem3A_924, %ne3A_925 : i32
      %and3A_927 = arith.andi %ne3A_923, %ne3A_926 : i1
      %sub3A_928 = arith.constant 1 : i32
      %sub3A_929 = arith.subi %div3A_908, %sub3A_928 : i32
      %select_n3A_930 = arith.select %and3A_927, %sub3A_929, %div3A_908 : i32
      %mul3A_931 = arith.constant 8000 : i32
      %mul3A_932 = arith.muli %select_n3A_930, %mul3A_931 : i32
      %sub3A_933 = arith.subi %add3A_906, %mul3A_932 : i32
      %jit3A_934 = arith.constant 4000 : i32
      %div3A_935 = arith.divsi %sub3A_933, %jit3A_934 : i32
      %sign3A_936 = arith.constant 0 : i32
      %sign3A_937 = arith.cmpi sgt, %sub3A_933, %sign3A_936 : i32
      %sign3A_938 = arith.extui %sign3A_937 : i1 to i32
      %sign3A_939 = arith.constant 0 : i32
      %sign3A_940 = arith.cmpi slt, %sub3A_933, %sign3A_939 : i32
      %sign3A_941 = arith.extui %sign3A_940 : i1 to i32
      %sign3A_942 = arith.subi %sign3A_938, %sign3A_941 : i32
      %sign3A_943 = arith.constant 0 : i32
      %sign3A_944 = arith.cmpi sgt, %jit3A_934, %sign3A_943 : i32
      %sign3A_945 = arith.extui %sign3A_944 : i1 to i32
      %sign3A_946 = arith.constant 0 : i32
      %sign3A_947 = arith.cmpi slt, %jit3A_934, %sign3A_946 : i32
      %sign3A_948 = arith.extui %sign3A_947 : i1 to i32
      %sign3A_949 = arith.subi %sign3A_945, %sign3A_948 : i32
      %ne3A_950 = arith.cmpi ne, %sign3A_942, %sign3A_949 : i32
      %rem3A_951 = arith.remsi %sub3A_933, %jit3A_934 : i32
      %ne3A_952 = arith.constant 0 : i32
      %ne3A_953 = arith.cmpi ne, %rem3A_951, %ne3A_952 : i32
      %and3A_954 = arith.andi %ne3A_950, %ne3A_953 : i1
      %sub3A_955 = arith.constant 1 : i32
      %sub3A_956 = arith.subi %div3A_935, %sub3A_955 : i32
      %select_n3A_957 = arith.select %and3A_954, %sub3A_956, %div3A_935 : i32
      %mul3A_958 = arith.constant 4000 : i32
      %mul3A_959 = arith.muli %select_n3A_957, %mul3A_958 : i32
      %sub3A_960 = arith.subi %sub3A_933, %mul3A_959 : i32
      %jit3A_961 = arith.constant 2 : i32
      %div3A_962 = arith.divsi %mul3A_394, %jit3A_961 : i32
      %sign3A_963 = arith.constant 0 : i32
      %sign3A_964 = arith.cmpi sgt, %mul3A_394, %sign3A_963 : i32
      %sign3A_965 = arith.extui %sign3A_964 : i1 to i32
      %sign3A_966 = arith.constant 0 : i32
      %sign3A_967 = arith.cmpi slt, %mul3A_394, %sign3A_966 : i32
      %sign3A_968 = arith.extui %sign3A_967 : i1 to i32
      %sign3A_969 = arith.subi %sign3A_965, %sign3A_968 : i32
      %sign3A_970 = arith.constant 0 : i32
      %sign3A_971 = arith.cmpi sgt, %jit3A_961, %sign3A_970 : i32
      %sign3A_972 = arith.extui %sign3A_971 : i1 to i32
      %sign3A_973 = arith.constant 0 : i32
      %sign3A_974 = arith.cmpi slt, %jit3A_961, %sign3A_973 : i32
      %sign3A_975 = arith.extui %sign3A_974 : i1 to i32
      %sign3A_976 = arith.subi %sign3A_972, %sign3A_975 : i32
      %ne3A_977 = arith.cmpi ne, %sign3A_969, %sign3A_976 : i32
      %rem3A_978 = arith.remsi %mul3A_394, %jit3A_961 : i32
      %ne3A_979 = arith.constant 0 : i32
      %ne3A_980 = arith.cmpi ne, %rem3A_978, %ne3A_979 : i32
      %and3A_981 = arith.andi %ne3A_977, %ne3A_980 : i1
      %sub3A_982 = arith.constant 1 : i32
      %sub3A_983 = arith.subi %div3A_962, %sub3A_982 : i32
      %select_n3A_984 = arith.select %and3A_981, %sub3A_983, %div3A_962 : i32
      %mul3A_985 = arith.constant 4000 : i32
      %mul3A_986 = arith.muli %select_n3A_930, %mul3A_985 : i32
      %add3A_987 = arith.addi %select_n3A_984, %mul3A_986 : i32
      %add3A_988 = arith.addi %add3A_987, %sub3A_960 : i32
      %multiple_of3A_989 = tpu.assume_multiple %add3A_988, 80 : i32
      %mul3A_990 = arith.constant 16 : i32
      %mul3A_991 = arith.muli %mul3A_990, %select_n3A_957 : i32
      %scan3A_992 = arith.constant 0 : i32
      %scan3A_993 = arith.constant 0 : i32
      %scan3A_994 = arith.constant 20 : i32
      %scan3A_995 = arith.addi %scan3A_993, %scan3A_994 : i32
      %scan3A_996 = arith.constant 1 : i32
      scf.for %scan3A_1187 = %scan3A_993 to %scan3A_995 step %scan3A_996  : i32 {
        %mul3A_1188 = arith.constant 4 : i32
        %mul3A_1189 = arith.muli %scan3A_1187, %mul3A_1188 : i32
        %add3A_1190 = arith.constant 0 : i32
        %add3A_1191 = arith.addi %mul3A_1189, %add3A_1190 : i32
        %get3A_1192 = arith.index_cast %add3A_1191 : i32 to index
        %get3A_1193 = arith.constant 0 : index
        %get3A_1194 = tpu.vector_load %arg17[%get3A_1192, %get3A_1193] {strides = array<i32>} : memref<80x128xi32, #tpu.memory_space<vmem>>, vector<1x16xi32>,
        %get3A_1195 = vector.shape_cast %get3A_1194 : vector<1x16xi32> to vector<16xi32>
        %shift_right_logical3A = vector.broadcast %mul3A_991 : i32 to vector<16xi32>
        %shift_right_logical3A_1196 = arith.shrui %get3A_1195, %shift_right_logical3A : vector<16xi32>
        %shift_left3A = arith.constant 16 : i32
        %shift_left3A_1197 = vector.broadcast %shift_left3A : i32 to vector<16xi32>
        %shift_left3A_1198 = arith.shli %shift_right_logical3A_1196, %shift_left3A_1197 : vector<16xi32>
        %bitcast_convert_type3A = tpu.bitcast %shift_left3A_1198 : vector<16xi32> -> vector<16xf32>
        %get3A_1199 = arith.index_cast %add3A_1191 : i32 to index
        %get3A_1200 = arith.constant 0 : index
        %get3A_1201 = tpu.vector_load %arg16[%get3A_1199, %get3A_1200] {strides = array<i32>} : memref<80x128xf32, #tpu.memory_space<vmem>>, vector<1x16xf32>,
        %get3A_1202 = vector.shape_cast %get3A_1201 : vector<1x16xf32> to vector<16xf32>
        %add3A_1203 = arith.addf %get3A_1202, %bitcast_convert_type3A : vector<16xf32>
        %max3A = arith.maximumf %add3A_1203, %broadcast_in_dim3A_397 : vector<16xf32>
        %swap3A_1204 = arith.index_cast %add3A_1191 : i32 to index
        %swap3A_1205 = arith.constant 0 : index
        %swap3A_1206 = tpu.vector_load %arg16[%swap3A_1204, %swap3A_1205] {strides = array<i32>} : memref<80x128xf32, #tpu.memory_space<vmem>>, vector<1x16xf32>,
        %swap3A_1207 = vector.shape_cast %swap3A_1206 : vector<1x16xf32> to vector<16xf32>
        %swap3A_1208 = vector.shape_cast %max3A : vector<16xf32> to vector<1x16xf32>
        tpu.vector_store %arg16[%swap3A_1204, %swap3A_1205], %swap3A_1208 {strides = array<i32>} : memref<80x128xf32, #tpu.memory_space<vmem>>, vector<1x16xf32>,
        %get3A_1209 = arith.index_cast %add3A_1191 : i32 to index
        %get3A_1210 = arith.constant 16 : index
        %get3A_1211 = tpu.vector_load %arg17[%get3A_1209, %get3A_1210] {strides = array<i32>} : memref<80x128xi32, #tpu.memory_space<vmem>>, vector<1x16xi32>,
        %get3A_1212 = vector.shape_cast %get3A_1211 : vector<1x16xi32> to vector<16xi32>
        %shift_right_logical3A_1213 = vector.broadcast %mul3A_991 : i32 to vector<16xi32>
        %shift_right_logical3A_1214 = arith.shrui %get3A_1212, %shift_right_logical3A_1213 : vector<16xi32>
        %shift_left3A_1215 = arith.constant 16 : i32
        %shift_left3A_1216 = vector.broadcast %shift_left3A_1215 : i32 to vector<16xi32>
        %shift_left3A_1217 = arith.shli %shift_right_logical3A_1214, %shift_left3A_1216 : vector<16xi32>
        %bitcast_convert_type3A_1218 = tpu.bitcast %shift_left3A_1217 : vector<16xi32> -> vector<16xf32>
        %get3A_1219 = arith.index_cast %add3A_1191 : i32 to index
        %get3A_1220 = arith.constant 16 : index
        %get3A_1221 = tpu.vector_load %arg16[%get3A_1219, %get3A_1220] {strides = array<i32>} : memref<80x128xf32, #tpu.memory_space<vmem>>, vector<1x16xf32>,
        %get3A_1222 = vector.shape_cast %get3A_1221 : vector<1x16xf32> to vector<16xf32>
        %add3A_1223 = arith.addf %get3A_1222, %bitcast_convert_type3A_1218 : vector<16xf32>
        %max3A_1224 = arith.maximumf %add3A_1223, %broadcast_in_dim3A_397 : vector<16xf32>
        %swap3A_1225 = arith.index_cast %add3A_1191 : i32 to index
        %swap3A_1226 = arith.constant 16 : index
        %swap3A_1227 = tpu.vector_load %arg16[%swap3A_1225, %swap3A_1226] {strides = array<i32>} : memref<80x128xf32, #tpu.memory_space<vmem>>, vector<1x16xf32>,
        %swap3A_1228 = vector.shape_cast %swap3A_1227 : vector<1x16xf32> to vector<16xf32>
        %swap3A_1229 = vector.shape_cast %max3A_1224 : vector<16xf32> to vector<1x16xf32>
        tpu.vector_store %arg16[%swap3A_1225, %swap3A_1226], %swap3A_1229 {strides = array<i32>} : memref<80x128xf32, #tpu.memory_space<vmem>>, vector<1x16xf32>,
        %get3A_1230 = arith.index_cast %add3A_1191 : i32 to index
        %get3A_1231 = arith.constant 32 : index
        %get3A_1232 = tpu.vector_load %arg17[%get3A_1230, %get3A_1231] {strides = array<i32>} : memref<80x128xi32, #tpu.memory_space<vmem>>, vector<1x16xi32>,
        %get3A_1233 = vector.shape_cast %get3A_1232 : vector<1x16xi32> to vector<16xi32>
        %shift_right_logical3A_1234 = vector.broadcast %mul3A_991 : i32 to vector<16xi32>
        %shift_right_logical3A_1235 = arith.shrui %get3A_1233, %shift_right_logical3A_1234 : vector<16xi32>
        %shift_left3A_1236 = arith.constant 16 : i32
        %shift_left3A_1237 = vector.broadcast %shift_left3A_1236 : i32 to vector<16xi32>
        %shift_left3A_1238 = arith.shli %shift_right_logical3A_1235, %shift_left3A_1237 : vector<16xi32>
        %bitcast_convert_type3A_1239 = tpu.bitcast %shift_left3A_1238 : vector<16xi32> -> vector<16xf32>
        %get3A_1240 = arith.index_cast %add3A_1191 : i32 to index
        %get3A_1241 = arith.constant 32 : index
        %get3A_1242 = tpu.vector_load %arg16[%get3A_1240, %get3A_1241] {strides = array<i32>} : memref<80x128xf32, #tpu.memory_space<vmem>>, vector<1x16xf32>,
        %get3A_1243 = vector.shape_cast %get3A_1242 : vector<1x16xf32> to vector<16xf32>
        %add3A_1244 = arith.addf %get3A_1243, %bitcast_convert_type3A_1239 : vector<16xf32>
        %max3A_1245 = arith.maximumf %add3A_1244, %broadcast_in_dim3A_397 : vector<16xf32>
        %swap3A_1246 = arith.index_cast %add3A_1191 : i32 to index
        %swap3A_1247 = arith.constant 32 : index
        %swap3A_1248 = tpu.vector_load %arg16[%swap3A_1246, %swap3A_1247] {strides = array<i32>} : memref<80x128xf32, #tpu.memory_space<vmem>>, vector<1x16xf32>,
        %swap3A_1249 = vector.shape_cast %swap3A_1248 : vector<1x16xf32> to vector<16xf32>
        %swap3A_1250 = vector.shape_cast %max3A_1245 : vector<16xf32> to vector<1x16xf32>
        tpu.vector_store %arg16[%swap3A_1246, %swap3A_1247], %swap3A_1250 {strides = array<i32>} : memref<80x128xf32, #tpu.memory_space<vmem>>, vector<1x16xf32>,
        %get3A_1251 = arith.index_cast %add3A_1191 : i32 to index
        %get3A_1252 = arith.constant 48 : index
        %get3A_1253 = tpu.vector_load %arg17[%get3A_1251, %get3A_1252] {strides = array<i32>} : memref<80x128xi32, #tpu.memory_space<vmem>>, vector<1x16xi32>,
        %get3A_1254 = vector.shape_cast %get3A_1253 : vector<1x16xi32> to vector<16xi32>
        %shift_right_logical3A_1255 = vector.broadcast %mul3A_991 : i32 to vector<16xi32>
        %shift_right_logical3A_1256 = arith.shrui %get3A_1254, %shift_right_logical3A_1255 : vector<16xi32>
        %shift_left3A_1257 = arith.constant 16 : i32
        %shift_left3A_1258 = vector.broadcast %shift_left3A_1257 : i32 to vector<16xi32>
        %shift_left3A_1259 = arith.shli %shift_right_logical3A_1256, %shift_left3A_1258 : vector<16xi32>
        %bitcast_convert_type3A_1260 = tpu.bitcast %shift_left3A_1259 : vector<16xi32> -> vector<16xf32>
        %get3A_1261 = arith.index_cast %add3A_1191 : i32 to index
        %get3A_1262 = arith.constant 48 : index
        %get3A_1263 = tpu.vector_load %arg16[%get3A_1261, %get3A_1262] {strides = array<i32>} : memref<80x128xf32, #tpu.memory_space<vmem>>, vector<1x16xf32>,
        %get3A_1264 = vector.shape_cast %get3A_1263 : vector<1x16xf32> to vector<16xf32>
        %add3A_1265 = arith.addf %get3A_1264, %bitcast_convert_type3A_1260 : vector<16xf32>
        %max3A_1266 = arith.maximumf %add3A_1265, %broadcast_in_dim3A_397 : vector<16xf32>
        %swap3A_1267 = arith.index_cast %add3A_1191 : i32 to index
        %swap3A_1268 = arith.constant 48 : index
        %swap3A_1269 = tpu.vector_load %arg16[%swap3A_1267, %swap3A_1268] {strides = array<i32>} : memref<80x128xf32, #tpu.memory_space<vmem>>, vector<1x16xf32>,
        %swap3A_1270 = vector.shape_cast %swap3A_1269 : vector<1x16xf32> to vector<16xf32>
        %swap3A_1271 = vector.shape_cast %max3A_1266 : vector<16xf32> to vector<1x16xf32>
        tpu.vector_store %arg16[%swap3A_1267, %swap3A_1268], %swap3A_1271 {strides = array<i32>} : memref<80x128xf32, #tpu.memory_space<vmem>>, vector<1x16xf32>,
        %get3A_1272 = arith.index_cast %add3A_1191 : i32 to index
        %get3A_1273 = arith.constant 64 : index
        %get3A_1274 = tpu.vector_load %arg17[%get3A_1272, %get3A_1273] {strides = array<i32>} : memref<80x128xi32, #tpu.memory_space<vmem>>, vector<1x16xi32>,
        %get3A_1275 = vector.shape_cast %get3A_1274 : vector<1x16xi32> to vector<16xi32>
        %shift_right_logical3A_1276 = vector.broadcast %mul3A_991 : i32 to vector<16xi32>
        %shift_right_logical3A_1277 = arith.shrui %get3A_1275, %shift_right_logical3A_1276 : vector<16xi32>
        %shift_left3A_1278 = arith.constant 16 : i32
        %shift_left3A_1279 = vector.broadcast %shift_left3A_1278 : i32 to vector<16xi32>
        %shift_left3A_1280 = arith.shli %shift_right_logical3A_1277, %shift_left3A_1279 : vector<16xi32>
        %bitcast_convert_type3A_1281 = tpu.bitcast %shift_left3A_1280 : vector<16xi32> -> vector<16xf32>
        %get3A_1282 = arith.index_cast %add3A_1191 : i32 to index
        %get3A_1283 = arith.constant 64 : index
        %get3A_1284 = tpu.vector_load %arg16[%get3A_1282, %get3A_1283] {strides = array<i32>} : memref<80x128xf32, #tpu.memory_space<vmem>>, vector<1x16xf32>,
        %get3A_1285 = vector.shape_cast %get3A_1284 : vector<1x16xf32> to vector<16xf32>
        %add3A_1286 = arith.addf %get3A_1285, %bitcast_convert_type3A_1281 : vector<16xf32>
        %max3A_1287 = arith.maximumf %add3A_1286, %broadcast_in_dim3A_397 : vector<16xf32>
        %swap3A_1288 = arith.index_cast %add3A_1191 : i32 to index
        %swap3A_1289 = arith.constant 64 : index
        %swap3A_1290 = tpu.vector_load %arg16[%swap3A_1288, %swap3A_1289] {strides = array<i32>} : memref<80x128xf32, #tpu.memory_space<vmem>>, vector<1x16xf32>,
        %swap3A_1291 = vector.shape_cast %swap3A_1290 : vector<1x16xf32> to vector<16xf32>
        %swap3A_1292 = vector.shape_cast %max3A_1287 : vector<16xf32> to vector<1x16xf32>
        tpu.vector_store %arg16[%swap3A_1288, %swap3A_1289], %swap3A_1292 {strides = array<i32>} : memref<80x128xf32, #tpu.memory_space<vmem>>, vector<1x16xf32>,
        %get3A_1293 = arith.index_cast %add3A_1191 : i32 to index
        %get3A_1294 = arith.constant 80 : index
        %get3A_1295 = tpu.vector_load %arg17[%get3A_1293, %get3A_1294] {strides = array<i32>} : memref<80x128xi32, #tpu.memory_space<vmem>>, vector<1x16xi32>,
        %get3A_1296 = vector.shape_cast %get3A_1295 : vector<1x16xi32> to vector<16xi32>
        %shift_right_logical3A_1297 = vector.broadcast %mul3A_991 : i32 to vector<16xi32>
        %shift_right_logical3A_1298 = arith.shrui %get3A_1296, %shift_right_logical3A_1297 : vector<16xi32>
        %shift_left3A_1299 = arith.constant 16 : i32
        %shift_left3A_1300 = vector.broadcast %shift_left3A_1299 : i32 to vector<16xi32>
        %shift_left3A_1301 = arith.shli %shift_right_logical3A_1298, %shift_left3A_1300 : vector<16xi32>
        %bitcast_convert_type3A_1302 = tpu.bitcast %shift_left3A_1301 : vector<16xi32> -> vector<16xf32>
        %get3A_1303 = arith.index_cast %add3A_1191 : i32 to index
        %get3A_1304 = arith.constant 80 : index
        %get3A_1305 = tpu.vector_load %arg16[%get3A_1303, %get3A_1304] {strides = array<i32>} : memref<80x128xf32, #tpu.memory_space<vmem>>, vector<1x16xf32>,
        %get3A_1306 = vector.shape_cast %get3A_1305 : vector<1x16xf32> to vector<16xf32>
        %add3A_1307 = arith.addf %get3A_1306, %bitcast_convert_type3A_1302 : vector<16xf32>
        %max3A_1308 = arith.maximumf %add3A_1307, %broadcast_in_dim3A_397 : vector<16xf32>
        %swap3A_1309 = arith.index_cast %add3A_1191 : i32 to index
        %swap3A_1310 = arith.constant 80 : index
        %swap3A_1311 = tpu.vector_load %arg16[%swap3A_1309, %swap3A_1310] {strides = array<i32>} : memref<80x128xf32, #tpu.memory_space<vmem>>, vector<1x16xf32>,
        %swap3A_1312 = vector.shape_cast %swap3A_1311 : vector<1x16xf32> to vector<16xf32>
        %swap3A_1313 = vector.shape_cast %max3A_1308 : vector<16xf32> to vector<1x16xf32>
        tpu.vector_store %arg16[%swap3A_1309, %swap3A_1310], %swap3A_1313 {strides = array<i32>} : memref<80x128xf32, #tpu.memory_space<vmem>>, vector<1x16xf32>,
        %get3A_1314 = arith.index_cast %add3A_1191 : i32 to index
        %get3A_1315 = arith.constant 96 : index
        %get3A_1316 = tpu.vector_load %arg17[%get3A_1314, %get3A_1315] {strides = array<i32>} : memref<80x128xi32, #tpu.memory_space<vmem>>, vector<1x16xi32>,
        %get3A_1317 = vector.shape_cast %get3A_1316 : vector<1x16xi32> to vector<16xi32>
        %shift_right_logical3A_1318 = vector.broadcast %mul3A_991 : i32 to vector<16xi32>
        %shift_right_logical3A_1319 = arith.shrui %get3A_1317, %shift_right_logical3A_1318 : vector<16xi32>
        %shift_left3A_1320 = arith.constant 16 : i32
        %shift_left3A_1321 = vector.broadcast %shift_left3A_1320 : i32 to vector<16xi32>
        %shift_left3A_1322 = arith.shli %shift_right_logical3A_1319, %shift_left3A_1321 : vector<16xi32>
        %bitcast_convert_type3A_1323 = tpu.bitcast %shift_left3A_1322 : vector<16xi32> -> vector<16xf32>
        %get3A_1324 = arith.index_cast %add3A_1191 : i32 to index
        %get3A_1325 = arith.constant 96 : index
        %get3A_1326 = tpu.vector_load %arg16[%get3A_1324, %get3A_1325] {strides = array<i32>} : memref<80x128xf32, #tpu.memory_space<vmem>>, vector<1x16xf32>,
        %get3A_1327 = vector.shape_cast %get3A_1326 : vector<1x16xf32> to vector<16xf32>
        %add3A_1328 = arith.addf %get3A_1327, %bitcast_convert_type3A_1323 : vector<16xf32>
        %max3A_1329 = arith.maximumf %add3A_1328, %broadcast_in_dim3A_397 : vector<16xf32>
        %swap3A_1330 = arith.index_cast %add3A_1191 : i32 to index
        %swap3A_1331 = arith.constant 96 : index
        %swap3A_1332 = tpu.vector_load %arg16[%swap3A_1330, %swap3A_1331] {strides = array<i32>} : memref<80x128xf32, #tpu.memory_space<vmem>>, vector<1x16xf32>,
        %swap3A_1333 = vector.shape_cast %swap3A_1332 : vector<1x16xf32> to vector<16xf32>
        %swap3A_1334 = vector.shape_cast %max3A_1329 : vector<16xf32> to vector<1x16xf32>
        tpu.vector_store %arg16[%swap3A_1330, %swap3A_1331], %swap3A_1334 {strides = array<i32>} : memref<80x128xf32, #tpu.memory_space<vmem>>, vector<1x16xf32>,
        %get3A_1335 = arith.index_cast %add3A_1191 : i32 to index
        %get3A_1336 = arith.constant 112 : index
        %get3A_1337 = tpu.vector_load %arg17[%get3A_1335, %get3A_1336] {strides = array<i32>} : memref<80x128xi32, #tpu.memory_space<vmem>>, vector<1x16xi32>,
        %get3A_1338 = vector.shape_cast %get3A_1337 : vector<1x16xi32> to vector<16xi32>
        %shift_right_logical3A_1339 = vector.broadcast %mul3A_991 : i32 to vector<16xi32>
        %shift_right_logical3A_1340 = arith.shrui %get3A_1338, %shift_right_logical3A_1339 : vector<16xi32>
        %shift_left3A_1341 = arith.constant 16 : i32
        %shift_left3A_1342 = vector.broadcast %shift_left3A_1341 : i32 to vector<16xi32>
        %shift_left3A_1343 = arith.shli %shift_right_logical3A_1340, %shift_left3A_1342 : vector<16xi32>
        %bitcast_convert_type3A_1344 = tpu.bitcast %shift_left3A_1343 : vector<16xi32> -> vector<16xf32>
        %get3A_1345 = arith.index_cast %add3A_1191 : i32 to index
        %get3A_1346 = arith.constant 112 : index
        %get3A_1347 = tpu.vector_load %arg16[%get3A_1345, %get3A_1346] {strides = array<i32>} : memref<80x128xf32, #tpu.memory_space<vmem>>, vector<1x16xf32>,
        %get3A_1348 = vector.shape_cast %get3A_1347 : vector<1x16xf32> to vector<16xf32>
        %add3A_1349 = arith.addf %get3A_1348, %bitcast_convert_type3A_1344 : vector<16xf32>
        %max3A_1350 = arith.maximumf %add3A_1349, %broadcast_in_dim3A_397 : vector<16xf32>
        %swap3A_1351 = arith.index_cast %add3A_1191 : i32 to index
        %swap3A_1352 = arith.constant 112 : index
        %swap3A_1353 = tpu.vector_load %arg16[%swap3A_1351, %swap3A_1352] {strides = array<i32>} : memref<80x128xf32, #tpu.memory_space<vmem>>, vector<1x16xf32>,
        %swap3A_1354 = vector.shape_cast %swap3A_1353 : vector<1x16xf32> to vector<16xf32>
        %swap3A_1355 = vector.shape_cast %max3A_1350 : vector<16xf32> to vector<1x16xf32>
        tpu.vector_store %arg16[%swap3A_1351, %swap3A_1352], %swap3A_1355 {strides = array<i32>} : memref<80x128xf32, #tpu.memory_space<vmem>>, vector<1x16xf32>,
        %mul3A_1356 = arith.constant 4 : i32
        %mul3A_1357 = arith.muli %scan3A_1187, %mul3A_1356 : i32
        %add3A_1358 = arith.constant 1 : i32
        %add3A_1359 = arith.addi %mul3A_1357, %add3A_1358 : i32
        %get3A_1360 = arith.index_cast %add3A_1359 : i32 to index
        %get3A_1361 = arith.constant 0 : index
        %get3A_1362 = tpu.vector_load %arg17[%get3A_1360, %get3A_1361] {strides = array<i32>} : memref<80x128xi32, #tpu.memory_space<vmem>>, vector<1x16xi32>,
        %get3A_1363 = vector.shape_cast %get3A_1362 : vector<1x16xi32> to vector<16xi32>
        %shift_right_logical3A_1364 = vector.broadcast %mul3A_991 : i32 to vector<16xi32>
        %shift_right_logical3A_1365 = arith.shrui %get3A_1363, %shift_right_logical3A_1364 : vector<16xi32>
        %shift_left3A_1366 = arith.constant 16 : i32
        %shift_left3A_1367 = vector.broadcast %shift_left3A_1366 : i32 to vector<16xi32>
        %shift_left3A_1368 = arith.shli %shift_right_logical3A_1365, %shift_left3A_1367 : vector<16xi32>
        %bitcast_convert_type3A_1369 = tpu.bitcast %shift_left3A_1368 : vector<16xi32> -> vector<16xf32>
        %get3A_1370 = arith.index_cast %add3A_1359 : i32 to index
        %get3A_1371 = arith.constant 0 : index
        %get3A_1372 = tpu.vector_load %arg16[%get3A_1370, %get3A_1371] {strides = array<i32>} : memref<80x128xf32, #tpu.memory_space<vmem>>, vector<1x16xf32>,
        %get3A_1373 = vector.shape_cast %get3A_1372 : vector<1x16xf32> to vector<16xf32>
        %add3A_1374 = arith.addf %get3A_1373, %bitcast_convert_type3A_1369 : vector<16xf32>
        %max3A_1375 = arith.maximumf %add3A_1374, %broadcast_in_dim3A_397 : vector<16xf32>
        %swap3A_1376 = arith.index_cast %add3A_1359 : i32 to index
        %swap3A_1377 = arith.constant 0 : index
        %swap3A_1378 = tpu.vector_load %arg16[%swap3A_1376, %swap3A_1377] {strides = array<i32>} : memref<80x128xf32, #tpu.memory_space<vmem>>, vector<1x16xf32>,
        %swap3A_1379 = vector.shape_cast %swap3A_1378 : vector<1x16xf32> to vector<16xf32>
        %swap3A_1380 = vector.shape_cast %max3A_1375 : vector<16xf32> to vector<1x16xf32>
        tpu.vector_store %arg16[%swap3A_1376, %swap3A_1377], %swap3A_1380 {strides = array<i32>} : memref<80x128xf32, #tpu.memory_space<vmem>>, vector<1x16xf32>,
        %get3A_1381 = arith.index_cast %add3A_1359 : i32 to index
        %get3A_1382 = arith.constant 16 : index
        %get3A_1383 = tpu.vector_load %arg17[%get3A_1381, %get3A_1382] {strides = array<i32>} : memref<80x128xi32, #tpu.memory_space<vmem>>, vector<1x16xi32>,
        %get3A_1384 = vector.shape_cast %get3A_1383 : vector<1x16xi32> to vector<16xi32>
        %shift_right_logical3A_1385 = vector.broadcast %mul3A_991 : i32 to vector<16xi32>
        %shift_right_logical3A_1386 = arith.shrui %get3A_1384, %shift_right_logical3A_1385 : vector<16xi32>
        %shift_left3A_1387 = arith.constant 16 : i32
        %shift_left3A_1388 = vector.broadcast %shift_left3A_1387 : i32 to vector<16xi32>
        %shift_left3A_1389 = arith.shli %shift_right_logical3A_1386, %shift_left3A_1388 : vector<16xi32>
        %bitcast_convert_type3A_1390 = tpu.bitcast %shift_left3A_1389 : vector<16xi32> -> vector<16xf32>
        %get3A_1391 = arith.index_cast %add3A_1359 : i32 to index
        %get3A_1392 = arith.constant 16 : index
        %get3A_1393 = tpu.vector_load %arg16[%get3A_1391, %get3A_1392] {strides = array<i32>} : memref<80x128xf32, #tpu.memory_space<vmem>>, vector<1x16xf32>,
        %get3A_1394 = vector.shape_cast %get3A_1393 : vector<1x16xf32> to vector<16xf32>
        %add3A_1395 = arith.addf %get3A_1394, %bitcast_convert_type3A_1390 : vector<16xf32>
        %max3A_1396 = arith.maximumf %add3A_1395, %broadcast_in_dim3A_397 : vector<16xf32>
        %swap3A_1397 = arith.index_cast %add3A_1359 : i32 to index
        %swap3A_1398 = arith.constant 16 : index
        %swap3A_1399 = tpu.vector_load %arg16[%swap3A_1397, %swap3A_1398] {strides = array<i32>} : memref<80x128xf32, #tpu.memory_space<vmem>>, vector<1x16xf32>,
        %swap3A_1400 = vector.shape_cast %swap3A_1399 : vector<1x16xf32> to vector<16xf32>
        %swap3A_1401 = vector.shape_cast %max3A_1396 : vector<16xf32> to vector<1x16xf32>
        tpu.vector_store %arg16[%swap3A_1397, %swap3A_1398], %swap3A_1401 {strides = array<i32>} : memref<80x128xf32, #tpu.memory_space<vmem>>, vector<1x16xf32>,
        %get3A_1402 = arith.index_cast %add3A_1359 : i32 to index
        %get3A_1403 = arith.constant 32 : index
        %get3A_1404 = tpu.vector_load %arg17[%get3A_1402, %get3A_1403] {strides = array<i32>} : memref<80x128xi32, #tpu.memory_space<vmem>>, vector<1x16xi32>,
        %get3A_1405 = vector.shape_cast %get3A_1404 : vector<1x16xi32> to vector<16xi32>
        %shift_right_logical3A_1406 = vector.broadcast %mul3A_991 : i32 to vector<16xi32>
        %shift_right_logical3A_1407 = arith.shrui %get3A_1405, %shift_right_logical3A_1406 : vector<16xi32>
        %shift_left3A_1408 = arith.constant 16 : i32
        %shift_left3A_1409 = vector.broadcast %shift_left3A_1408 : i32 to vector<16xi32>
        %shift_left3A_1410 = arith.shli %shift_right_logical3A_1407, %shift_left3A_1409 : vector<16xi32>
        %bitcast_convert_type3A_1411 = tpu.bitcast %shift_left3A_1410 : vector<16xi32> -> vector<16xf32>
        %get3A_1412 = arith.index_cast %add3A_1359 : i32 to index
        %get3A_1413 = arith.constant 32 : index
        %get3A_1414 = tpu.vector_load %arg16[%get3A_1412, %get3A_1413] {strides = array<i32>} : memref<80x128xf32, #tpu.memory_space<vmem>>, vector<1x16xf32>,
        %get3A_1415 = vector.shape_cast %get3A_1414 : vector<1x16xf32> to vector<16xf32>
        %add3A_1416 = arith.addf %get3A_1415, %bitcast_convert_type3A_1411 : vector<16xf32>
        %max3A_1417 = arith.maximumf %add3A_1416, %broadcast_in_dim3A_397 : vector<16xf32>
        %swap3A_1418 = arith.index_cast %add3A_1359 : i32 to index
        %swap3A_1419 = arith.constant 32 : index
        %swap3A_1420 = tpu.vector_load %arg16[%swap3A_1418, %swap3A_1419] {strides = array<i32>} : memref<80x128xf32, #tpu.memory_space<vmem>>, vector<1x16xf32>,
        %swap3A_1421 = vector.shape_cast %swap3A_1420 : vector<1x16xf32> to vector<16xf32>
        %swap3A_1422 = vector.shape_cast %max3A_1417 : vector<16xf32> to vector<1x16xf32>
        tpu.vector_store %arg16[%swap3A_1418, %swap3A_1419], %swap3A_1422 {strides = array<i32>} : memref<80x128xf32, #tpu.memory_space<vmem>>, vector<1x16xf32>,
        %get3A_1423 = arith.index_cast %add3A_1359 : i32 to index
        %get3A_1424 = arith.constant 48 : index
        %get3A_1425 = tpu.vector_load %arg17[%get3A_1423, %get3A_1424] {strides = array<i32>} : memref<80x128xi32, #tpu.memory_space<vmem>>, vector<1x16xi32>,
        %get3A_1426 = vector.shape_cast %get3A_1425 : vector<1x16xi32> to vector<16xi32>
        %shift_right_logical3A_1427 = vector.broadcast %mul3A_991 : i32 to vector<16xi32>
        %shift_right_logical3A_1428 = arith.shrui %get3A_1426, %shift_right_logical3A_1427 : vector<16xi32>
        %shift_left3A_1429 = arith.constant 16 : i32
        %shift_left3A_1430 = vector.broadcast %shift_left3A_1429 : i32 to vector<16xi32>
        %shift_left3A_1431 = arith.shli %shift_right_logical3A_1428, %shift_left3A_1430 : vector<16xi32>
        %bitcast_convert_type3A_1432 = tpu.bitcast %shift_left3A_1431 : vector<16xi32> -> vector<16xf32>
        %get3A_1433 = arith.index_cast %add3A_1359 : i32 to index
        %get3A_1434 = arith.constant 48 : index
        %get3A_1435 = tpu.vector_load %arg16[%get3A_1433, %get3A_1434] {strides = array<i32>} : memref<80x128xf32, #tpu.memory_space<vmem>>, vector<1x16xf32>,
        %get3A_1436 = vector.shape_cast %get3A_1435 : vector<1x16xf32> to vector<16xf32>
        %add3A_1437 = arith.addf %get3A_1436, %bitcast_convert_type3A_1432 : vector<16xf32>
        %max3A_1438 = arith.maximumf %add3A_1437, %broadcast_in_dim3A_397 : vector<16xf32>
        %swap3A_1439 = arith.index_cast %add3A_1359 : i32 to index
        %swap3A_1440 = arith.constant 48 : index
        %swap3A_1441 = tpu.vector_load %arg16[%swap3A_1439, %swap3A_1440] {strides = array<i32>} : memref<80x128xf32, #tpu.memory_space<vmem>>, vector<1x16xf32>,
        %swap3A_1442 = vector.shape_cast %swap3A_1441 : vector<1x16xf32> to vector<16xf32>
        %swap3A_1443 = vector.shape_cast %max3A_1438 : vector<16xf32> to vector<1x16xf32>
        tpu.vector_store %arg16[%swap3A_1439, %swap3A_1440], %swap3A_1443 {strides = array<i32>} : memref<80x128xf32, #tpu.memory_space<vmem>>, vector<1x16xf32>,
        %get3A_1444 = arith.index_cast %add3A_1359 : i32 to index
        %get3A_1445 = arith.constant 64 : index
        %get3A_1446 = tpu.vector_load %arg17[%get3A_1444, %get3A_1445] {strides = array<i32>} : memref<80x128xi32, #tpu.memory_space<vmem>>, vector<1x16xi32>,
        %get3A_1447 = vector.shape_cast %get3A_1446 : vector<1x16xi32> to vector<16xi32>
        %shift_right_logical3A_1448 = vector.broadcast %mul3A_991 : i32 to vector<16xi32>
        %shift_right_logical3A_1449 = arith.shrui %get3A_1447, %shift_right_logical3A_1448 : vector<16xi32>
        %shift_left3A_1450 = arith.constant 16 : i32
        %shift_left3A_1451 = vector.broadcast %shift_left3A_1450 : i32 to vector<16xi32>
        %shift_left3A_1452 = arith.shli %shift_right_logical3A_1449, %shift_left3A_1451 : vector<16xi32>
        %bitcast_convert_type3A_1453 = tpu.bitcast %shift_left3A_1452 : vector<16xi32> -> vector<16xf32>
        %get3A_1454 = arith.index_cast %add3A_1359 : i32 to index
        %get3A_1455 = arith.constant 64 : index
        %get3A_1456 = tpu.vector_load %arg16[%get3A_1454, %get3A_1455] {strides = array<i32>} : memref<80x128xf32, #tpu.memory_space<vmem>>, vector<1x16xf32>,
        %get3A_1457 = vector.shape_cast %get3A_1456 : vector<1x16xf32> to vector<16xf32>
        %add3A_1458 = arith.addf %get3A_1457, %bitcast_convert_type3A_1453 : vector<16xf32>
        %max3A_1459 = arith.maximumf %add3A_1458, %broadcast_in_dim3A_397 : vector<16xf32>
        %swap3A_1460 = arith.index_cast %add3A_1359 : i32 to index
        %swap3A_1461 = arith.constant 64 : index
        %swap3A_1462 = tpu.vector_load %arg16[%swap3A_1460, %swap3A_1461] {strides = array<i32>} : memref<80x128xf32, #tpu.memory_space<vmem>>, vector<1x16xf32>,
        %swap3A_1463 = vector.shape_cast %swap3A_1462 : vector<1x16xf32> to vector<16xf32>
        %swap3A_1464 = vector.shape_cast %max3A_1459 : vector<16xf32> to vector<1x16xf32>
        tpu.vector_store %arg16[%swap3A_1460, %swap3A_1461], %swap3A_1464 {strides = array<i32>} : memref<80x128xf32, #tpu.memory_space<vmem>>, vector<1x16xf32>,
        %get3A_1465 = arith.index_cast %add3A_1359 : i32 to index
        %get3A_1466 = arith.constant 80 : index
        %get3A_1467 = tpu.vector_load %arg17[%get3A_1465, %get3A_1466] {strides = array<i32>} : memref<80x128xi32, #tpu.memory_space<vmem>>, vector<1x16xi32>,
        %get3A_1468 = vector.shape_cast %get3A_1467 : vector<1x16xi32> to vector<16xi32>
        %shift_right_logical3A_1469 = vector.broadcast %mul3A_991 : i32 to vector<16xi32>
        %shift_right_logical3A_1470 = arith.shrui %get3A_1468, %shift_right_logical3A_1469 : vector<16xi32>
        %shift_left3A_1471 = arith.constant 16 : i32
        %shift_left3A_1472 = vector.broadcast %shift_left3A_1471 : i32 to vector<16xi32>
        %shift_left3A_1473 = arith.shli %shift_right_logical3A_1470, %shift_left3A_1472 : vector<16xi32>
        %bitcast_convert_type3A_1474 = tpu.bitcast %shift_left3A_1473 : vector<16xi32> -> vector<16xf32>
        %get3A_1475 = arith.index_cast %add3A_1359 : i32 to index
        %get3A_1476 = arith.constant 80 : index
        %get3A_1477 = tpu.vector_load %arg16[%get3A_1475, %get3A_1476] {strides = array<i32>} : memref<80x128xf32, #tpu.memory_space<vmem>>, vector<1x16xf32>,
        %get3A_1478 = vector.shape_cast %get3A_1477 : vector<1x16xf32> to vector<16xf32>
        %add3A_1479 = arith.addf %get3A_1478, %bitcast_convert_type3A_1474 : vector<16xf32>
        %max3A_1480 = arith.maximumf %add3A_1479, %broadcast_in_dim3A_397 : vector<16xf32>
        %swap3A_1481 = arith.index_cast %add3A_1359 : i32 to index
        %swap3A_1482 = arith.constant 80 : index
        %swap3A_1483 = tpu.vector_load %arg16[%swap3A_1481, %swap3A_1482] {strides = array<i32>} : memref<80x128xf32, #tpu.memory_space<vmem>>, vector<1x16xf32>,
        %swap3A_1484 = vector.shape_cast %swap3A_1483 : vector<1x16xf32> to vector<16xf32>
        %swap3A_1485 = vector.shape_cast %max3A_1480 : vector<16xf32> to vector<1x16xf32>
        tpu.vector_store %arg16[%swap3A_1481, %swap3A_1482], %swap3A_1485 {strides = array<i32>} : memref<80x128xf32, #tpu.memory_space<vmem>>, vector<1x16xf32>,
        %get3A_1486 = arith.index_cast %add3A_1359 : i32 to index
        %get3A_1487 = arith.constant 96 : index
        %get3A_1488 = tpu.vector_load %arg17[%get3A_1486, %get3A_1487] {strides = array<i32>} : memref<80x128xi32, #tpu.memory_space<vmem>>, vector<1x16xi32>,
        %get3A_1489 = vector.shape_cast %get3A_1488 : vector<1x16xi32> to vector<16xi32>
        %shift_right_logical3A_1490 = vector.broadcast %mul3A_991 : i32 to vector<16xi32>
        %shift_right_logical3A_1491 = arith.shrui %get3A_1489, %shift_right_logical3A_1490 : vector<16xi32>
        %shift_left3A_1492 = arith.constant 16 : i32
        %shift_left3A_1493 = vector.broadcast %shift_left3A_1492 : i32 to vector<16xi32>
        %shift_left3A_1494 = arith.shli %shift_right_logical3A_1491, %shift_left3A_1493 : vector<16xi32>
        %bitcast_convert_type3A_1495 = tpu.bitcast %shift_left3A_1494 : vector<16xi32> -> vector<16xf32>
        %get3A_1496 = arith.index_cast %add3A_1359 : i32 to index
        %get3A_1497 = arith.constant 96 : index
        %get3A_1498 = tpu.vector_load %arg16[%get3A_1496, %get3A_1497] {strides = array<i32>} : memref<80x128xf32, #tpu.memory_space<vmem>>, vector<1x16xf32>,
        %get3A_1499 = vector.shape_cast %get3A_1498 : vector<1x16xf32> to vector<16xf32>
        %add3A_1500 = arith.addf %get3A_1499, %bitcast_convert_type3A_1495 : vector<16xf32>
        %max3A_1501 = arith.maximumf %add3A_1500, %broadcast_in_dim3A_397 : vector<16xf32>
        %swap3A_1502 = arith.index_cast %add3A_1359 : i32 to index
        %swap3A_1503 = arith.constant 96 : index
        %swap3A_1504 = tpu.vector_load %arg16[%swap3A_1502, %swap3A_1503] {strides = array<i32>} : memref<80x128xf32, #tpu.memory_space<vmem>>, vector<1x16xf32>,
        %swap3A_1505 = vector.shape_cast %swap3A_1504 : vector<1x16xf32> to vector<16xf32>
        %swap3A_1506 = vector.shape_cast %max3A_1501 : vector<16xf32> to vector<1x16xf32>
        tpu.vector_store %arg16[%swap3A_1502, %swap3A_1503], %swap3A_1506 {strides = array<i32>} : memref<80x128xf32, #tpu.memory_space<vmem>>, vector<1x16xf32>,
        %get3A_1507 = arith.index_cast %add3A_1359 : i32 to index
        %get3A_1508 = arith.constant 112 : index
        %get3A_1509 = tpu.vector_load %arg17[%get3A_1507, %get3A_1508] {strides = array<i32>} : memref<80x128xi32, #tpu.memory_space<vmem>>, vector<1x16xi32>,
        %get3A_1510 = vector.shape_cast %get3A_1509 : vector<1x16xi32> to vector<16xi32>
        %shift_right_logical3A_1511 = vector.broadcast %mul3A_991 : i32 to vector<16xi32>
        %shift_right_logical3A_1512 = arith.shrui %get3A_1510, %shift_right_logical3A_1511 : vector<16xi32>
        %shift_left3A_1513 = arith.constant 16 : i32
        %shift_left3A_1514 = vector.broadcast %shift_left3A_1513 : i32 to vector<16xi32>
        %shift_left3A_1515 = arith.shli %shift_right_logical3A_1512, %shift_left3A_1514 : vector<16xi32>
        %bitcast_convert_type3A_1516 = tpu.bitcast %shift_left3A_1515 : vector<16xi32> -> vector<16xf32>
        %get3A_1517 = arith.index_cast %add3A_1359 : i32 to index
        %get3A_1518 = arith.constant 112 : index
        %get3A_1519 = tpu.vector_load %arg16[%get3A_1517, %get3A_1518] {strides = array<i32>} : memref<80x128xf32, #tpu.memory_space<vmem>>, vector<1x16xf32>,
        %get3A_1520 = vector.shape_cast %get3A_1519 : vector<1x16xf32> to vector<16xf32>
        %add3A_1521 = arith.addf %get3A_1520, %bitcast_convert_type3A_1516 : vector<16xf32>
        %max3A_1522 = arith.maximumf %add3A_1521, %broadcast_in_dim3A_397 : vector<16xf32>
        %swap3A_1523 = arith.index_cast %add3A_1359 : i32 to index
        %swap3A_1524 = arith.constant 112 : index
        %swap3A_1525 = tpu.vector_load %arg16[%swap3A_1523, %swap3A_1524] {strides = array<i32>} : memref<80x128xf32, #tpu.memory_space<vmem>>, vector<1x16xf32>,
        %swap3A_1526 = vector.shape_cast %swap3A_1525 : vector<1x16xf32> to vector<16xf32>
        %swap3A_1527 = vector.shape_cast %max3A_1522 : vector<16xf32> to vector<1x16xf32>
        tpu.vector_store %arg16[%swap3A_1523, %swap3A_1524], %swap3A_1527 {strides = array<i32>} : memref<80x128xf32, #tpu.memory_space<vmem>>, vector<1x16xf32>,
        %mul3A_1528 = arith.constant 4 : i32
        %mul3A_1529 = arith.muli %scan3A_1187, %mul3A_1528 : i32
        %add3A_1530 = arith.constant 2 : i32
        %add3A_1531 = arith.addi %mul3A_1529, %add3A_1530 : i32
        %get3A_1532 = arith.index_cast %add3A_1531 : i32 to index
        %get3A_1533 = arith.constant 0 : index
        %get3A_1534 = tpu.vector_load %arg17[%get3A_1532, %get3A_1533] {strides = array<i32>} : memref<80x128xi32, #tpu.memory_space<vmem>>, vector<1x16xi32>,
        %get3A_1535 = vector.shape_cast %get3A_1534 : vector<1x16xi32> to vector<16xi32>
        %shift_right_logical3A_1536 = vector.broadcast %mul3A_991 : i32 to vector<16xi32>
        %shift_right_logical3A_1537 = arith.shrui %get3A_1535, %shift_right_logical3A_1536 : vector<16xi32>
        %shift_left3A_1538 = arith.constant 16 : i32
        %shift_left3A_1539 = vector.broadcast %shift_left3A_1538 : i32 to vector<16xi32>
        %shift_left3A_1540 = arith.shli %shift_right_logical3A_1537, %shift_left3A_1539 : vector<16xi32>
        %bitcast_convert_type3A_1541 = tpu.bitcast %shift_left3A_1540 : vector<16xi32> -> vector<16xf32>
        %get3A_1542 = arith.index_cast %add3A_1531 : i32 to index
        %get3A_1543 = arith.constant 0 : index
        %get3A_1544 = tpu.vector_load %arg16[%get3A_1542, %get3A_1543] {strides = array<i32>} : memref<80x128xf32, #tpu.memory_space<vmem>>, vector<1x16xf32>,
        %get3A_1545 = vector.shape_cast %get3A_1544 : vector<1x16xf32> to vector<16xf32>
        %add3A_1546 = arith.addf %get3A_1545, %bitcast_convert_type3A_1541 : vector<16xf32>
        %max3A_1547 = arith.maximumf %add3A_1546, %broadcast_in_dim3A_397 : vector<16xf32>
        %swap3A_1548 = arith.index_cast %add3A_1531 : i32 to index
        %swap3A_1549 = arith.constant 0 : index
        %swap3A_1550 = tpu.vector_load %arg16[%swap3A_1548, %swap3A_1549] {strides = array<i32>} : memref<80x128xf32, #tpu.memory_space<vmem>>, vector<1x16xf32>,
        %swap3A_1551 = vector.shape_cast %swap3A_1550 : vector<1x16xf32> to vector<16xf32>
        %swap3A_1552 = vector.shape_cast %max3A_1547 : vector<16xf32> to vector<1x16xf32>
        tpu.vector_store %arg16[%swap3A_1548, %swap3A_1549], %swap3A_1552 {strides = array<i32>} : memref<80x128xf32, #tpu.memory_space<vmem>>, vector<1x16xf32>,
        %get3A_1553 = arith.index_cast %add3A_1531 : i32 to index
        %get3A_1554 = arith.constant 16 : index
        %get3A_1555 = tpu.vector_load %arg17[%get3A_1553, %get3A_1554] {strides = array<i32>} : memref<80x128xi32, #tpu.memory_space<vmem>>, vector<1x16xi32>,
        %get3A_1556 = vector.shape_cast %get3A_1555 : vector<1x16xi32> to vector<16xi32>
        %shift_right_logical3A_1557 = vector.broadcast %mul3A_991 : i32 to vector<16xi32>
        %shift_right_logical3A_1558 = arith.shrui %get3A_1556, %shift_right_logical3A_1557 : vector<16xi32>
        %shift_left3A_1559 = arith.constant 16 : i32
        %shift_left3A_1560 = vector.broadcast %shift_left3A_1559 : i32 to vector<16xi32>
        %shift_left3A_1561 = arith.shli %shift_right_logical3A_1558, %shift_left3A_1560 : vector<16xi32>
        %bitcast_convert_type3A_1562 = tpu.bitcast %shift_left3A_1561 : vector<16xi32> -> vector<16xf32>
        %get3A_1563 = arith.index_cast %add3A_1531 : i32 to index
        %get3A_1564 = arith.constant 16 : index
        %get3A_1565 = tpu.vector_load %arg16[%get3A_1563, %get3A_1564] {strides = array<i32>} : memref<80x128xf32, #tpu.memory_space<vmem>>, vector<1x16xf32>,
        %get3A_1566 = vector.shape_cast %get3A_1565 : vector<1x16xf32> to vector<16xf32>
        %add3A_1567 = arith.addf %get3A_1566, %bitcast_convert_type3A_1562 : vector<16xf32>
        %max3A_1568 = arith.maximumf %add3A_1567, %broadcast_in_dim3A_397 : vector<16xf32>
        %swap3A_1569 = arith.index_cast %add3A_1531 : i32 to index
        %swap3A_1570 = arith.constant 16 : index
        %swap3A_1571 = tpu.vector_load %arg16[%swap3A_1569, %swap3A_1570] {strides = array<i32>} : memref<80x128xf32, #tpu.memory_space<vmem>>, vector<1x16xf32>,
        %swap3A_1572 = vector.shape_cast %swap3A_1571 : vector<1x16xf32> to vector<16xf32>
        %swap3A_1573 = vector.shape_cast %max3A_1568 : vector<16xf32> to vector<1x16xf32>
        tpu.vector_store %arg16[%swap3A_1569, %swap3A_1570], %swap3A_1573 {strides = array<i32>} : memref<80x128xf32, #tpu.memory_space<vmem>>, vector<1x16xf32>,
        %get3A_1574 = arith.index_cast %add3A_1531 : i32 to index
        %get3A_1575 = arith.constant 32 : index
        %get3A_1576 = tpu.vector_load %arg17[%get3A_1574, %get3A_1575] {strides = array<i32>} : memref<80x128xi32, #tpu.memory_space<vmem>>, vector<1x16xi32>,
        %get3A_1577 = vector.shape_cast %get3A_1576 : vector<1x16xi32> to vector<16xi32>
        %shift_right_logical3A_1578 = vector.broadcast %mul3A_991 : i32 to vector<16xi32>
        %shift_right_logical3A_1579 = arith.shrui %get3A_1577, %shift_right_logical3A_1578 : vector<16xi32>
        %shift_left3A_1580 = arith.constant 16 : i32
        %shift_left3A_1581 = vector.broadcast %shift_left3A_1580 : i32 to vector<16xi32>
        %shift_left3A_1582 = arith.shli %shift_right_logical3A_1579, %shift_left3A_1581 : vector<16xi32>
        %bitcast_convert_type3A_1583 = tpu.bitcast %shift_left3A_1582 : vector<16xi32> -> vector<16xf32>
        %get3A_1584 = arith.index_cast %add3A_1531 : i32 to index
        %get3A_1585 = arith.constant 32 : index
        %get3A_1586 = tpu.vector_load %arg16[%get3A_1584, %get3A_1585] {strides = array<i32>} : memref<80x128xf32, #tpu.memory_space<vmem>>, vector<1x16xf32>,
        %get3A_1587 = vector.shape_cast %get3A_1586 : vector<1x16xf32> to vector<16xf32>
        %add3A_1588 = arith.addf %get3A_1587, %bitcast_convert_type3A_1583 : vector<16xf32>
        %max3A_1589 = arith.maximumf %add3A_1588, %broadcast_in_dim3A_397 : vector<16xf32>
        %swap3A_1590 = arith.index_cast %add3A_1531 : i32 to index
        %swap3A_1591 = arith.constant 32 : index
        %swap3A_1592 = tpu.vector_load %arg16[%swap3A_1590, %swap3A_1591] {strides = array<i32>} : memref<80x128xf32, #tpu.memory_space<vmem>>, vector<1x16xf32>,
        %swap3A_1593 = vector.shape_cast %swap3A_1592 : vector<1x16xf32> to vector<16xf32>
        %swap3A_1594 = vector.shape_cast %max3A_1589 : vector<16xf32> to vector<1x16xf32>
        tpu.vector_store %arg16[%swap3A_1590, %swap3A_1591], %swap3A_1594 {strides = array<i32>} : memref<80x128xf32, #tpu.memory_space<vmem>>, vector<1x16xf32>,
        %get3A_1595 = arith.index_cast %add3A_1531 : i32 to index
        %get3A_1596 = arith.constant 48 : index
        %get3A_1597 = tpu.vector_load %arg17[%get3A_1595, %get3A_1596] {strides = array<i32>} : memref<80x128xi32, #tpu.memory_space<vmem>>, vector<1x16xi32>,
        %get3A_1598 = vector.shape_cast %get3A_1597 : vector<1x16xi32> to vector<16xi32>
        %shift_right_logical3A_1599 = vector.broadcast %mul3A_991 : i32 to vector<16xi32>
        %shift_right_logical3A_1600 = arith.shrui %get3A_1598, %shift_right_logical3A_1599 : vector<16xi32>
        %shift_left3A_1601 = arith.constant 16 : i32
        %shift_left3A_1602 = vector.broadcast %shift_left3A_1601 : i32 to vector<16xi32>
        %shift_left3A_1603 = arith.shli %shift_right_logical3A_1600, %shift_left3A_1602 : vector<16xi32>
        %bitcast_convert_type3A_1604 = tpu.bitcast %shift_left3A_1603 : vector<16xi32> -> vector<16xf32>
        %get3A_1605 = arith.index_cast %add3A_1531 : i32 to index
        %get3A_1606 = arith.constant 48 : index
        %get3A_1607 = tpu.vector_load %arg16[%get3A_1605, %get3A_1606] {strides = array<i32>} : memref<80x128xf32, #tpu.memory_space<vmem>>, vector<1x16xf32>,
        %get3A_1608 = vector.shape_cast %get3A_1607 : vector<1x16xf32> to vector<16xf32>
        %add3A_1609 = arith.addf %get3A_1608, %bitcast_convert_type3A_1604 : vector<16xf32>
        %max3A_1610 = arith.maximumf %add3A_1609, %broadcast_in_dim3A_397 : vector<16xf32>
        %swap3A_1611 = arith.index_cast %add3A_1531 : i32 to index
        %swap3A_1612 = arith.constant 48 : index
        %swap3A_1613 = tpu.vector_load %arg16[%swap3A_1611, %swap3A_1612] {strides = array<i32>} : memref<80x128xf32, #tpu.memory_space<vmem>>, vector<1x16xf32>,
        %swap3A_1614 = vector.shape_cast %swap3A_1613 : vector<1x16xf32> to vector<16xf32>
        %swap3A_1615 = vector.shape_cast %max3A_1610 : vector<16xf32> to vector<1x16xf32>
        tpu.vector_store %arg16[%swap3A_1611, %swap3A_1612], %swap3A_1615 {strides = array<i32>} : memref<80x128xf32, #tpu.memory_space<vmem>>, vector<1x16xf32>,
        %get3A_1616 = arith.index_cast %add3A_1531 : i32 to index
        %get3A_1617 = arith.constant 64 : index
        %get3A_1618 = tpu.vector_load %arg17[%get3A_1616, %get3A_1617] {strides = array<i32>} : memref<80x128xi32, #tpu.memory_space<vmem>>, vector<1x16xi32>,
        %get3A_1619 = vector.shape_cast %get3A_1618 : vector<1x16xi32> to vector<16xi32>
        %shift_right_logical3A_1620 = vector.broadcast %mul3A_991 : i32 to vector<16xi32>
        %shift_right_logical3A_1621 = arith.shrui %get3A_1619, %shift_right_logical3A_1620 : vector<16xi32>
        %shift_left3A_1622 = arith.constant 16 : i32
        %shift_left3A_1623 = vector.broadcast %shift_left3A_1622 : i32 to vector<16xi32>
        %shift_left3A_1624 = arith.shli %shift_right_logical3A_1621, %shift_left3A_1623 : vector<16xi32>
        %bitcast_convert_type3A_1625 = tpu.bitcast %shift_left3A_1624 : vector<16xi32> -> vector<16xf32>
        %get3A_1626 = arith.index_cast %add3A_1531 : i32 to index
        %get3A_1627 = arith.constant 64 : index
        %get3A_1628 = tpu.vector_load %arg16[%get3A_1626, %get3A_1627] {strides = array<i32>} : memref<80x128xf32, #tpu.memory_space<vmem>>, vector<1x16xf32>,
        %get3A_1629 = vector.shape_cast %get3A_1628 : vector<1x16xf32> to vector<16xf32>
        %add3A_1630 = arith.addf %get3A_1629, %bitcast_convert_type3A_1625 : vector<16xf32>
        %max3A_1631 = arith.maximumf %add3A_1630, %broadcast_in_dim3A_397 : vector<16xf32>
        %swap3A_1632 = arith.index_cast %add3A_1531 : i32 to index
        %swap3A_1633 = arith.constant 64 : index
        %swap3A_1634 = tpu.vector_load %arg16[%swap3A_1632, %swap3A_1633] {strides = array<i32>} : memref<80x128xf32, #tpu.memory_space<vmem>>, vector<1x16xf32>,
        %swap3A_1635 = vector.shape_cast %swap3A_1634 : vector<1x16xf32> to vector<16xf32>
        %swap3A_1636 = vector.shape_cast %max3A_1631 : vector<16xf32> to vector<1x16xf32>
        tpu.vector_store %arg16[%swap3A_1632, %swap3A_1633], %swap3A_1636 {strides = array<i32>} : memref<80x128xf32, #tpu.memory_space<vmem>>, vector<1x16xf32>,
        %get3A_1637 = arith.index_cast %add3A_1531 : i32 to index
        %get3A_1638 = arith.constant 80 : index
        %get3A_1639 = tpu.vector_load %arg17[%get3A_1637, %get3A_1638] {strides = array<i32>} : memref<80x128xi32, #tpu.memory_space<vmem>>, vector<1x16xi32>,
        %get3A_1640 = vector.shape_cast %get3A_1639 : vector<1x16xi32> to vector<16xi32>
        %shift_right_logical3A_1641 = vector.broadcast %mul3A_991 : i32 to vector<16xi32>
        %shift_right_logical3A_1642 = arith.shrui %get3A_1640, %shift_right_logical3A_1641 : vector<16xi32>
        %shift_left3A_1643 = arith.constant 16 : i32
        %shift_left3A_1644 = vector.broadcast %shift_left3A_1643 : i32 to vector<16xi32>
        %shift_left3A_1645 = arith.shli %shift_right_logical3A_1642, %shift_left3A_1644 : vector<16xi32>
        %bitcast_convert_type3A_1646 = tpu.bitcast %shift_left3A_1645 : vector<16xi32> -> vector<16xf32>
        %get3A_1647 = arith.index_cast %add3A_1531 : i32 to index
        %get3A_1648 = arith.constant 80 : index
        %get3A_1649 = tpu.vector_load %arg16[%get3A_1647, %get3A_1648] {strides = array<i32>} : memref<80x128xf32, #tpu.memory_space<vmem>>, vector<1x16xf32>,
        %get3A_1650 = vector.shape_cast %get3A_1649 : vector<1x16xf32> to vector<16xf32>
        %add3A_1651 = arith.addf %get3A_1650, %bitcast_convert_type3A_1646 : vector<16xf32>
        %max3A_1652 = arith.maximumf %add3A_1651, %broadcast_in_dim3A_397 : vector<16xf32>
        %swap3A_1653 = arith.index_cast %add3A_1531 : i32 to index
        %swap3A_1654 = arith.constant 80 : index
        %swap3A_1655 = tpu.vector_load %arg16[%swap3A_1653, %swap3A_1654] {strides = array<i32>} : memref<80x128xf32, #tpu.memory_space<vmem>>, vector<1x16xf32>,
        %swap3A_1656 = vector.shape_cast %swap3A_1655 : vector<1x16xf32> to vector<16xf32>
        %swap3A_1657 = vector.shape_cast %max3A_1652 : vector<16xf32> to vector<1x16xf32>
        tpu.vector_store %arg16[%swap3A_1653, %swap3A_1654], %swap3A_1657 {strides = array<i32>} : memref<80x128xf32, #tpu.memory_space<vmem>>, vector<1x16xf32>,
        %get3A_1658 = arith.index_cast %add3A_1531 : i32 to index
        %get3A_1659 = arith.constant 96 : index
        %get3A_1660 = tpu.vector_load %arg17[%get3A_1658, %get3A_1659] {strides = array<i32>} : memref<80x128xi32, #tpu.memory_space<vmem>>, vector<1x16xi32>,
        %get3A_1661 = vector.shape_cast %get3A_1660 : vector<1x16xi32> to vector<16xi32>
        %shift_right_logical3A_1662 = vector.broadcast %mul3A_991 : i32 to vector<16xi32>
        %shift_right_logical3A_1663 = arith.shrui %get3A_1661, %shift_right_logical3A_1662 : vector<16xi32>
        %shift_left3A_1664 = arith.constant 16 : i32
        %shift_left3A_1665 = vector.broadcast %shift_left3A_1664 : i32 to vector<16xi32>
        %shift_left3A_1666 = arith.shli %shift_right_logical3A_1663, %shift_left3A_1665 : vector<16xi32>
        %bitcast_convert_type3A_1667 = tpu.bitcast %shift_left3A_1666 : vector<16xi32> -> vector<16xf32>
        %get3A_1668 = arith.index_cast %add3A_1531 : i32 to index
        %get3A_1669 = arith.constant 96 : index
        %get3A_1670 = tpu.vector_load %arg16[%get3A_1668, %get3A_1669] {strides = array<i32>} : memref<80x128xf32, #tpu.memory_space<vmem>>, vector<1x16xf32>,
        %get3A_1671 = vector.shape_cast %get3A_1670 : vector<1x16xf32> to vector<16xf32>
        %add3A_1672 = arith.addf %get3A_1671, %bitcast_convert_type3A_1667 : vector<16xf32>
        %max3A_1673 = arith.maximumf %add3A_1672, %broadcast_in_dim3A_397 : vector<16xf32>
        %swap3A_1674 = arith.index_cast %add3A_1531 : i32 to index
        %swap3A_1675 = arith.constant 96 : index
        %swap3A_1676 = tpu.vector_load %arg16[%swap3A_1674, %swap3A_1675] {strides = array<i32>} : memref<80x128xf32, #tpu.memory_space<vmem>>, vector<1x16xf32>,
        %swap3A_1677 = vector.shape_cast %swap3A_1676 : vector<1x16xf32> to vector<16xf32>
        %swap3A_1678 = vector.shape_cast %max3A_1673 : vector<16xf32> to vector<1x16xf32>
        tpu.vector_store %arg16[%swap3A_1674, %swap3A_1675], %swap3A_1678 {strides = array<i32>} : memref<80x128xf32, #tpu.memory_space<vmem>>, vector<1x16xf32>,
        %get3A_1679 = arith.index_cast %add3A_1531 : i32 to index
        %get3A_1680 = arith.constant 112 : index
        %get3A_1681 = tpu.vector_load %arg17[%get3A_1679, %get3A_1680] {strides = array<i32>} : memref<80x128xi32, #tpu.memory_space<vmem>>, vector<1x16xi32>,
        %get3A_1682 = vector.shape_cast %get3A_1681 : vector<1x16xi32> to vector<16xi32>
        %shift_right_logical3A_1683 = vector.broadcast %mul3A_991 : i32 to vector<16xi32>
        %shift_right_logical3A_1684 = arith.shrui %get3A_1682, %shift_right_logical3A_1683 : vector<16xi32>
        %shift_left3A_1685 = arith.constant 16 : i32
        %shift_left3A_1686 = vector.broadcast %shift_left3A_1685 : i32 to vector<16xi32>
        %shift_left3A_1687 = arith.shli %shift_right_logical3A_1684, %shift_left3A_1686 : vector<16xi32>
        %bitcast_convert_type3A_1688 = tpu.bitcast %shift_left3A_1687 : vector<16xi32> -> vector<16xf32>
        %get3A_1689 = arith.index_cast %add3A_1531 : i32 to index
        %get3A_1690 = arith.constant 112 : index
        %get3A_1691 = tpu.vector_load %arg16[%get3A_1689, %get3A_1690] {strides = array<i32>} : memref<80x128xf32, #tpu.memory_space<vmem>>, vector<1x16xf32>,
        %get3A_1692 = vector.shape_cast %get3A_1691 : vector<1x16xf32> to vector<16xf32>
        %add3A_1693 = arith.addf %get3A_1692, %bitcast_convert_type3A_1688 : vector<16xf32>
        %max3A_1694 = arith.maximumf %add3A_1693, %broadcast_in_dim3A_397 : vector<16xf32>
        %swap3A_1695 = arith.index_cast %add3A_1531 : i32 to index
        %swap3A_1696 = arith.constant 112 : index
        %swap3A_1697 = tpu.vector_load %arg16[%swap3A_1695, %swap3A_1696] {strides = array<i32>} : memref<80x128xf32, #tpu.memory_space<vmem>>, vector<1x16xf32>,
        %swap3A_1698 = vector.shape_cast %swap3A_1697 : vector<1x16xf32> to vector<16xf32>
        %swap3A_1699 = vector.shape_cast %max3A_1694 : vector<16xf32> to vector<1x16xf32>
        tpu.vector_store %arg16[%swap3A_1695, %swap3A_1696], %swap3A_1699 {strides = array<i32>} : memref<80x128xf32, #tpu.memory_space<vmem>>, vector<1x16xf32>,
        %mul3A_1700 = arith.constant 4 : i32
        %mul3A_1701 = arith.muli %scan3A_1187, %mul3A_1700 : i32
        %add3A_1702 = arith.constant 3 : i32
        %add3A_1703 = arith.addi %mul3A_1701, %add3A_1702 : i32
        %get3A_1704 = arith.index_cast %add3A_1703 : i32 to index
        %get3A_1705 = arith.constant 0 : index
        %get3A_1706 = tpu.vector_load %arg17[%get3A_1704, %get3A_1705] {strides = array<i32>} : memref<80x128xi32, #tpu.memory_space<vmem>>, vector<1x16xi32>,
        %get3A_1707 = vector.shape_cast %get3A_1706 : vector<1x16xi32> to vector<16xi32>
        %shift_right_logical3A_1708 = vector.broadcast %mul3A_991 : i32 to vector<16xi32>
        %shift_right_logical3A_1709 = arith.shrui %get3A_1707, %shift_right_logical3A_1708 : vector<16xi32>
        %shift_left3A_1710 = arith.constant 16 : i32
        %shift_left3A_1711 = vector.broadcast %shift_left3A_1710 : i32 to vector<16xi32>
        %shift_left3A_1712 = arith.shli %shift_right_logical3A_1709, %shift_left3A_1711 : vector<16xi32>
        %bitcast_convert_type3A_1713 = tpu.bitcast %shift_left3A_1712 : vector<16xi32> -> vector<16xf32>
        %get3A_1714 = arith.index_cast %add3A_1703 : i32 to index
        %get3A_1715 = arith.constant 0 : index
        %get3A_1716 = tpu.vector_load %arg16[%get3A_1714, %get3A_1715] {strides = array<i32>} : memref<80x128xf32, #tpu.memory_space<vmem>>, vector<1x16xf32>,
        %get3A_1717 = vector.shape_cast %get3A_1716 : vector<1x16xf32> to vector<16xf32>
        %add3A_1718 = arith.addf %get3A_1717, %bitcast_convert_type3A_1713 : vector<16xf32>
        %max3A_1719 = arith.maximumf %add3A_1718, %broadcast_in_dim3A_397 : vector<16xf32>
        %swap3A_1720 = arith.index_cast %add3A_1703 : i32 to index
        %swap3A_1721 = arith.constant 0 : index
        %swap3A_1722 = tpu.vector_load %arg16[%swap3A_1720, %swap3A_1721] {strides = array<i32>} : memref<80x128xf32, #tpu.memory_space<vmem>>, vector<1x16xf32>,
        %swap3A_1723 = vector.shape_cast %swap3A_1722 : vector<1x16xf32> to vector<16xf32>
        %swap3A_1724 = vector.shape_cast %max3A_1719 : vector<16xf32> to vector<1x16xf32>
        tpu.vector_store %arg16[%swap3A_1720, %swap3A_1721], %swap3A_1724 {strides = array<i32>} : memref<80x128xf32, #tpu.memory_space<vmem>>, vector<1x16xf32>,
        %get3A_1725 = arith.index_cast %add3A_1703 : i32 to index
        %get3A_1726 = arith.constant 16 : index
        %get3A_1727 = tpu.vector_load %arg17[%get3A_1725, %get3A_1726] {strides = array<i32>} : memref<80x128xi32, #tpu.memory_space<vmem>>, vector<1x16xi32>,
        %get3A_1728 = vector.shape_cast %get3A_1727 : vector<1x16xi32> to vector<16xi32>
        %shift_right_logical3A_1729 = vector.broadcast %mul3A_991 : i32 to vector<16xi32>
        %shift_right_logical3A_1730 = arith.shrui %get3A_1728, %shift_right_logical3A_1729 : vector<16xi32>
        %shift_left3A_1731 = arith.constant 16 : i32
        %shift_left3A_1732 = vector.broadcast %shift_left3A_1731 : i32 to vector<16xi32>
        %shift_left3A_1733 = arith.shli %shift_right_logical3A_1730, %shift_left3A_1732 : vector<16xi32>
        %bitcast_convert_type3A_1734 = tpu.bitcast %shift_left3A_1733 : vector<16xi32> -> vector<16xf32>
        %get3A_1735 = arith.index_cast %add3A_1703 : i32 to index
        %get3A_1736 = arith.constant 16 : index
        %get3A_1737 = tpu.vector_load %arg16[%get3A_1735, %get3A_1736] {strides = array<i32>} : memref<80x128xf32, #tpu.memory_space<vmem>>, vector<1x16xf32>,
        %get3A_1738 = vector.shape_cast %get3A_1737 : vector<1x16xf32> to vector<16xf32>
        %add3A_1739 = arith.addf %get3A_1738, %bitcast_convert_type3A_1734 : vector<16xf32>
        %max3A_1740 = arith.maximumf %add3A_1739, %broadcast_in_dim3A_397 : vector<16xf32>
        %swap3A_1741 = arith.index_cast %add3A_1703 : i32 to index
        %swap3A_1742 = arith.constant 16 : index
        %swap3A_1743 = tpu.vector_load %arg16[%swap3A_1741, %swap3A_1742] {strides = array<i32>} : memref<80x128xf32, #tpu.memory_space<vmem>>, vector<1x16xf32>,
        %swap3A_1744 = vector.shape_cast %swap3A_1743 : vector<1x16xf32> to vector<16xf32>
        %swap3A_1745 = vector.shape_cast %max3A_1740 : vector<16xf32> to vector<1x16xf32>
        tpu.vector_store %arg16[%swap3A_1741, %swap3A_1742], %swap3A_1745 {strides = array<i32>} : memref<80x128xf32, #tpu.memory_space<vmem>>, vector<1x16xf32>,
        %get3A_1746 = arith.index_cast %add3A_1703 : i32 to index
        %get3A_1747 = arith.constant 32 : index
        %get3A_1748 = tpu.vector_load %arg17[%get3A_1746, %get3A_1747] {strides = array<i32>} : memref<80x128xi32, #tpu.memory_space<vmem>>, vector<1x16xi32>,
        %get3A_1749 = vector.shape_cast %get3A_1748 : vector<1x16xi32> to vector<16xi32>
        %shift_right_logical3A_1750 = vector.broadcast %mul3A_991 : i32 to vector<16xi32>
        %shift_right_logical3A_1751 = arith.shrui %get3A_1749, %shift_right_logical3A_1750 : vector<16xi32>
        %shift_left3A_1752 = arith.constant 16 : i32
        %shift_left3A_1753 = vector.broadcast %shift_left3A_1752 : i32 to vector<16xi32>
        %shift_left3A_1754 = arith.shli %shift_right_logical3A_1751, %shift_left3A_1753 : vector<16xi32>
        %bitcast_convert_type3A_1755 = tpu.bitcast %shift_left3A_1754 : vector<16xi32> -> vector<16xf32>
        %get3A_1756 = arith.index_cast %add3A_1703 : i32 to index
        %get3A_1757 = arith.constant 32 : index
        %get3A_1758 = tpu.vector_load %arg16[%get3A_1756, %get3A_1757] {strides = array<i32>} : memref<80x128xf32, #tpu.memory_space<vmem>>, vector<1x16xf32>,
        %get3A_1759 = vector.shape_cast %get3A_1758 : vector<1x16xf32> to vector<16xf32>
        %add3A_1760 = arith.addf %get3A_1759, %bitcast_convert_type3A_1755 : vector<16xf32>
        %max3A_1761 = arith.maximumf %add3A_1760, %broadcast_in_dim3A_397 : vector<16xf32>
        %swap3A_1762 = arith.index_cast %add3A_1703 : i32 to index
        %swap3A_1763 = arith.constant 32 : index
        %swap3A_1764 = tpu.vector_load %arg16[%swap3A_1762, %swap3A_1763] {strides = array<i32>} : memref<80x128xf32, #tpu.memory_space<vmem>>, vector<1x16xf32>,
        %swap3A_1765 = vector.shape_cast %swap3A_1764 : vector<1x16xf32> to vector<16xf32>
        %swap3A_1766 = vector.shape_cast %max3A_1761 : vector<16xf32> to vector<1x16xf32>
        tpu.vector_store %arg16[%swap3A_1762, %swap3A_1763], %swap3A_1766 {strides = array<i32>} : memref<80x128xf32, #tpu.memory_space<vmem>>, vector<1x16xf32>,
        %get3A_1767 = arith.index_cast %add3A_1703 : i32 to index
        %get3A_1768 = arith.constant 48 : index
        %get3A_1769 = tpu.vector_load %arg17[%get3A_1767, %get3A_1768] {strides = array<i32>} : memref<80x128xi32, #tpu.memory_space<vmem>>, vector<1x16xi32>,
        %get3A_1770 = vector.shape_cast %get3A_1769 : vector<1x16xi32> to vector<16xi32>
        %shift_right_logical3A_1771 = vector.broadcast %mul3A_991 : i32 to vector<16xi32>
        %shift_right_logical3A_1772 = arith.shrui %get3A_1770, %shift_right_logical3A_1771 : vector<16xi32>
        %shift_left3A_1773 = arith.constant 16 : i32
        %shift_left3A_1774 = vector.broadcast %shift_left3A_1773 : i32 to vector<16xi32>
        %shift_left3A_1775 = arith.shli %shift_right_logical3A_1772, %shift_left3A_1774 : vector<16xi32>
        %bitcast_convert_type3A_1776 = tpu.bitcast %shift_left3A_1775 : vector<16xi32> -> vector<16xf32>
        %get3A_1777 = arith.index_cast %add3A_1703 : i32 to index
        %get3A_1778 = arith.constant 48 : index
        %get3A_1779 = tpu.vector_load %arg16[%get3A_1777, %get3A_1778] {strides = array<i32>} : memref<80x128xf32, #tpu.memory_space<vmem>>, vector<1x16xf32>,
        %get3A_1780 = vector.shape_cast %get3A_1779 : vector<1x16xf32> to vector<16xf32>
        %add3A_1781 = arith.addf %get3A_1780, %bitcast_convert_type3A_1776 : vector<16xf32>
        %max3A_1782 = arith.maximumf %add3A_1781, %broadcast_in_dim3A_397 : vector<16xf32>
        %swap3A_1783 = arith.index_cast %add3A_1703 : i32 to index
        %swap3A_1784 = arith.constant 48 : index
        %swap3A_1785 = tpu.vector_load %arg16[%swap3A_1783, %swap3A_1784] {strides = array<i32>} : memref<80x128xf32, #tpu.memory_space<vmem>>, vector<1x16xf32>,
        %swap3A_1786 = vector.shape_cast %swap3A_1785 : vector<1x16xf32> to vector<16xf32>
        %swap3A_1787 = vector.shape_cast %max3A_1782 : vector<16xf32> to vector<1x16xf32>
        tpu.vector_store %arg16[%swap3A_1783, %swap3A_1784], %swap3A_1787 {strides = array<i32>} : memref<80x128xf32, #tpu.memory_space<vmem>>, vector<1x16xf32>,
        %get3A_1788 = arith.index_cast %add3A_1703 : i32 to index
        %get3A_1789 = arith.constant 64 : index
        %get3A_1790 = tpu.vector_load %arg17[%get3A_1788, %get3A_1789] {strides = array<i32>} : memref<80x128xi32, #tpu.memory_space<vmem>>, vector<1x16xi32>,
        %get3A_1791 = vector.shape_cast %get3A_1790 : vector<1x16xi32> to vector<16xi32>
        %shift_right_logical3A_1792 = vector.broadcast %mul3A_991 : i32 to vector<16xi32>
        %shift_right_logical3A_1793 = arith.shrui %get3A_1791, %shift_right_logical3A_1792 : vector<16xi32>
        %shift_left3A_1794 = arith.constant 16 : i32
        %shift_left3A_1795 = vector.broadcast %shift_left3A_1794 : i32 to vector<16xi32>
        %shift_left3A_1796 = arith.shli %shift_right_logical3A_1793, %shift_left3A_1795 : vector<16xi32>
        %bitcast_convert_type3A_1797 = tpu.bitcast %shift_left3A_1796 : vector<16xi32> -> vector<16xf32>
        %get3A_1798 = arith.index_cast %add3A_1703 : i32 to index
        %get3A_1799 = arith.constant 64 : index
        %get3A_1800 = tpu.vector_load %arg16[%get3A_1798, %get3A_1799] {strides = array<i32>} : memref<80x128xf32, #tpu.memory_space<vmem>>, vector<1x16xf32>,
        %get3A_1801 = vector.shape_cast %get3A_1800 : vector<1x16xf32> to vector<16xf32>
        %add3A_1802 = arith.addf %get3A_1801, %bitcast_convert_type3A_1797 : vector<16xf32>
        %max3A_1803 = arith.maximumf %add3A_1802, %broadcast_in_dim3A_397 : vector<16xf32>
        %swap3A_1804 = arith.index_cast %add3A_1703 : i32 to index
        %swap3A_1805 = arith.constant 64 : index
        %swap3A_1806 = tpu.vector_load %arg16[%swap3A_1804, %swap3A_1805] {strides = array<i32>} : memref<80x128xf32, #tpu.memory_space<vmem>>, vector<1x16xf32>,
        %swap3A_1807 = vector.shape_cast %swap3A_1806 : vector<1x16xf32> to vector<16xf32>
        %swap3A_1808 = vector.shape_cast %max3A_1803 : vector<16xf32> to vector<1x16xf32>
        tpu.vector_store %arg16[%swap3A_1804, %swap3A_1805], %swap3A_1808 {strides = array<i32>} : memref<80x128xf32, #tpu.memory_space<vmem>>, vector<1x16xf32>,
        %get3A_1809 = arith.index_cast %add3A_1703 : i32 to index
        %get3A_1810 = arith.constant 80 : index
        %get3A_1811 = tpu.vector_load %arg17[%get3A_1809, %get3A_1810] {strides = array<i32>} : memref<80x128xi32, #tpu.memory_space<vmem>>, vector<1x16xi32>,
        %get3A_1812 = vector.shape_cast %get3A_1811 : vector<1x16xi32> to vector<16xi32>
        %shift_right_logical3A_1813 = vector.broadcast %mul3A_991 : i32 to vector<16xi32>
        %shift_right_logical3A_1814 = arith.shrui %get3A_1812, %shift_right_logical3A_1813 : vector<16xi32>
        %shift_left3A_1815 = arith.constant 16 : i32
        %shift_left3A_1816 = vector.broadcast %shift_left3A_1815 : i32 to vector<16xi32>
        %shift_left3A_1817 = arith.shli %shift_right_logical3A_1814, %shift_left3A_1816 : vector<16xi32>
        %bitcast_convert_type3A_1818 = tpu.bitcast %shift_left3A_1817 : vector<16xi32> -> vector<16xf32>
        %get3A_1819 = arith.index_cast %add3A_1703 : i32 to index
        %get3A_1820 = arith.constant 80 : index
        %get3A_1821 = tpu.vector_load %arg16[%get3A_1819, %get3A_1820] {strides = array<i32>} : memref<80x128xf32, #tpu.memory_space<vmem>>, vector<1x16xf32>,
        %get3A_1822 = vector.shape_cast %get3A_1821 : vector<1x16xf32> to vector<16xf32>
        %add3A_1823 = arith.addf %get3A_1822, %bitcast_convert_type3A_1818 : vector<16xf32>
        %max3A_1824 = arith.maximumf %add3A_1823, %broadcast_in_dim3A_397 : vector<16xf32>
        %swap3A_1825 = arith.index_cast %add3A_1703 : i32 to index
        %swap3A_1826 = arith.constant 80 : index
        %swap3A_1827 = tpu.vector_load %arg16[%swap3A_1825, %swap3A_1826] {strides = array<i32>} : memref<80x128xf32, #tpu.memory_space<vmem>>, vector<1x16xf32>,
        %swap3A_1828 = vector.shape_cast %swap3A_1827 : vector<1x16xf32> to vector<16xf32>
        %swap3A_1829 = vector.shape_cast %max3A_1824 : vector<16xf32> to vector<1x16xf32>
        tpu.vector_store %arg16[%swap3A_1825, %swap3A_1826], %swap3A_1829 {strides = array<i32>} : memref<80x128xf32, #tpu.memory_space<vmem>>, vector<1x16xf32>,
        %get3A_1830 = arith.index_cast %add3A_1703 : i32 to index
        %get3A_1831 = arith.constant 96 : index
        %get3A_1832 = tpu.vector_load %arg17[%get3A_1830, %get3A_1831] {strides = array<i32>} : memref<80x128xi32, #tpu.memory_space<vmem>>, vector<1x16xi32>,
        %get3A_1833 = vector.shape_cast %get3A_1832 : vector<1x16xi32> to vector<16xi32>
        %shift_right_logical3A_1834 = vector.broadcast %mul3A_991 : i32 to vector<16xi32>
        %shift_right_logical3A_1835 = arith.shrui %get3A_1833, %shift_right_logical3A_1834 : vector<16xi32>
        %shift_left3A_1836 = arith.constant 16 : i32
        %shift_left3A_1837 = vector.broadcast %shift_left3A_1836 : i32 to vector<16xi32>
        %shift_left3A_1838 = arith.shli %shift_right_logical3A_1835, %shift_left3A_1837 : vector<16xi32>
        %bitcast_convert_type3A_1839 = tpu.bitcast %shift_left3A_1838 : vector<16xi32> -> vector<16xf32>
        %get3A_1840 = arith.index_cast %add3A_1703 : i32 to index
        %get3A_1841 = arith.constant 96 : index
        %get3A_1842 = tpu.vector_load %arg16[%get3A_1840, %get3A_1841] {strides = array<i32>} : memref<80x128xf32, #tpu.memory_space<vmem>>, vector<1x16xf32>,
        %get3A_1843 = vector.shape_cast %get3A_1842 : vector<1x16xf32> to vector<16xf32>
        %add3A_1844 = arith.addf %get3A_1843, %bitcast_convert_type3A_1839 : vector<16xf32>
        %max3A_1845 = arith.maximumf %add3A_1844, %broadcast_in_dim3A_397 : vector<16xf32>
        %swap3A_1846 = arith.index_cast %add3A_1703 : i32 to index
        %swap3A_1847 = arith.constant 96 : index
        %swap3A_1848 = tpu.vector_load %arg16[%swap3A_1846, %swap3A_1847] {strides = array<i32>} : memref<80x128xf32, #tpu.memory_space<vmem>>, vector<1x16xf32>,
        %swap3A_1849 = vector.shape_cast %swap3A_1848 : vector<1x16xf32> to vector<16xf32>
        %swap3A_1850 = vector.shape_cast %max3A_1845 : vector<16xf32> to vector<1x16xf32>
        tpu.vector_store %arg16[%swap3A_1846, %swap3A_1847], %swap3A_1850 {strides = array<i32>} : memref<80x128xf32, #tpu.memory_space<vmem>>, vector<1x16xf32>,
        %get3A_1851 = arith.index_cast %add3A_1703 : i32 to index
        %get3A_1852 = arith.constant 112 : index
        %get3A_1853 = tpu.vector_load %arg17[%get3A_1851, %get3A_1852] {strides = array<i32>} : memref<80x128xi32, #tpu.memory_space<vmem>>, vector<1x16xi32>,
        %get3A_1854 = vector.shape_cast %get3A_1853 : vector<1x16xi32> to vector<16xi32>
        %shift_right_logical3A_1855 = vector.broadcast %mul3A_991 : i32 to vector<16xi32>
        %shift_right_logical3A_1856 = arith.shrui %get3A_1854, %shift_right_logical3A_1855 : vector<16xi32>
        %shift_left3A_1857 = arith.constant 16 : i32
        %shift_left3A_1858 = vector.broadcast %shift_left3A_1857 : i32 to vector<16xi32>
        %shift_left3A_1859 = arith.shli %shift_right_logical3A_1856, %shift_left3A_1858 : vector<16xi32>
        %bitcast_convert_type3A_1860 = tpu.bitcast %shift_left3A_1859 : vector<16xi32> -> vector<16xf32>
        %get3A_1861 = arith.index_cast %add3A_1703 : i32 to index
        %get3A_1862 = arith.constant 112 : index
        %get3A_1863 = tpu.vector_load %arg16[%get3A_1861, %get3A_1862] {strides = array<i32>} : memref<80x128xf32, #tpu.memory_space<vmem>>, vector<1x16xf32>,
        %get3A_1864 = vector.shape_cast %get3A_1863 : vector<1x16xf32> to vector<16xf32>
        %add3A_1865 = arith.addf %get3A_1864, %bitcast_convert_type3A_1860 : vector<16xf32>
        %max3A_1866 = arith.maximumf %add3A_1865, %broadcast_in_dim3A_397 : vector<16xf32>
        %swap3A_1867 = arith.index_cast %add3A_1703 : i32 to index
        %swap3A_1868 = arith.constant 112 : index
        %swap3A_1869 = tpu.vector_load %arg16[%swap3A_1867, %swap3A_1868] {strides = array<i32>} : memref<80x128xf32, #tpu.memory_space<vmem>>, vector<1x16xf32>,
        %swap3A_1870 = vector.shape_cast %swap3A_1869 : vector<1x16xf32> to vector<16xf32>
        %swap3A_1871 = vector.shape_cast %max3A_1866 : vector<16xf32> to vector<1x16xf32>
        tpu.vector_store %arg16[%swap3A_1867, %swap3A_1868], %swap3A_1871 {strides = array<i32>} : memref<80x128xf32, #tpu.memory_space<vmem>>, vector<1x16xf32>,
      }
      %scan3A_997 = arith.constant 20 : i32
      %get3A_998 = arith.constant 0 : index
      %get3A_999 = tpu.vector_load %arg10[%get3A_998] {strides = array<i32>} : memref<80xi32, #tpu.memory_space<vmem>>, vector<16xi32>,
      %get3A_1000 = vector.shape_cast %get3A_999 : vector<16xi32> to vector<16xi32>
      %swap3A_1001 = arith.constant 0 : index
      %swap3A_1002 = tpu.vector_load %arg15[%swap3A_1001] {strides = array<i32>} : memref<80xi32, #tpu.memory_space<vmem>>, vector<16xi32>,
      %swap3A_1003 = vector.shape_cast %swap3A_1002 : vector<16xi32> to vector<16xi32>
      %swap3A_1004 = vector.shape_cast %get3A_1000 : vector<16xi32> to vector<16xi32>
      tpu.vector_store %arg15[%swap3A_1001], %swap3A_1004 {strides = array<i32>} : memref<80xi32, #tpu.memory_space<vmem>>, vector<16xi32>,
      %get3A_1005 = arith.constant 16 : index
      %get3A_1006 = tpu.vector_load %arg10[%get3A_1005] {strides = array<i32>} : memref<80xi32, #tpu.memory_space<vmem>>, vector<16xi32>,
      %get3A_1007 = vector.shape_cast %get3A_1006 : vector<16xi32> to vector<16xi32>
      %swap3A_1008 = arith.constant 16 : index
      %swap3A_1009 = tpu.vector_load %arg15[%swap3A_1008] {strides = array<i32>} : memref<80xi32, #tpu.memory_space<vmem>>, vector<16xi32>,
      %swap3A_1010 = vector.shape_cast %swap3A_1009 : vector<16xi32> to vector<16xi32>
      %swap3A_1011 = vector.shape_cast %get3A_1007 : vector<16xi32> to vector<16xi32>
      tpu.vector_store %arg15[%swap3A_1008], %swap3A_1011 {strides = array<i32>} : memref<80xi32, #tpu.memory_space<vmem>>, vector<16xi32>,
      %get3A_1012 = arith.constant 32 : index
      %get3A_1013 = tpu.vector_load %arg10[%get3A_1012] {strides = array<i32>} : memref<80xi32, #tpu.memory_space<vmem>>, vector<16xi32>,
      %get3A_1014 = vector.shape_cast %get3A_1013 : vector<16xi32> to vector<16xi32>
      %swap3A_1015 = arith.constant 32 : index
      %swap3A_1016 = tpu.vector_load %arg15[%swap3A_1015] {strides = array<i32>} : memref<80xi32, #tpu.memory_space<vmem>>, vector<16xi32>,
      %swap3A_1017 = vector.shape_cast %swap3A_1016 : vector<16xi32> to vector<16xi32>
      %swap3A_1018 = vector.shape_cast %get3A_1014 : vector<16xi32> to vector<16xi32>
      tpu.vector_store %arg15[%swap3A_1015], %swap3A_1018 {strides = array<i32>} : memref<80xi32, #tpu.memory_space<vmem>>, vector<16xi32>,
      %get3A_1019 = arith.constant 48 : index
      %get3A_1020 = tpu.vector_load %arg10[%get3A_1019] {strides = array<i32>} : memref<80xi32, #tpu.memory_space<vmem>>, vector<16xi32>,
      %get3A_1021 = vector.shape_cast %get3A_1020 : vector<16xi32> to vector<16xi32>
      %swap3A_1022 = arith.constant 48 : index
      %swap3A_1023 = tpu.vector_load %arg15[%swap3A_1022] {strides = array<i32>} : memref<80xi32, #tpu.memory_space<vmem>>, vector<16xi32>,
      %swap3A_1024 = vector.shape_cast %swap3A_1023 : vector<16xi32> to vector<16xi32>
      %swap3A_1025 = vector.shape_cast %get3A_1021 : vector<16xi32> to vector<16xi32>
      tpu.vector_store %arg15[%swap3A_1022], %swap3A_1025 {strides = array<i32>} : memref<80xi32, #tpu.memory_space<vmem>>, vector<16xi32>,
      %get3A_1026 = arith.constant 64 : index
      %get3A_1027 = tpu.vector_load %arg10[%get3A_1026] {strides = array<i32>} : memref<80xi32, #tpu.memory_space<vmem>>, vector<16xi32>,
      %get3A_1028 = vector.shape_cast %get3A_1027 : vector<16xi32> to vector<16xi32>
      %swap3A_1029 = arith.constant 64 : index
      %swap3A_1030 = tpu.vector_load %arg15[%swap3A_1029] {strides = array<i32>} : memref<80xi32, #tpu.memory_space<vmem>>, vector<16xi32>,
      %swap3A_1031 = vector.shape_cast %swap3A_1030 : vector<16xi32> to vector<16xi32>
      %swap3A_1032 = vector.shape_cast %get3A_1028 : vector<16xi32> to vector<16xi32>
      tpu.vector_store %arg15[%swap3A_1029], %swap3A_1032 {strides = array<i32>} : memref<80xi32, #tpu.memory_space<vmem>>, vector<16xi32>,
      %dma_start3A_1033 = arith.constant 0 : i32
      %dma_start3A_1034 = arith.constant 0 : i32
      %dma_start3A_1035 = tpu.memref_slice %arg21[%dma_start3A_1033, %dma_start3A_1034] : memref<10240x128xf32, #tpu.memory_space<vmem_shared>> -> memref<10240x128xf32, #tpu.memory_space<vmem_shared>>
      tpu.enqueue_indirect_dma source(%arg16 : memref<80x128xf32, #tpu.memory_space<vmem>>) target(%dma_start3A_1035 : memref<10240x128xf32, #tpu.memory_space<vmem_shared>>) offsets(%arg15 : memref<80xi32, #tpu.memory_space<vmem>>) semaphore(%arg26 : memref<!tpu.dma_semaphore, #tpu.memory_space<semaphore_mem>>) {add = true}
      %dma_wait3A_1036 = arith.constant 0 : i32
      %dma_wait3A_1037 = arith.constant 0 : i32
      %dma_wait3A_1038 = tpu.memref_slice %arg21[%dma_wait3A_1036, %dma_wait3A_1037] : memref<10240x128xf32, #tpu.memory_space<vmem_shared>> -> memref<10240x128xf32, #tpu.memory_space<vmem_shared>>
      tpu.wait_indirect_dma semaphore(%arg26 : memref<!tpu.dma_semaphore, #tpu.memory_space<semaphore_mem>>) src(%arg16 : memref<80x128xf32, #tpu.memory_space<vmem>>) dst(%dma_wait3A_1038 : memref<10240x128xf32, #tpu.memory_space<vmem_shared>>)
      %lt3A_1039 = arith.constant 124 : i32
      %lt3A_1040 = arith.cmpi slt, %scan3A_650, %lt3A_1039 : i32
      %convert_element_type3A_1041 = arith.extui %lt3A_1040 : i1 to i32
      %cond3A_1042 = arith.constant 0 : i32
      %cond3A_1043 = arith.cmpi ne, %convert_element_type3A_1041, %cond3A_1042 : i32
      scf.if %cond3A_1043 {
        %dma_wait3A_1187 = arith.constant 0 : i32
        %dma_wait3A_1188 = tpu.memref_slice %arg2[%dma_wait3A_1187] : memref<320000xi32, #tpu.memory_space<hbm>> -> memref<80xi32, #tpu.memory_space<hbm>>
        %dma_wait3A_1189 = arith.constant 0 : i32
        %dma_wait3A_1190 = tpu.memref_slice %arg2[%dma_wait3A_1189] : memref<320000xi32, #tpu.memory_space<hbm>> -> memref<80xi32, #tpu.memory_space<hbm>>
        tpu.wait_dma2 semaphore(%arg22 : memref<!tpu.dma_semaphore, #tpu.memory_space<semaphore_mem>>) src(%dma_wait3A_1190 : memref<80xi32, #tpu.memory_space<hbm>>) dst(%arg7 : memref<80xi32, #tpu.memory_space<vmem>>)
        %dma_wait3A_1191 = arith.constant 0 : i32
        %dma_wait3A_1192 = tpu.memref_slice %arg3[%dma_wait3A_1191] : memref<320000xi32, #tpu.memory_space<hbm>> -> memref<80xi32, #tpu.memory_space<hbm>>
        %dma_wait3A_1193 = arith.constant 0 : i32
        %dma_wait3A_1194 = tpu.memref_slice %arg3[%dma_wait3A_1193] : memref<320000xi32, #tpu.memory_space<hbm>> -> memref<80xi32, #tpu.memory_space<hbm>>
        tpu.wait_dma2 semaphore(%arg22 : memref<!tpu.dma_semaphore, #tpu.memory_space<semaphore_mem>>) src(%dma_wait3A_1194 : memref<80xi32, #tpu.memory_space<hbm>>) dst(%arg8 : memref<80xi32, #tpu.memory_space<vmem>>)
        %get3A_1195 = arith.constant 0 : index
        %get3A_1196 = tpu.vector_load %arg7[%get3A_1195] {strides = array<i32>} : memref<80xi32, #tpu.memory_space<vmem>>, vector<16xi32>,
        %get3A_1197 = vector.shape_cast %get3A_1196 : vector<16xi32> to vector<16xi32>
        %get3A_1198 = arith.constant 0 : index
        %get3A_1199 = tpu.vector_load %arg8[%get3A_1198] {strides = array<i32>} : memref<80xi32, #tpu.memory_space<vmem>>, vector<16xi32>,
        %get3A_1200 = vector.shape_cast %get3A_1199 : vector<16xi32> to vector<16xi32>
        %sub3A_1201 = arith.subi %get3A_1200, %get3A_1197 : vector<16xi32>
        %mul3A_1202 = vector.broadcast %sub3A_390 : i32 to vector<16xi32>
        %mul3A_1203 = arith.muli %sub3A_1201, %mul3A_1202 : vector<16xi32>
        %gt3A_1204 = arith.constant 0 : i32
        %gt3A_1205 = vector.broadcast %gt3A_1204 : i32 to vector<16xi32>
        %gt3A_1206 = arith.cmpi sgt, %mul3A_1203, %gt3A_1205 : vector<16xi32>
        %broadcast_in_dim3A_1207 = vector.broadcast %add3A_395 : i32 to vector<16xi32>
        %select_n3A_1208 = arith.select %gt3A_1206, %get3A_1197, %broadcast_in_dim3A_1207 : vector<16xi1>, vector<16xi32>
        %swap3A_1209 = arith.constant 0 : index
        %swap3A_1210 = tpu.vector_load %arg10[%swap3A_1209] {strides = array<i32>} : memref<80xi32, #tpu.memory_space<vmem>>, vector<16xi32>,
        %swap3A_1211 = vector.shape_cast %swap3A_1210 : vector<16xi32> to vector<16xi32>
        %swap3A_1212 = vector.shape_cast %select_n3A_1208 : vector<16xi32> to vector<16xi32>
        tpu.vector_store %arg10[%swap3A_1209], %swap3A_1212 {strides = array<i32>} : memref<80xi32, #tpu.memory_space<vmem>>, vector<16xi32>,
        %mul3A_1213 = arith.constant 10000 : i32
        %mul3A_1214 = arith.muli %arg0, %mul3A_1213 : i32
        %add3A_1215 = vector.broadcast %mul3A_1214 : i32 to vector<16xi32>
        %add3A_1216 = arith.addi %get3A_1200, %add3A_1215 : vector<16xi32>
        %swap3A_1217 = arith.constant 0 : index
        %swap3A_1218 = tpu.vector_load %arg9[%swap3A_1217] {strides = array<i32>} : memref<80xi32, #tpu.memory_space<vmem>>, vector<16xi32>,
        %swap3A_1219 = vector.shape_cast %swap3A_1218 : vector<16xi32> to vector<16xi32>
        %swap3A_1220 = vector.shape_cast %add3A_1216 : vector<16xi32> to vector<16xi32>
        tpu.vector_store %arg9[%swap3A_1217], %swap3A_1220 {strides = array<i32>} : memref<80xi32, #tpu.memory_space<vmem>>, vector<16xi32>,
        %get3A_1221 = arith.constant 16 : index
        %get3A_1222 = tpu.vector_load %arg7[%get3A_1221] {strides = array<i32>} : memref<80xi32, #tpu.memory_space<vmem>>, vector<16xi32>,
        %get3A_1223 = vector.shape_cast %get3A_1222 : vector<16xi32> to vector<16xi32>
        %get3A_1224 = arith.constant 16 : index
        %get3A_1225 = tpu.vector_load %arg8[%get3A_1224] {strides = array<i32>} : memref<80xi32, #tpu.memory_space<vmem>>, vector<16xi32>,
        %get3A_1226 = vector.shape_cast %get3A_1225 : vector<16xi32> to vector<16xi32>
        %sub3A_1227 = arith.subi %get3A_1226, %get3A_1223 : vector<16xi32>
        %mul3A_1228 = vector.broadcast %sub3A_390 : i32 to vector<16xi32>
        %mul3A_1229 = arith.muli %sub3A_1227, %mul3A_1228 : vector<16xi32>
        %gt3A_1230 = arith.constant 0 : i32
        %gt3A_1231 = vector.broadcast %gt3A_1230 : i32 to vector<16xi32>
        %gt3A_1232 = arith.cmpi sgt, %mul3A_1229, %gt3A_1231 : vector<16xi32>
        %broadcast_in_dim3A_1233 = vector.broadcast %add3A_395 : i32 to vector<16xi32>
        %select_n3A_1234 = arith.select %gt3A_1232, %get3A_1223, %broadcast_in_dim3A_1233 : vector<16xi1>, vector<16xi32>
        %swap3A_1235 = arith.constant 16 : index
        %swap3A_1236 = tpu.vector_load %arg10[%swap3A_1235] {strides = array<i32>} : memref<80xi32, #tpu.memory_space<vmem>>, vector<16xi32>,
        %swap3A_1237 = vector.shape_cast %swap3A_1236 : vector<16xi32> to vector<16xi32>
        %swap3A_1238 = vector.shape_cast %select_n3A_1234 : vector<16xi32> to vector<16xi32>
        tpu.vector_store %arg10[%swap3A_1235], %swap3A_1238 {strides = array<i32>} : memref<80xi32, #tpu.memory_space<vmem>>, vector<16xi32>,
        %mul3A_1239 = arith.constant 10000 : i32
        %mul3A_1240 = arith.muli %arg0, %mul3A_1239 : i32
        %add3A_1241 = vector.broadcast %mul3A_1240 : i32 to vector<16xi32>
        %add3A_1242 = arith.addi %get3A_1226, %add3A_1241 : vector<16xi32>
        %swap3A_1243 = arith.constant 16 : index
        %swap3A_1244 = tpu.vector_load %arg9[%swap3A_1243] {strides = array<i32>} : memref<80xi32, #tpu.memory_space<vmem>>, vector<16xi32>,
        %swap3A_1245 = vector.shape_cast %swap3A_1244 : vector<16xi32> to vector<16xi32>
        %swap3A_1246 = vector.shape_cast %add3A_1242 : vector<16xi32> to vector<16xi32>
        tpu.vector_store %arg9[%swap3A_1243], %swap3A_1246 {strides = array<i32>} : memref<80xi32, #tpu.memory_space<vmem>>, vector<16xi32>,
        %get3A_1247 = arith.constant 32 : index
        %get3A_1248 = tpu.vector_load %arg7[%get3A_1247] {strides = array<i32>} : memref<80xi32, #tpu.memory_space<vmem>>, vector<16xi32>,
        %get3A_1249 = vector.shape_cast %get3A_1248 : vector<16xi32> to vector<16xi32>
        %get3A_1250 = arith.constant 32 : index
        %get3A_1251 = tpu.vector_load %arg8[%get3A_1250] {strides = array<i32>} : memref<80xi32, #tpu.memory_space<vmem>>, vector<16xi32>,
        %get3A_1252 = vector.shape_cast %get3A_1251 : vector<16xi32> to vector<16xi32>
        %sub3A_1253 = arith.subi %get3A_1252, %get3A_1249 : vector<16xi32>
        %mul3A_1254 = vector.broadcast %sub3A_390 : i32 to vector<16xi32>
        %mul3A_1255 = arith.muli %sub3A_1253, %mul3A_1254 : vector<16xi32>
        %gt3A_1256 = arith.constant 0 : i32
        %gt3A_1257 = vector.broadcast %gt3A_1256 : i32 to vector<16xi32>
        %gt3A_1258 = arith.cmpi sgt, %mul3A_1255, %gt3A_1257 : vector<16xi32>
        %broadcast_in_dim3A_1259 = vector.broadcast %add3A_395 : i32 to vector<16xi32>
        %select_n3A_1260 = arith.select %gt3A_1258, %get3A_1249, %broadcast_in_dim3A_1259 : vector<16xi1>, vector<16xi32>
        %swap3A_1261 = arith.constant 32 : index
        %swap3A_1262 = tpu.vector_load %arg10[%swap3A_1261] {strides = array<i32>} : memref<80xi32, #tpu.memory_space<vmem>>, vector<16xi32>,
        %swap3A_1263 = vector.shape_cast %swap3A_1262 : vector<16xi32> to vector<16xi32>
        %swap3A_1264 = vector.shape_cast %select_n3A_1260 : vector<16xi32> to vector<16xi32>
        tpu.vector_store %arg10[%swap3A_1261], %swap3A_1264 {strides = array<i32>} : memref<80xi32, #tpu.memory_space<vmem>>, vector<16xi32>,
        %mul3A_1265 = arith.constant 10000 : i32
        %mul3A_1266 = arith.muli %arg0, %mul3A_1265 : i32
        %add3A_1267 = vector.broadcast %mul3A_1266 : i32 to vector<16xi32>
        %add3A_1268 = arith.addi %get3A_1252, %add3A_1267 : vector<16xi32>
        %swap3A_1269 = arith.constant 32 : index
        %swap3A_1270 = tpu.vector_load %arg9[%swap3A_1269] {strides = array<i32>} : memref<80xi32, #tpu.memory_space<vmem>>, vector<16xi32>,
        %swap3A_1271 = vector.shape_cast %swap3A_1270 : vector<16xi32> to vector<16xi32>
        %swap3A_1272 = vector.shape_cast %add3A_1268 : vector<16xi32> to vector<16xi32>
        tpu.vector_store %arg9[%swap3A_1269], %swap3A_1272 {strides = array<i32>} : memref<80xi32, #tpu.memory_space<vmem>>, vector<16xi32>,
        %get3A_1273 = arith.constant 48 : index
        %get3A_1274 = tpu.vector_load %arg7[%get3A_1273] {strides = array<i32>} : memref<80xi32, #tpu.memory_space<vmem>>, vector<16xi32>,
        %get3A_1275 = vector.shape_cast %get3A_1274 : vector<16xi32> to vector<16xi32>
        %get3A_1276 = arith.constant 48 : index
        %get3A_1277 = tpu.vector_load %arg8[%get3A_1276] {strides = array<i32>} : memref<80xi32, #tpu.memory_space<vmem>>, vector<16xi32>,
        %get3A_1278 = vector.shape_cast %get3A_1277 : vector<16xi32> to vector<16xi32>
        %sub3A_1279 = arith.subi %get3A_1278, %get3A_1275 : vector<16xi32>
        %mul3A_1280 = vector.broadcast %sub3A_390 : i32 to vector<16xi32>
        %mul3A_1281 = arith.muli %sub3A_1279, %mul3A_1280 : vector<16xi32>
        %gt3A_1282 = arith.constant 0 : i32
        %gt3A_1283 = vector.broadcast %gt3A_1282 : i32 to vector<16xi32>
        %gt3A_1284 = arith.cmpi sgt, %mul3A_1281, %gt3A_1283 : vector<16xi32>
        %broadcast_in_dim3A_1285 = vector.broadcast %add3A_395 : i32 to vector<16xi32>
        %select_n3A_1286 = arith.select %gt3A_1284, %get3A_1275, %broadcast_in_dim3A_1285 : vector<16xi1>, vector<16xi32>
        %swap3A_1287 = arith.constant 48 : index
        %swap3A_1288 = tpu.vector_load %arg10[%swap3A_1287] {strides = array<i32>} : memref<80xi32, #tpu.memory_space<vmem>>, vector<16xi32>,
        %swap3A_1289 = vector.shape_cast %swap3A_1288 : vector<16xi32> to vector<16xi32>
        %swap3A_1290 = vector.shape_cast %select_n3A_1286 : vector<16xi32> to vector<16xi32>
        tpu.vector_store %arg10[%swap3A_1287], %swap3A_1290 {strides = array<i32>} : memref<80xi32, #tpu.memory_space<vmem>>, vector<16xi32>,
        %mul3A_1291 = arith.constant 10000 : i32
        %mul3A_1292 = arith.muli %arg0, %mul3A_1291 : i32
        %add3A_1293 = vector.broadcast %mul3A_1292 : i32 to vector<16xi32>
        %add3A_1294 = arith.addi %get3A_1278, %add3A_1293 : vector<16xi32>
        %swap3A_1295 = arith.constant 48 : index
        %swap3A_1296 = tpu.vector_load %arg9[%swap3A_1295] {strides = array<i32>} : memref<80xi32, #tpu.memory_space<vmem>>, vector<16xi32>,
        %swap3A_1297 = vector.shape_cast %swap3A_1296 : vector<16xi32> to vector<16xi32>
        %swap3A_1298 = vector.shape_cast %add3A_1294 : vector<16xi32> to vector<16xi32>
        tpu.vector_store %arg9[%swap3A_1295], %swap3A_1298 {strides = array<i32>} : memref<80xi32, #tpu.memory_space<vmem>>, vector<16xi32>,
        %get3A_1299 = arith.constant 64 : index
        %get3A_1300 = tpu.vector_load %arg7[%get3A_1299] {strides = array<i32>} : memref<80xi32, #tpu.memory_space<vmem>>, vector<16xi32>,
        %get3A_1301 = vector.shape_cast %get3A_1300 : vector<16xi32> to vector<16xi32>
        %get3A_1302 = arith.constant 64 : index
        %get3A_1303 = tpu.vector_load %arg8[%get3A_1302] {strides = array<i32>} : memref<80xi32, #tpu.memory_space<vmem>>, vector<16xi32>,
        %get3A_1304 = vector.shape_cast %get3A_1303 : vector<16xi32> to vector<16xi32>
        %sub3A_1305 = arith.subi %get3A_1304, %get3A_1301 : vector<16xi32>
        %mul3A_1306 = vector.broadcast %sub3A_390 : i32 to vector<16xi32>
        %mul3A_1307 = arith.muli %sub3A_1305, %mul3A_1306 : vector<16xi32>
        %gt3A_1308 = arith.constant 0 : i32
        %gt3A_1309 = vector.broadcast %gt3A_1308 : i32 to vector<16xi32>
        %gt3A_1310 = arith.cmpi sgt, %mul3A_1307, %gt3A_1309 : vector<16xi32>
        %broadcast_in_dim3A_1311 = vector.broadcast %add3A_395 : i32 to vector<16xi32>
        %select_n3A_1312 = arith.select %gt3A_1310, %get3A_1301, %broadcast_in_dim3A_1311 : vector<16xi1>, vector<16xi32>
        %swap3A_1313 = arith.constant 64 : index
        %swap3A_1314 = tpu.vector_load %arg10[%swap3A_1313] {strides = array<i32>} : memref<80xi32, #tpu.memory_space<vmem>>, vector<16xi32>,
        %swap3A_1315 = vector.shape_cast %swap3A_1314 : vector<16xi32> to vector<16xi32>
        %swap3A_1316 = vector.shape_cast %select_n3A_1312 : vector<16xi32> to vector<16xi32>
        tpu.vector_store %arg10[%swap3A_1313], %swap3A_1316 {strides = array<i32>} : memref<80xi32, #tpu.memory_space<vmem>>, vector<16xi32>,
        %mul3A_1317 = arith.constant 10000 : i32
        %mul3A_1318 = arith.muli %arg0, %mul3A_1317 : i32
        %add3A_1319 = vector.broadcast %mul3A_1318 : i32 to vector<16xi32>
        %add3A_1320 = arith.addi %get3A_1304, %add3A_1319 : vector<16xi32>
        %swap3A_1321 = arith.constant 64 : index
        %swap3A_1322 = tpu.vector_load %arg9[%swap3A_1321] {strides = array<i32>} : memref<80xi32, #tpu.memory_space<vmem>>, vector<16xi32>,
        %swap3A_1323 = vector.shape_cast %swap3A_1322 : vector<16xi32> to vector<16xi32>
        %swap3A_1324 = vector.shape_cast %add3A_1320 : vector<16xi32> to vector<16xi32>
        tpu.vector_store %arg9[%swap3A_1321], %swap3A_1324 {strides = array<i32>} : memref<80xi32, #tpu.memory_space<vmem>>, vector<16xi32>,
        %add3A_1325 = arith.constant 2 : i32
        %add3A_1326 = arith.addi %mul3A_652, %add3A_1325 : i32
        %dma_start3A_1327 = arith.constant 0 : i32
        %dma_start3A_1328 = arith.constant 0 : i32
        %dma_start3A_1329 = tpu.memref_slice %arg4[%dma_start3A_1327, %dma_start3A_1328] : memref<20000x128xf32, #tpu.memory_space<hbm>> -> memref<20000x128xf32, #tpu.memory_space<hbm>>
        tpu.enqueue_indirect_dma source(%dma_start3A_1329 : memref<20000x128xf32, #tpu.memory_space<hbm>>) target(%arg16 : memref<80x128xf32, #tpu.memory_space<vmem>>) offsets(%arg9 : memref<80xi32, #tpu.memory_space<vmem>>) semaphore(%arg24 : memref<!tpu.dma_semaphore, #tpu.memory_space<semaphore_mem>>)
        %mul3A_1330 = arith.constant 80 : i32
        %mul3A_1331 = arith.muli %add3A_1326, %mul3A_1330 : i32
        %add3A_1332 = arith.addi %mul3A_392, %mul3A_1331 : i32
        %jit3A_1333 = arith.constant 8000 : i32
        %div3A_1334 = arith.divsi %add3A_1332, %jit3A_1333 : i32
        %sign3A_1335 = arith.constant 0 : i32
        %sign3A_1336 = arith.cmpi sgt, %add3A_1332, %sign3A_1335 : i32
        %sign3A_1337 = arith.extui %sign3A_1336 : i1 to i32
        %sign3A_1338 = arith.constant 0 : i32
        %sign3A_1339 = arith.cmpi slt, %add3A_1332, %sign3A_1338 : i32
        %sign3A_1340 = arith.extui %sign3A_1339 : i1 to i32
        %sign3A_1341 = arith.subi %sign3A_1337, %sign3A_1340 : i32
        %sign3A_1342 = arith.constant 0 : i32
        %sign3A_1343 = arith.cmpi sgt, %jit3A_1333, %sign3A_1342 : i32
        %sign3A_1344 = arith.extui %sign3A_1343 : i1 to i32
        %sign3A_1345 = arith.constant 0 : i32
        %sign3A_1346 = arith.cmpi slt, %jit3A_1333, %sign3A_1345 : i32
        %sign3A_1347 = arith.extui %sign3A_1346 : i1 to i32
        %sign3A_1348 = arith.subi %sign3A_1344, %sign3A_1347 : i32
        %ne3A_1349 = arith.cmpi ne, %sign3A_1341, %sign3A_1348 : i32
        %rem3A_1350 = arith.remsi %add3A_1332, %jit3A_1333 : i32
        %ne3A_1351 = arith.constant 0 : i32
        %ne3A_1352 = arith.cmpi ne, %rem3A_1350, %ne3A_1351 : i32
        %and3A_1353 = arith.andi %ne3A_1349, %ne3A_1352 : i1
        %sub3A_1354 = arith.constant 1 : i32
        %sub3A_1355 = arith.subi %div3A_1334, %sub3A_1354 : i32
        %select_n3A_1356 = arith.select %and3A_1353, %sub3A_1355, %div3A_1334 : i32
        %mul3A_1357 = arith.constant 8000 : i32
        %mul3A_1358 = arith.muli %select_n3A_1356, %mul3A_1357 : i32
        %sub3A_1359 = arith.subi %add3A_1332, %mul3A_1358 : i32
        %jit3A_1360 = arith.constant 4000 : i32
        %div3A_1361 = arith.divsi %sub3A_1359, %jit3A_1360 : i32
        %sign3A_1362 = arith.constant 0 : i32
        %sign3A_1363 = arith.cmpi sgt, %sub3A_1359, %sign3A_1362 : i32
        %sign3A_1364 = arith.extui %sign3A_1363 : i1 to i32
        %sign3A_1365 = arith.constant 0 : i32
        %sign3A_1366 = arith.cmpi slt, %sub3A_1359, %sign3A_1365 : i32
        %sign3A_1367 = arith.extui %sign3A_1366 : i1 to i32
        %sign3A_1368 = arith.subi %sign3A_1364, %sign3A_1367 : i32
        %sign3A_1369 = arith.constant 0 : i32
        %sign3A_1370 = arith.cmpi sgt, %jit3A_1360, %sign3A_1369 : i32
        %sign3A_1371 = arith.extui %sign3A_1370 : i1 to i32
        %sign3A_1372 = arith.constant 0 : i32
        %sign3A_1373 = arith.cmpi slt, %jit3A_1360, %sign3A_1372 : i32
        %sign3A_1374 = arith.extui %sign3A_1373 : i1 to i32
        %sign3A_1375 = arith.subi %sign3A_1371, %sign3A_1374 : i32
        %ne3A_1376 = arith.cmpi ne, %sign3A_1368, %sign3A_1375 : i32
        %rem3A_1377 = arith.remsi %sub3A_1359, %jit3A_1360 : i32
        %ne3A_1378 = arith.constant 0 : i32
        %ne3A_1379 = arith.cmpi ne, %rem3A_1377, %ne3A_1378 : i32
        %and3A_1380 = arith.andi %ne3A_1376, %ne3A_1379 : i1
        %sub3A_1381 = arith.constant 1 : i32
        %sub3A_1382 = arith.subi %div3A_1361, %sub3A_1381 : i32
        %select_n3A_1383 = arith.select %and3A_1380, %sub3A_1382, %div3A_1361 : i32
        %mul3A_1384 = arith.constant 4000 : i32
        %mul3A_1385 = arith.muli %select_n3A_1383, %mul3A_1384 : i32
        %sub3A_1386 = arith.subi %sub3A_1359, %mul3A_1385 : i32
        %jit3A_1387 = arith.constant 2 : i32
        %div3A_1388 = arith.divsi %mul3A_394, %jit3A_1387 : i32
        %sign3A_1389 = arith.constant 0 : i32
        %sign3A_1390 = arith.cmpi sgt, %mul3A_394, %sign3A_1389 : i32
        %sign3A_1391 = arith.extui %sign3A_1390 : i1 to i32
        %sign3A_1392 = arith.constant 0 : i32
        %sign3A_1393 = arith.cmpi slt, %mul3A_394, %sign3A_1392 : i32
        %sign3A_1394 = arith.extui %sign3A_1393 : i1 to i32
        %sign3A_1395 = arith.subi %sign3A_1391, %sign3A_1394 : i32
        %sign3A_1396 = arith.constant 0 : i32
        %sign3A_1397 = arith.cmpi sgt, %jit3A_1387, %sign3A_1396 : i32
        %sign3A_1398 = arith.extui %sign3A_1397 : i1 to i32
        %sign3A_1399 = arith.constant 0 : i32
        %sign3A_1400 = arith.cmpi slt, %jit3A_1387, %sign3A_1399 : i32
        %sign3A_1401 = arith.extui %sign3A_1400 : i1 to i32
        %sign3A_1402 = arith.subi %sign3A_1398, %sign3A_1401 : i32
        %ne3A_1403 = arith.cmpi ne, %sign3A_1395, %sign3A_1402 : i32
        %rem3A_1404 = arith.remsi %mul3A_394, %jit3A_1387 : i32
        %ne3A_1405 = arith.constant 0 : i32
        %ne3A_1406 = arith.cmpi ne, %rem3A_1404, %ne3A_1405 : i32
        %and3A_1407 = arith.andi %ne3A_1403, %ne3A_1406 : i1
        %sub3A_1408 = arith.constant 1 : i32
        %sub3A_1409 = arith.subi %div3A_1388, %sub3A_1408 : i32
        %select_n3A_1410 = arith.select %and3A_1407, %sub3A_1409, %div3A_1388 : i32
        %mul3A_1411 = arith.constant 4000 : i32
        %mul3A_1412 = arith.muli %select_n3A_1356, %mul3A_1411 : i32
        %add3A_1413 = arith.addi %select_n3A_1410, %mul3A_1412 : i32
        %add3A_1414 = arith.addi %add3A_1413, %sub3A_1386 : i32
        %multiple_of3A_1415 = tpu.assume_multiple %add3A_1414, 80 : i32
        %dma_start3A_1416 = arith.constant 0 : i32
        %dma_start3A_1417 = tpu.memref_slice %arg5[%multiple_of3A_1415, %dma_start3A_1416] : memref<320000x128xi32, #tpu.memory_space<hbm>> -> memref<80x128xi32, #tpu.memory_space<hbm>>
        %dma_start3A_1418 = arith.constant 0 : i32
        %dma_start3A_1419 = tpu.memref_slice %arg5[%multiple_of3A_1415, %dma_start3A_1418] : memref<320000x128xi32, #tpu.memory_space<hbm>> -> memref<80x128xi32, #tpu.memory_space<hbm>>
        tpu.enqueue_dma source(%dma_start3A_1419 : memref<80x128xi32, #tpu.memory_space<hbm>>) target(%arg17 : memref<80x128xi32, #tpu.memory_space<vmem>>) target_semaphore(%arg24 : memref<!tpu.dma_semaphore, #tpu.memory_space<semaphore_mem>>)
        %add3A_1420 = arith.constant 3 : i32
        %add3A_1421 = arith.addi %mul3A_652, %add3A_1420 : i32
        %mul3A_1422 = arith.constant 80 : i32
        %mul3A_1423 = arith.muli %add3A_1421, %mul3A_1422 : i32
        %add3A_1424 = arith.addi %mul3A_392, %mul3A_1423 : i32
        %dma_start3A_1425 = tpu.memref_slice %arg2[%add3A_1424] : memref<320000xi32, #tpu.memory_space<hbm>> -> memref<80xi32, #tpu.memory_space<hbm>>
        %dma_start3A_1426 = tpu.memref_slice %arg2[%add3A_1424] : memref<320000xi32, #tpu.memory_space<hbm>> -> memref<80xi32, #tpu.memory_space<hbm>>
        tpu.enqueue_dma source(%dma_start3A_1426 : memref<80xi32, #tpu.memory_space<hbm>>) target(%arg11 : memref<80xi32, #tpu.memory_space<vmem>>) target_semaphore(%arg23 : memref<!tpu.dma_semaphore, #tpu.memory_space<semaphore_mem>>)
        %mul3A_1427 = arith.constant 80 : i32
        %mul3A_1428 = arith.muli %add3A_1421, %mul3A_1427 : i32
        %add3A_1429 = arith.addi %mul3A_392, %mul3A_1428 : i32
        %dma_start3A_1430 = tpu.memref_slice %arg3[%add3A_1429] : memref<320000xi32, #tpu.memory_space<hbm>> -> memref<80xi32, #tpu.memory_space<hbm>>
        %dma_start3A_1431 = tpu.memref_slice %arg3[%add3A_1429] : memref<320000xi32, #tpu.memory_space<hbm>> -> memref<80xi32, #tpu.memory_space<hbm>>
        tpu.enqueue_dma source(%dma_start3A_1431 : memref<80xi32, #tpu.memory_space<hbm>>) target(%arg12 : memref<80xi32, #tpu.memory_space<vmem>>) target_semaphore(%arg23 : memref<!tpu.dma_semaphore, #tpu.memory_space<semaphore_mem>>)
      } else {
      }
      %dma_wait3A_1044 = arith.constant 0 : i32
      %dma_wait3A_1045 = arith.constant 0 : i32
      %dma_wait3A_1046 = tpu.memref_slice %arg4[%dma_wait3A_1044, %dma_wait3A_1045] : memref<20000x128xf32, #tpu.memory_space<hbm>> -> memref<20000x128xf32, #tpu.memory_space<hbm>>
      tpu.wait_indirect_dma semaphore(%arg25 : memref<!tpu.dma_semaphore, #tpu.memory_space<semaphore_mem>>) src(%dma_wait3A_1046 : memref<20000x128xf32, #tpu.memory_space<hbm>>) dst(%arg18 : memref<80x128xf32, #tpu.memory_space<vmem>>)
      %dma_wait3A_1047 = arith.constant 0 : i32
      %dma_wait3A_1048 = arith.constant 0 : i32
      %dma_wait3A_1049 = tpu.memref_slice %arg5[%dma_wait3A_1047, %dma_wait3A_1048] : memref<320000x128xi32, #tpu.memory_space<hbm>> -> memref<80x128xi32, #tpu.memory_space<hbm>>
      %dma_wait3A_1050 = arith.constant 0 : i32
      %dma_wait3A_1051 = arith.constant 0 : i32
      %dma_wait3A_1052 = tpu.memref_slice %arg5[%dma_wait3A_1050, %dma_wait3A_1051] : memref<320000x128xi32, #tpu.memory_space<hbm>> -> memref<80x128xi32, #tpu.memory_space<hbm>>
      tpu.wait_dma2 semaphore(%arg25 : memref<!tpu.dma_semaphore, #tpu.memory_space<semaphore_mem>>) src(%dma_wait3A_1052 : memref<80x128xi32, #tpu.memory_space<hbm>>) dst(%arg19 : memref<80x128xi32, #tpu.memory_space<vmem>>)
      %add3A_1053 = arith.constant 1 : i32
      %add3A_1054 = arith.addi %mul3A_652, %add3A_1053 : i32
      %mul3A_1055 = arith.constant 80 : i32
      %mul3A_1056 = arith.muli %add3A_1054, %mul3A_1055 : i32
      %add3A_1057 = arith.addi %mul3A_392, %mul3A_1056 : i32
      %jit3A_1058 = arith.constant 8000 : i32
      %div3A_1059 = arith.divsi %add3A_1057, %jit3A_1058 : i32
      %sign3A_1060 = arith.constant 0 : i32
      %sign3A_1061 = arith.cmpi sgt, %add3A_1057, %sign3A_1060 : i32
      %sign3A_1062 = arith.extui %sign3A_1061 : i1 to i32
      %sign3A_1063 = arith.constant 0 : i32
      %sign3A_1064 = arith.cmpi slt, %add3A_1057, %sign3A_1063 : i32
      %sign3A_1065 = arith.extui %sign3A_1064 : i1 to i32
      %sign3A_1066 = arith.subi %sign3A_1062, %sign3A_1065 : i32
      %sign3A_1067 = arith.constant 0 : i32
      %sign3A_1068 = arith.cmpi sgt, %jit3A_1058, %sign3A_1067 : i32
      %sign3A_1069 = arith.extui %sign3A_1068 : i1 to i32
      %sign3A_1070 = arith.constant 0 : i32
      %sign3A_1071 = arith.cmpi slt, %jit3A_1058, %sign3A_1070 : i32
      %sign3A_1072 = arith.extui %sign3A_1071 : i1 to i32
      %sign3A_1073 = arith.subi %sign3A_1069, %sign3A_1072 : i32
      %ne3A_1074 = arith.cmpi ne, %sign3A_1066, %sign3A_1073 : i32
      %rem3A_1075 = arith.remsi %add3A_1057, %jit3A_1058 : i32
      %ne3A_1076 = arith.constant 0 : i32
      %ne3A_1077 = arith.cmpi ne, %rem3A_1075, %ne3A_1076 : i32
      %and3A_1078 = arith.andi %ne3A_1074, %ne3A_1077 : i1
      %sub3A_1079 = arith.constant 1 : i32
      %sub3A_1080 = arith.subi %div3A_1059, %sub3A_1079 : i32
      %select_n3A_1081 = arith.select %and3A_1078, %sub3A_1080, %div3A_1059 : i32
      %mul3A_1082 = arith.constant 8000 : i32
      %mul3A_1083 = arith.muli %select_n3A_1081, %mul3A_1082 : i32
      %sub3A_1084 = arith.subi %add3A_1057, %mul3A_1083 : i32
      %jit3A_1085 = arith.constant 4000 : i32
      %div3A_1086 = arith.divsi %sub3A_1084, %jit3A_1085 : i32
      %sign3A_1087 = arith.constant 0 : i32
      %sign3A_1088 = arith.cmpi sgt, %sub3A_1084, %sign3A_1087 : i32
      %sign3A_1089 = arith.extui %sign3A_1088 : i1 to i32
      %sign3A_1090 = arith.constant 0 : i32
      %sign3A_1091 = arith.cmpi slt, %sub3A_1084, %sign3A_1090 : i32
      %sign3A_1092 = arith.extui %sign3A_1091 : i1 to i32
      %sign3A_1093 = arith.subi %sign3A_1089, %sign3A_1092 : i32
      %sign3A_1094 = arith.constant 0 : i32
      %sign3A_1095 = arith.cmpi sgt, %jit3A_1085, %sign3A_1094 : i32
      %sign3A_1096 = arith.extui %sign3A_1095 : i1 to i32
      %sign3A_1097 = arith.constant 0 : i32
      %sign3A_1098 = arith.cmpi slt, %jit3A_1085, %sign3A_1097 : i32
      %sign3A_1099 = arith.extui %sign3A_1098 : i1 to i32
      %sign3A_1100 = arith.subi %sign3A_1096, %sign3A_1099 : i32
      %ne3A_1101 = arith.cmpi ne, %sign3A_1093, %sign3A_1100 : i32
      %rem3A_1102 = arith.remsi %sub3A_1084, %jit3A_1085 : i32
      %ne3A_1103 = arith.constant 0 : i32
      %ne3A_1104 = arith.cmpi ne, %rem3A_1102, %ne3A_1103 : i32
      %and3A_1105 = arith.andi %ne3A_1101, %ne3A_1104 : i1
      %sub3A_1106 = arith.constant 1 : i32
      %sub3A_1107 = arith.subi %div3A_1086, %sub3A_1106 : i32
      %select_n3A_1108 = arith.select %and3A_1105, %sub3A_1107, %div3A_1086 : i32
      %mul3A_1109 = arith.constant 4000 : i32
      %mul3A_1110 = arith.muli %select_n3A_1108, %mul3A_1109 : i32
      %sub3A_1111 = arith.subi %sub3A_1084, %mul3A_1110 : i32
      %jit3A_1112 = arith.constant 2 : i32
      %div3A_1113 = arith.divsi %mul3A_394, %jit3A_1112 : i32
      %sign3A_1114 = arith.constant 0 : i32
      %sign3A_1115 = arith.cmpi sgt, %mul3A_394, %sign3A_1114 : i32
      %sign3A_1116 = arith.extui %sign3A_1115 : i1 to i32
      %sign3A_1117 = arith.constant 0 : i32
      %sign3A_1118 = arith.cmpi slt, %mul3A_394, %sign3A_1117 : i32
      %sign3A_1119 = arith.extui %sign3A_1118 : i1 to i32
      %sign3A_1120 = arith.subi %sign3A_1116, %sign3A_1119 : i32
      %sign3A_1121 = arith.constant 0 : i32
      %sign3A_1122 = arith.cmpi sgt, %jit3A_1112, %sign3A_1121 : i32
      %sign3A_1123 = arith.extui %sign3A_1122 : i1 to i32
      %sign3A_1124 = arith.constant 0 : i32
      %sign3A_1125 = arith.cmpi slt, %jit3A_1112, %sign3A_1124 : i32
      %sign3A_1126 = arith.extui %sign3A_1125 : i1 to i32
      %sign3A_1127 = arith.subi %sign3A_1123, %sign3A_1126 : i32
      %ne3A_1128 = arith.cmpi ne, %sign3A_1120, %sign3A_1127 : i32
      %rem3A_1129 = arith.remsi %mul3A_394, %jit3A_1112 : i32
      %ne3A_1130 = arith.constant 0 : i32
      %ne3A_1131 = arith.cmpi ne, %rem3A_1129, %ne3A_1130 : i32
      %and3A_1132 = arith.andi %ne3A_1128, %ne3A_1131 : i1
      %sub3A_1133 = arith.constant 1 : i32
      %sub3A_1134 = arith.subi %div3A_1113, %sub3A_1133 : i32
      %select_n3A_1135 = arith.select %and3A_1132, %sub3A_1134, %div3A_1113 : i32
      %mul3A_1136 = arith.constant 4000 : i32
      %mul3A_1137 = arith.muli %select_n3A_1081, %mul3A_1136 : i32
      %add3A_1138 = arith.addi %select_n3A_1135, %mul3A_1137 : i32
      %add3A_1139 = arith.addi %add3A_1138, %sub3A_1111 : i32
      %multiple_of3A_1140 = tpu.assume_multiple %add3A_1139, 80 : i32
      %mul3A_1141 = arith.constant 16 : i32
      %mul3A_1142 = arith.muli %mul3A_1141, %select_n3A_1108 : i32
      %scan3A_1143 = arith.constant 0 : i32
      %scan3A_1144 = arith.constant 0 : i32
      %scan3A_1145 = arith.constant 20 : i32
      %scan3A_1146 = arith.addi %scan3A_1144, %scan3A_1145 : i32
      %scan3A_1147 = arith.constant 1 : i32
      scf.for %scan3A_1187 = %scan3A_1144 to %scan3A_1146 step %scan3A_1147  : i32 {
        %mul3A_1188 = arith.constant 4 : i32
        %mul3A_1189 = arith.muli %scan3A_1187, %mul3A_1188 : i32
        %add3A_1190 = arith.constant 0 : i32
        %add3A_1191 = arith.addi %mul3A_1189, %add3A_1190 : i32
        %get3A_1192 = arith.index_cast %add3A_1191 : i32 to index
        %get3A_1193 = arith.constant 0 : index
        %get3A_1194 = tpu.vector_load %arg19[%get3A_1192, %get3A_1193] {strides = array<i32>} : memref<80x128xi32, #tpu.memory_space<vmem>>, vector<1x16xi32>,
        %get3A_1195 = vector.shape_cast %get3A_1194 : vector<1x16xi32> to vector<16xi32>
        %shift_right_logical3A = vector.broadcast %mul3A_1142 : i32 to vector<16xi32>
        %shift_right_logical3A_1196 = arith.shrui %get3A_1195, %shift_right_logical3A : vector<16xi32>
        %shift_left3A = arith.constant 16 : i32
        %shift_left3A_1197 = vector.broadcast %shift_left3A : i32 to vector<16xi32>
        %shift_left3A_1198 = arith.shli %shift_right_logical3A_1196, %shift_left3A_1197 : vector<16xi32>
        %bitcast_convert_type3A = tpu.bitcast %shift_left3A_1198 : vector<16xi32> -> vector<16xf32>
        %get3A_1199 = arith.index_cast %add3A_1191 : i32 to index
        %get3A_1200 = arith.constant 0 : index
        %get3A_1201 = tpu.vector_load %arg18[%get3A_1199, %get3A_1200] {strides = array<i32>} : memref<80x128xf32, #tpu.memory_space<vmem>>, vector<1x16xf32>,
        %get3A_1202 = vector.shape_cast %get3A_1201 : vector<1x16xf32> to vector<16xf32>
        %add3A_1203 = arith.addf %get3A_1202, %bitcast_convert_type3A : vector<16xf32>
        %max3A = arith.maximumf %add3A_1203, %broadcast_in_dim3A_397 : vector<16xf32>
        %swap3A_1204 = arith.index_cast %add3A_1191 : i32 to index
        %swap3A_1205 = arith.constant 0 : index
        %swap3A_1206 = tpu.vector_load %arg18[%swap3A_1204, %swap3A_1205] {strides = array<i32>} : memref<80x128xf32, #tpu.memory_space<vmem>>, vector<1x16xf32>,
        %swap3A_1207 = vector.shape_cast %swap3A_1206 : vector<1x16xf32> to vector<16xf32>
        %swap3A_1208 = vector.shape_cast %max3A : vector<16xf32> to vector<1x16xf32>
        tpu.vector_store %arg18[%swap3A_1204, %swap3A_1205], %swap3A_1208 {strides = array<i32>} : memref<80x128xf32, #tpu.memory_space<vmem>>, vector<1x16xf32>,
        %get3A_1209 = arith.index_cast %add3A_1191 : i32 to index
        %get3A_1210 = arith.constant 16 : index
        %get3A_1211 = tpu.vector_load %arg19[%get3A_1209, %get3A_1210] {strides = array<i32>} : memref<80x128xi32, #tpu.memory_space<vmem>>, vector<1x16xi32>,
        %get3A_1212 = vector.shape_cast %get3A_1211 : vector<1x16xi32> to vector<16xi32>
        %shift_right_logical3A_1213 = vector.broadcast %mul3A_1142 : i32 to vector<16xi32>
        %shift_right_logical3A_1214 = arith.shrui %get3A_1212, %shift_right_logical3A_1213 : vector<16xi32>
        %shift_left3A_1215 = arith.constant 16 : i32
        %shift_left3A_1216 = vector.broadcast %shift_left3A_1215 : i32 to vector<16xi32>
        %shift_left3A_1217 = arith.shli %shift_right_logical3A_1214, %shift_left3A_1216 : vector<16xi32>
        %bitcast_convert_type3A_1218 = tpu.bitcast %shift_left3A_1217 : vector<16xi32> -> vector<16xf32>
        %get3A_1219 = arith.index_cast %add3A_1191 : i32 to index
        %get3A_1220 = arith.constant 16 : index
        %get3A_1221 = tpu.vector_load %arg18[%get3A_1219, %get3A_1220] {strides = array<i32>} : memref<80x128xf32, #tpu.memory_space<vmem>>, vector<1x16xf32>,
        %get3A_1222 = vector.shape_cast %get3A_1221 : vector<1x16xf32> to vector<16xf32>
        %add3A_1223 = arith.addf %get3A_1222, %bitcast_convert_type3A_1218 : vector<16xf32>
        %max3A_1224 = arith.maximumf %add3A_1223, %broadcast_in_dim3A_397 : vector<16xf32>
        %swap3A_1225 = arith.index_cast %add3A_1191 : i32 to index
        %swap3A_1226 = arith.constant 16 : index
        %swap3A_1227 = tpu.vector_load %arg18[%swap3A_1225, %swap3A_1226] {strides = array<i32>} : memref<80x128xf32, #tpu.memory_space<vmem>>, vector<1x16xf32>,
        %swap3A_1228 = vector.shape_cast %swap3A_1227 : vector<1x16xf32> to vector<16xf32>
        %swap3A_1229 = vector.shape_cast %max3A_1224 : vector<16xf32> to vector<1x16xf32>
        tpu.vector_store %arg18[%swap3A_1225, %swap3A_1226], %swap3A_1229 {strides = array<i32>} : memref<80x128xf32, #tpu.memory_space<vmem>>, vector<1x16xf32>,
        %get3A_1230 = arith.index_cast %add3A_1191 : i32 to index
        %get3A_1231 = arith.constant 32 : index
        %get3A_1232 = tpu.vector_load %arg19[%get3A_1230, %get3A_1231] {strides = array<i32>} : memref<80x128xi32, #tpu.memory_space<vmem>>, vector<1x16xi32>,
        %get3A_1233 = vector.shape_cast %get3A_1232 : vector<1x16xi32> to vector<16xi32>
        %shift_right_logical3A_1234 = vector.broadcast %mul3A_1142 : i32 to vector<16xi32>
        %shift_right_logical3A_1235 = arith.shrui %get3A_1233, %shift_right_logical3A_1234 : vector<16xi32>
        %shift_left3A_1236 = arith.constant 16 : i32
        %shift_left3A_1237 = vector.broadcast %shift_left3A_1236 : i32 to vector<16xi32>
        %shift_left3A_1238 = arith.shli %shift_right_logical3A_1235, %shift_left3A_1237 : vector<16xi32>
        %bitcast_convert_type3A_1239 = tpu.bitcast %shift_left3A_1238 : vector<16xi32> -> vector<16xf32>
        %get3A_1240 = arith.index_cast %add3A_1191 : i32 to index
        %get3A_1241 = arith.constant 32 : index
        %get3A_1242 = tpu.vector_load %arg18[%get3A_1240, %get3A_1241] {strides = array<i32>} : memref<80x128xf32, #tpu.memory_space<vmem>>, vector<1x16xf32>,
        %get3A_1243 = vector.shape_cast %get3A_1242 : vector<1x16xf32> to vector<16xf32>
        %add3A_1244 = arith.addf %get3A_1243, %bitcast_convert_type3A_1239 : vector<16xf32>
        %max3A_1245 = arith.maximumf %add3A_1244, %broadcast_in_dim3A_397 : vector<16xf32>
        %swap3A_1246 = arith.index_cast %add3A_1191 : i32 to index
        %swap3A_1247 = arith.constant 32 : index
        %swap3A_1248 = tpu.vector_load %arg18[%swap3A_1246, %swap3A_1247] {strides = array<i32>} : memref<80x128xf32, #tpu.memory_space<vmem>>, vector<1x16xf32>,
        %swap3A_1249 = vector.shape_cast %swap3A_1248 : vector<1x16xf32> to vector<16xf32>
        %swap3A_1250 = vector.shape_cast %max3A_1245 : vector<16xf32> to vector<1x16xf32>
        tpu.vector_store %arg18[%swap3A_1246, %swap3A_1247], %swap3A_1250 {strides = array<i32>} : memref<80x128xf32, #tpu.memory_space<vmem>>, vector<1x16xf32>,
        %get3A_1251 = arith.index_cast %add3A_1191 : i32 to index
        %get3A_1252 = arith.constant 48 : index
        %get3A_1253 = tpu.vector_load %arg19[%get3A_1251, %get3A_1252] {strides = array<i32>} : memref<80x128xi32, #tpu.memory_space<vmem>>, vector<1x16xi32>,
        %get3A_1254 = vector.shape_cast %get3A_1253 : vector<1x16xi32> to vector<16xi32>
        %shift_right_logical3A_1255 = vector.broadcast %mul3A_1142 : i32 to vector<16xi32>
        %shift_right_logical3A_1256 = arith.shrui %get3A_1254, %shift_right_logical3A_1255 : vector<16xi32>
        %shift_left3A_1257 = arith.constant 16 : i32
        %shift_left3A_1258 = vector.broadcast %shift_left3A_1257 : i32 to vector<16xi32>
        %shift_left3A_1259 = arith.shli %shift_right_logical3A_1256, %shift_left3A_1258 : vector<16xi32>
        %bitcast_convert_type3A_1260 = tpu.bitcast %shift_left3A_1259 : vector<16xi32> -> vector<16xf32>
        %get3A_1261 = arith.index_cast %add3A_1191 : i32 to index
        %get3A_1262 = arith.constant 48 : index
        %get3A_1263 = tpu.vector_load %arg18[%get3A_1261, %get3A_1262] {strides = array<i32>} : memref<80x128xf32, #tpu.memory_space<vmem>>, vector<1x16xf32>,
        %get3A_1264 = vector.shape_cast %get3A_1263 : vector<1x16xf32> to vector<16xf32>
        %add3A_1265 = arith.addf %get3A_1264, %bitcast_convert_type3A_1260 : vector<16xf32>
        %max3A_1266 = arith.maximumf %add3A_1265, %broadcast_in_dim3A_397 : vector<16xf32>
        %swap3A_1267 = arith.index_cast %add3A_1191 : i32 to index
        %swap3A_1268 = arith.constant 48 : index
        %swap3A_1269 = tpu.vector_load %arg18[%swap3A_1267, %swap3A_1268] {strides = array<i32>} : memref<80x128xf32, #tpu.memory_space<vmem>>, vector<1x16xf32>,
        %swap3A_1270 = vector.shape_cast %swap3A_1269 : vector<1x16xf32> to vector<16xf32>
        %swap3A_1271 = vector.shape_cast %max3A_1266 : vector<16xf32> to vector<1x16xf32>
        tpu.vector_store %arg18[%swap3A_1267, %swap3A_1268], %swap3A_1271 {strides = array<i32>} : memref<80x128xf32, #tpu.memory_space<vmem>>, vector<1x16xf32>,
        %get3A_1272 = arith.index_cast %add3A_1191 : i32 to index
        %get3A_1273 = arith.constant 64 : index
        %get3A_1274 = tpu.vector_load %arg19[%get3A_1272, %get3A_1273] {strides = array<i32>} : memref<80x128xi32, #tpu.memory_space<vmem>>, vector<1x16xi32>,
        %get3A_1275 = vector.shape_cast %get3A_1274 : vector<1x16xi32> to vector<16xi32>
        %shift_right_logical3A_1276 = vector.broadcast %mul3A_1142 : i32 to vector<16xi32>
        %shift_right_logical3A_1277 = arith.shrui %get3A_1275, %shift_right_logical3A_1276 : vector<16xi32>
        %shift_left3A_1278 = arith.constant 16 : i32
        %shift_left3A_1279 = vector.broadcast %shift_left3A_1278 : i32 to vector<16xi32>
        %shift_left3A_1280 = arith.shli %shift_right_logical3A_1277, %shift_left3A_1279 : vector<16xi32>
        %bitcast_convert_type3A_1281 = tpu.bitcast %shift_left3A_1280 : vector<16xi32> -> vector<16xf32>
        %get3A_1282 = arith.index_cast %add3A_1191 : i32 to index
        %get3A_1283 = arith.constant 64 : index
        %get3A_1284 = tpu.vector_load %arg18[%get3A_1282, %get3A_1283] {strides = array<i32>} : memref<80x128xf32, #tpu.memory_space<vmem>>, vector<1x16xf32>,
        %get3A_1285 = vector.shape_cast %get3A_1284 : vector<1x16xf32> to vector<16xf32>
        %add3A_1286 = arith.addf %get3A_1285, %bitcast_convert_type3A_1281 : vector<16xf32>
        %max3A_1287 = arith.maximumf %add3A_1286, %broadcast_in_dim3A_397 : vector<16xf32>
        %swap3A_1288 = arith.index_cast %add3A_1191 : i32 to index
        %swap3A_1289 = arith.constant 64 : index
        %swap3A_1290 = tpu.vector_load %arg18[%swap3A_1288, %swap3A_1289] {strides = array<i32>} : memref<80x128xf32, #tpu.memory_space<vmem>>, vector<1x16xf32>,
        %swap3A_1291 = vector.shape_cast %swap3A_1290 : vector<1x16xf32> to vector<16xf32>
        %swap3A_1292 = vector.shape_cast %max3A_1287 : vector<16xf32> to vector<1x16xf32>
        tpu.vector_store %arg18[%swap3A_1288, %swap3A_1289], %swap3A_1292 {strides = array<i32>} : memref<80x128xf32, #tpu.memory_space<vmem>>, vector<1x16xf32>,
        %get3A_1293 = arith.index_cast %add3A_1191 : i32 to index
        %get3A_1294 = arith.constant 80 : index
        %get3A_1295 = tpu.vector_load %arg19[%get3A_1293, %get3A_1294] {strides = array<i32>} : memref<80x128xi32, #tpu.memory_space<vmem>>, vector<1x16xi32>,
        %get3A_1296 = vector.shape_cast %get3A_1295 : vector<1x16xi32> to vector<16xi32>
        %shift_right_logical3A_1297 = vector.broadcast %mul3A_1142 : i32 to vector<16xi32>
        %shift_right_logical3A_1298 = arith.shrui %get3A_1296, %shift_right_logical3A_1297 : vector<16xi32>
        %shift_left3A_1299 = arith.constant 16 : i32
        %shift_left3A_1300 = vector.broadcast %shift_left3A_1299 : i32 to vector<16xi32>
        %shift_left3A_1301 = arith.shli %shift_right_logical3A_1298, %shift_left3A_1300 : vector<16xi32>
        %bitcast_convert_type3A_1302 = tpu.bitcast %shift_left3A_1301 : vector<16xi32> -> vector<16xf32>
        %get3A_1303 = arith.index_cast %add3A_1191 : i32 to index
        %get3A_1304 = arith.constant 80 : index
        %get3A_1305 = tpu.vector_load %arg18[%get3A_1303, %get3A_1304] {strides = array<i32>} : memref<80x128xf32, #tpu.memory_space<vmem>>, vector<1x16xf32>,
        %get3A_1306 = vector.shape_cast %get3A_1305 : vector<1x16xf32> to vector<16xf32>
        %add3A_1307 = arith.addf %get3A_1306, %bitcast_convert_type3A_1302 : vector<16xf32>
        %max3A_1308 = arith.maximumf %add3A_1307, %broadcast_in_dim3A_397 : vector<16xf32>
        %swap3A_1309 = arith.index_cast %add3A_1191 : i32 to index
        %swap3A_1310 = arith.constant 80 : index
        %swap3A_1311 = tpu.vector_load %arg18[%swap3A_1309, %swap3A_1310] {strides = array<i32>} : memref<80x128xf32, #tpu.memory_space<vmem>>, vector<1x16xf32>,
        %swap3A_1312 = vector.shape_cast %swap3A_1311 : vector<1x16xf32> to vector<16xf32>
        %swap3A_1313 = vector.shape_cast %max3A_1308 : vector<16xf32> to vector<1x16xf32>
        tpu.vector_store %arg18[%swap3A_1309, %swap3A_1310], %swap3A_1313 {strides = array<i32>} : memref<80x128xf32, #tpu.memory_space<vmem>>, vector<1x16xf32>,
        %get3A_1314 = arith.index_cast %add3A_1191 : i32 to index
        %get3A_1315 = arith.constant 96 : index
        %get3A_1316 = tpu.vector_load %arg19[%get3A_1314, %get3A_1315] {strides = array<i32>} : memref<80x128xi32, #tpu.memory_space<vmem>>, vector<1x16xi32>,
        %get3A_1317 = vector.shape_cast %get3A_1316 : vector<1x16xi32> to vector<16xi32>
        %shift_right_logical3A_1318 = vector.broadcast %mul3A_1142 : i32 to vector<16xi32>
        %shift_right_logical3A_1319 = arith.shrui %get3A_1317, %shift_right_logical3A_1318 : vector<16xi32>
        %shift_left3A_1320 = arith.constant 16 : i32
        %shift_left3A_1321 = vector.broadcast %shift_left3A_1320 : i32 to vector<16xi32>
        %shift_left3A_1322 = arith.shli %shift_right_logical3A_1319, %shift_left3A_1321 : vector<16xi32>
        %bitcast_convert_type3A_1323 = tpu.bitcast %shift_left3A_1322 : vector<16xi32> -> vector<16xf32>
        %get3A_1324 = arith.index_cast %add3A_1191 : i32 to index
        %get3A_1325 = arith.constant 96 : index
        %get3A_1326 = tpu.vector_load %arg18[%get3A_1324, %get3A_1325] {strides = array<i32>} : memref<80x128xf32, #tpu.memory_space<vmem>>, vector<1x16xf32>,
        %get3A_1327 = vector.shape_cast %get3A_1326 : vector<1x16xf32> to vector<16xf32>
        %add3A_1328 = arith.addf %get3A_1327, %bitcast_convert_type3A_1323 : vector<16xf32>
        %max3A_1329 = arith.maximumf %add3A_1328, %broadcast_in_dim3A_397 : vector<16xf32>
        %swap3A_1330 = arith.index_cast %add3A_1191 : i32 to index
        %swap3A_1331 = arith.constant 96 : index
        %swap3A_1332 = tpu.vector_load %arg18[%swap3A_1330, %swap3A_1331] {strides = array<i32>} : memref<80x128xf32, #tpu.memory_space<vmem>>, vector<1x16xf32>,
        %swap3A_1333 = vector.shape_cast %swap3A_1332 : vector<1x16xf32> to vector<16xf32>
        %swap3A_1334 = vector.shape_cast %max3A_1329 : vector<16xf32> to vector<1x16xf32>
        tpu.vector_store %arg18[%swap3A_1330, %swap3A_1331], %swap3A_1334 {strides = array<i32>} : memref<80x128xf32, #tpu.memory_space<vmem>>, vector<1x16xf32>,
        %get3A_1335 = arith.index_cast %add3A_1191 : i32 to index
        %get3A_1336 = arith.constant 112 : index
        %get3A_1337 = tpu.vector_load %arg19[%get3A_1335, %get3A_1336] {strides = array<i32>} : memref<80x128xi32, #tpu.memory_space<vmem>>, vector<1x16xi32>,
        %get3A_1338 = vector.shape_cast %get3A_1337 : vector<1x16xi32> to vector<16xi32>
        %shift_right_logical3A_1339 = vector.broadcast %mul3A_1142 : i32 to vector<16xi32>
        %shift_right_logical3A_1340 = arith.shrui %get3A_1338, %shift_right_logical3A_1339 : vector<16xi32>
        %shift_left3A_1341 = arith.constant 16 : i32
        %shift_left3A_1342 = vector.broadcast %shift_left3A_1341 : i32 to vector<16xi32>
        %shift_left3A_1343 = arith.shli %shift_right_logical3A_1340, %shift_left3A_1342 : vector<16xi32>
        %bitcast_convert_type3A_1344 = tpu.bitcast %shift_left3A_1343 : vector<16xi32> -> vector<16xf32>
        %get3A_1345 = arith.index_cast %add3A_1191 : i32 to index
        %get3A_1346 = arith.constant 112 : index
        %get3A_1347 = tpu.vector_load %arg18[%get3A_1345, %get3A_1346] {strides = array<i32>} : memref<80x128xf32, #tpu.memory_space<vmem>>, vector<1x16xf32>,
        %get3A_1348 = vector.shape_cast %get3A_1347 : vector<1x16xf32> to vector<16xf32>
        %add3A_1349 = arith.addf %get3A_1348, %bitcast_convert_type3A_1344 : vector<16xf32>
        %max3A_1350 = arith.maximumf %add3A_1349, %broadcast_in_dim3A_397 : vector<16xf32>
        %swap3A_1351 = arith.index_cast %add3A_1191 : i32 to index
        %swap3A_1352 = arith.constant 112 : index
        %swap3A_1353 = tpu.vector_load %arg18[%swap3A_1351, %swap3A_1352] {strides = array<i32>} : memref<80x128xf32, #tpu.memory_space<vmem>>, vector<1x16xf32>,
        %swap3A_1354 = vector.shape_cast %swap3A_1353 : vector<1x16xf32> to vector<16xf32>
        %swap3A_1355 = vector.shape_cast %max3A_1350 : vector<16xf32> to vector<1x16xf32>
        tpu.vector_store %arg18[%swap3A_1351, %swap3A_1352], %swap3A_1355 {strides = array<i32>} : memref<80x128xf32, #tpu.memory_space<vmem>>, vector<1x16xf32>,
        %mul3A_1356 = arith.constant 4 : i32
        %mul3A_1357 = arith.muli %scan3A_1187, %mul3A_1356 : i32
        %add3A_1358 = arith.constant 1 : i32
        %add3A_1359 = arith.addi %mul3A_1357, %add3A_1358 : i32
        %get3A_1360 = arith.index_cast %add3A_1359 : i32 to index
        %get3A_1361 = arith.constant 0 : index
        %get3A_1362 = tpu.vector_load %arg19[%get3A_1360, %get3A_1361] {strides = array<i32>} : memref<80x128xi32, #tpu.memory_space<vmem>>, vector<1x16xi32>,
        %get3A_1363 = vector.shape_cast %get3A_1362 : vector<1x16xi32> to vector<16xi32>
        %shift_right_logical3A_1364 = vector.broadcast %mul3A_1142 : i32 to vector<16xi32>
        %shift_right_logical3A_1365 = arith.shrui %get3A_1363, %shift_right_logical3A_1364 : vector<16xi32>
        %shift_left3A_1366 = arith.constant 16 : i32
        %shift_left3A_1367 = vector.broadcast %shift_left3A_1366 : i32 to vector<16xi32>
        %shift_left3A_1368 = arith.shli %shift_right_logical3A_1365, %shift_left3A_1367 : vector<16xi32>
        %bitcast_convert_type3A_1369 = tpu.bitcast %shift_left3A_1368 : vector<16xi32> -> vector<16xf32>
        %get3A_1370 = arith.index_cast %add3A_1359 : i32 to index
        %get3A_1371 = arith.constant 0 : index
        %get3A_1372 = tpu.vector_load %arg18[%get3A_1370, %get3A_1371] {strides = array<i32>} : memref<80x128xf32, #tpu.memory_space<vmem>>, vector<1x16xf32>,
        %get3A_1373 = vector.shape_cast %get3A_1372 : vector<1x16xf32> to vector<16xf32>
        %add3A_1374 = arith.addf %get3A_1373, %bitcast_convert_type3A_1369 : vector<16xf32>
        %max3A_1375 = arith.maximumf %add3A_1374, %broadcast_in_dim3A_397 : vector<16xf32>
        %swap3A_1376 = arith.index_cast %add3A_1359 : i32 to index
        %swap3A_1377 = arith.constant 0 : index
        %swap3A_1378 = tpu.vector_load %arg18[%swap3A_1376, %swap3A_1377] {strides = array<i32>} : memref<80x128xf32, #tpu.memory_space<vmem>>, vector<1x16xf32>,
        %swap3A_1379 = vector.shape_cast %swap3A_1378 : vector<1x16xf32> to vector<16xf32>
        %swap3A_1380 = vector.shape_cast %max3A_1375 : vector<16xf32> to vector<1x16xf32>
        tpu.vector_store %arg18[%swap3A_1376, %swap3A_1377], %swap3A_1380 {strides = array<i32>} : memref<80x128xf32, #tpu.memory_space<vmem>>, vector<1x16xf32>,
        %get3A_1381 = arith.index_cast %add3A_1359 : i32 to index
        %get3A_1382 = arith.constant 16 : index
        %get3A_1383 = tpu.vector_load %arg19[%get3A_1381, %get3A_1382] {strides = array<i32>} : memref<80x128xi32, #tpu.memory_space<vmem>>, vector<1x16xi32>,
        %get3A_1384 = vector.shape_cast %get3A_1383 : vector<1x16xi32> to vector<16xi32>
        %shift_right_logical3A_1385 = vector.broadcast %mul3A_1142 : i32 to vector<16xi32>
        %shift_right_logical3A_1386 = arith.shrui %get3A_1384, %shift_right_logical3A_1385 : vector<16xi32>
        %shift_left3A_1387 = arith.constant 16 : i32
        %shift_left3A_1388 = vector.broadcast %shift_left3A_1387 : i32 to vector<16xi32>
        %shift_left3A_1389 = arith.shli %shift_right_logical3A_1386, %shift_left3A_1388 : vector<16xi32>
        %bitcast_convert_type3A_1390 = tpu.bitcast %shift_left3A_1389 : vector<16xi32> -> vector<16xf32>
        %get3A_1391 = arith.index_cast %add3A_1359 : i32 to index
        %get3A_1392 = arith.constant 16 : index
        %get3A_1393 = tpu.vector_load %arg18[%get3A_1391, %get3A_1392] {strides = array<i32>} : memref<80x128xf32, #tpu.memory_space<vmem>>, vector<1x16xf32>,
        %get3A_1394 = vector.shape_cast %get3A_1393 : vector<1x16xf32> to vector<16xf32>
        %add3A_1395 = arith.addf %get3A_1394, %bitcast_convert_type3A_1390 : vector<16xf32>
        %max3A_1396 = arith.maximumf %add3A_1395, %broadcast_in_dim3A_397 : vector<16xf32>
        %swap3A_1397 = arith.index_cast %add3A_1359 : i32 to index
        %swap3A_1398 = arith.constant 16 : index
        %swap3A_1399 = tpu.vector_load %arg18[%swap3A_1397, %swap3A_1398] {strides = array<i32>} : memref<80x128xf32, #tpu.memory_space<vmem>>, vector<1x16xf32>,
        %swap3A_1400 = vector.shape_cast %swap3A_1399 : vector<1x16xf32> to vector<16xf32>
        %swap3A_1401 = vector.shape_cast %max3A_1396 : vector<16xf32> to vector<1x16xf32>
        tpu.vector_store %arg18[%swap3A_1397, %swap3A_1398], %swap3A_1401 {strides = array<i32>} : memref<80x128xf32, #tpu.memory_space<vmem>>, vector<1x16xf32>,
        %get3A_1402 = arith.index_cast %add3A_1359 : i32 to index
        %get3A_1403 = arith.constant 32 : index
        %get3A_1404 = tpu.vector_load %arg19[%get3A_1402, %get3A_1403] {strides = array<i32>} : memref<80x128xi32, #tpu.memory_space<vmem>>, vector<1x16xi32>,
        %get3A_1405 = vector.shape_cast %get3A_1404 : vector<1x16xi32> to vector<16xi32>
        %shift_right_logical3A_1406 = vector.broadcast %mul3A_1142 : i32 to vector<16xi32>
        %shift_right_logical3A_1407 = arith.shrui %get3A_1405, %shift_right_logical3A_1406 : vector<16xi32>
        %shift_left3A_1408 = arith.constant 16 : i32
        %shift_left3A_1409 = vector.broadcast %shift_left3A_1408 : i32 to vector<16xi32>
        %shift_left3A_1410 = arith.shli %shift_right_logical3A_1407, %shift_left3A_1409 : vector<16xi32>
        %bitcast_convert_type3A_1411 = tpu.bitcast %shift_left3A_1410 : vector<16xi32> -> vector<16xf32>
        %get3A_1412 = arith.index_cast %add3A_1359 : i32 to index
        %get3A_1413 = arith.constant 32 : index
        %get3A_1414 = tpu.vector_load %arg18[%get3A_1412, %get3A_1413] {strides = array<i32>} : memref<80x128xf32, #tpu.memory_space<vmem>>, vector<1x16xf32>,
        %get3A_1415 = vector.shape_cast %get3A_1414 : vector<1x16xf32> to vector<16xf32>
        %add3A_1416 = arith.addf %get3A_1415, %bitcast_convert_type3A_1411 : vector<16xf32>
        %max3A_1417 = arith.maximumf %add3A_1416, %broadcast_in_dim3A_397 : vector<16xf32>
        %swap3A_1418 = arith.index_cast %add3A_1359 : i32 to index
        %swap3A_1419 = arith.constant 32 : index
        %swap3A_1420 = tpu.vector_load %arg18[%swap3A_1418, %swap3A_1419] {strides = array<i32>} : memref<80x128xf32, #tpu.memory_space<vmem>>, vector<1x16xf32>,
        %swap3A_1421 = vector.shape_cast %swap3A_1420 : vector<1x16xf32> to vector<16xf32>
        %swap3A_1422 = vector.shape_cast %max3A_1417 : vector<16xf32> to vector<1x16xf32>
        tpu.vector_store %arg18[%swap3A_1418, %swap3A_1419], %swap3A_1422 {strides = array<i32>} : memref<80x128xf32, #tpu.memory_space<vmem>>, vector<1x16xf32>,
        %get3A_1423 = arith.index_cast %add3A_1359 : i32 to index
        %get3A_1424 = arith.constant 48 : index
        %get3A_1425 = tpu.vector_load %arg19[%get3A_1423, %get3A_1424] {strides = array<i32>} : memref<80x128xi32, #tpu.memory_space<vmem>>, vector<1x16xi32>,
        %get3A_1426 = vector.shape_cast %get3A_1425 : vector<1x16xi32> to vector<16xi32>
        %shift_right_logical3A_1427 = vector.broadcast %mul3A_1142 : i32 to vector<16xi32>
        %shift_right_logical3A_1428 = arith.shrui %get3A_1426, %shift_right_logical3A_1427 : vector<16xi32>
        %shift_left3A_1429 = arith.constant 16 : i32
        %shift_left3A_1430 = vector.broadcast %shift_left3A_1429 : i32 to vector<16xi32>
        %shift_left3A_1431 = arith.shli %shift_right_logical3A_1428, %shift_left3A_1430 : vector<16xi32>
        %bitcast_convert_type3A_1432 = tpu.bitcast %shift_left3A_1431 : vector<16xi32> -> vector<16xf32>
        %get3A_1433 = arith.index_cast %add3A_1359 : i32 to index
        %get3A_1434 = arith.constant 48 : index
        %get3A_1435 = tpu.vector_load %arg18[%get3A_1433, %get3A_1434] {strides = array<i32>} : memref<80x128xf32, #tpu.memory_space<vmem>>, vector<1x16xf32>,
        %get3A_1436 = vector.shape_cast %get3A_1435 : vector<1x16xf32> to vector<16xf32>
        %add3A_1437 = arith.addf %get3A_1436, %bitcast_convert_type3A_1432 : vector<16xf32>
        %max3A_1438 = arith.maximumf %add3A_1437, %broadcast_in_dim3A_397 : vector<16xf32>
        %swap3A_1439 = arith.index_cast %add3A_1359 : i32 to index
        %swap3A_1440 = arith.constant 48 : index
        %swap3A_1441 = tpu.vector_load %arg18[%swap3A_1439, %swap3A_1440] {strides = array<i32>} : memref<80x128xf32, #tpu.memory_space<vmem>>, vector<1x16xf32>,
        %swap3A_1442 = vector.shape_cast %swap3A_1441 : vector<1x16xf32> to vector<16xf32>
        %swap3A_1443 = vector.shape_cast %max3A_1438 : vector<16xf32> to vector<1x16xf32>
        tpu.vector_store %arg18[%swap3A_1439, %swap3A_1440], %swap3A_1443 {strides = array<i32>} : memref<80x128xf32, #tpu.memory_space<vmem>>, vector<1x16xf32>,
        %get3A_1444 = arith.index_cast %add3A_1359 : i32 to index
        %get3A_1445 = arith.constant 64 : index
        %get3A_1446 = tpu.vector_load %arg19[%get3A_1444, %get3A_1445] {strides = array<i32>} : memref<80x128xi32, #tpu.memory_space<vmem>>, vector<1x16xi32>,
        %get3A_1447 = vector.shape_cast %get3A_1446 : vector<1x16xi32> to vector<16xi32>
        %shift_right_logical3A_1448 = vector.broadcast %mul3A_1142 : i32 to vector<16xi32>
        %shift_right_logical3A_1449 = arith.shrui %get3A_1447, %shift_right_logical3A_1448 : vector<16xi32>
        %shift_left3A_1450 = arith.constant 16 : i32
        %shift_left3A_1451 = vector.broadcast %shift_left3A_1450 : i32 to vector<16xi32>
        %shift_left3A_1452 = arith.shli %shift_right_logical3A_1449, %shift_left3A_1451 : vector<16xi32>
        %bitcast_convert_type3A_1453 = tpu.bitcast %shift_left3A_1452 : vector<16xi32> -> vector<16xf32>
        %get3A_1454 = arith.index_cast %add3A_1359 : i32 to index
        %get3A_1455 = arith.constant 64 : index
        %get3A_1456 = tpu.vector_load %arg18[%get3A_1454, %get3A_1455] {strides = array<i32>} : memref<80x128xf32, #tpu.memory_space<vmem>>, vector<1x16xf32>,
        %get3A_1457 = vector.shape_cast %get3A_1456 : vector<1x16xf32> to vector<16xf32>
        %add3A_1458 = arith.addf %get3A_1457, %bitcast_convert_type3A_1453 : vector<16xf32>
        %max3A_1459 = arith.maximumf %add3A_1458, %broadcast_in_dim3A_397 : vector<16xf32>
        %swap3A_1460 = arith.index_cast %add3A_1359 : i32 to index
        %swap3A_1461 = arith.constant 64 : index
        %swap3A_1462 = tpu.vector_load %arg18[%swap3A_1460, %swap3A_1461] {strides = array<i32>} : memref<80x128xf32, #tpu.memory_space<vmem>>, vector<1x16xf32>,
        %swap3A_1463 = vector.shape_cast %swap3A_1462 : vector<1x16xf32> to vector<16xf32>
        %swap3A_1464 = vector.shape_cast %max3A_1459 : vector<16xf32> to vector<1x16xf32>
        tpu.vector_store %arg18[%swap3A_1460, %swap3A_1461], %swap3A_1464 {strides = array<i32>} : memref<80x128xf32, #tpu.memory_space<vmem>>, vector<1x16xf32>,
        %get3A_1465 = arith.index_cast %add3A_1359 : i32 to index
        %get3A_1466 = arith.constant 80 : index
        %get3A_1467 = tpu.vector_load %arg19[%get3A_1465, %get3A_1466] {strides = array<i32>} : memref<80x128xi32, #tpu.memory_space<vmem>>, vector<1x16xi32>,
        %get3A_1468 = vector.shape_cast %get3A_1467 : vector<1x16xi32> to vector<16xi32>
        %shift_right_logical3A_1469 = vector.broadcast %mul3A_1142 : i32 to vector<16xi32>
        %shift_right_logical3A_1470 = arith.shrui %get3A_1468, %shift_right_logical3A_1469 : vector<16xi32>
        %shift_left3A_1471 = arith.constant 16 : i32
        %shift_left3A_1472 = vector.broadcast %shift_left3A_1471 : i32 to vector<16xi32>
        %shift_left3A_1473 = arith.shli %shift_right_logical3A_1470, %shift_left3A_1472 : vector<16xi32>
        %bitcast_convert_type3A_1474 = tpu.bitcast %shift_left3A_1473 : vector<16xi32> -> vector<16xf32>
        %get3A_1475 = arith.index_cast %add3A_1359 : i32 to index
        %get3A_1476 = arith.constant 80 : index
        %get3A_1477 = tpu.vector_load %arg18[%get3A_1475, %get3A_1476] {strides = array<i32>} : memref<80x128xf32, #tpu.memory_space<vmem>>, vector<1x16xf32>,
        %get3A_1478 = vector.shape_cast %get3A_1477 : vector<1x16xf32> to vector<16xf32>
        %add3A_1479 = arith.addf %get3A_1478, %bitcast_convert_type3A_1474 : vector<16xf32>
        %max3A_1480 = arith.maximumf %add3A_1479, %broadcast_in_dim3A_397 : vector<16xf32>
        %swap3A_1481 = arith.index_cast %add3A_1359 : i32 to index
        %swap3A_1482 = arith.constant 80 : index
        %swap3A_1483 = tpu.vector_load %arg18[%swap3A_1481, %swap3A_1482] {strides = array<i32>} : memref<80x128xf32, #tpu.memory_space<vmem>>, vector<1x16xf32>,
        %swap3A_1484 = vector.shape_cast %swap3A_1483 : vector<1x16xf32> to vector<16xf32>
        %swap3A_1485 = vector.shape_cast %max3A_1480 : vector<16xf32> to vector<1x16xf32>
        tpu.vector_store %arg18[%swap3A_1481, %swap3A_1482], %swap3A_1485 {strides = array<i32>} : memref<80x128xf32, #tpu.memory_space<vmem>>, vector<1x16xf32>,
        %get3A_1486 = arith.index_cast %add3A_1359 : i32 to index
        %get3A_1487 = arith.constant 96 : index
        %get3A_1488 = tpu.vector_load %arg19[%get3A_1486, %get3A_1487] {strides = array<i32>} : memref<80x128xi32, #tpu.memory_space<vmem>>, vector<1x16xi32>,
        %get3A_1489 = vector.shape_cast %get3A_1488 : vector<1x16xi32> to vector<16xi32>
        %shift_right_logical3A_1490 = vector.broadcast %mul3A_1142 : i32 to vector<16xi32>
        %shift_right_logical3A_1491 = arith.shrui %get3A_1489, %shift_right_logical3A_1490 : vector<16xi32>
        %shift_left3A_1492 = arith.constant 16 : i32
        %shift_left3A_1493 = vector.broadcast %shift_left3A_1492 : i32 to vector<16xi32>
        %shift_left3A_1494 = arith.shli %shift_right_logical3A_1491, %shift_left3A_1493 : vector<16xi32>
        %bitcast_convert_type3A_1495 = tpu.bitcast %shift_left3A_1494 : vector<16xi32> -> vector<16xf32>
        %get3A_1496 = arith.index_cast %add3A_1359 : i32 to index
        %get3A_1497 = arith.constant 96 : index
        %get3A_1498 = tpu.vector_load %arg18[%get3A_1496, %get3A_1497] {strides = array<i32>} : memref<80x128xf32, #tpu.memory_space<vmem>>, vector<1x16xf32>,
        %get3A_1499 = vector.shape_cast %get3A_1498 : vector<1x16xf32> to vector<16xf32>
        %add3A_1500 = arith.addf %get3A_1499, %bitcast_convert_type3A_1495 : vector<16xf32>
        %max3A_1501 = arith.maximumf %add3A_1500, %broadcast_in_dim3A_397 : vector<16xf32>
        %swap3A_1502 = arith.index_cast %add3A_1359 : i32 to index
        %swap3A_1503 = arith.constant 96 : index
        %swap3A_1504 = tpu.vector_load %arg18[%swap3A_1502, %swap3A_1503] {strides = array<i32>} : memref<80x128xf32, #tpu.memory_space<vmem>>, vector<1x16xf32>,
        %swap3A_1505 = vector.shape_cast %swap3A_1504 : vector<1x16xf32> to vector<16xf32>
        %swap3A_1506 = vector.shape_cast %max3A_1501 : vector<16xf32> to vector<1x16xf32>
        tpu.vector_store %arg18[%swap3A_1502, %swap3A_1503], %swap3A_1506 {strides = array<i32>} : memref<80x128xf32, #tpu.memory_space<vmem>>, vector<1x16xf32>,
        %get3A_1507 = arith.index_cast %add3A_1359 : i32 to index
        %get3A_1508 = arith.constant 112 : index
        %get3A_1509 = tpu.vector_load %arg19[%get3A_1507, %get3A_1508] {strides = array<i32>} : memref<80x128xi32, #tpu.memory_space<vmem>>, vector<1x16xi32>,
        %get3A_1510 = vector.shape_cast %get3A_1509 : vector<1x16xi32> to vector<16xi32>
        %shift_right_logical3A_1511 = vector.broadcast %mul3A_1142 : i32 to vector<16xi32>
        %shift_right_logical3A_1512 = arith.shrui %get3A_1510, %shift_right_logical3A_1511 : vector<16xi32>
        %shift_left3A_1513 = arith.constant 16 : i32
        %shift_left3A_1514 = vector.broadcast %shift_left3A_1513 : i32 to vector<16xi32>
        %shift_left3A_1515 = arith.shli %shift_right_logical3A_1512, %shift_left3A_1514 : vector<16xi32>
        %bitcast_convert_type3A_1516 = tpu.bitcast %shift_left3A_1515 : vector<16xi32> -> vector<16xf32>
        %get3A_1517 = arith.index_cast %add3A_1359 : i32 to index
        %get3A_1518 = arith.constant 112 : index
        %get3A_1519 = tpu.vector_load %arg18[%get3A_1517, %get3A_1518] {strides = array<i32>} : memref<80x128xf32, #tpu.memory_space<vmem>>, vector<1x16xf32>,
        %get3A_1520 = vector.shape_cast %get3A_1519 : vector<1x16xf32> to vector<16xf32>
        %add3A_1521 = arith.addf %get3A_1520, %bitcast_convert_type3A_1516 : vector<16xf32>
        %max3A_1522 = arith.maximumf %add3A_1521, %broadcast_in_dim3A_397 : vector<16xf32>
        %swap3A_1523 = arith.index_cast %add3A_1359 : i32 to index
        %swap3A_1524 = arith.constant 112 : index
        %swap3A_1525 = tpu.vector_load %arg18[%swap3A_1523, %swap3A_1524] {strides = array<i32>} : memref<80x128xf32, #tpu.memory_space<vmem>>, vector<1x16xf32>,
        %swap3A_1526 = vector.shape_cast %swap3A_1525 : vector<1x16xf32> to vector<16xf32>
        %swap3A_1527 = vector.shape_cast %max3A_1522 : vector<16xf32> to vector<1x16xf32>
        tpu.vector_store %arg18[%swap3A_1523, %swap3A_1524], %swap3A_1527 {strides = array<i32>} : memref<80x128xf32, #tpu.memory_space<vmem>>, vector<1x16xf32>,
        %mul3A_1528 = arith.constant 4 : i32
        %mul3A_1529 = arith.muli %scan3A_1187, %mul3A_1528 : i32
        %add3A_1530 = arith.constant 2 : i32
        %add3A_1531 = arith.addi %mul3A_1529, %add3A_1530 : i32
        %get3A_1532 = arith.index_cast %add3A_1531 : i32 to index
        %get3A_1533 = arith.constant 0 : index
        %get3A_1534 = tpu.vector_load %arg19[%get3A_1532, %get3A_1533] {strides = array<i32>} : memref<80x128xi32, #tpu.memory_space<vmem>>, vector<1x16xi32>,
        %get3A_1535 = vector.shape_cast %get3A_1534 : vector<1x16xi32> to vector<16xi32>
        %shift_right_logical3A_1536 = vector.broadcast %mul3A_1142 : i32 to vector<16xi32>
        %shift_right_logical3A_1537 = arith.shrui %get3A_1535, %shift_right_logical3A_1536 : vector<16xi32>
        %shift_left3A_1538 = arith.constant 16 : i32
        %shift_left3A_1539 = vector.broadcast %shift_left3A_1538 : i32 to vector<16xi32>
        %shift_left3A_1540 = arith.shli %shift_right_logical3A_1537, %shift_left3A_1539 : vector<16xi32>
        %bitcast_convert_type3A_1541 = tpu.bitcast %shift_left3A_1540 : vector<16xi32> -> vector<16xf32>
        %get3A_1542 = arith.index_cast %add3A_1531 : i32 to index
        %get3A_1543 = arith.constant 0 : index
        %get3A_1544 = tpu.vector_load %arg18[%get3A_1542, %get3A_1543] {strides = array<i32>} : memref<80x128xf32, #tpu.memory_space<vmem>>, vector<1x16xf32>,
        %get3A_1545 = vector.shape_cast %get3A_1544 : vector<1x16xf32> to vector<16xf32>
        %add3A_1546 = arith.addf %get3A_1545, %bitcast_convert_type3A_1541 : vector<16xf32>
        %max3A_1547 = arith.maximumf %add3A_1546, %broadcast_in_dim3A_397 : vector<16xf32>
        %swap3A_1548 = arith.index_cast %add3A_1531 : i32 to index
        %swap3A_1549 = arith.constant 0 : index
        %swap3A_1550 = tpu.vector_load %arg18[%swap3A_1548, %swap3A_1549] {strides = array<i32>} : memref<80x128xf32, #tpu.memory_space<vmem>>, vector<1x16xf32>,
        %swap3A_1551 = vector.shape_cast %swap3A_1550 : vector<1x16xf32> to vector<16xf32>
        %swap3A_1552 = vector.shape_cast %max3A_1547 : vector<16xf32> to vector<1x16xf32>
        tpu.vector_store %arg18[%swap3A_1548, %swap3A_1549], %swap3A_1552 {strides = array<i32>} : memref<80x128xf32, #tpu.memory_space<vmem>>, vector<1x16xf32>,
        %get3A_1553 = arith.index_cast %add3A_1531 : i32 to index
        %get3A_1554 = arith.constant 16 : index
        %get3A_1555 = tpu.vector_load %arg19[%get3A_1553, %get3A_1554] {strides = array<i32>} : memref<80x128xi32, #tpu.memory_space<vmem>>, vector<1x16xi32>,
        %get3A_1556 = vector.shape_cast %get3A_1555 : vector<1x16xi32> to vector<16xi32>
        %shift_right_logical3A_1557 = vector.broadcast %mul3A_1142 : i32 to vector<16xi32>
        %shift_right_logical3A_1558 = arith.shrui %get3A_1556, %shift_right_logical3A_1557 : vector<16xi32>
        %shift_left3A_1559 = arith.constant 16 : i32
        %shift_left3A_1560 = vector.broadcast %shift_left3A_1559 : i32 to vector<16xi32>
        %shift_left3A_1561 = arith.shli %shift_right_logical3A_1558, %shift_left3A_1560 : vector<16xi32>
        %bitcast_convert_type3A_1562 = tpu.bitcast %shift_left3A_1561 : vector<16xi32> -> vector<16xf32>
        %get3A_1563 = arith.index_cast %add3A_1531 : i32 to index
        %get3A_1564 = arith.constant 16 : index
        %get3A_1565 = tpu.vector_load %arg18[%get3A_1563, %get3A_1564] {strides = array<i32>} : memref<80x128xf32, #tpu.memory_space<vmem>>, vector<1x16xf32>,
        %get3A_1566 = vector.shape_cast %get3A_1565 : vector<1x16xf32> to vector<16xf32>
        %add3A_1567 = arith.addf %get3A_1566, %bitcast_convert_type3A_1562 : vector<16xf32>
        %max3A_1568 = arith.maximumf %add3A_1567, %broadcast_in_dim3A_397 : vector<16xf32>
        %swap3A_1569 = arith.index_cast %add3A_1531 : i32 to index
        %swap3A_1570 = arith.constant 16 : index
        %swap3A_1571 = tpu.vector_load %arg18[%swap3A_1569, %swap3A_1570] {strides = array<i32>} : memref<80x128xf32, #tpu.memory_space<vmem>>, vector<1x16xf32>,
        %swap3A_1572 = vector.shape_cast %swap3A_1571 : vector<1x16xf32> to vector<16xf32>
        %swap3A_1573 = vector.shape_cast %max3A_1568 : vector<16xf32> to vector<1x16xf32>
        tpu.vector_store %arg18[%swap3A_1569, %swap3A_1570], %swap3A_1573 {strides = array<i32>} : memref<80x128xf32, #tpu.memory_space<vmem>>, vector<1x16xf32>,
        %get3A_1574 = arith.index_cast %add3A_1531 : i32 to index
        %get3A_1575 = arith.constant 32 : index
        %get3A_1576 = tpu.vector_load %arg19[%get3A_1574, %get3A_1575] {strides = array<i32>} : memref<80x128xi32, #tpu.memory_space<vmem>>, vector<1x16xi32>,
        %get3A_1577 = vector.shape_cast %get3A_1576 : vector<1x16xi32> to vector<16xi32>
        %shift_right_logical3A_1578 = vector.broadcast %mul3A_1142 : i32 to vector<16xi32>
        %shift_right_logical3A_1579 = arith.shrui %get3A_1577, %shift_right_logical3A_1578 : vector<16xi32>
        %shift_left3A_1580 = arith.constant 16 : i32
        %shift_left3A_1581 = vector.broadcast %shift_left3A_1580 : i32 to vector<16xi32>
        %shift_left3A_1582 = arith.shli %shift_right_logical3A_1579, %shift_left3A_1581 : vector<16xi32>
        %bitcast_convert_type3A_1583 = tpu.bitcast %shift_left3A_1582 : vector<16xi32> -> vector<16xf32>
        %get3A_1584 = arith.index_cast %add3A_1531 : i32 to index
        %get3A_1585 = arith.constant 32 : index
        %get3A_1586 = tpu.vector_load %arg18[%get3A_1584, %get3A_1585] {strides = array<i32>} : memref<80x128xf32, #tpu.memory_space<vmem>>, vector<1x16xf32>,
        %get3A_1587 = vector.shape_cast %get3A_1586 : vector<1x16xf32> to vector<16xf32>
        %add3A_1588 = arith.addf %get3A_1587, %bitcast_convert_type3A_1583 : vector<16xf32>
        %max3A_1589 = arith.maximumf %add3A_1588, %broadcast_in_dim3A_397 : vector<16xf32>
        %swap3A_1590 = arith.index_cast %add3A_1531 : i32 to index
        %swap3A_1591 = arith.constant 32 : index
        %swap3A_1592 = tpu.vector_load %arg18[%swap3A_1590, %swap3A_1591] {strides = array<i32>} : memref<80x128xf32, #tpu.memory_space<vmem>>, vector<1x16xf32>,
        %swap3A_1593 = vector.shape_cast %swap3A_1592 : vector<1x16xf32> to vector<16xf32>
        %swap3A_1594 = vector.shape_cast %max3A_1589 : vector<16xf32> to vector<1x16xf32>
        tpu.vector_store %arg18[%swap3A_1590, %swap3A_1591], %swap3A_1594 {strides = array<i32>} : memref<80x128xf32, #tpu.memory_space<vmem>>, vector<1x16xf32>,
        %get3A_1595 = arith.index_cast %add3A_1531 : i32 to index
        %get3A_1596 = arith.constant 48 : index
        %get3A_1597 = tpu.vector_load %arg19[%get3A_1595, %get3A_1596] {strides = array<i32>} : memref<80x128xi32, #tpu.memory_space<vmem>>, vector<1x16xi32>,
        %get3A_1598 = vector.shape_cast %get3A_1597 : vector<1x16xi32> to vector<16xi32>
        %shift_right_logical3A_1599 = vector.broadcast %mul3A_1142 : i32 to vector<16xi32>
        %shift_right_logical3A_1600 = arith.shrui %get3A_1598, %shift_right_logical3A_1599 : vector<16xi32>
        %shift_left3A_1601 = arith.constant 16 : i32
        %shift_left3A_1602 = vector.broadcast %shift_left3A_1601 : i32 to vector<16xi32>
        %shift_left3A_1603 = arith.shli %shift_right_logical3A_1600, %shift_left3A_1602 : vector<16xi32>
        %bitcast_convert_type3A_1604 = tpu.bitcast %shift_left3A_1603 : vector<16xi32> -> vector<16xf32>
        %get3A_1605 = arith.index_cast %add3A_1531 : i32 to index
        %get3A_1606 = arith.constant 48 : index
        %get3A_1607 = tpu.vector_load %arg18[%get3A_1605, %get3A_1606] {strides = array<i32>} : memref<80x128xf32, #tpu.memory_space<vmem>>, vector<1x16xf32>,
        %get3A_1608 = vector.shape_cast %get3A_1607 : vector<1x16xf32> to vector<16xf32>
        %add3A_1609 = arith.addf %get3A_1608, %bitcast_convert_type3A_1604 : vector<16xf32>
        %max3A_1610 = arith.maximumf %add3A_1609, %broadcast_in_dim3A_397 : vector<16xf32>
        %swap3A_1611 = arith.index_cast %add3A_1531 : i32 to index
        %swap3A_1612 = arith.constant 48 : index
        %swap3A_1613 = tpu.vector_load %arg18[%swap3A_1611, %swap3A_1612] {strides = array<i32>} : memref<80x128xf32, #tpu.memory_space<vmem>>, vector<1x16xf32>,
        %swap3A_1614 = vector.shape_cast %swap3A_1613 : vector<1x16xf32> to vector<16xf32>
        %swap3A_1615 = vector.shape_cast %max3A_1610 : vector<16xf32> to vector<1x16xf32>
        tpu.vector_store %arg18[%swap3A_1611, %swap3A_1612], %swap3A_1615 {strides = array<i32>} : memref<80x128xf32, #tpu.memory_space<vmem>>, vector<1x16xf32>,
        %get3A_1616 = arith.index_cast %add3A_1531 : i32 to index
        %get3A_1617 = arith.constant 64 : index
        %get3A_1618 = tpu.vector_load %arg19[%get3A_1616, %get3A_1617] {strides = array<i32>} : memref<80x128xi32, #tpu.memory_space<vmem>>, vector<1x16xi32>,
        %get3A_1619 = vector.shape_cast %get3A_1618 : vector<1x16xi32> to vector<16xi32>
        %shift_right_logical3A_1620 = vector.broadcast %mul3A_1142 : i32 to vector<16xi32>
        %shift_right_logical3A_1621 = arith.shrui %get3A_1619, %shift_right_logical3A_1620 : vector<16xi32>
        %shift_left3A_1622 = arith.constant 16 : i32
        %shift_left3A_1623 = vector.broadcast %shift_left3A_1622 : i32 to vector<16xi32>
        %shift_left3A_1624 = arith.shli %shift_right_logical3A_1621, %shift_left3A_1623 : vector<16xi32>
        %bitcast_convert_type3A_1625 = tpu.bitcast %shift_left3A_1624 : vector<16xi32> -> vector<16xf32>
        %get3A_1626 = arith.index_cast %add3A_1531 : i32 to index
        %get3A_1627 = arith.constant 64 : index
        %get3A_1628 = tpu.vector_load %arg18[%get3A_1626, %get3A_1627] {strides = array<i32>} : memref<80x128xf32, #tpu.memory_space<vmem>>, vector<1x16xf32>,
        %get3A_1629 = vector.shape_cast %get3A_1628 : vector<1x16xf32> to vector<16xf32>
        %add3A_1630 = arith.addf %get3A_1629, %bitcast_convert_type3A_1625 : vector<16xf32>
        %max3A_1631 = arith.maximumf %add3A_1630, %broadcast_in_dim3A_397 : vector<16xf32>
        %swap3A_1632 = arith.index_cast %add3A_1531 : i32 to index
        %swap3A_1633 = arith.constant 64 : index
        %swap3A_1634 = tpu.vector_load %arg18[%swap3A_1632, %swap3A_1633] {strides = array<i32>} : memref<80x128xf32, #tpu.memory_space<vmem>>, vector<1x16xf32>,
        %swap3A_1635 = vector.shape_cast %swap3A_1634 : vector<1x16xf32> to vector<16xf32>
        %swap3A_1636 = vector.shape_cast %max3A_1631 : vector<16xf32> to vector<1x16xf32>
        tpu.vector_store %arg18[%swap3A_1632, %swap3A_1633], %swap3A_1636 {strides = array<i32>} : memref<80x128xf32, #tpu.memory_space<vmem>>, vector<1x16xf32>,
        %get3A_1637 = arith.index_cast %add3A_1531 : i32 to index
        %get3A_1638 = arith.constant 80 : index
        %get3A_1639 = tpu.vector_load %arg19[%get3A_1637, %get3A_1638] {strides = array<i32>} : memref<80x128xi32, #tpu.memory_space<vmem>>, vector<1x16xi32>,
        %get3A_1640 = vector.shape_cast %get3A_1639 : vector<1x16xi32> to vector<16xi32>
        %shift_right_logical3A_1641 = vector.broadcast %mul3A_1142 : i32 to vector<16xi32>
        %shift_right_logical3A_1642 = arith.shrui %get3A_1640, %shift_right_logical3A_1641 : vector<16xi32>
        %shift_left3A_1643 = arith.constant 16 : i32
        %shift_left3A_1644 = vector.broadcast %shift_left3A_1643 : i32 to vector<16xi32>
        %shift_left3A_1645 = arith.shli %shift_right_logical3A_1642, %shift_left3A_1644 : vector<16xi32>
        %bitcast_convert_type3A_1646 = tpu.bitcast %shift_left3A_1645 : vector<16xi32> -> vector<16xf32>
        %get3A_1647 = arith.index_cast %add3A_1531 : i32 to index
        %get3A_1648 = arith.constant 80 : index
        %get3A_1649 = tpu.vector_load %arg18[%get3A_1647, %get3A_1648] {strides = array<i32>} : memref<80x128xf32, #tpu.memory_space<vmem>>, vector<1x16xf32>,
        %get3A_1650 = vector.shape_cast %get3A_1649 : vector<1x16xf32> to vector<16xf32>
        %add3A_1651 = arith.addf %get3A_1650, %bitcast_convert_type3A_1646 : vector<16xf32>
        %max3A_1652 = arith.maximumf %add3A_1651, %broadcast_in_dim3A_397 : vector<16xf32>
        %swap3A_1653 = arith.index_cast %add3A_1531 : i32 to index
        %swap3A_1654 = arith.constant 80 : index
        %swap3A_1655 = tpu.vector_load %arg18[%swap3A_1653, %swap3A_1654] {strides = array<i32>} : memref<80x128xf32, #tpu.memory_space<vmem>>, vector<1x16xf32>,
        %swap3A_1656 = vector.shape_cast %swap3A_1655 : vector<1x16xf32> to vector<16xf32>
        %swap3A_1657 = vector.shape_cast %max3A_1652 : vector<16xf32> to vector<1x16xf32>
        tpu.vector_store %arg18[%swap3A_1653, %swap3A_1654], %swap3A_1657 {strides = array<i32>} : memref<80x128xf32, #tpu.memory_space<vmem>>, vector<1x16xf32>,
        %get3A_1658 = arith.index_cast %add3A_1531 : i32 to index
        %get3A_1659 = arith.constant 96 : index
        %get3A_1660 = tpu.vector_load %arg19[%get3A_1658, %get3A_1659] {strides = array<i32>} : memref<80x128xi32, #tpu.memory_space<vmem>>, vector<1x16xi32>,
        %get3A_1661 = vector.shape_cast %get3A_1660 : vector<1x16xi32> to vector<16xi32>
        %shift_right_logical3A_1662 = vector.broadcast %mul3A_1142 : i32 to vector<16xi32>
        %shift_right_logical3A_1663 = arith.shrui %get3A_1661, %shift_right_logical3A_1662 : vector<16xi32>
        %shift_left3A_1664 = arith.constant 16 : i32
        %shift_left3A_1665 = vector.broadcast %shift_left3A_1664 : i32 to vector<16xi32>
        %shift_left3A_1666 = arith.shli %shift_right_logical3A_1663, %shift_left3A_1665 : vector<16xi32>
        %bitcast_convert_type3A_1667 = tpu.bitcast %shift_left3A_1666 : vector<16xi32> -> vector<16xf32>
        %get3A_1668 = arith.index_cast %add3A_1531 : i32 to index
        %get3A_1669 = arith.constant 96 : index
        %get3A_1670 = tpu.vector_load %arg18[%get3A_1668, %get3A_1669] {strides = array<i32>} : memref<80x128xf32, #tpu.memory_space<vmem>>, vector<1x16xf32>,
        %get3A_1671 = vector.shape_cast %get3A_1670 : vector<1x16xf32> to vector<16xf32>
        %add3A_1672 = arith.addf %get3A_1671, %bitcast_convert_type3A_1667 : vector<16xf32>
        %max3A_1673 = arith.maximumf %add3A_1672, %broadcast_in_dim3A_397 : vector<16xf32>
        %swap3A_1674 = arith.index_cast %add3A_1531 : i32 to index
        %swap3A_1675 = arith.constant 96 : index
        %swap3A_1676 = tpu.vector_load %arg18[%swap3A_1674, %swap3A_1675] {strides = array<i32>} : memref<80x128xf32, #tpu.memory_space<vmem>>, vector<1x16xf32>,
        %swap3A_1677 = vector.shape_cast %swap3A_1676 : vector<1x16xf32> to vector<16xf32>
        %swap3A_1678 = vector.shape_cast %max3A_1673 : vector<16xf32> to vector<1x16xf32>
        tpu.vector_store %arg18[%swap3A_1674, %swap3A_1675], %swap3A_1678 {strides = array<i32>} : memref<80x128xf32, #tpu.memory_space<vmem>>, vector<1x16xf32>,
        %get3A_1679 = arith.index_cast %add3A_1531 : i32 to index
        %get3A_1680 = arith.constant 112 : index
        %get3A_1681 = tpu.vector_load %arg19[%get3A_1679, %get3A_1680] {strides = array<i32>} : memref<80x128xi32, #tpu.memory_space<vmem>>, vector<1x16xi32>,
        %get3A_1682 = vector.shape_cast %get3A_1681 : vector<1x16xi32> to vector<16xi32>
        %shift_right_logical3A_1683 = vector.broadcast %mul3A_1142 : i32 to vector<16xi32>
        %shift_right_logical3A_1684 = arith.shrui %get3A_1682, %shift_right_logical3A_1683 : vector<16xi32>
        %shift_left3A_1685 = arith.constant 16 : i32
        %shift_left3A_1686 = vector.broadcast %shift_left3A_1685 : i32 to vector<16xi32>
        %shift_left3A_1687 = arith.shli %shift_right_logical3A_1684, %shift_left3A_1686 : vector<16xi32>
        %bitcast_convert_type3A_1688 = tpu.bitcast %shift_left3A_1687 : vector<16xi32> -> vector<16xf32>
        %get3A_1689 = arith.index_cast %add3A_1531 : i32 to index
        %get3A_1690 = arith.constant 112 : index
        %get3A_1691 = tpu.vector_load %arg18[%get3A_1689, %get3A_1690] {strides = array<i32>} : memref<80x128xf32, #tpu.memory_space<vmem>>, vector<1x16xf32>,
        %get3A_1692 = vector.shape_cast %get3A_1691 : vector<1x16xf32> to vector<16xf32>
        %add3A_1693 = arith.addf %get3A_1692, %bitcast_convert_type3A_1688 : vector<16xf32>
        %max3A_1694 = arith.maximumf %add3A_1693, %broadcast_in_dim3A_397 : vector<16xf32>
        %swap3A_1695 = arith.index_cast %add3A_1531 : i32 to index
        %swap3A_1696 = arith.constant 112 : index
        %swap3A_1697 = tpu.vector_load %arg18[%swap3A_1695, %swap3A_1696] {strides = array<i32>} : memref<80x128xf32, #tpu.memory_space<vmem>>, vector<1x16xf32>,
        %swap3A_1698 = vector.shape_cast %swap3A_1697 : vector<1x16xf32> to vector<16xf32>
        %swap3A_1699 = vector.shape_cast %max3A_1694 : vector<16xf32> to vector<1x16xf32>
        tpu.vector_store %arg18[%swap3A_1695, %swap3A_1696], %swap3A_1699 {strides = array<i32>} : memref<80x128xf32, #tpu.memory_space<vmem>>, vector<1x16xf32>,
        %mul3A_1700 = arith.constant 4 : i32
        %mul3A_1701 = arith.muli %scan3A_1187, %mul3A_1700 : i32
        %add3A_1702 = arith.constant 3 : i32
        %add3A_1703 = arith.addi %mul3A_1701, %add3A_1702 : i32
        %get3A_1704 = arith.index_cast %add3A_1703 : i32 to index
        %get3A_1705 = arith.constant 0 : index
        %get3A_1706 = tpu.vector_load %arg19[%get3A_1704, %get3A_1705] {strides = array<i32>} : memref<80x128xi32, #tpu.memory_space<vmem>>, vector<1x16xi32>,
        %get3A_1707 = vector.shape_cast %get3A_1706 : vector<1x16xi32> to vector<16xi32>
        %shift_right_logical3A_1708 = vector.broadcast %mul3A_1142 : i32 to vector<16xi32>
        %shift_right_logical3A_1709 = arith.shrui %get3A_1707, %shift_right_logical3A_1708 : vector<16xi32>
        %shift_left3A_1710 = arith.constant 16 : i32
        %shift_left3A_1711 = vector.broadcast %shift_left3A_1710 : i32 to vector<16xi32>
        %shift_left3A_1712 = arith.shli %shift_right_logical3A_1709, %shift_left3A_1711 : vector<16xi32>
        %bitcast_convert_type3A_1713 = tpu.bitcast %shift_left3A_1712 : vector<16xi32> -> vector<16xf32>
        %get3A_1714 = arith.index_cast %add3A_1703 : i32 to index
        %get3A_1715 = arith.constant 0 : index
        %get3A_1716 = tpu.vector_load %arg18[%get3A_1714, %get3A_1715] {strides = array<i32>} : memref<80x128xf32, #tpu.memory_space<vmem>>, vector<1x16xf32>,
        %get3A_1717 = vector.shape_cast %get3A_1716 : vector<1x16xf32> to vector<16xf32>
        %add3A_1718 = arith.addf %get3A_1717, %bitcast_convert_type3A_1713 : vector<16xf32>
        %max3A_1719 = arith.maximumf %add3A_1718, %broadcast_in_dim3A_397 : vector<16xf32>
        %swap3A_1720 = arith.index_cast %add3A_1703 : i32 to index
        %swap3A_1721 = arith.constant 0 : index
        %swap3A_1722 = tpu.vector_load %arg18[%swap3A_1720, %swap3A_1721] {strides = array<i32>} : memref<80x128xf32, #tpu.memory_space<vmem>>, vector<1x16xf32>,
        %swap3A_1723 = vector.shape_cast %swap3A_1722 : vector<1x16xf32> to vector<16xf32>
        %swap3A_1724 = vector.shape_cast %max3A_1719 : vector<16xf32> to vector<1x16xf32>
        tpu.vector_store %arg18[%swap3A_1720, %swap3A_1721], %swap3A_1724 {strides = array<i32>} : memref<80x128xf32, #tpu.memory_space<vmem>>, vector<1x16xf32>,
        %get3A_1725 = arith.index_cast %add3A_1703 : i32 to index
        %get3A_1726 = arith.constant 16 : index
        %get3A_1727 = tpu.vector_load %arg19[%get3A_1725, %get3A_1726] {strides = array<i32>} : memref<80x128xi32, #tpu.memory_space<vmem>>, vector<1x16xi32>,
        %get3A_1728 = vector.shape_cast %get3A_1727 : vector<1x16xi32> to vector<16xi32>
        %shift_right_logical3A_1729 = vector.broadcast %mul3A_1142 : i32 to vector<16xi32>
        %shift_right_logical3A_1730 = arith.shrui %get3A_1728, %shift_right_logical3A_1729 : vector<16xi32>
        %shift_left3A_1731 = arith.constant 16 : i32
        %shift_left3A_1732 = vector.broadcast %shift_left3A_1731 : i32 to vector<16xi32>
        %shift_left3A_1733 = arith.shli %shift_right_logical3A_1730, %shift_left3A_1732 : vector<16xi32>
        %bitcast_convert_type3A_1734 = tpu.bitcast %shift_left3A_1733 : vector<16xi32> -> vector<16xf32>
        %get3A_1735 = arith.index_cast %add3A_1703 : i32 to index
        %get3A_1736 = arith.constant 16 : index
        %get3A_1737 = tpu.vector_load %arg18[%get3A_1735, %get3A_1736] {strides = array<i32>} : memref<80x128xf32, #tpu.memory_space<vmem>>, vector<1x16xf32>,
        %get3A_1738 = vector.shape_cast %get3A_1737 : vector<1x16xf32> to vector<16xf32>
        %add3A_1739 = arith.addf %get3A_1738, %bitcast_convert_type3A_1734 : vector<16xf32>
        %max3A_1740 = arith.maximumf %add3A_1739, %broadcast_in_dim3A_397 : vector<16xf32>
        %swap3A_1741 = arith.index_cast %add3A_1703 : i32 to index
        %swap3A_1742 = arith.constant 16 : index
        %swap3A_1743 = tpu.vector_load %arg18[%swap3A_1741, %swap3A_1742] {strides = array<i32>} : memref<80x128xf32, #tpu.memory_space<vmem>>, vector<1x16xf32>,
        %swap3A_1744 = vector.shape_cast %swap3A_1743 : vector<1x16xf32> to vector<16xf32>
        %swap3A_1745 = vector.shape_cast %max3A_1740 : vector<16xf32> to vector<1x16xf32>
        tpu.vector_store %arg18[%swap3A_1741, %swap3A_1742], %swap3A_1745 {strides = array<i32>} : memref<80x128xf32, #tpu.memory_space<vmem>>, vector<1x16xf32>,
        %get3A_1746 = arith.index_cast %add3A_1703 : i32 to index
        %get3A_1747 = arith.constant 32 : index
        %get3A_1748 = tpu.vector_load %arg19[%get3A_1746, %get3A_1747] {strides = array<i32>} : memref<80x128xi32, #tpu.memory_space<vmem>>, vector<1x16xi32>,
        %get3A_1749 = vector.shape_cast %get3A_1748 : vector<1x16xi32> to vector<16xi32>
        %shift_right_logical3A_1750 = vector.broadcast %mul3A_1142 : i32 to vector<16xi32>
        %shift_right_logical3A_1751 = arith.shrui %get3A_1749, %shift_right_logical3A_1750 : vector<16xi32>
        %shift_left3A_1752 = arith.constant 16 : i32
        %shift_left3A_1753 = vector.broadcast %shift_left3A_1752 : i32 to vector<16xi32>
        %shift_left3A_1754 = arith.shli %shift_right_logical3A_1751, %shift_left3A_1753 : vector<16xi32>
        %bitcast_convert_type3A_1755 = tpu.bitcast %shift_left3A_1754 : vector<16xi32> -> vector<16xf32>
        %get3A_1756 = arith.index_cast %add3A_1703 : i32 to index
        %get3A_1757 = arith.constant 32 : index
        %get3A_1758 = tpu.vector_load %arg18[%get3A_1756, %get3A_1757] {strides = array<i32>} : memref<80x128xf32, #tpu.memory_space<vmem>>, vector<1x16xf32>,
        %get3A_1759 = vector.shape_cast %get3A_1758 : vector<1x16xf32> to vector<16xf32>
        %add3A_1760 = arith.addf %get3A_1759, %bitcast_convert_type3A_1755 : vector<16xf32>
        %max3A_1761 = arith.maximumf %add3A_1760, %broadcast_in_dim3A_397 : vector<16xf32>
        %swap3A_1762 = arith.index_cast %add3A_1703 : i32 to index
        %swap3A_1763 = arith.constant 32 : index
        %swap3A_1764 = tpu.vector_load %arg18[%swap3A_1762, %swap3A_1763] {strides = array<i32>} : memref<80x128xf32, #tpu.memory_space<vmem>>, vector<1x16xf32>,
        %swap3A_1765 = vector.shape_cast %swap3A_1764 : vector<1x16xf32> to vector<16xf32>
        %swap3A_1766 = vector.shape_cast %max3A_1761 : vector<16xf32> to vector<1x16xf32>
        tpu.vector_store %arg18[%swap3A_1762, %swap3A_1763], %swap3A_1766 {strides = array<i32>} : memref<80x128xf32, #tpu.memory_space<vmem>>, vector<1x16xf32>,
        %get3A_1767 = arith.index_cast %add3A_1703 : i32 to index
        %get3A_1768 = arith.constant 48 : index
        %get3A_1769 = tpu.vector_load %arg19[%get3A_1767, %get3A_1768] {strides = array<i32>} : memref<80x128xi32, #tpu.memory_space<vmem>>, vector<1x16xi32>,
        %get3A_1770 = vector.shape_cast %get3A_1769 : vector<1x16xi32> to vector<16xi32>
        %shift_right_logical3A_1771 = vector.broadcast %mul3A_1142 : i32 to vector<16xi32>
        %shift_right_logical3A_1772 = arith.shrui %get3A_1770, %shift_right_logical3A_1771 : vector<16xi32>
        %shift_left3A_1773 = arith.constant 16 : i32
        %shift_left3A_1774 = vector.broadcast %shift_left3A_1773 : i32 to vector<16xi32>
        %shift_left3A_1775 = arith.shli %shift_right_logical3A_1772, %shift_left3A_1774 : vector<16xi32>
        %bitcast_convert_type3A_1776 = tpu.bitcast %shift_left3A_1775 : vector<16xi32> -> vector<16xf32>
        %get3A_1777 = arith.index_cast %add3A_1703 : i32 to index
        %get3A_1778 = arith.constant 48 : index
        %get3A_1779 = tpu.vector_load %arg18[%get3A_1777, %get3A_1778] {strides = array<i32>} : memref<80x128xf32, #tpu.memory_space<vmem>>, vector<1x16xf32>,
        %get3A_1780 = vector.shape_cast %get3A_1779 : vector<1x16xf32> to vector<16xf32>
        %add3A_1781 = arith.addf %get3A_1780, %bitcast_convert_type3A_1776 : vector<16xf32>
        %max3A_1782 = arith.maximumf %add3A_1781, %broadcast_in_dim3A_397 : vector<16xf32>
        %swap3A_1783 = arith.index_cast %add3A_1703 : i32 to index
        %swap3A_1784 = arith.constant 48 : index
        %swap3A_1785 = tpu.vector_load %arg18[%swap3A_1783, %swap3A_1784] {strides = array<i32>} : memref<80x128xf32, #tpu.memory_space<vmem>>, vector<1x16xf32>,
        %swap3A_1786 = vector.shape_cast %swap3A_1785 : vector<1x16xf32> to vector<16xf32>
        %swap3A_1787 = vector.shape_cast %max3A_1782 : vector<16xf32> to vector<1x16xf32>
        tpu.vector_store %arg18[%swap3A_1783, %swap3A_1784], %swap3A_1787 {strides = array<i32>} : memref<80x128xf32, #tpu.memory_space<vmem>>, vector<1x16xf32>,
        %get3A_1788 = arith.index_cast %add3A_1703 : i32 to index
        %get3A_1789 = arith.constant 64 : index
        %get3A_1790 = tpu.vector_load %arg19[%get3A_1788, %get3A_1789] {strides = array<i32>} : memref<80x128xi32, #tpu.memory_space<vmem>>, vector<1x16xi32>,
        %get3A_1791 = vector.shape_cast %get3A_1790 : vector<1x16xi32> to vector<16xi32>
        %shift_right_logical3A_1792 = vector.broadcast %mul3A_1142 : i32 to vector<16xi32>
        %shift_right_logical3A_1793 = arith.shrui %get3A_1791, %shift_right_logical3A_1792 : vector<16xi32>
        %shift_left3A_1794 = arith.constant 16 : i32
        %shift_left3A_1795 = vector.broadcast %shift_left3A_1794 : i32 to vector<16xi32>
        %shift_left3A_1796 = arith.shli %shift_right_logical3A_1793, %shift_left3A_1795 : vector<16xi32>
        %bitcast_convert_type3A_1797 = tpu.bitcast %shift_left3A_1796 : vector<16xi32> -> vector<16xf32>
        %get3A_1798 = arith.index_cast %add3A_1703 : i32 to index
        %get3A_1799 = arith.constant 64 : index
        %get3A_1800 = tpu.vector_load %arg18[%get3A_1798, %get3A_1799] {strides = array<i32>} : memref<80x128xf32, #tpu.memory_space<vmem>>, vector<1x16xf32>,
        %get3A_1801 = vector.shape_cast %get3A_1800 : vector<1x16xf32> to vector<16xf32>
        %add3A_1802 = arith.addf %get3A_1801, %bitcast_convert_type3A_1797 : vector<16xf32>
        %max3A_1803 = arith.maximumf %add3A_1802, %broadcast_in_dim3A_397 : vector<16xf32>
        %swap3A_1804 = arith.index_cast %add3A_1703 : i32 to index
        %swap3A_1805 = arith.constant 64 : index
        %swap3A_1806 = tpu.vector_load %arg18[%swap3A_1804, %swap3A_1805] {strides = array<i32>} : memref<80x128xf32, #tpu.memory_space<vmem>>, vector<1x16xf32>,
        %swap3A_1807 = vector.shape_cast %swap3A_1806 : vector<1x16xf32> to vector<16xf32>
        %swap3A_1808 = vector.shape_cast %max3A_1803 : vector<16xf32> to vector<1x16xf32>
        tpu.vector_store %arg18[%swap3A_1804, %swap3A_1805], %swap3A_1808 {strides = array<i32>} : memref<80x128xf32, #tpu.memory_space<vmem>>, vector<1x16xf32>,
        %get3A_1809 = arith.index_cast %add3A_1703 : i32 to index
        %get3A_1810 = arith.constant 80 : index
        %get3A_1811 = tpu.vector_load %arg19[%get3A_1809, %get3A_1810] {strides = array<i32>} : memref<80x128xi32, #tpu.memory_space<vmem>>, vector<1x16xi32>,
        %get3A_1812 = vector.shape_cast %get3A_1811 : vector<1x16xi32> to vector<16xi32>
        %shift_right_logical3A_1813 = vector.broadcast %mul3A_1142 : i32 to vector<16xi32>
        %shift_right_logical3A_1814 = arith.shrui %get3A_1812, %shift_right_logical3A_1813 : vector<16xi32>
        %shift_left3A_1815 = arith.constant 16 : i32
        %shift_left3A_1816 = vector.broadcast %shift_left3A_1815 : i32 to vector<16xi32>
        %shift_left3A_1817 = arith.shli %shift_right_logical3A_1814, %shift_left3A_1816 : vector<16xi32>
        %bitcast_convert_type3A_1818 = tpu.bitcast %shift_left3A_1817 : vector<16xi32> -> vector<16xf32>
        %get3A_1819 = arith.index_cast %add3A_1703 : i32 to index
        %get3A_1820 = arith.constant 80 : index
        %get3A_1821 = tpu.vector_load %arg18[%get3A_1819, %get3A_1820] {strides = array<i32>} : memref<80x128xf32, #tpu.memory_space<vmem>>, vector<1x16xf32>,
        %get3A_1822 = vector.shape_cast %get3A_1821 : vector<1x16xf32> to vector<16xf32>
        %add3A_1823 = arith.addf %get3A_1822, %bitcast_convert_type3A_1818 : vector<16xf32>
        %max3A_1824 = arith.maximumf %add3A_1823, %broadcast_in_dim3A_397 : vector<16xf32>
        %swap3A_1825 = arith.index_cast %add3A_1703 : i32 to index
        %swap3A_1826 = arith.constant 80 : index
        %swap3A_1827 = tpu.vector_load %arg18[%swap3A_1825, %swap3A_1826] {strides = array<i32>} : memref<80x128xf32, #tpu.memory_space<vmem>>, vector<1x16xf32>,
        %swap3A_1828 = vector.shape_cast %swap3A_1827 : vector<1x16xf32> to vector<16xf32>
        %swap3A_1829 = vector.shape_cast %max3A_1824 : vector<16xf32> to vector<1x16xf32>
        tpu.vector_store %arg18[%swap3A_1825, %swap3A_1826], %swap3A_1829 {strides = array<i32>} : memref<80x128xf32, #tpu.memory_space<vmem>>, vector<1x16xf32>,
        %get3A_1830 = arith.index_cast %add3A_1703 : i32 to index
        %get3A_1831 = arith.constant 96 : index
        %get3A_1832 = tpu.vector_load %arg19[%get3A_1830, %get3A_1831] {strides = array<i32>} : memref<80x128xi32, #tpu.memory_space<vmem>>, vector<1x16xi32>,
        %get3A_1833 = vector.shape_cast %get3A_1832 : vector<1x16xi32> to vector<16xi32>
        %shift_right_logical3A_1834 = vector.broadcast %mul3A_1142 : i32 to vector<16xi32>
        %shift_right_logical3A_1835 = arith.shrui %get3A_1833, %shift_right_logical3A_1834 : vector<16xi32>
        %shift_left3A_1836 = arith.constant 16 : i32
        %shift_left3A_1837 = vector.broadcast %shift_left3A_1836 : i32 to vector<16xi32>
        %shift_left3A_1838 = arith.shli %shift_right_logical3A_1835, %shift_left3A_1837 : vector<16xi32>
        %bitcast_convert_type3A_1839 = tpu.bitcast %shift_left3A_1838 : vector<16xi32> -> vector<16xf32>
        %get3A_1840 = arith.index_cast %add3A_1703 : i32 to index
        %get3A_1841 = arith.constant 96 : index
        %get3A_1842 = tpu.vector_load %arg18[%get3A_1840, %get3A_1841] {strides = array<i32>} : memref<80x128xf32, #tpu.memory_space<vmem>>, vector<1x16xf32>,
        %get3A_1843 = vector.shape_cast %get3A_1842 : vector<1x16xf32> to vector<16xf32>
        %add3A_1844 = arith.addf %get3A_1843, %bitcast_convert_type3A_1839 : vector<16xf32>
        %max3A_1845 = arith.maximumf %add3A_1844, %broadcast_in_dim3A_397 : vector<16xf32>
        %swap3A_1846 = arith.index_cast %add3A_1703 : i32 to index
        %swap3A_1847 = arith.constant 96 : index
        %swap3A_1848 = tpu.vector_load %arg18[%swap3A_1846, %swap3A_1847] {strides = array<i32>} : memref<80x128xf32, #tpu.memory_space<vmem>>, vector<1x16xf32>,
        %swap3A_1849 = vector.shape_cast %swap3A_1848 : vector<1x16xf32> to vector<16xf32>
        %swap3A_1850 = vector.shape_cast %max3A_1845 : vector<16xf32> to vector<1x16xf32>
        tpu.vector_store %arg18[%swap3A_1846, %swap3A_1847], %swap3A_1850 {strides = array<i32>} : memref<80x128xf32, #tpu.memory_space<vmem>>, vector<1x16xf32>,
        %get3A_1851 = arith.index_cast %add3A_1703 : i32 to index
        %get3A_1852 = arith.constant 112 : index
        %get3A_1853 = tpu.vector_load %arg19[%get3A_1851, %get3A_1852] {strides = array<i32>} : memref<80x128xi32, #tpu.memory_space<vmem>>, vector<1x16xi32>,
        %get3A_1854 = vector.shape_cast %get3A_1853 : vector<1x16xi32> to vector<16xi32>
        %shift_right_logical3A_1855 = vector.broadcast %mul3A_1142 : i32 to vector<16xi32>
        %shift_right_logical3A_1856 = arith.shrui %get3A_1854, %shift_right_logical3A_1855 : vector<16xi32>
        %shift_left3A_1857 = arith.constant 16 : i32
        %shift_left3A_1858 = vector.broadcast %shift_left3A_1857 : i32 to vector<16xi32>
        %shift_left3A_1859 = arith.shli %shift_right_logical3A_1856, %shift_left3A_1858 : vector<16xi32>
        %bitcast_convert_type3A_1860 = tpu.bitcast %shift_left3A_1859 : vector<16xi32> -> vector<16xf32>
        %get3A_1861 = arith.index_cast %add3A_1703 : i32 to index
        %get3A_1862 = arith.constant 112 : index
        %get3A_1863 = tpu.vector_load %arg18[%get3A_1861, %get3A_1862] {strides = array<i32>} : memref<80x128xf32, #tpu.memory_space<vmem>>, vector<1x16xf32>,
        %get3A_1864 = vector.shape_cast %get3A_1863 : vector<1x16xf32> to vector<16xf32>
        %add3A_1865 = arith.addf %get3A_1864, %bitcast_convert_type3A_1860 : vector<16xf32>
        %max3A_1866 = arith.maximumf %add3A_1865, %broadcast_in_dim3A_397 : vector<16xf32>
        %swap3A_1867 = arith.index_cast %add3A_1703 : i32 to index
        %swap3A_1868 = arith.constant 112 : index
        %swap3A_1869 = tpu.vector_load %arg18[%swap3A_1867, %swap3A_1868] {strides = array<i32>} : memref<80x128xf32, #tpu.memory_space<vmem>>, vector<1x16xf32>,
        %swap3A_1870 = vector.shape_cast %swap3A_1869 : vector<1x16xf32> to vector<16xf32>
        %swap3A_1871 = vector.shape_cast %max3A_1866 : vector<16xf32> to vector<1x16xf32>
        tpu.vector_store %arg18[%swap3A_1867, %swap3A_1868], %swap3A_1871 {strides = array<i32>} : memref<80x128xf32, #tpu.memory_space<vmem>>, vector<1x16xf32>,
      }
      %scan3A_1148 = arith.constant 20 : i32
      %get3A_1149 = arith.constant 0 : index
      %get3A_1150 = tpu.vector_load %arg14[%get3A_1149] {strides = array<i32>} : memref<80xi32, #tpu.memory_space<vmem>>, vector<16xi32>,
      %get3A_1151 = vector.shape_cast %get3A_1150 : vector<16xi32> to vector<16xi32>
      %swap3A_1152 = arith.constant 0 : index
      %swap3A_1153 = tpu.vector_load %arg15[%swap3A_1152] {strides = array<i32>} : memref<80xi32, #tpu.memory_space<vmem>>, vector<16xi32>,
      %swap3A_1154 = vector.shape_cast %swap3A_1153 : vector<16xi32> to vector<16xi32>
      %swap3A_1155 = vector.shape_cast %get3A_1151 : vector<16xi32> to vector<16xi32>
      tpu.vector_store %arg15[%swap3A_1152], %swap3A_1155 {strides = array<i32>} : memref<80xi32, #tpu.memory_space<vmem>>, vector<16xi32>,
      %get3A_1156 = arith.constant 16 : index
      %get3A_1157 = tpu.vector_load %arg14[%get3A_1156] {strides = array<i32>} : memref<80xi32, #tpu.memory_space<vmem>>, vector<16xi32>,
      %get3A_1158 = vector.shape_cast %get3A_1157 : vector<16xi32> to vector<16xi32>
      %swap3A_1159 = arith.constant 16 : index
      %swap3A_1160 = tpu.vector_load %arg15[%swap3A_1159] {strides = array<i32>} : memref<80xi32, #tpu.memory_space<vmem>>, vector<16xi32>,
      %swap3A_1161 = vector.shape_cast %swap3A_1160 : vector<16xi32> to vector<16xi32>
      %swap3A_1162 = vector.shape_cast %get3A_1158 : vector<16xi32> to vector<16xi32>
      tpu.vector_store %arg15[%swap3A_1159], %swap3A_1162 {strides = array<i32>} : memref<80xi32, #tpu.memory_space<vmem>>, vector<16xi32>,
      %get3A_1163 = arith.constant 32 : index
      %get3A_1164 = tpu.vector_load %arg14[%get3A_1163] {strides = array<i32>} : memref<80xi32, #tpu.memory_space<vmem>>, vector<16xi32>,
      %get3A_1165 = vector.shape_cast %get3A_1164 : vector<16xi32> to vector<16xi32>
      %swap3A_1166 = arith.constant 32 : index
      %swap3A_1167 = tpu.vector_load %arg15[%swap3A_1166] {strides = array<i32>} : memref<80xi32, #tpu.memory_space<vmem>>, vector<16xi32>,
      %swap3A_1168 = vector.shape_cast %swap3A_1167 : vector<16xi32> to vector<16xi32>
      %swap3A_1169 = vector.shape_cast %get3A_1165 : vector<16xi32> to vector<16xi32>
      tpu.vector_store %arg15[%swap3A_1166], %swap3A_1169 {strides = array<i32>} : memref<80xi32, #tpu.memory_space<vmem>>, vector<16xi32>,
      %get3A_1170 = arith.constant 48 : index
      %get3A_1171 = tpu.vector_load %arg14[%get3A_1170] {strides = array<i32>} : memref<80xi32, #tpu.memory_space<vmem>>, vector<16xi32>,
      %get3A_1172 = vector.shape_cast %get3A_1171 : vector<16xi32> to vector<16xi32>
      %swap3A_1173 = arith.constant 48 : index
      %swap3A_1174 = tpu.vector_load %arg15[%swap3A_1173] {strides = array<i32>} : memref<80xi32, #tpu.memory_space<vmem>>, vector<16xi32>,
      %swap3A_1175 = vector.shape_cast %swap3A_1174 : vector<16xi32> to vector<16xi32>
      %swap3A_1176 = vector.shape_cast %get3A_1172 : vector<16xi32> to vector<16xi32>
      tpu.vector_store %arg15[%swap3A_1173], %swap3A_1176 {strides = array<i32>} : memref<80xi32, #tpu.memory_space<vmem>>, vector<16xi32>,
      %get3A_1177 = arith.constant 64 : index
      %get3A_1178 = tpu.vector_load %arg14[%get3A_1177] {strides = array<i32>} : memref<80xi32, #tpu.memory_space<vmem>>, vector<16xi32>,
      %get3A_1179 = vector.shape_cast %get3A_1178 : vector<16xi32> to vector<16xi32>
      %swap3A_1180 = arith.constant 64 : index
      %swap3A_1181 = tpu.vector_load %arg15[%swap3A_1180] {strides = array<i32>} : memref<80xi32, #tpu.memory_space<vmem>>, vector<16xi32>,
      %swap3A_1182 = vector.shape_cast %swap3A_1181 : vector<16xi32> to vector<16xi32>
      %swap3A_1183 = vector.shape_cast %get3A_1179 : vector<16xi32> to vector<16xi32>
      tpu.vector_store %arg15[%swap3A_1180], %swap3A_1183 {strides = array<i32>} : memref<80xi32, #tpu.memory_space<vmem>>, vector<16xi32>,
      %dma_start3A_1184 = arith.constant 0 : i32
      %dma_start3A_1185 = arith.constant 0 : i32
      %dma_start3A_1186 = tpu.memref_slice %arg21[%dma_start3A_1184, %dma_start3A_1185] : memref<10240x128xf32, #tpu.memory_space<vmem_shared>> -> memref<10240x128xf32, #tpu.memory_space<vmem_shared>>
      tpu.enqueue_indirect_dma source(%arg18 : memref<80x128xf32, #tpu.memory_space<vmem>>) target(%dma_start3A_1186 : memref<10240x128xf32, #tpu.memory_space<vmem_shared>>) offsets(%arg15 : memref<80xi32, #tpu.memory_space<vmem>>) semaphore(%arg26 : memref<!tpu.dma_semaphore, #tpu.memory_space<semaphore_mem>>) {add = true}
    }
    %scan3A_639 = arith.constant 125 : i32
    %dma_wait3A_640 = arith.constant 0 : i32
    %dma_wait3A_641 = arith.constant 0 : i32
    %dma_wait3A_642 = tpu.memref_slice %arg21[%dma_wait3A_640, %dma_wait3A_641] : memref<10240x128xf32, #tpu.memory_space<vmem_shared>> -> memref<10240x128xf32, #tpu.memory_space<vmem_shared>>
    tpu.wait_indirect_dma semaphore(%arg26 : memref<!tpu.dma_semaphore, #tpu.memory_space<semaphore_mem>>) src(%arg16 : memref<80x128xf32, #tpu.memory_space<vmem>>) dst(%dma_wait3A_642 : memref<10240x128xf32, #tpu.memory_space<vmem_shared>>)
    %barrier3A_643 = arith.constant 0 : index
    tpu.barrier barrier_id(%barrier3A_643)
    %lt3A = arith.constant 15 : i32
    %lt3A_644 = arith.cmpi slt, %arg1, %lt3A : i32
    %convert_element_type3A = arith.extui %lt3A_644 : i1 to i32
    %cond3A = arith.constant 0 : i32
    %cond3A_645 = arith.cmpi ne, %convert_element_type3A, %cond3A : i32
    scf.if %cond3A_645 {
      %mul3A_650 = arith.constant 640 : i32
      %mul3A_651 = arith.muli %arg1, %mul3A_650 : i32
      %mul3A_652 = arith.constant 640 : i32
      %mul3A_653 = arith.muli %arg1, %mul3A_652 : i32
      "tpu.region"() ({
        %run_scoped3A = tpu.sem_alloc : memref<!tpu.dma_semaphore, #tpu.memory_space<semaphore_mem>>
        %dma_start3A_654 = arith.constant 0 : i32
        %dma_start3A_655 = tpu.memref_slice %arg6[%arg0, %mul3A_653, %dma_start3A_654] : memref<2x10000x128xf32, #tpu.memory_space<hbm>> -> memref<1x640x128xf32, #tpu.memory_space<hbm>>
        %dma_start3A_656 = tpu.memref_squeeze %dma_start3A_655 : memref<1x640x128xf32, #tpu.memory_space<hbm>> -> memref<640x128xf32, #tpu.memory_space<hbm>>
        %dma_start3A_657 = arith.constant 0 : i32
        %dma_start3A_658 = tpu.memref_slice %arg21[%mul3A_651, %dma_start3A_657] : memref<10240x128xf32, #tpu.memory_space<vmem_shared>> -> memref<640x128xf32, #tpu.memory_space<vmem_shared>>
        tpu.enqueue_dma source(%dma_start3A_658 : memref<640x128xf32, #tpu.memory_space<vmem_shared>>) target(%dma_start3A_656 : memref<640x128xf32, #tpu.memory_space<hbm>>) target_semaphore(%run_scoped3A : memref<!tpu.dma_semaphore, #tpu.memory_space<semaphore_mem>>)
        %dma_wait3A_659 = arith.constant 0 : i32
        %dma_wait3A_660 = tpu.memref_slice %arg6[%arg0, %mul3A_653, %dma_wait3A_659] : memref<2x10000x128xf32, #tpu.memory_space<hbm>> -> memref<1x640x128xf32, #tpu.memory_space<hbm>>
        %dma_wait3A_661 = tpu.memref_squeeze %dma_wait3A_660 : memref<1x640x128xf32, #tpu.memory_space<hbm>> -> memref<640x128xf32, #tpu.memory_space<hbm>>
        %dma_wait3A_662 = arith.constant 0 : i32
        %dma_wait3A_663 = tpu.memref_slice %arg21[%mul3A_651, %dma_wait3A_662] : memref<10240x128xf32, #tpu.memory_space<vmem_shared>> -> memref<640x128xf32, #tpu.memory_space<vmem_shared>>
        tpu.wait_dma2 semaphore(%run_scoped3A : memref<!tpu.dma_semaphore, #tpu.memory_space<semaphore_mem>>) src(%dma_wait3A_663 : memref<640x128xf32, #tpu.memory_space<vmem_shared>>) dst(%dma_wait3A_661 : memref<640x128xf32, #tpu.memory_space<hbm>>)
        tpu.yield
      }) : () -> ()
    } else {
    }
    %eq3A = arith.constant 15 : i32
    %eq3A_646 = arith.cmpi eq, %arg1, %eq3A : i32
    %convert_element_type3A_647 = arith.extui %eq3A_646 : i1 to i32
    %cond3A_648 = arith.constant 0 : i32
    %cond3A_649 = arith.cmpi ne, %convert_element_type3A_647, %cond3A_648 : i32
    scf.if %cond3A_649 {
      "tpu.region"() ({
        %run_scoped3A = tpu.sem_alloc : memref<!tpu.dma_semaphore, #tpu.memory_space<semaphore_mem>>
        %dma_start3A_650 = arith.constant 9600 : i32
        %dma_start3A_651 = arith.constant 0 : i32
        %dma_start3A_652 = tpu.memref_slice %arg6[%arg0, %dma_start3A_650, %dma_start3A_651] : memref<2x10000x128xf32, #tpu.memory_space<hbm>> -> memref<1x400x128xf32, #tpu.memory_space<hbm>>
        %dma_start3A_653 = tpu.memref_squeeze %dma_start3A_652 : memref<1x400x128xf32, #tpu.memory_space<hbm>> -> memref<400x128xf32, #tpu.memory_space<hbm>>
        %dma_start3A_654 = arith.constant 9600 : i32
        %dma_start3A_655 = arith.constant 0 : i32
        %dma_start3A_656 = tpu.memref_slice %arg21[%dma_start3A_654, %dma_start3A_655] : memref<10240x128xf32, #tpu.memory_space<vmem_shared>> -> memref<400x128xf32, #tpu.memory_space<vmem_shared>>
        tpu.enqueue_dma source(%dma_start3A_656 : memref<400x128xf32, #tpu.memory_space<vmem_shared>>) target(%dma_start3A_653 : memref<400x128xf32, #tpu.memory_space<hbm>>) target_semaphore(%run_scoped3A : memref<!tpu.dma_semaphore, #tpu.memory_space<semaphore_mem>>)
        %dma_wait3A_657 = arith.constant 9600 : i32
        %dma_wait3A_658 = arith.constant 0 : i32
        %dma_wait3A_659 = tpu.memref_slice %arg6[%arg0, %dma_wait3A_657, %dma_wait3A_658] : memref<2x10000x128xf32, #tpu.memory_space<hbm>> -> memref<1x400x128xf32, #tpu.memory_space<hbm>>
        %dma_wait3A_660 = tpu.memref_squeeze %dma_wait3A_659 : memref<1x400x128xf32, #tpu.memory_space<hbm>> -> memref<400x128xf32, #tpu.memory_space<hbm>>
        %dma_wait3A_661 = arith.constant 9600 : i32
        %dma_wait3A_662 = arith.constant 0 : i32
        %dma_wait3A_663 = tpu.memref_slice %arg21[%dma_wait3A_661, %dma_wait3A_662] : memref<10240x128xf32, #tpu.memory_space<vmem_shared>> -> memref<400x128xf32, #tpu.memory_space<vmem_shared>>
        tpu.wait_dma2 semaphore(%run_scoped3A : memref<!tpu.dma_semaphore, #tpu.memory_space<semaphore_mem>>) src(%dma_wait3A_663 : memref<400x128xf32, #tpu.memory_space<vmem_shared>>) dst(%dma_wait3A_660 : memref<400x128xf32, #tpu.memory_space<hbm>>)
        tpu.yield
      }) : () -> ()
    } else {
    }
    return
  }
}

module attributes {stable_mosaic.version = 14 : i64} {
  func.func @_proj_nodes_body(%arg0: i32, %arg1: i32, %arg2: memref<1000x128xf32, #tpu.memory_space<vmem>>, %arg3: memref<1x128x128xf32, #tpu.memory_space<vmem>>, %arg4: memref<1x1000x128xf32, #tpu.memory_space<vmem>>) attributes {dimension_semantics = [#tpu.dimension_semantics<arbitrary>, #tpu.dimension_semantics<arbitrary>], iteration_bounds = array<i64: 2, 10>, scalar_prefetch = 0 : i64, scratch_operands = 0 : i64, tpu.core_type = #tpu.core_type<tc>, window_params = [{transform_indices = @transform_0, window_bounds = array<i64: 1000, 128>}, {transform_indices = @transform_1, window_bounds = array<i64: 1, 128, 128>}, {transform_indices = @transform_2, window_bounds = array<i64: 1, 1000, 128>}]} {
    %get3A = arith.constant 0 : index
    %get3A_0 = arith.constant 0 : index
    %get3A_1 = vector.load %arg2[%get3A, %get3A_0] : memref<1000x128xf32, #tpu.memory_space<vmem>>, vector<1000x128xf32>
    %get3A_2 = arith.constant 0 : index
    %get3A_3 = arith.constant 0 : index
    %get3A_4 = arith.constant 0 : index
    %get3A_5 = vector.load %arg3[%get3A_2, %get3A_3, %get3A_4] : memref<1x128x128xf32, #tpu.memory_space<vmem>>, vector<1x128x128xf32>
    %get3A_6 = vector.shape_cast %get3A_5 : vector<1x128x128xf32> to vector<128x128xf32>
    %dot_general3A = arith.constant dense<0.000000e+00> : vector<1000x128xf32>
    %dot_general3A_7 = tpu.matmul %get3A_1, %get3A_6, %dot_general3A {dimension_numbers = #tpu.dot_dimension_numbers<[1], [0], [0], [1], [0, 0, 1, 1], [], []>, transpose_lhs_hint = false} : vector<1000x128xf32>, vector<128x128xf32>, vector<1000x128xf32> -> vector<1000x128xf32>
    %swap3A = arith.constant 0 : index
    %swap3A_8 = arith.constant 0 : index
    %swap3A_9 = arith.constant 0 : index
    %swap3A_10 = vector.load %arg4[%swap3A, %swap3A_8, %swap3A_9] : memref<1x1000x128xf32, #tpu.memory_space<vmem>>, vector<1x1000x128xf32>
    %swap3A_11 = vector.shape_cast %swap3A_10 : vector<1x1000x128xf32> to vector<1000x128xf32>
    %swap3A_12 = vector.shape_cast %dot_general3A_7 : vector<1000x128xf32> to vector<1x1000x128xf32>
    tpu.vector_store %arg4[%swap3A, %swap3A_8, %swap3A_9], %swap3A_12 {strides = array<i32>} : memref<1x1000x128xf32, #tpu.memory_space<vmem>>, vector<1x1000x128xf32>,
    return
  }
  func.func @transform_0(%arg0: i32, %arg1: i32) -> (i32, i32) {
    %c0_i32 = arith.constant 0 : i32
    %c0_i32_0 = arith.constant 0 : i32
    return %arg1, %c0_i32 : i32, i32
  }
  func.func @transform_1(%arg0: i32, %arg1: i32) -> (i32, i32, i32) {
    %c0_i32 = arith.constant 0 : i32
    %c0_i32_0 = arith.constant 0 : i32
    %c0_i32_1 = arith.constant 0 : i32
    return %arg0, %c0_i32, %c0_i32_0 : i32, i32, i32
  }
  func.func @transform_2(%arg0: i32, %arg1: i32) -> (i32, i32, i32) {
    %c0_i32 = arith.constant 0 : i32
    %c0_i32_0 = arith.constant 0 : i32
    return %arg0, %arg1, %c0_i32 : i32, i32, i32
  }
}

module attributes {stable_mosaic.version = 14 : i64} {
  func.func @_proj_edges_body(%arg0: i32, %arg1: i32, %arg2: memref<8000x16xf32, #tpu.memory_space<vmem>>, %arg3: memref<1x16x128xf32, #tpu.memory_space<vmem>>, %arg4: memref<1x1x128xf32, #tpu.memory_space<vmem>>, %arg5: memref<1x4000x128xi32, #tpu.memory_space<vmem>>) attributes {dimension_semantics = [#tpu.dimension_semantics<arbitrary>, #tpu.dimension_semantics<arbitrary>], iteration_bounds = array<i64: 2, 40>, scalar_prefetch = 0 : i64, scratch_operands = 0 : i64, tpu.core_type = #tpu.core_type<tc>, window_params = [{transform_indices = @transform_0, window_bounds = array<i64: 8000, 16>}, {transform_indices = @transform_1, window_bounds = array<i64: 1, 16, 128>}, {transform_indices = @transform_2, window_bounds = array<i64: 1, 1, 128>}, {transform_indices = @transform_3, window_bounds = array<i64: 1, 4000, 128>}]} {
    %get3A = arith.constant 0 : index
    %get3A_0 = arith.constant 0 : index
    %get3A_1 = vector.load %arg2[%get3A, %get3A_0] : memref<8000x16xf32, #tpu.memory_space<vmem>>, vector<8000x16xf32>
    %get3A_2 = arith.constant 0 : index
    %get3A_3 = arith.constant 0 : index
    %get3A_4 = arith.constant 0 : index
    %get3A_5 = vector.load %arg3[%get3A_2, %get3A_3, %get3A_4] : memref<1x16x128xf32, #tpu.memory_space<vmem>>, vector<1x16x128xf32>
    %get3A_6 = vector.shape_cast %get3A_5 : vector<1x16x128xf32> to vector<16x128xf32>
    %dot_general3A = arith.constant dense<0.000000e+00> : vector<8000x128xf32>
    %dot_general3A_7 = tpu.matmul %get3A_1, %get3A_6, %dot_general3A {dimension_numbers = #tpu.dot_dimension_numbers<[1], [0], [0], [1], [0, 0, 1, 1], [], []>, transpose_lhs_hint = false} : vector<8000x16xf32>, vector<16x128xf32>, vector<8000x128xf32> -> vector<8000x128xf32>
    %get3A_8 = arith.constant 0 : index
    %get3A_9 = arith.constant 0 : index
    %get3A_10 = arith.constant 0 : index
    %get3A_11 = vector.load %arg4[%get3A_8, %get3A_9, %get3A_10] : memref<1x1x128xf32, #tpu.memory_space<vmem>>, vector<1x1x128xf32>
    %get3A_12 = vector.shape_cast %get3A_11 : vector<1x1x128xf32> to vector<1x128xf32>
    %add3A = vector.broadcast %get3A_12 : vector<1x128xf32> to vector<8000x128xf32>
    %add3A_13 = arith.addf %dot_general3A_7, %add3A : vector<8000x128xf32>
    %bitcast_convert_type3A = tpu.bitcast %add3A_13 : vector<8000x128xf32> -> vector<8000x128xi32>
    %add3A_14 = arith.constant 32767 : i32
    %add3A_15 = vector.broadcast %add3A_14 : i32 to vector<8000x128xi32>
    %add3A_16 = arith.addi %bitcast_convert_type3A, %add3A_15 : vector<8000x128xi32>
    %shift_right_arithmetic3A = arith.constant 16 : i32
    %shift_right_arithmetic3A_17 = vector.broadcast %shift_right_arithmetic3A : i32 to vector<8000x128xi32>
    %shift_right_arithmetic3A_18 = arith.shrsi %bitcast_convert_type3A, %shift_right_arithmetic3A_17 : vector<8000x128xi32>
    %and3A = arith.constant 1 : i32
    %and3A_19 = vector.broadcast %and3A : i32 to vector<8000x128xi32>
    %and3A_20 = arith.andi %shift_right_arithmetic3A_18, %and3A_19 : vector<8000x128xi32>
    %add3A_21 = arith.addi %add3A_16, %and3A_20 : vector<8000x128xi32>
    %shift_right_arithmetic3A_22 = arith.constant 16 : i32
    %shift_right_arithmetic3A_23 = vector.broadcast %shift_right_arithmetic3A_22 : i32 to vector<8000x128xi32>
    %shift_right_arithmetic3A_24 = arith.shrsi %add3A_21, %shift_right_arithmetic3A_23 : vector<8000x128xi32>
    %slice3A = vector.extract_strided_slice %shift_right_arithmetic3A_24 {offsets = [0, 0], sizes = [4000, 128], strides = [1, 1]} : vector<8000x128xi32> to vector<4000x128xi32>
    %and3A_25 = arith.constant 65535 : i32
    %and3A_26 = vector.broadcast %and3A_25 : i32 to vector<4000x128xi32>
    %and3A_27 = arith.andi %slice3A, %and3A_26 : vector<4000x128xi32>
    %slice3A_28 = vector.extract_strided_slice %shift_right_arithmetic3A_24 {offsets = [4000, 0], sizes = [4000, 128], strides = [1, 1]} : vector<8000x128xi32> to vector<4000x128xi32>
    %shift_left3A = arith.constant 16 : i32
    %shift_left3A_29 = vector.broadcast %shift_left3A : i32 to vector<4000x128xi32>
    %shift_left3A_30 = arith.shli %slice3A_28, %shift_left3A_29 : vector<4000x128xi32>
    %or3A = arith.ori %and3A_27, %shift_left3A_30 : vector<4000x128xi32>
    %swap3A = arith.constant 0 : index
    %swap3A_31 = arith.constant 0 : index
    %swap3A_32 = arith.constant 0 : index
    %swap3A_33 = vector.load %arg5[%swap3A, %swap3A_31, %swap3A_32] : memref<1x4000x128xi32, #tpu.memory_space<vmem>>, vector<1x4000x128xi32>
    %swap3A_34 = vector.shape_cast %swap3A_33 : vector<1x4000x128xi32> to vector<4000x128xi32>
    %swap3A_35 = vector.shape_cast %or3A : vector<4000x128xi32> to vector<1x4000x128xi32>
    tpu.vector_store %arg5[%swap3A, %swap3A_31, %swap3A_32], %swap3A_35 {strides = array<i32>} : memref<1x4000x128xi32, #tpu.memory_space<vmem>>, vector<1x4000x128xi32>,
    return
  }
  func.func @transform_0(%arg0: i32, %arg1: i32) -> (i32, i32) {
    %c0_i32 = arith.constant 0 : i32
    %c0_i32_0 = arith.constant 0 : i32
    return %arg1, %c0_i32 : i32, i32
  }
  func.func @transform_1(%arg0: i32, %arg1: i32) -> (i32, i32, i32) {
    %c0_i32 = arith.constant 0 : i32
    %c0_i32_0 = arith.constant 0 : i32
    %c0_i32_1 = arith.constant 0 : i32
    return %arg0, %c0_i32, %c0_i32_0 : i32, i32, i32
  }
  func.func @transform_2(%arg0: i32, %arg1: i32) -> (i32, i32, i32) {
    %c0_i32 = arith.constant 0 : i32
    %c0_i32_0 = arith.constant 0 : i32
    %c0_i32_1 = arith.constant 0 : i32
    return %arg0, %c0_i32, %c0_i32_0 : i32, i32, i32
  }
  func.func @transform_3(%arg0: i32, %arg1: i32) -> (i32, i32, i32) {
    %c0_i32 = arith.constant 0 : i32
    %c0_i32_0 = arith.constant 0 : i32
    return %arg0, %arg1, %c0_i32 : i32, i32, i32
  }
}

module attributes {stable_mosaic.version = 14 : i64} {
  func.func @_node_mlp_body(%arg0: i32, %arg1: memref<1000x128xf32, #tpu.memory_space<vmem>>, %arg2: memref<1000x128xf32, #tpu.memory_space<vmem>>, %arg3: memref<128x128xf32, #tpu.memory_space<vmem>>, %arg4: memref<128x128xf32, #tpu.memory_space<vmem>>, %arg5: memref<1x128xf32, #tpu.memory_space<vmem>>, %arg6: memref<1000x128xf32, #tpu.memory_space<vmem>>) attributes {dimension_semantics = [#tpu.dimension_semantics<arbitrary>], iteration_bounds = array<i64: 10>, scalar_prefetch = 0 : i64, scratch_operands = 0 : i64, tpu.core_type = #tpu.core_type<tc>, window_params = [{transform_indices = @transform_0, window_bounds = array<i64: 1000, 128>}, {transform_indices = @transform_1, window_bounds = array<i64: 1000, 128>}, {pipeline_mode = #tpu.pipeline_mode<synchronous>, transform_indices = @transform_2, window_bounds = array<i64: 128, 128>}, {pipeline_mode = #tpu.pipeline_mode<synchronous>, transform_indices = @transform_3, window_bounds = array<i64: 128, 128>}, {pipeline_mode = #tpu.pipeline_mode<synchronous>, transform_indices = @transform_4, window_bounds = array<i64: 1, 128>}, {transform_indices = @transform_5, window_bounds = array<i64: 1000, 128>}]} {
    %get3A = arith.constant 0 : index
    %get3A_0 = arith.constant 0 : index
    %get3A_1 = vector.load %arg1[%get3A, %get3A_0] : memref<1000x128xf32, #tpu.memory_space<vmem>>, vector<1000x128xf32>
    %get3A_2 = arith.constant 0 : index
    %get3A_3 = arith.constant 0 : index
    %get3A_4 = vector.load %arg3[%get3A_2, %get3A_3] : memref<128x128xf32, #tpu.memory_space<vmem>>, vector<128x128xf32>
    %dot_general3A = arith.constant dense<0.000000e+00> : vector<1000x128xf32>
    %dot_general3A_5 = tpu.matmul %get3A_1, %get3A_4, %dot_general3A {dimension_numbers = #tpu.dot_dimension_numbers<[1], [0], [0], [1], [0, 0, 1, 1], [], []>, transpose_lhs_hint = false} : vector<1000x128xf32>, vector<128x128xf32>, vector<1000x128xf32> -> vector<1000x128xf32>
    %get3A_6 = arith.constant 0 : index
    %get3A_7 = arith.constant 0 : index
    %get3A_8 = vector.load %arg2[%get3A_6, %get3A_7] : memref<1000x128xf32, #tpu.memory_space<vmem>>, vector<1000x128xf32>
    %get3A_9 = arith.constant 0 : index
    %get3A_10 = arith.constant 0 : index
    %get3A_11 = vector.load %arg4[%get3A_9, %get3A_10] : memref<128x128xf32, #tpu.memory_space<vmem>>, vector<128x128xf32>
    %dot_general3A_12 = arith.constant dense<0.000000e+00> : vector<1000x128xf32>
    %dot_general3A_13 = tpu.matmul %get3A_8, %get3A_11, %dot_general3A_12 {dimension_numbers = #tpu.dot_dimension_numbers<[1], [0], [0], [1], [0, 0, 1, 1], [], []>, transpose_lhs_hint = false} : vector<1000x128xf32>, vector<128x128xf32>, vector<1000x128xf32> -> vector<1000x128xf32>
    %add3A = arith.addf %dot_general3A_5, %dot_general3A_13 : vector<1000x128xf32>
    %get3A_14 = arith.constant 0 : index
    %get3A_15 = arith.constant 0 : index
    %get3A_16 = vector.load %arg5[%get3A_14, %get3A_15] : memref<1x128xf32, #tpu.memory_space<vmem>>, vector<1x128xf32>
    %add3A_17 = vector.broadcast %get3A_16 : vector<1x128xf32> to vector<1000x128xf32>
    %add3A_18 = arith.addf %add3A, %add3A_17 : vector<1000x128xf32>
    %max3A = arith.constant 0.000000e+00 : f32
    %max3A_19 = vector.broadcast %max3A : f32 to vector<1000x128xf32>
    %max3A_20 = arith.maximumf %add3A_18, %max3A_19 : vector<1000x128xf32>
    %swap3A = arith.constant 0 : index
    %swap3A_21 = arith.constant 0 : index
    %swap3A_22 = vector.load %arg6[%swap3A, %swap3A_21] : memref<1000x128xf32, #tpu.memory_space<vmem>>, vector<1000x128xf32>
    tpu.vector_store %arg6[%swap3A, %swap3A_21], %max3A_20 {strides = array<i32>} : memref<1000x128xf32, #tpu.memory_space<vmem>>, vector<1000x128xf32>,
    return
  }
  func.func @transform_0(%arg0: i32) -> (i32, i32) {
    %c0_i32 = arith.constant 0 : i32
    %c0_i32_0 = arith.constant 0 : i32
    return %arg0, %c0_i32 : i32, i32
  }
  func.func @transform_1(%arg0: i32) -> (i32, i32) {
    %c0_i32 = arith.constant 0 : i32
    %c0_i32_0 = arith.constant 0 : i32
    return %arg0, %c0_i32 : i32, i32
  }
  func.func @transform_2(%arg0: i32) -> (i32, i32) {
    %c0_i32 = arith.constant 0 : i32
    %c0_i32_0 = arith.constant 0 : i32
    %c0_i32_1 = arith.constant 0 : i32
    return %c0_i32, %c0_i32_0 : i32, i32
  }
  func.func @transform_3(%arg0: i32) -> (i32, i32) {
    %c0_i32 = arith.constant 0 : i32
    %c0_i32_0 = arith.constant 0 : i32
    %c0_i32_1 = arith.constant 0 : i32
    return %c0_i32, %c0_i32_0 : i32, i32
  }
  func.func @transform_4(%arg0: i32) -> (i32, i32) {
    %c0_i32 = arith.constant 0 : i32
    %c0_i32_0 = arith.constant 0 : i32
    %c0_i32_1 = arith.constant 0 : i32
    return %c0_i32, %c0_i32_0 : i32, i32
  }
  func.func @transform_5(%arg0: i32) -> (i32, i32) {
    %c0_i32 = arith.constant 0 : i32
    %c0_i32_0 = arith.constant 0 : i32
    return %arg0, %c0_i32 : i32, i32
  }
}

</mosaic_0001>

<sc_bundles>
// kernel: kernel.6.cloned.1.call-start
scs
__scs_entry_jumppad:
0x0: {  	(pc) =	sbr.rel $0x88, $3  }
0x1: {  	(tag) =	ssettag $0x0;
	lr =	simm.s32 $0x1  }
0x2: {  	[smem:$0x3F98] =	sst lr;
	_ =	strace $0xD0000000  }
0x3: {  	_ = 	snop  }
0x4: {  	_ = 	snop  }
0x5: {  	_ = 	snop  }
0x6: {  	_ = 	snop  }
0x7: {  	_ = 	snop  }
__scs_overlays_trampoline_lowered:
0x8: {  	[smem:$0x3FA7] =	sst s0  }
0x9: {  	[smem:$0x3FA8] =	sst s1  }
0xa: {  	[smem:$0x3FA9] =	sst s2  }
0xb: {  	[smem:$0x3FAA] =	sst s3  }
0xc: {  	[smem:$0x3FAB] =	sst s4  }
0xd: {  	[smem:$0x3FAC] =	sst s5  }
0xe: {  	[smem:$0x3FAD] =	sst s6  }
0xf: {  	[smem:$0x3FAE] =	sst s7  }
0x10: {  	[smem:$0x3FAF] =	sst s8  }
0x11: {  	[smem:$0x3FB0] =	sst s9;
	s0 =	simm.s32 @!p0 $0x0  }
0x12: {  	s1 =	sld [smem:$0x3F96];
	s0 =	simm.s32 @p0 $0x1  }
0x13: {  	[smem:$0x3FB1] =	sst s0;
	s0 =	simm.s32 @!p1 $0x0  }
0x14: {  	s2 =	sld [smem:$0x3F95];
	s0 =	simm.s32 @p1 $0x1  }
0x15: {  	[smem:$0x3FB2] =	sst s0;
	s0 =	simm.s32 @!p2 $0x0  }
0x16: {  	s3 =	sld [smem:$0x3FDB];
	s0 =	simm.s32 @p2 $0x1  }
0x17: {  	s4 =	simm.s32 $0x1BF5;
	[smem:$0x3FB4] =	sst s0  }
0x18: {  	s0 =	sld [smem:$0x3F97];
	_ =	swait.ge [sflag:s4], $0x0  }
0x19: {  	s7 =	sld [smem:$0x3F98]  }
0x1a: {  	s8 =	sadd.s32 $0xFFFFE003, lr  }
0x1b: {  	s9 =	sadd.s32 $0xFFFFFEF7, lr;
	s5 =	simm.s32 $0xFFFFFFFF;
	p2 =	slt.u32 s8, $0xFFFFF086  }
0x1c: {  	p1 =	slt.u32 s9, $0xF7A;
	s5 =	simm.s32 @!p2 $0x0  }
0x1d: {  	s5 =	simm.s32 @p1 $0x1;
	p0 =	seq.s32 s7, s2  }
0x1e: {  	s7 =	smul.u32 @!p0 $0xF7A, s2;
	p2 =	seq.s32 @!p0 s5, $0x0  }
0x1f: {  	s9 =	smul.u32 $0xF7A, s1;
	s8 =	simm.s32 @!p0 $0x1BF5;
	p2 =	por !p2, p0  }
0x20: {  	[sflag:s8] =	ssyncset.s32 @!p0 $0xFFFFF086;
	s6 =	sadd.s32 @!p0 s3, s7;
	s7 =	simm.s32 @!p0 $0x108  }
0x21: {  	s3 =	sadd.s32 s3, s9;
	s6 =	sadd.s32 @!p0 $0x88, s6;
	s7 =	simm.s32 @p2 $0x1082  }
0x22: {  	[simem:s7], [sflag:s8] =	dma.local @!p0 [hbm:s6], $0xF7A  }
0x23: {  	s9 =	sor.u32 $0xD0000000, s2;
	s6 =	simm.s32 $0x108;
	_ =	swait.ge @!p0 [sflag:s8], $0x0  }
0x24: {  	s3 =	sadd.s32 $0x88, s3;
	s6 =	simm.s32 @!p1 $0x1082;
	[sflag:s4] =	ssyncset.s32 $0xFFFFF086  }
0x25: {  	[simem:s6], [sflag:s4] =	dma.local [hbm:s3], $0xF7A  }
0x26: {  	[smem:$0x3F98] =	sst s1;
	(tag) =	ssettag s2;
	_ =	strace s9  }
0x27: {  	s1 =	sld [smem:$0x3FA8]  }
0x28: {  	s2 =	sld [smem:$0x3FA9]  }
0x29: {  	s4 =	sld [smem:$0x3FAB]  }
0x2a: {  	p0 =	seq.s32 s5, $0x0;
	s5 =	sld [smem:$0x3FAC]  }
0x2b: {  	s6 =	sld [smem:$0x3FAD]  }
0x2c: {  	s7 =	sld [smem:$0x3FAE]  }
0x2d: {  	s3 =	simm.s32 $0x108;
	s8 =	sld [smem:$0x3FAF]  }
0x2e: {  	s3 =	simm.s32 @!p0 $0x1082;
	s9 =	sld [smem:$0x3FB0]  }
0x2f: {  	lr =	sadd.s32 s0, s3;
	s0 =	sld [smem:$0x3FA7]  }
0x30: {  	s3 =	sld [smem:$0x3FAA]  }
0x31: {  	[smem:$0x3FB3] =	sst s10  }
0x32: {  	s10 =	sld [smem:$0x3FB1];
	_ =	sdelay $0x3  }
0x33: {  	p0 =	seq.s32 s10, $0x1;
	s10 =	sld [smem:$0x3FB3];
	_ =	sdelay $0x3  }
0x34: {  	[smem:$0x3FB3] =	sst s10  }
0x35: {  	s10 =	sld [smem:$0x3FB2];
	_ =	sdelay $0x3  }
0x36: {  	p1 =	seq.s32 s10, $0x1;
	s10 =	sld [smem:$0x3FB3];
	_ =	sdelay $0x3  }
0x37: {  	[smem:$0x3FB3] =	sst s10  }
0x38: {  	s10 =	sld [smem:$0x3FB4]  }
0x39: {  	_ = 	snop;
	(pc) =	sbr.ind lr, $3  }
0x3a: {  	_ = 	snop  }
0x3b: {  	_ = 	snop  }
0x3c: {  	p2 =	seq.s32 s10, $0x1;
	s10 =	sld [smem:$0x3FB3]  }
0x3d: {  	_ =	shalt  }
0x3e: {  	_ =	shalt  }
0x3f: {  	_ =	shalt  }
0x40: {  	_ =	shalt  }
0x41: {  	_ =	shalt  }
0x42: {  	_ =	shalt  }
0x43: {  	_ =	shalt  }
0x44: {  	_ =	shalt  }
0x45: {  	_ =	shalt  }
0x46: {  	_ =	shalt  }
0x47: {  	_ =	shalt  }
0x48: {  	_ =	shalt  }
0x49: {  	_ =	shalt  }
0x4a: {  	_ =	shalt  }
0x4b: {  	_ =	shalt  }
0x4c: {  	_ =	shalt  }
0x4d: {  	_ =	shalt  }
0x4e: {  	_ =	shalt  }
0x4f: {  	_ =	shalt  }
0x50: {  	_ =	shalt  }
0x51: {  	_ =	shalt  }
0x52: {  	_ =	shalt  }
0x53: {  	_ =	shalt  }
0x54: {  	_ =	shalt  }
0x55: {  	_ =	shalt  }
0x56: {  	_ =	shalt  }
0x57: {  	_ =	shalt  }
0x58: {  	_ =	shalt  }
0x59: {  	_ =	shalt  }
0x5a: {  	_ =	shalt  }
0x5b: {  	_ =	shalt  }
0x5c: {  	_ =	shalt  }
0x5d: {  	_ =	shalt  }
0x5e: {  	_ =	shalt  }
0x5f: {  	_ =	shalt  }
0x60: {  	_ =	shalt  }
0x61: {  	_ =	shalt  }
0x62: {  	_ =	shalt  }
0x63: {  	_ =	shalt  }
0x64: {  	_ =	shalt  }
0x65: {  	_ =	shalt  }
0x66: {  	_ =	shalt  }
0x67: {  	_ =	shalt  }
0x68: {  	_ =	shalt  }
0x69: {  	_ =	shalt  }
0x6a: {  	_ =	shalt  }
0x6b: {  	_ =	shalt  }
0x6c: {  	_ =	shalt  }
0x6d: {  	_ =	shalt  }
0x6e: {  	_ =	shalt  }
0x6f: {  	_ =	shalt  }
0x70: {  	_ =	shalt  }
0x71: {  	_ =	shalt  }
0x72: {  	_ =	shalt  }
0x73: {  	_ =	shalt  }
0x74: {  	_ =	shalt  }
0x75: {  	_ =	shalt  }
0x76: {  	_ =	shalt  }
0x77: {  	_ =	shalt  }
0x78: {  	_ =	shalt  }
0x79: {  	_ =	shalt  }
0x7a: {  	_ =	shalt  }
0x7b: {  	_ =	shalt  }
0x7c: {  	_ =	shalt  }
0x7d: {  	_ =	shalt  }
0x7e: {  	_ =	shalt  }
0x7f: {  	_ =	shalt  }
0x80: {  	_ =	shalt  }
0x81: {  	_ =	shalt  }
0x82: {  	_ =	shalt  }
0x83: {  	_ =	shalt  }
0x84: {  	_ =	shalt  }
0x85: {  	_ =	shalt  }
0x86: {  	_ =	shalt  }
0x87: {  	_ =	shalt  }
.Lfunc_end0:
.L_simem_size_0:
called_computation_lowered:
.L_overlay_start_0:
0x88: {  	s2 =	sld [smem:$0x3FD9]  }
0x89: {  	s3 =	sld [smem:$0x3FFE];
	_ =	sdelay $0x1  }
0x8a: {  	s1 =	srdreg.scid  }
0x8b: {  	s0 =	sand.u32 $0x1, s1  }
0x8c: {  	s17 =	sshll.u32 s0, $0xA;
	s2 =	sadd.s32 s3, s2  }
0x8d: {  	s2 =	sadd.s32 s2, s17  }
0x8e: {  	[smem:$0x3FBF] =	sst s2  }
0x8f: {  	_ = 	snop  }
0x90: {  	s2 =	sld [smem:$0x3FD0];
	(tm) =	ssettm $0x1  }
0x91: {  	s18 =	sld [smem:$0x3FFB];
	_ =	sdelay $0x3  }
0x92: {  	_ =	strace s18  }
0x93: {  	s3 =	sld [smem:$0x3FFC];
	_ =	sdelay $0x3  }
0x94: {  	_ =	strace s3  }
0x95: {  	s3 =	sld [smem:$0x3FFD];
	_ =	sdelay $0x3  }
0x96: {  	_ =	strace s3  }
0x97: {  	_ =	strace $0x8FFFFFFF  }
0x98: {  	s19 =	sld [smem:$0x3FDB];
	_ =	sdelay $0x1  }
0x99: {  	s4 =	simm.s32 $_scs_section_size  }
0x9a: {  	s5 =	simm.s32 $_size__tile_overlayer_lowered;
	s6 =	simm.s32 $_tile_overlayer_lowered  }
0x9b: {  	s22 =	simm.s32 $0x1BFF;
	s21 =	sshll.u32 s6, $0x1;
	s3 =	sadd.s32 s4, s19  }
0x9c: {  	s7 =	simm.s32 $0x0;
	s20 =	sshll.u32 s5, $0x1;
	s5 =	sadd.s32 s21, s3  }
0x9d: {  	[timem:s7], [sflag:s22] =	dma.local [hbm:s5], s20  }
0x9e: {  	_ =	swait.ge [sflag:s22], s20  }
0x9f: {  	s4 =	ssub.s32 $0x0, s20;
	[sflag:s22] =	ssyncset.done $0x0  }
0xa0: {  	[sflag:s22] =	ssyncadd.s32 s4;
	_ =	sdelay $0x1  }
0xa1: {  	s23 =	simm.s32 $0x1B8B  }
0xa2: {  	_ =	swait.ge [sflag:s23], $0x1  }
0xa3: {  	[sflag:s23] =	ssyncset.done $0x0  }
0xa4: {  	s25 =	simm.s32 $0x1B8E;
	s24 =	sld [smem:$0x3FFE];
	[sflag:s23] =	ssyncadd.s32 $0xFFFFFFFF  }
0xa5: {  	s26 =	simm.s32 $execute0_lowered;
	[smem:$0x3FD2] =	sst s25  }
0xa6: {  	s5 =	sshll.u32 s26, $0x1;
	_ =	strace $0x80000046;
	[dreg:$0x1] =	wrdreg $0xFFFFFFFF  }
0xa7: {  	s28 =	simm.s32 $_size_execute0_lowered;
	s3 =	sadd.s32 s3, s5;
	[dreg:$0x0] =	wrdreg $0x0  }
0xa8: {  	s5 =	sshll.u32 s28, $0x1;
	[dreg:$0x2] =	wrdreg s3  }
0xa9: {  	[dreg:$0x3] =	wrdreg s5  }
0xaa: {  	[dreg:$0x4] =	wrdreg $0xC0  }
0xab: {  	_ =	task [dreg:s7], $0x5FFFF  }
0xac: {  	[dreg:$0x1] =	wrdreg $0xFFFFFFFF  }
0xad: {  	[dreg:$0x0] =	wrdreg $0x60  }
0xae: {  	[dreg:$0x2] =	wrdreg s24  }
0xaf: {  	[dreg:$0x3] =	wrdreg s2  }
0xb0: {  	[dreg:$0x4] =	wrdreg $0xA8800  }
0xb1: {  	[dreg:$0x5] =	wrdreg $0x9  }
0xb2: {  	_ =	task.clear_ibuf [dreg:s7], $0x6FFFF;
	_ =	strace $0x90000046  }
0xb3: {  	s29 =	simm.s32 $0x9;
	_ =	strace $0x80000048  }
0xb4: {  	_ =	swait.ge [sflag:s29], $0x1  }
0xb5: {  	[sflag:s29] =	ssyncadd.s32 $0xFFFFFFFF  }
0xb6: {  	_ =	strace $0x90000048  }
0xb7: {  	_ =	sfence  }
0xb8: {  	s30 =	sld [smem:$0x0];
	_ =	sdelay $0x2  }
0xb9: {  	s31 =	sshll.u32 s1, $0xD;
	s1 =	sshrl.u32 s1, $0x2  }
0xba: {  	s3 =	sand.u32 $0x4000, s31;
	s1 =	sadd.s32 s1, s30  }
0xbb: {  	s0 =	sor.u32 s3, s0;
	s1 =	sshll.u32 s1, $0x11  }
0xbc: {  	s0 =	sor.u32 s1, s0  }
0xbd: {  	s0 =	sadd.s32 $0x8F2B, s0  }
0xbe: {  	[sflag:s0] =	ssyncadd.remote.s32 $0x1  }
0xbf: {  	_ =	sfence.sel $0xFFFF  }
0xc0: {  	[dreg:$0x0] =	wrdreg $0xFFFFFFFF;
	(pc) =	sbr.abs _section_cstart, $3  }
0xc1: {  	[dreg:$0x1] =	wrdreg $0xFFFFFFFF  }
0xc2: {  	_ =	task.clear_ibuf [dreg:s7], $0x2FFFF;
	_ =	strace $0x9FFFFFFF  }
0xc3: {  	(tm) =	ssettm $0x7FFFFFFF  }
tec
execute0_lowered:
.L_overlay_start_1:
0x0: {  	(tag) =	ssettag $0x1  }
0x1: {  	s0 =	rddreg [dreg:$0x0]  }
0x2: {  	s2 =	rddreg [dreg:$0x1]  }
0x3: {  	s21 =	stileid.u32;
	s3 =	rddreg [dreg:$0x2];
	s5 =	simm.s32 $0x0  }
0x4: {  	s10 =	srdreg.scid;
	s28 =	simm.s32 $0x50;
	s30 =	simm.s32 $0x480  }
0x5: {  	s4 =	smul.u32 $0x4E20, s21;
	[smem:$0x7FF] =	sst s5;
	s6 =	sadd.s32 $0x4E3200, s0  }
0x6: {  	s7 =	sadd.s32 $0x4ED000, s0;
	s8 =	sadd.s32 $0x53B200, s0;
	s11 =	sand.u32 $0x1, s10  }
0x7: {  	s20 =	smul.u32 $0x50000, s21;
	s0 =	sadd.s32 $0x1200, s0;
	_ =	strace $0x80000047  }
0x8: {  	s22 =	ssub.s32 $0x2, s11;
	s29 =	sshll.u32 s11, $0x1;
	s1 =	smulhi.u32 $0x83127, s4  }
0x9: {  	s19 =	smul.u32 $0x2710, s11;
	s14 =	sshrl.u32 s22, $0x1;
	s10 =	sshrl.u32 s20, $0x2  }
0xa: {  	s31 =	sshrl.u32 s4, $0x3;
	s20 =	sor.u32 $0x2710, s21;
	s9 =	smul.u32 $0xFFFFE0C0, s1  }
0xb: {  	s17 =	ssub.s32 s22, s14;
	s18 =	sadd.s32 s2, s31;
	s22 =	smul.u32 $0x14000, s21  }
0xc: {  	v1 =	vmov s20;
	v2 =	vmov s19;
	s19 =	simm.s32 $0x5;
	s20 =	simm.s32 $0x4;
	s12 =	sadd.s32 s4, s9  }
0xd: {  	[dreg:$0x5] =	wrdreg s18;
	s18 =	sadd.s32 $0xA0, s4;
	s13 =	smul.u32 $0x26E978D5, s12  }
0xe: {  	s9 =	sadd.s32 s10, s3;
	s15 =	smulhi.u32 $0xEF9DB22D, s12;
	s16 =	sshra.s32 s12, $0x1F  }
0xf: {  	p0 =	slt.s32 s12, $0x1;
	s23 =	smul.u32 $0xEF9DB22D, s16;
	s13 =	sadd.s32 $0x10624C0, s13  }
0x10: {  	s16 =	sadd.s32 s6, s31;
	s24 =	ssub.s32 s15, s12;
	s13 =	sshrl.u32 s13, $0x5  }
0x11: {  	s31 =	sadd.s32 $0xF0, s4;
	s14 =	sadd.s32 s23, s24;
	p1 =	sgt.u32 s13, $0x10624C  }
0x12: {  	s15 =	ssub.s32 $0x1, s29;
	s25 =	sshrl.u32 s14, $0x1F;
	p0 =	por !p0, !p1  }
0x13: {  	s26 =	sshra.s32 s14, $0x8;
	s14 =	simm.s32 $0x1;
	p0 =	por !p0, !p0  }
0x14: {  	[dreg:$0x4] =	wrdreg s16;
	s10 =	sadd.s32 s25, s26;
	s14 =	simm.s32 @!p0 $0x0  }
0x15: {  	s29 =	smax.u32 s17, $0x1;
	[dreg:$0xd] =	wrdreg s31;
	s13 =	sadd.s32 s14, s10  }
0x16: {  	s16 =	simm.s32 $0x3;
	s10 =	smul.u32 $0x27100, s11;
	s1 =	sadd.s32 s1, s13  }
0x17: {  	s17 =	simm.s32 $0x400;
	[dreg:$0xb] =	wrdreg s29;
	s1 =	smul.u32 $0xFA0, s1  }
0x18: {  	v0 =	vmov s15;
	s15 =	simm.s32 $0x0;
	s11 =	smul.u32 $0x138800, s11;
	s12 =	sadd.s32 s10, s12  }
0x19: {  	p0 =	seq.s32 s21, $0xF;
	s13 =	sadd.s32 $0x50, s4;
	s1 =	sadd.s32 s1, s12  }
0x1a: {  	s23 =	sshrl.u32 s13, $0x3;
	s25 =	sadd.s32 s22, s11;
	s1 =	sshll.u32 s1, $0x4  }
0x1b: {  	s11 =	sshrl.u32 s11, $0x3;
	s24 =	sadd.s32 s6, s23;
	s1 =	sadd.s32 s8, s1  }
0x1c: {  	s26 =	sadd.s32 s2, s23;
	[dreg:$0x6] =	wrdreg s1;
	s1 =	sshrl.u32 s25, $0x3  }
0x1d: {  	[dreg:$0x7] =	wrdreg s24;
	s1 =	sadd.s32 s0, s1;
	s0 =	sadd.s32 s0, s11  }
0x1e: {  	s14 =	simm.s32 $0x1;
	[dreg:$0x8] =	wrdreg s26;
	s0 =	sadd.s32 $0x25800, s0  }
0x1f: {  	s24 =	simm.s32 $0xA480;
	[dreg:$0xa] =	wrdreg s0;
	s0 =	sadd.s32 $0x12C000, s3  }
0x20: {  	s12 =	simm.s32 $0x5480;
	[dreg:$0x9] =	wrdreg s1;
	s0 =	sshrl.u32 @p0 s0, $0x3  }
0x21: {  	v3 =	vimm.f32 $0.0e+00;
	s25 =	simm.s32 $0x6;
	[dreg:$0xc] =	wrdreg s0;
	s0 =	simm.s32 $0x2  }
.LBB2_1:
0x22: {  	[tilespmem:$0xA480] =	vst v3  }
0x23: {  	[tilespmem:$0xA490] =	vst v3  }
0x24: {  	[tilespmem:$0xA4A0] =	vst v3  }
0x25: {  	[tilespmem:$0xA4B0] =	vst v3  }
0x26: {  	[tilespmem:$0xA4C0] =	vst v3  }
0x27: {  	[tilespmem:$0xA4D0] =	vst v3  }
0x28: {  	[tilespmem:$0xA4E0] =	vst v3  }
0x29: {  	[tilespmem:$0xA4F0] =	vst v3  }
0x2a: {  	[tilespmem:$0xA500] =	vst v3  }
0x2b: {  	[tilespmem:$0xA510] =	vst v3  }
0x2c: {  	[tilespmem:$0xA520] =	vst v3  }
0x2d: {  	[tilespmem:$0xA530] =	vst v3  }
0x2e: {  	[tilespmem:$0xA540] =	vst v3  }
0x2f: {  	[tilespmem:$0xA550] =	vst v3  }
0x30: {  	[tilespmem:$0xA560] =	vst v3  }
0x31: {  	[tilespmem:$0xA570] =	vst v3  }
0x32: {  	[tilespmem:$0xA580] =	vst v3  }
0x33: {  	[tilespmem:$0xA590] =	vst v3  }
0x34: {  	[tilespmem:$0xA5A0] =	vst v3  }
0x35: {  	[tilespmem:$0xA5B0] =	vst v3  }
0x36: {  	[tilespmem:$0xA5C0] =	vst v3  }
0x37: {  	[tilespmem:$0xA5D0] =	vst v3  }
0x38: {  	[tilespmem:$0xA5E0] =	vst v3  }
0x39: {  	[tilespmem:$0xA5F0] =	vst v3  }
0x3a: {  	[tilespmem:$0xA600] =	vst v3  }
0x3b: {  	[tilespmem:$0xA610] =	vst v3  }
0x3c: {  	[tilespmem:$0xA620] =	vst v3  }
0x3d: {  	[tilespmem:$0xA630] =	vst v3  }
0x3e: {  	[tilespmem:$0xA640] =	vst v3  }
0x3f: {  	[tilespmem:$0xA650] =	vst v3  }
0x40: {  	[tilespmem:$0xA660] =	vst v3  }
0x41: {  	[tilespmem:$0xA670] =	vst v3  }
0x42: {  	[tilespmem:$0xA680] =	vst v3  }
0x43: {  	[tilespmem:$0xA690] =	vst v3  }
0x44: {  	[tilespmem:$0xA6A0] =	vst v3  }
0x45: {  	[tilespmem:$0xA6B0] =	vst v3  }
0x46: {  	[tilespmem:$0xA6C0] =	vst v3  }
0x47: {  	[tilespmem:$0xA6D0] =	vst v3  }
0x48: {  	[tilespmem:$0xA6E0] =	vst v3  }
0x49: {  	[tilespmem:$0xA6F0] =	vst v3  }
0x4a: {  	[tilespmem:$0xA700] =	vst v3  }
0x4b: {  	[tilespmem:$0xA710] =	vst v3  }
0x4c: {  	[tilespmem:$0xA720] =	vst v3  }
0x4d: {  	[tilespmem:$0xA730] =	vst v3  }
0x4e: {  	[tilespmem:$0xA740] =	vst v3  }
0x4f: {  	[tilespmem:$0xA750] =	vst v3  }
0x50: {  	[tilespmem:$0xA760] =	vst v3  }
0x51: {  	[tilespmem:$0xA770] =	vst v3  }
0x52: {  	[tilespmem:$0xA780] =	vst v3  }
0x53: {  	[tilespmem:$0xA790] =	vst v3  }
0x54: {  	[tilespmem:$0xA7A0] =	vst v3  }
0x55: {  	[tilespmem:$0xA7B0] =	vst v3  }
0x56: {  	[tilespmem:$0xA7C0] =	vst v3  }
0x57: {  	[tilespmem:$0xA7D0] =	vst v3  }
0x58: {  	[tilespmem:$0xA7E0] =	vst v3  }
0x59: {  	[tilespmem:$0xA7F0] =	vst v3  }
0x5a: {  	[tilespmem:$0xA800] =	vst v3  }
0x5b: {  	[tilespmem:$0xA810] =	vst v3  }
0x5c: {  	[tilespmem:$0xA820] =	vst v3  }
0x5d: {  	[tilespmem:$0xA830] =	vst v3  }
0x5e: {  	[tilespmem:$0xA840] =	vst v3  }
0x5f: {  	[tilespmem:$0xA850] =	vst v3  }
0x60: {  	[tilespmem:$0xA860] =	vst v3  }
0x61: {  	[tilespmem:$0xA870] =	vst v3;
	s1 =	sadd.s32 $0x0, s9  }
0x62: {  	[spmem:s1] =	stream.linear.scatter [tilespmem:s24], [sflag:$0x6], $0x400, $0x38;
	[tilespmem:$0x1E880] =	vst v63  }
0x63: {  	s1 =	simm.s32 $0x1000;
	_ =	swait.ge [sflag:s25], $0x400  }
.LBB2_2:
0x64: {  	s21 =	sshra.s32 s1, $0x2;
	[sflag:s25] =	ssyncset.done $0x0;
	p1 =	sne.s32 s1, $0x4F000  }
.Ltmp0:
0x65: {  	s21 =	sadd.s32 s21, s9;
	[sflag:s25] =	ssyncadd.s32 $0xFFFFFC00;
	(pc) =	sbr.rel @p1 .LBB2_2-.Ltmp0, $3  }
0x66: {  	[spmem:s21] =	stream.linear.scatter [tilespmem:s24], [sflag:$0x6], $0x400, $0x38;
	[tilespmem:$0x1E880] =	vst v63  }
0x67: {  	s1 =	sadd.s32 $0x1000, s1;
	_ =	sdelay $0x1  }
0x68: {  	_ =	swait.ge [sflag:s25], $0x400  }
0x69: {  	[sflag:s25] =	ssyncset.done $0x0  }
0x6a: {  	[dreg:$0xe] =	wrdreg s15;
	[sflag:s25] =	ssyncadd.s32 $0xFFFFFC00  }
0x6b: {  	[bflag:$0x0] =	sbarrier.arrive $0xFFFF  }
0x6c: {  	s22 =	simm.s32 $0x0;
	s1 =	rddreg [dreg:$0x4]  }
0x6d: {  	[tilespmem:s22], [sflag:$0x1] =	stream.linear.gather [hbm4b:s1+s22], $0x50, $0x38;
	[tilespmem:$0x1E880] =	vst v63  }
0x6e: {  	s11 =	simm.s32 $0x80;
	s31 =	rddreg [dreg:$0x5]  }
0x6f: {  	[tilespmem:s11], [sflag:$0x1] =	stream.linear.gather [hbm4b:s31+s22], $0x50, $0x38;
	[tilespmem:$0x1E880] =	vst v63  }
0x70: {  	_ =	swait.ge [sflag:s14], $0x50  }
0x71: {  	[sflag:s14] =	ssyncset.done $0x0  }
0x72: {  	[sflag:s14] =	ssyncadd.s32 $0xFFFFFFB0  }
0x73: {  	_ =	swait.ge [sflag:s14], $0x50  }
0x74: {  	[sflag:s14] =	ssyncset.done $0x0  }
0x75: {  	[sflag:s14] =	ssyncadd.s32 $0xFFFFFFB0  }
0x76: {  	v4 =	vld [tilespmem:$0x0]  }
0x77: {  	v5 =	vld [tilespmem:$0x80]  }
0x78: {  	v6 =	vld [tilespmem:$0x10]  }
0x79: {  	v7 =	vld [tilespmem:$0x90]  }
0x7a: {  	v8 =	vld [tilespmem:$0x20]  }
0x7b: {  	v9 =	vld [tilespmem:$0xA0]  }
0x7c: {  	v11 =	vld [tilespmem:$0x30];
	v10 =	vsub.s32 v5, v4  }
0x7d: {  	v12 =	vld [tilespmem:$0xB0];
	v10 =	vmul.u32 v0, v10  }
0x7e: {  	v14 =	vld [tilespmem:$0x40];
	v13 =	vsub.s32 v7, v6  }
0x7f: {  	v61 =	vld [tilespmem:$0xC0];
	v60 =	vmul.u32 v0, v13;
	vm0 =	vgt.s32 v10, $0x0  }
0x80: {  	v15 =	vsub.s32 v9, v8;
	v4 =	vsel vm0, v4, v1  }
0x81: {  	vm12 =	vgt.s32 v60, $0x0;
	[tilespmem:$0x180] =	vst v4;
	v4 =	vadd.s32 v2, v5;
	v5 =	vmul.u32 v0, v15  }
0x82: {  	v62 =	vsub.s32 v12, v11;
	[tilespmem:$0x100] =	vst v4;
	v4 =	vsel vm12, v6, v1  }
0x83: {  	[tilespmem:$0x190] =	vst v4;
	vm13 =	vgt.s32 v5, $0x0;
	v4 =	vadd.s32 v2, v7;
	v5 =	vmul.u32 v0, v62  }
0x84: {  	v63 =	vsub.s32 v61, v14;
	[tilespmem:$0x110] =	vst v4;
	v4 =	vsel vm13, v8, v1  }
0x85: {  	[tilespmem:$0x1A0] =	vst v4;
	vm14 =	vgt.s32 v5, $0x0;
	v4 =	vadd.s32 v2, v9;
	v5 =	vmul.u32 v0, v63  }
0x86: {  	[tilespmem:$0x120] =	vst v4;
	v4 =	vsel vm14, v11, v1  }
0x87: {  	[tilespmem:$0x1B0] =	vst v4;
	vm15 =	vgt.s32 v5, $0x0;
	v4 =	vadd.s32 v2, v12  }
0x88: {  	[tilespmem:$0x130] =	vst v4;
	v4 =	vsel vm15, v14, v1  }
0x89: {  	[tilespmem:$0x1C0] =	vst v4;
	v4 =	vadd.s32 v2, v61  }
0x8a: {  	s11 =	simm.s32 $0x100;
	[tilespmem:$0x140] =	vst v4  }
0x8b: {  	[tilespmem:s30], [sflag:$0x3] =	stream.indirect.gather [hbm4b:s7+s28], $0x80, s11, s28, $0xb8;
	[tilespmem:$0x1E880] =	vst v63  }
0x8c: {  	s21 =	simm.s32 $0x2C80;
	s15 =	rddreg [dreg:$0x6]  }
0x8d: {  	[tilespmem:s21], [sflag:$0x3] =	stream.linear.gather [hbm4b:s15+s22], $0x2800, $0x38;
	[tilespmem:$0x1E880] =	vst v63  }
0x8e: {  	s26 =	simm.s32 $0x200;
	s23 =	rddreg [dreg:$0x7]  }
0x8f: {  	[tilespmem:s26], [sflag:$0x2] =	stream.linear.gather [hbm4b:s23+s22], $0x50, $0x38;
	[tilespmem:$0x1E880] =	vst v63  }
0x90: {  	s31 =	simm.s32 $0x280;
	s29 =	rddreg [dreg:$0x8]  }
0x91: {  	[tilespmem:s31], [sflag:$0x2] =	stream.linear.gather [hbm4b:s29+s22], $0x50, $0x38;
	[tilespmem:$0x1E880] =	vst v63  }
.LBB2_4:
0x92: {  	_ =	swait.ge [sflag:s0], $0x50  }
0x93: {  	[sflag:s0] =	ssyncset.done $0x0  }
0x94: {  	[sflag:s0] =	ssyncadd.s32 $0xFFFFFFB0  }
0x95: {  	_ =	swait.ge [sflag:s0], $0x50  }
0x96: {  	p1 =	seq.s32 s22, $0x0;
	[sflag:s0] =	ssyncset.done $0x0  }
0x97: {  	s1 =	simm.s32 @!p1 $0x5;
	[sflag:s0] =	ssyncadd.s32 $0xFFFFFFB0  }
0x98: {  	_ =	swait.ge @!p1 [sflag:s1], $0x2800  }
0x99: {  	[sflag:s1] =	ssyncset.done @!p1 $0x0  }
0x9a: {  	[sflag:s1] =	ssyncadd.s32 @!p1 $0xFFFFD800  }
0x9b: {  	s29 =	smul.u32 $0xA0, s22;
	v4 =	vld [tilespmem:$0x200]  }
0x9c: {  	v5 =	vld [tilespmem:$0x280]  }
0x9d: {  	s11 =	sadd.s32 s29, s13;
	v6 =	vld [tilespmem:$0x210]  }
0x9e: {  	s21 =	smulhi.u32 $0x10624DD3, s11;
	v7 =	vld [tilespmem:$0x290]  }
0x9f: {  	v8 =	vld [tilespmem:$0x220]  }
0xa0: {  	s31 =	sshrl.u32 s21, $0x9;
	v9 =	vld [tilespmem:$0x2A0]  }
0xa1: {  	s21 =	smul.u32 $0xFFFFE0C0, s31;
	v11 =	vld [tilespmem:$0x230];
	v10 =	vsub.s32 v5, v4  }
0xa2: {  	v12 =	vld [tilespmem:$0x2B0];
	v10 =	vmul.u32 v0, v10  }
0xa3: {  	s1 =	sadd.s32 s11, s21;
	v14 =	vld [tilespmem:$0x240];
	v13 =	vsub.s32 v7, v6  }
0xa4: {  	s21 =	smulhi.u32 $0x10624DD3, s1;
	s26 =	sshra.s32 s1, $0x1F;
	vm0 =	vgt.s32 v10, $0x0;
	v10 =	vmul.u32 v0, v13;
	v13 =	vld [tilespmem:$0x2C0]  }
0xa5: {  	s23 =	smul.u32 $0x10624DD3, s26;
	v15 =	vsub.s32 v9, v8;
	v4 =	vsel vm0, v4, v1  }
0xa6: {  	[tilespmem:$0x380] =	vst v4;
	v4 =	vadd.s32 v2, v5;
	vm12 =	vgt.s32 v10, $0x0;
	v5 =	vmul.u32 v0, v15  }
0xa7: {  	s21 =	sadd.s32 s23, s21;
	[tilespmem:$0x300] =	vst v4;
	v4 =	vsel vm12, v6, v1;
	v6 =	vsub.s32 v12, v11  }
0xa8: {  	s23 =	sshrl.u32 s21, $0x1F;
	s21 =	sshra.s32 s21, $0x8;
	[tilespmem:$0x390] =	vst v4;
	v4 =	vadd.s32 v2, v7;
	vm13 =	vgt.s32 v5, $0x0;
	v5 =	vmul.u32 v0, v6  }
0xa9: {  	s21 =	sadd.s32 s23, s21;
	[tilespmem:$0x310] =	vst v4;
	v4 =	vsel vm13, v8, v1;
	v6 =	vsub.s32 v13, v14  }
0xaa: {  	s21 =	sadd.s32 s26, s21;
	[tilespmem:$0x3A0] =	vst v4;
	v4 =	vadd.s32 v2, v9;
	vm14 =	vgt.s32 v5, $0x0;
	v5 =	vmul.u32 v0, v6  }
0xab: {  	s15 =	ssub.s32 s31, s21;
	[tilespmem:$0x320] =	vst v4;
	v4 =	vsel vm14, v11, v1  }
0xac: {  	s23 =	smul.u32 $0xFA0, s15;
	[tilespmem:$0x3B0] =	vst v4;
	v4 =	vadd.s32 v2, v12;
	vm15 =	vgt.s32 v5, $0x0  }
0xad: {  	s1 =	sadd.s32 s10, s1;
	[tilespmem:$0x330] =	vst v4;
	v4 =	vsel vm15, v14, v1  }
0xae: {  	s1 =	sadd.s32 s23, s1;
	[tilespmem:$0x3C0] =	vst v4;
	v4 =	vadd.s32 v2, v13  }
0xaf: {  	s11 =	simm.s32 $0x300;
	s1 =	sshll.u32 s1, $0x4;
	[tilespmem:$0x340] =	vst v4  }
0xb0: {  	[tilespmem:s12], [sflag:$0x4] =	stream.indirect.gather [hbm4b:s7+s28], $0x80, s11, s28, $0xb8;
	[tilespmem:$0x1E880] =	vst v63  }
0xb1: {  	p1 =	seq.s32 s22, $0x7C;
	s26 =	simm.s32 $0x7C80;
	s1 =	sadd.s32 s8, s1  }
0xb2: {  	[tilespmem:s26], [sflag:$0x4] =	stream.linear.gather [hbm4b:s1+s5], $0x2800, $0x38;
	[tilespmem:$0x1E880] =	vst v63  }
0xb3: {  	s1 =	sadd.s32 @!p1 s29, s18  }
0xb4: {  	s1 =	sshrl.u32 @!p1 s1, $0x3  }
0xb5: {  	s26 =	simm.s32 @!p1 $0x0;
	s23 =	sadd.s32 @!p1 s6, s1  }
0xb6: {  	[tilespmem:s26], [sflag:$0x1] =	stream.linear.gather @!p1 [hbm4b:s23+s26], $0x50, $0x38;
	[tilespmem:$0x1E880] =	vst v63  }
0xb7: {  	s1 =	sadd.s32 @!p1 s2, s1;
	s23 =	simm.s32 @!p1 $0x80  }
0xb8: {  	[tilespmem:s23], [sflag:$0x1] =	stream.linear.gather @!p1 [hbm4b:s1+s26], $0x50, $0x38;
	[tilespmem:$0x1E880] =	vst v63  }
0xb9: {  	_ =	swait.ge [sflag:s16], $0x2800  }
0xba: {  	[sflag:s16] =	ssyncset.done $0x0  }
0xbb: {  	[sflag:s16] =	ssyncadd.s32 $0xFFFFD800  }
0xbc: {  	_ =	swait.ge [sflag:s16], $0x2800  }
0xbd: {  	[sflag:s16] =	ssyncset.done $0x0  }
0xbe: {  	s31 =	simm.s32 $0x0;
	[sflag:s16] =	ssyncadd.s32 $0xFFFFD800  }
0xbf: {  	v19 =	vld [tilespmem:s31+$0x2C80]  }
0xc0: {  	v20 =	vld [tilespmem:s31+$0x2C90]  }
0xc1: {  	v21 =	vld [tilespmem:s31+$0x2CA0]  }
0xc2: {  	v22 =	vld [tilespmem:s31+$0x2CB0]  }
0xc3: {  	v23 =	vld [tilespmem:s31+$0x2CC0]  }
0xc4: {  	v24 =	vld [tilespmem:s31+$0x2CD0]  }
0xc5: {  	v25 =	vld [tilespmem:s31+$0x2CE0]  }
0xc6: {  	v26 =	vld [tilespmem:s31+$0x2CF0]  }
0xc7: {  	v27 =	vld [tilespmem:s31+$0x2D00]  }
0xc8: {  	v28 =	vld [tilespmem:s31+$0x2D10]  }
0xc9: {  	v29 =	vld [tilespmem:s31+$0x2D20]  }
0xca: {  	v30 =	vld [tilespmem:s31+$0x2D30]  }
0xcb: {  	s15 =	sadd.s32 s4, s29;
	v31 =	vld [tilespmem:s31+$0x2D40]  }
0xcc: {  	s26 =	smulhi.u32 $0x10624DD3, s15;
	v32 =	vld [tilespmem:s31+$0x2D50]  }
0xcd: {  	v33 =	vld [tilespmem:s31+$0x2D60]  }
0xce: {  	s23 =	sshrl.u32 s26, $0x9;
	v34 =	vld [tilespmem:s31+$0x2D70]  }
0xcf: {  	s23 =	smul.u32 $0x1F40, s23;
	v35 =	vld [tilespmem:s31+$0x2D80]  }
0xd0: {  	v36 =	vld [tilespmem:s31+$0x2D90]  }
0xd1: {  	s1 =	ssub.s32 s15, s23;
	v18 =	vld [tilespmem:s31+$0x2DA0]  }
0xd2: {  	p2 =	sgt.u32 s1, $0xF9F;
	s1 =	simm.s32 $0x10;
	v37 =	vld [tilespmem:s31+$0x480]  }
0xd3: {  	v17 =	vld [tilespmem:s31+$0x2DB0];
	s1 =	simm.s32 @!p2 $0x0  }
0xd4: {  	v15 =	vld [tilespmem:s31+$0x2DC0];
	v4 =	vmov s1  }
0xd5: {  	v16 =	vld [tilespmem:s31+$0x2DD0];
	v19 =	vshrl.u32 v19, v4  }
0xd6: {  	v39 =	vld [tilespmem:s31+$0x4A0];
	v19 =	vshll.u32 v19, $0x10  }
0xd7: {  	v38 =	vld [tilespmem:s31+$0x490];
	v19 =	vadd.f32 v19, v37  }
0xd8: {  	v14 =	vld [tilespmem:s31+$0x2DE0]  }
0xd9: {  	v11 =	vld [tilespmem:s31+$0x2DF0];
	v21 =	vshrl.u32 v21, v4;
	v19 =	vmax.f32 v19, $0.0e+00  }
0xda: {  	v40 =	vld [tilespmem:s31+$0x4B0];
	v20 =	vshrl.u32 v20, v4;
	[tilespmem:s31+$0x480] =	vst v19;
	v19 =	vshll.u32 v21, $0x10  }
0xdb: {  	v50 =	vld [tilespmem:s31+$0x4D0];
	v20 =	vshll.u32 v20, $0x10;
	v19 =	vadd.f32 v19, v39  }
0xdc: {  	v41 =	vld [tilespmem:s31+$0x4C0];
	v20 =	vadd.f32 v20, v38  }
0xdd: {  	v13 =	vld [tilespmem:s31+$0x2E00];
	v18 =	vshrl.u32 v18, v4;
	v21 =	vshrl.u32 v22, v4;
	v19 =	vmax.f32 v19, $0.0e+00  }
0xde: {  	v9 =	vld [tilespmem:s31+$0x2E30];
	v20 =	vmax.f32 v20, $0.0e+00;
	v21 =	vshll.u32 v21, $0x10;
	[tilespmem:s31+$0x4A0] =	vst v19;
	v19 =	vshrl.u32 v24, v4  }
0xdf: {  	v42 =	vld [tilespmem:s31+$0x4E0];
	[tilespmem:s31+$0x490] =	vst v20;
	v20 =	vshrl.u32 v23, v4;
	v21 =	vadd.f32 v21, v40;
	v19 =	vshll.u32 v19, $0x10  }
0xe0: {  	v17 =	vshrl.u32 v17, v4;
	v22 =	vld [tilespmem:s31+$0x500];
	v20 =	vshll.u32 v20, $0x10;
	v19 =	vadd.f32 v19, v50  }
0xe1: {  	v51 =	vld [tilespmem:s31+$0x4F0];
	v61 =	vshrl.u32 v15, v4;
	v20 =	vadd.f32 v20, v41;
	v21 =	vmax.f32 v21, $0.0e+00  }
0xe2: {  	v6 =	vld [tilespmem:s31+$0x2E70];
	v62 =	vshrl.u32 v16, v4;
	[tilespmem:s31+$0x4B0] =	vst v21;
	v21 =	vshrl.u32 v25, v4;
	v19 =	vmax.f32 v19, $0.0e+00  }
0xe3: {  	v10 =	vld [tilespmem:s31+$0x2E10];
	v20 =	vmax.f32 v20, $0.0e+00;
	v21 =	vshll.u32 v21, $0x10;
	[tilespmem:s31+$0x4D0] =	vst v19;
	v19 =	vshrl.u32 v27, v4  }
0xe4: {  	v23 =	vld [tilespmem:s31+$0x510];
	[tilespmem:s31+$0x4C0] =	vst v20;
	v20 =	vshrl.u32 v26, v4;
	v21 =	vadd.f32 v21, v42;
	v19 =	vshll.u32 v19, $0x10  }
0xe5: {  	v53 =	vld [tilespmem:s31+$0x530];
	v63 =	vshrl.u32 v13, v4;
	v20 =	vshll.u32 v20, $0x10;
	v19 =	vadd.f32 v19, v22  }
0xe6: {  	v52 =	vld [tilespmem:s31+$0x520];
	v9 =	vshrl.u32 v9, v4;
	v20 =	vadd.f32 v20, v51;
	v21 =	vmax.f32 v21, $0.0e+00  }
0xe7: {  	v8 =	vld [tilespmem:s31+$0x2E20];
	v6 =	vshrl.u32 v6, v4;
	[tilespmem:s31+$0x4E0] =	vst v21;
	v21 =	vshrl.u32 v28, v4;
	v19 =	vmax.f32 v19, $0.0e+00  }
0xe8: {  	v54 =	vld [tilespmem:s31+$0x540];
	v20 =	vmax.f32 v20, $0.0e+00;
	v21 =	vshll.u32 v21, $0x10;
	[tilespmem:s31+$0x500] =	vst v19;
	v19 =	vshrl.u32 v30, v4  }
0xe9: {  	v55 =	vld [tilespmem:s31+$0x550];
	[tilespmem:s31+$0x4F0] =	vst v20;
	v20 =	vshrl.u32 v29, v4;
	v21 =	vadd.f32 v21, v23;
	v19 =	vshll.u32 v19, $0x10  }
0xea: {  	v15 =	vshll.u32 v18, $0x10;
	v22 =	vld [tilespmem:s31+$0x560];
	v20 =	vshll.u32 v20, $0x10;
	v19 =	vadd.f32 v19, v53  }
0xeb: {  	v58 =	vld [tilespmem:s31+$0x5A0];
	v18 =	vshrl.u32 v14, v4;
	v20 =	vadd.f32 v20, v52;
	v21 =	vmax.f32 v21, $0.0e+00  }
0xec: {  	v59 =	vld [tilespmem:s31+$0x5B0];
	v13 =	vshll.u32 v17, $0x10;
	[tilespmem:s31+$0x510] =	vst v21;
	v21 =	vshrl.u32 v31, v4;
	v19 =	vmax.f32 v19, $0.0e+00  }
0xed: {  	v7 =	vld [tilespmem:s31+$0x2E40];
	v20 =	vmax.f32 v20, $0.0e+00;
	v21 =	vshll.u32 v21, $0x10;
	[tilespmem:s31+$0x530] =	vst v19;
	v19 =	vshrl.u32 v33, v4  }
0xee: {  	v23 =	vld [tilespmem:s31+$0x570];
	[tilespmem:s31+$0x520] =	vst v20;
	v20 =	vshrl.u32 v32, v4;
	v21 =	vadd.f32 v21, v54;
	v19 =	vshll.u32 v19, $0x10  }
0xef: {  	v57 =	vld [tilespmem:s31+$0x590];
	v17 =	vshll.u32 v61, $0x10;
	v20 =	vshll.u32 v20, $0x10;
	v19 =	vadd.f32 v19, v22  }
0xf0: {  	v56 =	vld [tilespmem:s31+$0x580];
	v14 =	vadd.f32 v15, v58;
	v20 =	vadd.f32 v20, v55;
	v21 =	vmax.f32 v21, $0.0e+00  }
0xf1: {  	v13 =	vadd.f32 v13, v59;
	[tilespmem:s31+$0x540] =	vst v21;
	v21 =	vshrl.u32 v34, v4;
	v22 =	vld [tilespmem:s31+$0x5C0];
	v19 =	vmax.f32 v19, $0.0e+00  }
0xf2: {  	v5 =	vld [tilespmem:s31+$0x2E50];
	v20 =	vmax.f32 v20, $0.0e+00;
	v21 =	vshll.u32 v21, $0x10;
	[tilespmem:s31+$0x560] =	vst v19;
	v19 =	vshrl.u32 v36, v4  }
0xf3: {  	v12 =	vld [tilespmem:s31+$0x2E60];
	[tilespmem:s31+$0x550] =	vst v20;
	v20 =	vshrl.u32 v35, v4;
	v21 =	vadd.f32 v21, v23;
	v19 =	vshll.u32 v19, $0x10  }
0xf4: {  	v14 =	vmax.f32 v14, $0.0e+00;
	v20 =	vshll.u32 v20, $0x10;
	v23 =	vld [tilespmem:s31+$0x5D0];
	v19 =	vadd.f32 v19, v57  }
0xf5: {  	v60 =	vld [tilespmem:s31+$0x5E0];
	v13 =	vmax.f32 v13, $0.0e+00;
	v20 =	vadd.f32 v20, v56;
	v21 =	vmax.f32 v21, $0.0e+00  }
0xf6: {  	[tilespmem:s31+$0x570] =	vst v21;
	v21 =	vld [tilespmem:s31+$0x5F0];
	v17 =	vadd.f32 v17, v22;
	v15 =	vmax.f32 v19, $0.0e+00;
	v19 =	vshrl.u32 v11, v4  }
0xf7: {  	v16 =	vld [tilespmem:s31+$0x600];
	[tilespmem:s31+$0x5A0] =	vst v14;
	v11 =	vshrl.u32 v10, v4;
	v10 =	vshrl.u32 v8, v4;
	v8 =	vshrl.u32 v7, v4  }
0xf8: {  	v7 =	vshrl.u32 v5, v4;
	v5 =	vshrl.u32 v12, v4;
	v12 =	vshll.u32 v62, $0x10;
	[tilespmem:s31+$0x590] =	vst v15;
	v15 =	vld [tilespmem:s31+$0x610]  }
0xf9: {  	v18 =	vshll.u32 v18, $0x10;
	v14 =	vld [tilespmem:s31+$0x620];
	[tilespmem:s31+$0x5B0] =	vst v13;
	v20 =	vmax.f32 v20, $0.0e+00;
	v12 =	vadd.f32 v12, v23  }
0xfa: {  	v18 =	vadd.f32 v18, v60;
	v13 =	vld [tilespmem:s31+$0x630];
	[tilespmem:s31+$0x580] =	vst v20;
	v17 =	vmax.f32 v17, $0.0e+00;
	v19 =	vshll.u32 v19, $0x10  }
0xfb: {  	s1 =	simm.s32 $0x800;
	[tilespmem:s31+$0x5C0] =	vst v17;
	v17 =	vadd.f32 v19, v21;
	v19 =	vshll.u32 v63, $0x10;
	v20 =	vmax.f32 v12, $0.0e+00;
	v12 =	vld [tilespmem:s31+$0x640]  }
.LBB2_5:
0xfc: {  	p2 =	sne.s32 s1, $0x9800;
	[tilespmem:s31+$0x5D0] =	vst v20;
	v18 =	vmax.f32 v18, $0.0e+00;
	v16 =	vadd.f32 v19, v16;
	v11 =	vshll.u32 v11, $0x10;
	v19 =	vld [tilespmem:s31+$0x650]  }
0xfd: {  	v10 =	vshll.u32 v10, $0x10;
	[tilespmem:s31+$0x5E0] =	vst v18;
	v17 =	vmax.f32 v17, $0.0e+00;
	v11 =	vadd.f32 v11, v15;
	v15 =	vld [tilespmem:s31+$0x660]  }
0xfe: {  	s23 =	sshra.s32 s1, $0x2;
	v9 =	vshll.u32 v9, $0x10;
	[tilespmem:s31+$0x5F0] =	vst v17;
	v16 =	vmax.f32 v16, $0.0e+00;
	v10 =	vadd.f32 v10, v14;
	v14 =	vld [tilespmem:s31+$0x670]  }
0xff: {  	v8 =	vshll.u32 v8, $0x10;
	v17 =	vld [tilespmem:s23+$0x2C80];
	[tilespmem:s31+$0x600] =	vst v16;
	v11 =	vmax.f32 v11, $0.0e+00;
	v9 =	vadd.f32 v9, v13  }
0x100: {  	v7 =	vshll.u32 v7, $0x10;
	v13 =	vld [tilespmem:s23+$0x2C90];
	[tilespmem:s31+$0x610] =	vst v11;
	v10 =	vmax.f32 v10, $0.0e+00;
	v8 =	vadd.f32 v8, v12  }
0x101: {  	v5 =	vshll.u32 v5, $0x10;
	v11 =	vld [tilespmem:s23+$0x2CA0];
	[tilespmem:s31+$0x620] =	vst v10;
	v9 =	vmax.f32 v9, $0.0e+00;
	v7 =	vadd.f32 v7, v19  }
0x102: {  	v6 =	vshll.u32 v6, $0x10;
	v10 =	vld [tilespmem:s23+$0x2CB0];
	[tilespmem:s31+$0x630] =	vst v9;
	v8 =	vmax.f32 v8, $0.0e+00;
	v5 =	vadd.f32 v5, v15  }
0x103: {  	v9 =	vld [tilespmem:s23+$0x2CC0];
	[tilespmem:s31+$0x640] =	vst v8;
	v7 =	vmax.f32 v7, $0.0e+00;
	v6 =	vadd.f32 v6, v14  }
0x104: {  	v8 =	vld [tilespmem:s23+$0x2CD0];
	[tilespmem:s31+$0x650] =	vst v7;
	v5 =	vmax.f32 v5, $0.0e+00  }
0x105: {  	v7 =	vld [tilespmem:s23+$0x2CE0];
	[tilespmem:s31+$0x660] =	vst v5;
	v5 =	vmax.f32 v6, $0.0e+00  }
0x106: {  	v6 =	vld [tilespmem:s23+$0x2CF0];
	[tilespmem:s31+$0x670] =	vst v5;
	s31 =	smov.u32 s23  }
0x107: {  	v5 =	vld [tilespmem:s31+$0x2D00]  }
0x108: {  	v12 =	vld [tilespmem:s31+$0x2D10]  }
0x109: {  	v14 =	vld [tilespmem:s31+$0x2D20]  }
0x10a: {  	v15 =	vld [tilespmem:s31+$0x2D30]  }
0x10b: {  	v16 =	vld [tilespmem:s31+$0x2D40]  }
0x10c: {  	v18 =	vld [tilespmem:s31+$0x2D50]  }
0x10d: {  	v19 =	vld [tilespmem:s31+$0x2D60]  }
0x10e: {  	v20 =	vld [tilespmem:s31+$0x2D70]  }
0x10f: {  	v21 =	vld [tilespmem:s31+$0x2D80]  }
0x110: {  	v22 =	vld [tilespmem:s31+$0x2D90]  }
0x111: {  	v23 =	vld [tilespmem:s31+$0x2DA0]  }
0x112: {  	v24 =	vld [tilespmem:s31+$0x2DB0]  }
0x113: {  	v25 =	vld [tilespmem:s31+$0x2DC0]  }
0x114: {  	v26 =	vld [tilespmem:s31+$0x2DD0]  }
0x115: {  	v27 =	vld [tilespmem:s31+$0x2DE0]  }
0x116: {  	v28 =	vld [tilespmem:s31+$0x2DF0]  }
0x117: {  	v29 =	vld [tilespmem:s31+$0x2E00]  }
0x118: {  	v30 =	vld [tilespmem:s31+$0x2E10]  }
0x119: {  	v17 =	vshrl.u32 v17, v4;
	v31 =	vld [tilespmem:s31+$0x2E20]  }
0x11a: {  	v32 =	vshrl.u32 v13, v4;
	v33 =	vshrl.u32 v11, v4;
	v34 =	vshrl.u32 v10, v4;
	v35 =	vld [tilespmem:s31+$0x2E30]  }
0x11b: {  	v36 =	vshrl.u32 v9, v4;
	v37 =	vshrl.u32 v8, v4;
	v38 =	vshrl.u32 v7, v4;
	v7 =	vld [tilespmem:s31+$0x2E40]  }
0x11c: {  	v39 =	vshrl.u32 v6, v4;
	v40 =	vshrl.u32 v5, v4;
	v41 =	vshrl.u32 v12, v4;
	v5 =	vld [tilespmem:s31+$0x2E50]  }
0x11d: {  	v42 =	vshrl.u32 v14, v4;
	v43 =	vshrl.u32 v15, v4;
	v44 =	vshrl.u32 v16, v4;
	v6 =	vld [tilespmem:s31+$0x2E60]  }
0x11e: {  	v18 =	vshrl.u32 v18, v4;
	v19 =	vshrl.u32 v19, v4;
	v20 =	vshrl.u32 v20, v4;
	v45 =	vld [tilespmem:s31+$0x2E70]  }
0x11f: {  	v21 =	vshrl.u32 v21, v4;
	v22 =	vshrl.u32 v22, v4;
	v23 =	vshrl.u32 v23, v4;
	v46 =	vld [tilespmem:s31+$0x480]  }
0x120: {  	v24 =	vshrl.u32 v24, v4;
	v16 =	vshrl.u32 v25, v4;
	v15 =	vshrl.u32 v26, v4;
	v47 =	vld [tilespmem:s31+$0x490]  }
0x121: {  	v14 =	vshrl.u32 v27, v4;
	v13 =	vshrl.u32 v28, v4;
	v12 =	vshrl.u32 v29, v4;
	v25 =	vld [tilespmem:s31+$0x4A0]  }
0x122: {  	v11 =	vshrl.u32 v30, v4;
	v10 =	vshrl.u32 v31, v4;
	v9 =	vshrl.u32 v35, v4;
	v26 =	vld [tilespmem:s31+$0x4B0]  }
0x123: {  	v17 =	vshll.u32 v17, $0x10;
	v8 =	vshrl.u32 v7, v4;
	v7 =	vshrl.u32 v5, v4;
	v27 =	vld [tilespmem:s31+$0x4C0]  }
0x124: {  	v28 =	vshll.u32 v32, $0x10;
	v5 =	vshrl.u32 v6, v4;
	v17 =	vadd.f32 v17, v46;
	v29 =	vld [tilespmem:s31+$0x4D0]  }
0x125: {  	v30 =	vshll.u32 v33, $0x10;
	v6 =	vshrl.u32 v45, v4;
	v28 =	vadd.f32 v28, v47;
	v31 =	vld [tilespmem:s31+$0x4E0]  }
0x126: {  	v17 =	vmax.f32 v17, $0.0e+00;
	v25 =	vadd.f32 v30, v25;
	v30 =	vshll.u32 v34, $0x10;
	v32 =	vld [tilespmem:s31+$0x4F0]  }
0x127: {  	[tilespmem:s31+$0x480] =	vst v17;
	v17 =	vmax.f32 v28, $0.0e+00;
	v26 =	vadd.f32 v30, v26;
	v28 =	vshll.u32 v36, $0x10;
	v30 =	vld [tilespmem:s31+$0x500]  }
0x128: {  	[tilespmem:s31+$0x490] =	vst v17;
	v17 =	vmax.f32 v25, $0.0e+00;
	v25 =	vadd.f32 v28, v27;
	v27 =	vshll.u32 v37, $0x10;
	v28 =	vld [tilespmem:s31+$0x510]  }
0x129: {  	[tilespmem:s31+$0x4A0] =	vst v17;
	v17 =	vmax.f32 v26, $0.0e+00;
	v26 =	vadd.f32 v27, v29;
	v27 =	vshll.u32 v38, $0x10;
	v29 =	vld [tilespmem:s31+$0x520]  }
0x12a: {  	[tilespmem:s31+$0x4B0] =	vst v17;
	v17 =	vmax.f32 v25, $0.0e+00;
	v25 =	vadd.f32 v27, v31;
	v27 =	vshll.u32 v39, $0x10;
	v31 =	vld [tilespmem:s31+$0x530]  }
0x12b: {  	[tilespmem:s31+$0x4C0] =	vst v17;
	v17 =	vmax.f32 v26, $0.0e+00;
	v26 =	vadd.f32 v27, v32;
	v27 =	vshll.u32 v40, $0x10;
	v32 =	vld [tilespmem:s31+$0x540]  }
0x12c: {  	[tilespmem:s31+$0x4D0] =	vst v17;
	v17 =	vmax.f32 v25, $0.0e+00;
	v25 =	vadd.f32 v27, v30;
	v27 =	vshll.u32 v41, $0x10;
	v30 =	vld [tilespmem:s31+$0x550]  }
0x12d: {  	[tilespmem:s31+$0x4E0] =	vst v17;
	v17 =	vmax.f32 v26, $0.0e+00;
	v26 =	vadd.f32 v27, v28;
	v27 =	vshll.u32 v42, $0x10;
	v28 =	vld [tilespmem:s31+$0x560]  }
0x12e: {  	[tilespmem:s31+$0x4F0] =	vst v17;
	v17 =	vmax.f32 v25, $0.0e+00;
	v25 =	vadd.f32 v27, v29;
	v27 =	vshll.u32 v43, $0x10;
	v29 =	vld [tilespmem:s31+$0x570]  }
0x12f: {  	[tilespmem:s31+$0x500] =	vst v17;
	v17 =	vmax.f32 v26, $0.0e+00;
	v26 =	vadd.f32 v27, v31;
	v27 =	vshll.u32 v44, $0x10;
	v31 =	vld [tilespmem:s31+$0x580]  }
0x130: {  	v18 =	vshll.u32 v18, $0x10;
	[tilespmem:s31+$0x510] =	vst v17;
	v17 =	vmax.f32 v25, $0.0e+00;
	v25 =	vadd.f32 v27, v32;
	v27 =	vld [tilespmem:s31+$0x590]  }
0x131: {  	v19 =	vshll.u32 v19, $0x10;
	[tilespmem:s31+$0x520] =	vst v17;
	v17 =	vmax.f32 v26, $0.0e+00;
	v18 =	vadd.f32 v18, v30;
	v26 =	vld [tilespmem:s31+$0x5A0]  }
0x132: {  	v20 =	vshll.u32 v20, $0x10;
	[tilespmem:s31+$0x530] =	vst v17;
	v17 =	vmax.f32 v25, $0.0e+00;
	v19 =	vadd.f32 v19, v28;
	v25 =	vld [tilespmem:s31+$0x5B0]  }
0x133: {  	[tilespmem:s31+$0x540] =	vst v17;
	v17 =	vmax.f32 v18, $0.0e+00;
	v18 =	vadd.f32 v20, v29;
	v20 =	vshll.u32 v21, $0x10;
	v21 =	vld [tilespmem:s31+$0x5C0]  }
0x134: {  	[tilespmem:s31+$0x550] =	vst v17;
	v17 =	vmax.f32 v19, $0.0e+00;
	v19 =	vadd.f32 v20, v31;
	v20 =	vshll.u32 v22, $0x10;
	v22 =	vld [tilespmem:s31+$0x5D0]  }
0x135: {  	[tilespmem:s31+$0x560] =	vst v17;
	v17 =	vmax.f32 v18, $0.0e+00;
	v18 =	vadd.f32 v20, v27;
	v20 =	vshll.u32 v23, $0x10;
	v23 =	vld [tilespmem:s31+$0x5E0]  }
0x136: {  	[tilespmem:s31+$0x570] =	vst v17;
	v17 =	vmax.f32 v19, $0.0e+00;
	v19 =	vadd.f32 v20, v26;
	v20 =	vshll.u32 v24, $0x10;
	v24 =	vld [tilespmem:s31+$0x5F0]  }
.Ltmp1:
0x137: {  	[tilespmem:s31+$0x580] =	vst v17;
	v17 =	vmax.f32 v18, $0.0e+00;
	v18 =	vadd.f32 v20, v25;
	v20 =	vshll.u32 v16, $0x10;
	v16 =	vld [tilespmem:s31+$0x600];
	(pc) =	sbr.rel @p2 .LBB2_5-.Ltmp1, $4  }
0x138: {  	[tilespmem:s31+$0x590] =	vst v17;
	v17 =	vmax.f32 v19, $0.0e+00;
	v19 =	vadd.f32 v20, v21;
	v20 =	vshll.u32 v15, $0x10;
	v15 =	vld [tilespmem:s31+$0x610]  }
0x139: {  	[tilespmem:s31+$0x5A0] =	vst v17;
	v17 =	vmax.f32 v18, $0.0e+00;
	v20 =	vadd.f32 v20, v22;
	v18 =	vshll.u32 v14, $0x10;
	v14 =	vld [tilespmem:s31+$0x620]  }
0x13a: {  	[tilespmem:s31+$0x5B0] =	vst v17;
	v17 =	vmax.f32 v19, $0.0e+00;
	v18 =	vadd.f32 v18, v23;
	v19 =	vshll.u32 v13, $0x10;
	v13 =	vld [tilespmem:s31+$0x630]  }
0x13b: {  	s1 =	sadd.s32 $0x800, s1;
	[tilespmem:s31+$0x5C0] =	vst v17;
	v20 =	vmax.f32 v20, $0.0e+00;
	v17 =	vadd.f32 v19, v24;
	v19 =	vshll.u32 v12, $0x10;
	v12 =	vld [tilespmem:s31+$0x640]  }
0x13c: {  	v4 =	vmax.f32 v18, $0.0e+00  }
0x13d: {  	v57 =	vld [tilespmem:s31+$0x650];
	v11 =	vshll.u32 v11, $0x10;
	[tilespmem:s31+$0x5E0] =	vst v4;
	v4 =	vadd.f32 v19, v16  }
0x13e: {  	[tilespmem:s31+$0x5D0] =	vst v20;
	v59 =	vld [tilespmem:s31+$0x660];
	v10 =	vshll.u32 v10, $0x10;
	v58 =	vmax.f32 v17, $0.0e+00;
	v11 =	vadd.f32 v11, v15  }
0x13f: {  	v9 =	vshll.u32 v9, $0x10;
	v60 =	vld [tilespmem:s31+$0x670];
	[tilespmem:s31+$0x5F0] =	vst v58;
	v10 =	vadd.f32 v10, v14;
	v4 =	vmax.f32 v4, $0.0e+00  }
0x140: {  	v8 =	vshll.u32 v8, $0x10;
	v9 =	vadd.f32 v9, v13;
	[tilespmem:s31+$0x600] =	vst v4;
	v4 =	vmax.f32 v11, $0.0e+00  }
0x141: {  	v7 =	vshll.u32 v7, $0x10;
	v8 =	vadd.f32 v8, v12;
	[tilespmem:s31+$0x610] =	vst v4;
	v4 =	vmax.f32 v10, $0.0e+00  }
0x142: {  	v5 =	vshll.u32 v5, $0x10;
	v7 =	vadd.f32 v7, v57;
	[tilespmem:s31+$0x620] =	vst v4;
	v4 =	vmax.f32 v9, $0.0e+00  }
0x143: {  	v6 =	vshll.u32 v6, $0x10;
	v5 =	vadd.f32 v5, v59;
	[tilespmem:s31+$0x630] =	vst v4;
	v4 =	vmax.f32 v8, $0.0e+00  }
0x144: {  	v6 =	vadd.f32 v6, v60;
	[tilespmem:s31+$0x640] =	vst v4;
	v4 =	vmax.f32 v7, $0.0e+00  }
0x145: {  	[tilespmem:s31+$0x650] =	vst v4;
	v4 =	vmax.f32 v5, $0.0e+00  }
0x146: {  	[tilespmem:s31+$0x660] =	vst v4;
	v4 =	vmax.f32 v6, $0.0e+00  }
0x147: {  	[tilespmem:s31+$0x670] =	vst v4  }
0x148: {  	v4 =	vld [tilespmem:$0x180]  }
0x149: {  	v5 =	vld [tilespmem:$0x190]  }
0x14a: {  	v61 =	vld [tilespmem:$0x1A0]  }
0x14b: {  	v62 =	vld [tilespmem:$0x1B0]  }
0x14c: {  	v63 =	vld [tilespmem:$0x1C0]  }
0x14d: {  	[tilespmem:$0x400] =	vst v4  }
0x14e: {  	[tilespmem:$0x410] =	vst v5  }
0x14f: {  	[tilespmem:$0x420] =	vst v61  }
0x150: {  	[tilespmem:$0x430] =	vst v62  }
.Ltmp2:
0x151: {  	[tilespmem:$0x440] =	vst v63;
	(pc) =	sbr.rel @p1 .LBB2_8-.Ltmp2, $4  }
0x152: {  	[spmem:s3] =	stream.indirect.scatter.add.f32 [tilespmem:s30], [sflag:$0x5], $0x80, s17, s28, $0xb8;
	[tilespmem:$0x1E880] =	vst v63  }
0x153: {  	_ =	swait.ge [sflag:s19], $0x2800  }
0x154: {  	[sflag:s19] =	ssyncset.done $0x0  }
0x155: {  	[sflag:s19] =	ssyncadd.s32 $0xFFFFD800  }
0x156: {  	_ =	swait.ge [sflag:s14], $0x50  }
0x157: {  	[sflag:s14] =	ssyncset.done $0x0  }
0x158: {  	[sflag:s14] =	ssyncadd.s32 $0xFFFFFFB0  }
0x159: {  	_ =	swait.ge [sflag:s14], $0x50  }
0x15a: {  	[sflag:s14] =	ssyncset.done $0x0  }
0x15b: {  	[sflag:s14] =	ssyncadd.s32 $0xFFFFFFB0  }
0x15c: {  	v4 =	vld [tilespmem:$0x0]  }
0x15d: {  	v5 =	vld [tilespmem:$0x80]  }
0x15e: {  	v6 =	vld [tilespmem:$0x10]  }
0x15f: {  	v7 =	vld [tilespmem:$0x90]  }
0x160: {  	v8 =	vld [tilespmem:$0x20]  }
0x161: {  	v9 =	vld [tilespmem:$0xA0]  }
0x162: {  	v11 =	vld [tilespmem:$0x30];
	v10 =	vsub.s32 v5, v4  }
0x163: {  	v12 =	vld [tilespmem:$0xB0];
	v10 =	vmul.u32 v0, v10  }
0x164: {  	v14 =	vld [tilespmem:$0x40];
	v13 =	vsub.s32 v7, v6  }
0x165: {  	v61 =	vld [tilespmem:$0xC0];
	v60 =	vmul.u32 v0, v13;
	vm0 =	vgt.s32 v10, $0x0  }
0x166: {  	v15 =	vsub.s32 v9, v8;
	v4 =	vsel vm0, v4, v1  }
0x167: {  	s1 =	sadd.s32 s29, s18;
	vm12 =	vgt.s32 v60, $0x0;
	[tilespmem:$0x180] =	vst v4;
	v4 =	vadd.s32 v2, v5;
	v5 =	vmul.u32 v0, v15  }
0x168: {  	s23 =	smulhi.u32 $0x10624DD3, s1;
	v62 =	vsub.s32 v12, v11;
	[tilespmem:$0x100] =	vst v4;
	v4 =	vsel vm12, v6, v1  }
0x169: {  	[tilespmem:$0x190] =	vst v4;
	vm13 =	vgt.s32 v5, $0x0;
	v4 =	vadd.s32 v2, v7;
	v5 =	vmul.u32 v0, v62  }
0x16a: {  	s23 =	sshrl.u32 s23, $0x9;
	v63 =	vsub.s32 v61, v14;
	[tilespmem:$0x110] =	vst v4;
	v4 =	vsel vm13, v8, v1  }
0x16b: {  	s26 =	smul.u32 $0xFFFFE0C0, s23;
	[tilespmem:$0x1A0] =	vst v4;
	vm14 =	vgt.s32 v5, $0x0;
	v4 =	vadd.s32 v2, v9;
	v5 =	vmul.u32 v0, v63  }
0x16c: {  	[tilespmem:$0x120] =	vst v4;
	v4 =	vsel vm14, v11, v1  }
0x16d: {  	s1 =	sadd.s32 s1, s26;
	[tilespmem:$0x1B0] =	vst v4;
	vm15 =	vgt.s32 v5, $0x0;
	v4 =	vadd.s32 v2, v12  }
0x16e: {  	s26 =	smul.u32 $0x26E978D5, s1;
	[tilespmem:$0x130] =	vst v4;
	v4 =	vsel vm15, v14, v1  }
0x16f: {  	s31 =	smulhi.u32 $0xEF9DB22D, s1;
	[tilespmem:$0x1C0] =	vst v4;
	v4 =	vadd.s32 v2, v61  }
0x170: {  	s11 =	simm.s32 $0x100;
	s15 =	sshra.s32 s1, $0x1F;
	s26 =	sadd.s32 $0x10624C0, s26;
	[tilespmem:$0x140] =	vst v4  }
0x171: {  	[tilespmem:s30], [sflag:$0x3] =	stream.indirect.gather [hbm4b:s7+s28], $0x80, s11, s28, $0xb8;
	[tilespmem:$0x1E880] =	vst v63  }
0x172: {  	s11 =	smul.u32 $0xEF9DB22D, s15;
	s15 =	sshll.u32 s26, $0x1B;
	s26 =	sshrl.u32 s26, $0x5  }
0x173: {  	s15 =	sor.u32 s15, s26  }
0x174: {  	p1 =	slt.s32 s1, $0x1;
	s31 =	ssub.s32 s31, s1;
	p2 =	sgt.u32 s15, $0x10624C  }
0x175: {  	s26 =	simm.s32 $0x1;
	s11 =	sadd.s32 s11, s31;
	p1 =	por !p1, !p2  }
0x176: {  	s31 =	sshrl.u32 s11, $0x1F;
	s11 =	sshra.s32 s11, $0x8;
	p1 =	por !p1, !p1  }
0x177: {  	s11 =	sadd.s32 s31, s11;
	s26 =	simm.s32 @!p1 $0x0  }
0x178: {  	s11 =	sadd.s32 s26, s11  }
0x179: {  	s11 =	sadd.s32 s23, s11  }
0x17a: {  	s11 =	smul.u32 $0xFA0, s11  }
0x17b: {  	s1 =	sadd.s32 s10, s1  }
0x17c: {  	s1 =	sadd.s32 s11, s1  }
0x17d: {  	s1 =	sshll.u32 s1, $0x4  }
0x17e: {  	s15 =	simm.s32 $0x2C80;
	s23 =	rddreg [dreg:$0xd];
	s1 =	sadd.s32 s8, s1  }
0x17f: {  	[tilespmem:s15], [sflag:$0x3] =	stream.linear.gather [hbm4b:s1+s5], $0x2800, $0x38;
	[tilespmem:$0x1E880] =	vst v63  }
0x180: {  	s1 =	sadd.s32 s29, s23  }
0x181: {  	s1 =	sshrl.u32 s1, $0x3  }
0x182: {  	s29 =	simm.s32 $0x200;
	s26 =	sadd.s32 s6, s1  }
0x183: {  	[tilespmem:s29], [sflag:$0x2] =	stream.linear.gather [hbm4b:s26+s5], $0x50, $0x38;
	[tilespmem:$0x1E880] =	vst v63  }
0x184: {  	s31 =	simm.s32 $0x280;
	s1 =	sadd.s32 s2, s1  }
0x185: {  	[tilespmem:s31], [sflag:$0x2] =	stream.linear.gather [hbm4b:s1+s5], $0x50, $0x38;
	[tilespmem:$0x1E880] =	vst v63  }
.LBB2_8:
0x186: {  	_ =	swait.ge [sflag:s20], $0x2800  }
0x187: {  	[sflag:s20] =	ssyncset.done $0x0  }
0x188: {  	[sflag:s20] =	ssyncadd.s32 $0xFFFFD800  }
0x189: {  	_ =	swait.ge [sflag:s20], $0x2800  }
0x18a: {  	[sflag:s20] =	ssyncset.done $0x0  }
0x18b: {  	s29 =	simm.s32 $0x0;
	[sflag:s20] =	ssyncadd.s32 $0xFFFFD800  }
0x18c: {  	v15 =	vld [tilespmem:s29+$0x7C80]  }
0x18d: {  	v16 =	vld [tilespmem:s29+$0x7C90]  }
0x18e: {  	v17 =	vld [tilespmem:s29+$0x7CA0]  }
0x18f: {  	v18 =	vld [tilespmem:s29+$0x7CB0]  }
0x190: {  	v19 =	vld [tilespmem:s29+$0x7CC0]  }
0x191: {  	v20 =	vld [tilespmem:s29+$0x7CD0]  }
0x192: {  	v21 =	vld [tilespmem:s29+$0x7CE0]  }
0x193: {  	v22 =	vld [tilespmem:s29+$0x7CF0]  }
0x194: {  	v23 =	vld [tilespmem:s29+$0x7D00]  }
0x195: {  	v24 =	vld [tilespmem:s29+$0x7D10]  }
0x196: {  	v25 =	vld [tilespmem:s29+$0x7D20]  }
0x197: {  	v26 =	vld [tilespmem:s29+$0x7D30]  }
0x198: {  	v27 =	vld [tilespmem:s29+$0x7D40]  }
0x199: {  	v28 =	vld [tilespmem:s29+$0x7D50]  }
0x19a: {  	v29 =	vld [tilespmem:s29+$0x7D60]  }
0x19b: {  	v30 =	vld [tilespmem:s29+$0x7D70]  }
0x19c: {  	v31 =	vld [tilespmem:s29+$0x7D80]  }
0x19d: {  	v32 =	vld [tilespmem:s29+$0x7D90]  }
0x19e: {  	v33 =	vld [tilespmem:s29+$0x7DA0]  }
0x19f: {  	v37 =	vld [tilespmem:s29+$0x5480]  }
0x1a0: {  	s1 =	sshll.u32 s21, $0x4;
	v38 =	vld [tilespmem:s29+$0x5490]  }
0x1a1: {  	v4 =	vmov s1;
	v34 =	vld [tilespmem:s29+$0x7DB0]  }
0x1a2: {  	v35 =	vld [tilespmem:s29+$0x7DC0];
	v15 =	vshrl.u32 v15, v4  }
0x1a3: {  	v39 =	vld [tilespmem:s29+$0x54A0];
	v16 =	vshrl.u32 v16, v4;
	v15 =	vshll.u32 v15, $0x10  }
0x1a4: {  	v40 =	vld [tilespmem:s29+$0x54B0];
	v16 =	vshll.u32 v16, $0x10;
	v15 =	vadd.f32 v15, v37  }
0x1a5: {  	v41 =	vld [tilespmem:s29+$0x54C0];
	v16 =	vadd.f32 v16, v38  }
0x1a6: {  	v36 =	vld [tilespmem:s29+$0x7DD0];
	v17 =	vshrl.u32 v17, v4;
	v15 =	vmax.f32 v15, $0.0e+00  }
0x1a7: {  	v14 =	vld [tilespmem:s29+$0x7DE0];
	v16 =	vmax.f32 v16, $0.0e+00;
	[tilespmem:s29+$0x5480] =	vst v15;
	v15 =	vshll.u32 v17, $0x10;
	v17 =	vshrl.u32 v18, v4  }
0x1a8: {  	v57 =	vld [tilespmem:s29+$0x54D0];
	[tilespmem:s29+$0x5490] =	vst v16;
	v16 =	vshrl.u32 v19, v4;
	v15 =	vadd.f32 v15, v39;
	v17 =	vshll.u32 v17, $0x10  }
0x1a9: {  	v42 =	vld [tilespmem:s29+$0x54E0];
	v16 =	vshll.u32 v16, $0x10;
	v17 =	vadd.f32 v17, v40  }
0x1aa: {  	v58 =	vld [tilespmem:s29+$0x54F0];
	v16 =	vadd.f32 v16, v41;
	v15 =	vmax.f32 v15, $0.0e+00  }
0x1ab: {  	v11 =	vld [tilespmem:s29+$0x7DF0];
	[tilespmem:s29+$0x54A0] =	vst v15;
	v15 =	vshrl.u32 v20, v4;
	v17 =	vmax.f32 v17, $0.0e+00  }
0x1ac: {  	v13 =	vld [tilespmem:s29+$0x7E00];
	v16 =	vmax.f32 v16, $0.0e+00;
	v15 =	vshll.u32 v15, $0x10;
	[tilespmem:s29+$0x54B0] =	vst v17;
	v17 =	vshrl.u32 v21, v4  }
0x1ad: {  	v18 =	vld [tilespmem:s29+$0x5500];
	[tilespmem:s29+$0x54C0] =	vst v16;
	v16 =	vshrl.u32 v22, v4;
	v15 =	vadd.f32 v15, v57;
	v17 =	vshll.u32 v17, $0x10  }
0x1ae: {  	v19 =	vld [tilespmem:s29+$0x5510];
	v16 =	vshll.u32 v16, $0x10;
	v17 =	vadd.f32 v17, v42  }
0x1af: {  	v20 =	vld [tilespmem:s29+$0x5520];
	v16 =	vadd.f32 v16, v58;
	v15 =	vmax.f32 v15, $0.0e+00  }
0x1b0: {  	v10 =	vld [tilespmem:s29+$0x7E10];
	[tilespmem:s29+$0x54D0] =	vst v15;
	v15 =	vshrl.u32 v23, v4;
	v17 =	vmax.f32 v17, $0.0e+00  }
0x1b1: {  	v8 =	vld [tilespmem:s29+$0x7E20];
	v16 =	vmax.f32 v16, $0.0e+00;
	v15 =	vshll.u32 v15, $0x10;
	[tilespmem:s29+$0x54E0] =	vst v17;
	v17 =	vshrl.u32 v24, v4  }
0x1b2: {  	v21 =	vld [tilespmem:s29+$0x5530];
	[tilespmem:s29+$0x54F0] =	vst v16;
	v16 =	vshrl.u32 v25, v4;
	v15 =	vadd.f32 v15, v18;
	v17 =	vshll.u32 v17, $0x10  }
0x1b3: {  	v22 =	vld [tilespmem:s29+$0x5540];
	v16 =	vshll.u32 v16, $0x10;
	v17 =	vadd.f32 v17, v19  }
0x1b4: {  	v59 =	vshrl.u32 v33, v4;
	v23 =	vld [tilespmem:s29+$0x5550];
	v16 =	vadd.f32 v16, v20;
	v15 =	vmax.f32 v15, $0.0e+00  }
0x1b5: {  	v9 =	vld [tilespmem:s29+$0x7E30];
	v60 =	vshrl.u32 v35, v4;
	[tilespmem:s29+$0x5500] =	vst v15;
	v15 =	vshrl.u32 v26, v4;
	v17 =	vmax.f32 v17, $0.0e+00  }
0x1b6: {  	v6 =	vld [tilespmem:s29+$0x7E70];
	v16 =	vmax.f32 v16, $0.0e+00;
	v15 =	vshll.u32 v15, $0x10;
	[tilespmem:s29+$0x5510] =	vst v17;
	v17 =	vshrl.u32 v27, v4  }
0x1b7: {  	v18 =	vld [tilespmem:s29+$0x5560];
	[tilespmem:s29+$0x5520] =	vst v16;
	v16 =	vshrl.u32 v28, v4;
	v15 =	vadd.f32 v15, v21;
	v17 =	vshll.u32 v17, $0x10  }
0x1b8: {  	v61 =	vshrl.u32 v36, v4;
	v19 =	vld [tilespmem:s29+$0x5570];
	v16 =	vshll.u32 v16, $0x10;
	v17 =	vadd.f32 v17, v22  }
0x1b9: {  	v62 =	vshrl.u32 v14, v4;
	v20 =	vld [tilespmem:s29+$0x5580];
	v16 =	vadd.f32 v16, v23;
	v15 =	vmax.f32 v15, $0.0e+00  }
0x1ba: {  	v63 =	vshrl.u32 v13, v4;
	v9 =	vshrl.u32 v9, v4;
	v22 =	vld [tilespmem:s29+$0x55A0];
	[tilespmem:s29+$0x5530] =	vst v15;
	v17 =	vmax.f32 v17, $0.0e+00  }
0x1bb: {  	v7 =	vld [tilespmem:s29+$0x7E40];
	v6 =	vshrl.u32 v6, v4;
	v15 =	vshrl.u32 v29, v4;
	v16 =	vmax.f32 v16, $0.0e+00;
	[tilespmem:s29+$0x5540] =	vst v17  }
0x1bc: {  	v5 =	vld [tilespmem:s29+$0x7E50];
	v15 =	vshll.u32 v15, $0x10;
	v17 =	vshrl.u32 v30, v4;
	[tilespmem:s29+$0x5550] =	vst v16;
	v16 =	vshrl.u32 v31, v4  }
0x1bd: {  	v21 =	vld [tilespmem:s29+$0x5590];
	v15 =	vadd.f32 v15, v18;
	v17 =	vshll.u32 v17, $0x10;
	v16 =	vshll.u32 v16, $0x10  }
0x1be: {  	v12 =	vld [tilespmem:s29+$0x7E60];
	v24 =	vshll.u32 v59, $0x10;
	v17 =	vadd.f32 v17, v19;
	v16 =	vadd.f32 v16, v20  }
0x1bf: {  	v23 =	vld [tilespmem:s29+$0x55B0];
	v14 =	vadd.f32 v24, v22;
	v22 =	vshrl.u32 v11, v4;
	v15 =	vmax.f32 v15, $0.0e+00  }
0x1c0: {  	v18 =	vld [tilespmem:s29+$0x55C0];
	v11 =	vshrl.u32 v10, v4;
	v10 =	vshrl.u32 v8, v4;
	[tilespmem:s29+$0x5560] =	vst v15;
	v15 =	vshrl.u32 v32, v4  }
0x1c1: {  	v19 =	vld [tilespmem:s29+$0x55D0];
	v8 =	vshrl.u32 v7, v4;
	v17 =	vmax.f32 v17, $0.0e+00;
	v15 =	vshll.u32 v15, $0x10  }
0x1c2: {  	v20 =	vld [tilespmem:s29+$0x55E0];
	v7 =	vshrl.u32 v5, v4;
	[tilespmem:s29+$0x5570] =	vst v17;
	v17 =	vshrl.u32 v34, v4;
	v15 =	vadd.f32 v15, v21  }
0x1c3: {  	v5 =	vshrl.u32 v12, v4;
	v16 =	vmax.f32 v16, $0.0e+00;
	v21 =	vld [tilespmem:s29+$0x55F0];
	v13 =	vshll.u32 v17, $0x10  }
0x1c4: {  	[tilespmem:s29+$0x5580] =	vst v16;
	v16 =	vld [tilespmem:s29+$0x5600];
	v17 =	vshll.u32 v60, $0x10;
	v13 =	vadd.f32 v13, v23;
	v15 =	vmax.f32 v15, $0.0e+00  }
0x1c5: {  	v12 =	vshll.u32 v61, $0x10;
	v14 =	vmax.f32 v14, $0.0e+00;
	v17 =	vadd.f32 v17, v18;
	[tilespmem:s29+$0x5590] =	vst v15;
	v15 =	vld [tilespmem:s29+$0x5610]  }
0x1c6: {  	[tilespmem:s29+$0x55A0] =	vst v14;
	v14 =	vld [tilespmem:s29+$0x5620];
	v12 =	vadd.f32 v12, v19;
	v18 =	vshll.u32 v62, $0x10;
	v13 =	vmax.f32 v13, $0.0e+00  }
0x1c7: {  	v19 =	vshll.u32 v22, $0x10;
	v18 =	vadd.f32 v18, v20;
	v17 =	vmax.f32 v17, $0.0e+00;
	[tilespmem:s29+$0x55B0] =	vst v13;
	v13 =	vld [tilespmem:s29+$0x5630]  }
0x1c8: {  	s1 =	simm.s32 $0x800;
	v20 =	vmax.f32 v12, $0.0e+00;
	v12 =	vld [tilespmem:s29+$0x5640];
	[tilespmem:s29+$0x55C0] =	vst v17;
	v17 =	vadd.f32 v19, v21;
	v19 =	vshll.u32 v63, $0x10  }
.LBB2_9:
0x1c9: {  	p1 =	sne.s32 s1, $0x9800;
	[tilespmem:s29+$0x55D0] =	vst v20;
	v18 =	vmax.f32 v18, $0.0e+00;
	v16 =	vadd.f32 v19, v16;
	v11 =	vshll.u32 v11, $0x10;
	v19 =	vld [tilespmem:s29+$0x5650]  }
0x1ca: {  	v10 =	vshll.u32 v10, $0x10;
	[tilespmem:s29+$0x55E0] =	vst v18;
	v17 =	vmax.f32 v17, $0.0e+00;
	v11 =	vadd.f32 v11, v15;
	v15 =	vld [tilespmem:s29+$0x5660]  }
0x1cb: {  	s11 =	sshra.s32 s1, $0x2;
	v9 =	vshll.u32 v9, $0x10;
	[tilespmem:s29+$0x55F0] =	vst v17;
	v16 =	vmax.f32 v16, $0.0e+00;
	v10 =	vadd.f32 v10, v14;
	v14 =	vld [tilespmem:s29+$0x5670]  }
0x1cc: {  	v8 =	vshll.u32 v8, $0x10;
	v17 =	vld [tilespmem:s11+$0x7C80];
	[tilespmem:s29+$0x5600] =	vst v16;
	v11 =	vmax.f32 v11, $0.0e+00;
	v9 =	vadd.f32 v9, v13  }
0x1cd: {  	v7 =	vshll.u32 v7, $0x10;
	v13 =	vld [tilespmem:s11+$0x7C90];
	[tilespmem:s29+$0x5610] =	vst v11;
	v10 =	vmax.f32 v10, $0.0e+00;
	v8 =	vadd.f32 v8, v12  }
0x1ce: {  	v5 =	vshll.u32 v5, $0x10;
	v11 =	vld [tilespmem:s11+$0x7CA0];
	[tilespmem:s29+$0x5620] =	vst v10;
	v9 =	vmax.f32 v9, $0.0e+00;
	v7 =	vadd.f32 v7, v19  }
0x1cf: {  	v6 =	vshll.u32 v6, $0x10;
	v10 =	vld [tilespmem:s11+$0x7CB0];
	[tilespmem:s29+$0x5630] =	vst v9;
	v8 =	vmax.f32 v8, $0.0e+00;
	v5 =	vadd.f32 v5, v15  }
0x1d0: {  	v9 =	vld [tilespmem:s11+$0x7CC0];
	[tilespmem:s29+$0x5640] =	vst v8;
	v7 =	vmax.f32 v7, $0.0e+00;
	v6 =	vadd.f32 v6, v14  }
0x1d1: {  	v8 =	vld [tilespmem:s11+$0x7CD0];
	[tilespmem:s29+$0x5650] =	vst v7;
	v5 =	vmax.f32 v5, $0.0e+00  }
0x1d2: {  	v7 =	vld [tilespmem:s11+$0x7CE0];
	[tilespmem:s29+$0x5660] =	vst v5;
	v5 =	vmax.f32 v6, $0.0e+00  }
0x1d3: {  	v6 =	vld [tilespmem:s11+$0x7CF0];
	[tilespmem:s29+$0x5670] =	vst v5;
	s29 =	smov.u32 s11  }
0x1d4: {  	v5 =	vld [tilespmem:s29+$0x7D00]  }
0x1d5: {  	v12 =	vld [tilespmem:s29+$0x7D10]  }
0x1d6: {  	v14 =	vld [tilespmem:s29+$0x7D20]  }
0x1d7: {  	v15 =	vld [tilespmem:s29+$0x7D30]  }
0x1d8: {  	v16 =	vld [tilespmem:s29+$0x7D40]  }
0x1d9: {  	v18 =	vld [tilespmem:s29+$0x7D50]  }
0x1da: {  	v19 =	vld [tilespmem:s29+$0x7D60]  }
0x1db: {  	v20 =	vld [tilespmem:s29+$0x7D70]  }
0x1dc: {  	v21 =	vld [tilespmem:s29+$0x7D80]  }
0x1dd: {  	v22 =	vld [tilespmem:s29+$0x7D90]  }
0x1de: {  	v23 =	vld [tilespmem:s29+$0x7DA0]  }
0x1df: {  	v24 =	vld [tilespmem:s29+$0x7DB0]  }
0x1e0: {  	v25 =	vld [tilespmem:s29+$0x7DC0]  }
0x1e1: {  	v26 =	vld [tilespmem:s29+$0x7DD0]  }
0x1e2: {  	v27 =	vld [tilespmem:s29+$0x7DE0]  }
0x1e3: {  	v28 =	vld [tilespmem:s29+$0x7DF0]  }
0x1e4: {  	v29 =	vld [tilespmem:s29+$0x7E00]  }
0x1e5: {  	v30 =	vld [tilespmem:s29+$0x7E10]  }
0x1e6: {  	v17 =	vshrl.u32 v17, v4;
	v31 =	vld [tilespmem:s29+$0x7E20]  }
0x1e7: {  	v32 =	vshrl.u32 v13, v4;
	v33 =	vshrl.u32 v11, v4;
	v34 =	vshrl.u32 v10, v4;
	v35 =	vld [tilespmem:s29+$0x7E30]  }
0x1e8: {  	v36 =	vshrl.u32 v9, v4;
	v37 =	vshrl.u32 v8, v4;
	v38 =	vshrl.u32 v7, v4;
	v7 =	vld [tilespmem:s29+$0x7E40]  }
0x1e9: {  	v39 =	vshrl.u32 v6, v4;
	v40 =	vshrl.u32 v5, v4;
	v41 =	vshrl.u32 v12, v4;
	v5 =	vld [tilespmem:s29+$0x7E50]  }
0x1ea: {  	v42 =	vshrl.u32 v14, v4;
	v43 =	vshrl.u32 v15, v4;
	v44 =	vshrl.u32 v16, v4;
	v6 =	vld [tilespmem:s29+$0x7E60]  }
0x1eb: {  	v18 =	vshrl.u32 v18, v4;
	v19 =	vshrl.u32 v19, v4;
	v20 =	vshrl.u32 v20, v4;
	v45 =	vld [tilespmem:s29+$0x7E70]  }
0x1ec: {  	v21 =	vshrl.u32 v21, v4;
	v22 =	vshrl.u32 v22, v4;
	v23 =	vshrl.u32 v23, v4;
	v46 =	vld [tilespmem:s29+$0x5480]  }
0x1ed: {  	v24 =	vshrl.u32 v24, v4;
	v16 =	vshrl.u32 v25, v4;
	v15 =	vshrl.u32 v26, v4;
	v47 =	vld [tilespmem:s29+$0x5490]  }
0x1ee: {  	v14 =	vshrl.u32 v27, v4;
	v13 =	vshrl.u32 v28, v4;
	v12 =	vshrl.u32 v29, v4;
	v25 =	vld [tilespmem:s29+$0x54A0]  }
0x1ef: {  	v11 =	vshrl.u32 v30, v4;
	v10 =	vshrl.u32 v31, v4;
	v9 =	vshrl.u32 v35, v4;
	v26 =	vld [tilespmem:s29+$0x54B0]  }
0x1f0: {  	v17 =	vshll.u32 v17, $0x10;
	v8 =	vshrl.u32 v7, v4;
	v7 =	vshrl.u32 v5, v4;
	v27 =	vld [tilespmem:s29+$0x54C0]  }
0x1f1: {  	v28 =	vshll.u32 v32, $0x10;
	v5 =	vshrl.u32 v6, v4;
	v17 =	vadd.f32 v17, v46;
	v29 =	vld [tilespmem:s29+$0x54D0]  }
0x1f2: {  	v30 =	vshll.u32 v33, $0x10;
	v6 =	vshrl.u32 v45, v4;
	v28 =	vadd.f32 v28, v47;
	v31 =	vld [tilespmem:s29+$0x54E0]  }
0x1f3: {  	v17 =	vmax.f32 v17, $0.0e+00;
	v25 =	vadd.f32 v30, v25;
	v30 =	vshll.u32 v34, $0x10;
	v32 =	vld [tilespmem:s29+$0x54F0]  }
0x1f4: {  	[tilespmem:s29+$0x5480] =	vst v17;
	v17 =	vmax.f32 v28, $0.0e+00;
	v26 =	vadd.f32 v30, v26;
	v28 =	vshll.u32 v36, $0x10;
	v30 =	vld [tilespmem:s29+$0x5500]  }
0x1f5: {  	[tilespmem:s29+$0x5490] =	vst v17;
	v17 =	vmax.f32 v25, $0.0e+00;
	v25 =	vadd.f32 v28, v27;
	v27 =	vshll.u32 v37, $0x10;
	v28 =	vld [tilespmem:s29+$0x5510]  }
0x1f6: {  	[tilespmem:s29+$0x54A0] =	vst v17;
	v17 =	vmax.f32 v26, $0.0e+00;
	v26 =	vadd.f32 v27, v29;
	v27 =	vshll.u32 v38, $0x10;
	v29 =	vld [tilespmem:s29+$0x5520]  }
0x1f7: {  	[tilespmem:s29+$0x54B0] =	vst v17;
	v17 =	vmax.f32 v25, $0.0e+00;
	v25 =	vadd.f32 v27, v31;
	v27 =	vshll.u32 v39, $0x10;
	v31 =	vld [tilespmem:s29+$0x5530]  }
0x1f8: {  	[tilespmem:s29+$0x54C0] =	vst v17;
	v17 =	vmax.f32 v26, $0.0e+00;
	v26 =	vadd.f32 v27, v32;
	v27 =	vshll.u32 v40, $0x10;
	v32 =	vld [tilespmem:s29+$0x5540]  }
0x1f9: {  	[tilespmem:s29+$0x54D0] =	vst v17;
	v17 =	vmax.f32 v25, $0.0e+00;
	v25 =	vadd.f32 v27, v30;
	v27 =	vshll.u32 v41, $0x10;
	v30 =	vld [tilespmem:s29+$0x5550]  }
0x1fa: {  	[tilespmem:s29+$0x54E0] =	vst v17;
	v17 =	vmax.f32 v26, $0.0e+00;
	v26 =	vadd.f32 v27, v28;
	v27 =	vshll.u32 v42, $0x10;
	v28 =	vld [tilespmem:s29+$0x5560]  }
0x1fb: {  	[tilespmem:s29+$0x54F0] =	vst v17;
	v17 =	vmax.f32 v25, $0.0e+00;
	v25 =	vadd.f32 v27, v29;
	v27 =	vshll.u32 v43, $0x10;
	v29 =	vld [tilespmem:s29+$0x5570]  }
0x1fc: {  	[tilespmem:s29+$0x5500] =	vst v17;
	v17 =	vmax.f32 v26, $0.0e+00;
	v26 =	vadd.f32 v27, v31;
	v27 =	vshll.u32 v44, $0x10;
	v31 =	vld [tilespmem:s29+$0x5580]  }
0x1fd: {  	v18 =	vshll.u32 v18, $0x10;
	[tilespmem:s29+$0x5510] =	vst v17;
	v17 =	vmax.f32 v25, $0.0e+00;
	v25 =	vadd.f32 v27, v32;
	v27 =	vld [tilespmem:s29+$0x5590]  }
0x1fe: {  	v19 =	vshll.u32 v19, $0x10;
	[tilespmem:s29+$0x5520] =	vst v17;
	v17 =	vmax.f32 v26, $0.0e+00;
	v18 =	vadd.f32 v18, v30;
	v26 =	vld [tilespmem:s29+$0x55A0]  }
0x1ff: {  	v20 =	vshll.u32 v20, $0x10;
	[tilespmem:s29+$0x5530] =	vst v17;
	v17 =	vmax.f32 v25, $0.0e+00;
	v19 =	vadd.f32 v19, v28;
	v25 =	vld [tilespmem:s29+$0x55B0]  }
0x200: {  	[tilespmem:s29+$0x5540] =	vst v17;
	v17 =	vmax.f32 v18, $0.0e+00;
	v18 =	vadd.f32 v20, v29;
	v20 =	vshll.u32 v21, $0x10;
	v21 =	vld [tilespmem:s29+$0x55C0]  }
0x201: {  	[tilespmem:s29+$0x5550] =	vst v17;
	v17 =	vmax.f32 v19, $0.0e+00;
	v19 =	vadd.f32 v20, v31;
	v20 =	vshll.u32 v22, $0x10;
	v22 =	vld [tilespmem:s29+$0x55D0]  }
0x202: {  	[tilespmem:s29+$0x5560] =	vst v17;
	v17 =	vmax.f32 v18, $0.0e+00;
	v18 =	vadd.f32 v20, v27;
	v20 =	vshll.u32 v23, $0x10;
	v23 =	vld [tilespmem:s29+$0x55E0]  }
0x203: {  	[tilespmem:s29+$0x5570] =	vst v17;
	v17 =	vmax.f32 v19, $0.0e+00;
	v19 =	vadd.f32 v20, v26;
	v20 =	vshll.u32 v24, $0x10;
	v24 =	vld [tilespmem:s29+$0x55F0]  }
.Ltmp3:
0x204: {  	[tilespmem:s29+$0x5580] =	vst v17;
	v17 =	vmax.f32 v18, $0.0e+00;
	v18 =	vadd.f32 v20, v25;
	v20 =	vshll.u32 v16, $0x10;
	v16 =	vld [tilespmem:s29+$0x5600];
	(pc) =	sbr.rel @p1 .LBB2_9-.Ltmp3, $4  }
0x205: {  	[tilespmem:s29+$0x5590] =	vst v17;
	v17 =	vmax.f32 v19, $0.0e+00;
	v19 =	vadd.f32 v20, v21;
	v20 =	vshll.u32 v15, $0x10;
	v15 =	vld [tilespmem:s29+$0x5610]  }
0x206: {  	[tilespmem:s29+$0x55A0] =	vst v17;
	v17 =	vmax.f32 v18, $0.0e+00;
	v20 =	vadd.f32 v20, v22;
	v18 =	vshll.u32 v14, $0x10;
	v14 =	vld [tilespmem:s29+$0x5620]  }
0x207: {  	[tilespmem:s29+$0x55B0] =	vst v17;
	v17 =	vmax.f32 v19, $0.0e+00;
	v18 =	vadd.f32 v18, v23;
	v19 =	vshll.u32 v13, $0x10;
	v13 =	vld [tilespmem:s29+$0x5630]  }
0x208: {  	s1 =	sadd.s32 $0x800, s1;
	[tilespmem:s29+$0x55C0] =	vst v17;
	v20 =	vmax.f32 v20, $0.0e+00;
	v17 =	vadd.f32 v19, v24;
	v19 =	vshll.u32 v12, $0x10;
	v12 =	vld [tilespmem:s29+$0x5640]  }
0x209: {  	v4 =	vmax.f32 v18, $0.0e+00  }
0x20a: {  	v57 =	vld [tilespmem:s29+$0x5650];
	v11 =	vshll.u32 v11, $0x10;
	[tilespmem:s29+$0x55E0] =	vst v4;
	v4 =	vadd.f32 v19, v16  }
0x20b: {  	[tilespmem:s29+$0x55D0] =	vst v20;
	v59 =	vld [tilespmem:s29+$0x5660];
	v10 =	vshll.u32 v10, $0x10;
	v58 =	vmax.f32 v17, $0.0e+00;
	v11 =	vadd.f32 v11, v15  }
0x20c: {  	v9 =	vshll.u32 v9, $0x10;
	v60 =	vld [tilespmem:s29+$0x5670];
	[tilespmem:s29+$0x55F0] =	vst v58;
	v10 =	vadd.f32 v10, v14;
	v4 =	vmax.f32 v4, $0.0e+00  }
0x20d: {  	v8 =	vshll.u32 v8, $0x10;
	v9 =	vadd.f32 v9, v13;
	[tilespmem:s29+$0x5600] =	vst v4;
	v4 =	vmax.f32 v11, $0.0e+00  }
0x20e: {  	v7 =	vshll.u32 v7, $0x10;
	v8 =	vadd.f32 v8, v12;
	[tilespmem:s29+$0x5610] =	vst v4;
	v4 =	vmax.f32 v10, $0.0e+00  }
0x20f: {  	v5 =	vshll.u32 v5, $0x10;
	v7 =	vadd.f32 v7, v57;
	[tilespmem:s29+$0x5620] =	vst v4;
	v4 =	vmax.f32 v9, $0.0e+00  }
0x210: {  	v6 =	vshll.u32 v6, $0x10;
	v5 =	vadd.f32 v5, v59;
	[tilespmem:s29+$0x5630] =	vst v4;
	v4 =	vmax.f32 v8, $0.0e+00  }
0x211: {  	v6 =	vadd.f32 v6, v60;
	[tilespmem:s29+$0x5640] =	vst v4;
	v4 =	vmax.f32 v7, $0.0e+00  }
0x212: {  	[tilespmem:s29+$0x5650] =	vst v4;
	v4 =	vmax.f32 v5, $0.0e+00  }
0x213: {  	[tilespmem:s29+$0x5660] =	vst v4;
	v4 =	vmax.f32 v6, $0.0e+00  }
0x214: {  	[tilespmem:s29+$0x5670] =	vst v4  }
0x215: {  	v4 =	vld [tilespmem:$0x380]  }
0x216: {  	v5 =	vld [tilespmem:$0x390]  }
0x217: {  	v61 =	vld [tilespmem:$0x3A0]  }
0x218: {  	v62 =	vld [tilespmem:$0x3B0]  }
0x219: {  	s22 =	sadd.s32 $0x1, s22;
	v63 =	vld [tilespmem:$0x3C0]  }
0x21a: {  	p1 =	sne.s32 s22, $0x7D;
	[tilespmem:$0x400] =	vst v4  }
.Ltmp4:
0x21b: {  	[tilespmem:$0x410] =	vst v5;
	(pc) =	sbr.rel @p1 .LBB2_4-.Ltmp4, $4  }
0x21c: {  	[tilespmem:$0x420] =	vst v61  }
0x21d: {  	[tilespmem:$0x430] =	vst v62  }
0x21e: {  	[tilespmem:$0x440] =	vst v63  }
0x21f: {  	[spmem:s3] =	stream.indirect.scatter.add.f32 [tilespmem:s12], [sflag:$0x5], $0x80, s17, s28, $0xb8;
	[tilespmem:$0x1E880] =	vst v63  }
0x220: {  	_ =	swait.ge [sflag:s19], $0x2800  }
0x221: {  	[sflag:s19] =	ssyncset.done $0x0  }
0x222: {  	[sflag:s19] =	ssyncadd.s32 $0xFFFFD800  }
0x223: {  	[bflag:$0x0] =	sbarrier.arrive $0xFFFF  }
0x224: {  	s11 =	rddreg [dreg:$0xa]  }
0x225: {  	s1 =	simm.s32 @p0 $0x1FC6;
	s15 =	rddreg [dreg:$0xc]  }
0x226: {  	[hbm:s11], [sflag:s1] =	dma.local @p0 [spmem:s15], $0x1900  }
0x227: {  	s1 =	simm.s32 @p0 $0x6  }
0x228: {  	s11 =	stileid.u32;
	_ =	swait.ge @p0 [sflag:s1], $0x1900  }
0x229: {  	s11 =	sshll.u32 @!p0 s11, $0x6;
	[sflag:s1] =	ssyncset.done @p0 $0x0;
	s15 =	rddreg [dreg:$0x9]  }
0x22a: {  	[sflag:s1] =	ssyncadd.s32 @p0 $0xFFFFE700;
	s1 =	sor.u32 @!p0 $0x1C06, s11;
	s11 =	sshrl.u32 @!p0 s9, $0x3  }
0x22b: {  	[hbm:s15], [sflag:s1] =	dma.local @!p0 [spmem:s11], $0x2800  }
0x22c: {  	s1 =	simm.s32 @!p0 $0x6  }
0x22d: {  	_ =	swait.ge @!p0 [sflag:s1], $0x2800  }
0x22e: {  	s29 =	rddreg [dreg:$0xe]  }
0x22f: {  	s31 =	rddreg [dreg:$0xb];
	s15 =	sadd.s32 $0x1, s29  }
0x230: {  	p1 =	sne.s32 s15, s31  }
.Ltmp5:
0x231: {  	_ = 	snop;
	(pc) =	sbr.rel @p1 .LBB2_1-.Ltmp5, $3  }
0x232: {  	_ =	sdelay $0x1  }
0x233: {  	[sflag:s1] =	ssyncset.done @!p0 $0x0  }
0x234: {  	[sflag:s1] =	ssyncadd.s32 @!p0 $0xFFFFD800  }
0x235: {  	_ =	sfence.sel $0x180000  }
0x236: {  	[bflag:$0x0] =	sbarrier.arrive $0xFFFF  }
0x237: {  	_ =	strace $0x90000047  }
0x238: {  	s0 =	stileid.u32;
	[bflag:$0x2] =	sbarrier.arrive $0xFFFF  }
0x239: {  	p0 =	sne.s32 s0, $0x0;
	s0 =	rddreg [dreg:$0x3]  }
0x23a: {  	s0 =	sadd.s32 @!p0 $0x100000, s0  }
0x23b: {  	[sflag:s0] =	ssyncadd.tile.s32 @!p0 $0x1;
	_ =	shalt  }
.Lfunc_end2:
_tile_overlayer_lowered:
.L_overlay_start_2:
0x23c: {  	(tag) =	ssettag $0x2  }
0x23d: {  	s0 =	rddreg [dreg:$0x0];
	s2 =	stileid.u32  }
0x23e: {  	s1 =	rddreg [dreg:$0x1];
	p0 =	sne.s32 s2, $0x0  }
0x23f: {  	s3 =	rddreg [dreg:$0x2];
	[bflag:$0x3] =	sbarrier.arrive $0xFFFF;
	s2 =	simm.s32 @!p0 $0x1C06  }
0x240: {  	[timem:s3], [sflag:s2] =	dma.local @!p0 [hbm:s0], s1  }
0x241: {  	s0 =	simm.s32 @!p0 $0x6  }
0x242: {  	_ =	swait.ge @!p0 [sflag:s0], s1  }
0x243: {  	s1 =	ssub.s32 @!p0 $0x0, s1;
	[sflag:s0] =	ssyncset.done @!p0 $0x0  }
0x244: {  	[sflag:s0] =	ssyncadd.s32 @!p0 s1  }
0x245: {  	[bflag:$0x3] =	sbarrier.arrive $0xFFFF  }
0x246: {  	_ =	shalt  }

</sc_bundles>
